<compile_context>
chip_gen: v7x
topology: tpu7x:2x2x1
jax: 0.10.2.dev20260603
libtpu: 0.0.44.dev20260713+nightly
codegen_flags: <defaults>
</compile_context>

<pallas_src>
import functools

import jax
import jax.numpy as jnp
from jax import lax
from jax.experimental import pallas as pl
from jax.experimental.pallas import tpu as pltpu
from jax.experimental.pallas import tpu_sc as plsc

RAW = 40962
NEW = RAW * 4 - 6
TBL = 7 * RAW
X2N = NEW - RAW
NW = 32

RAWP4 = 10248
RAWP = 4 * RAWP4
X1P = 41472
NEWP = 164352
NEWP4 = NEWP // 4
HB4 = X2N * 2 * 16 // 128
HA4 = X1P * 32 // 128

X2_PER_W = X2N * 2 // NW
X2_CHUNK = 1920
X1_PER_W = X1P // NW
Q = NEWP // NW
QC = 1712

_mesh = plsc.VectorSubcoreMesh(
    core_axis_name="c", subcore_axis_name="s", num_cores=2, num_subcores=16)
_sc_params = pltpu.CompilerParams(
    needs_layout_passes=False, use_tc_tiling_on_sc=False)


def _worker_id():
  return lax.axis_index("s") * 2 + lax.axis_index("c")


def _blockdiag4(w):
  eye4 = jnp.eye(4, dtype=w.dtype)
  return jnp.einsum("ab,io->aibo", eye4, w).reshape(4 * w.shape[0],
                                                    4 * w.shape[1])


_RBA = 1024


def _upconv_body(x_ref, wy_ref, by_ref, wp_ref, bp_ref, y_ref, z_ref):
  xb = x_ref[...]
  for k in range(7):
    y_ref[k] = (
        jnp.dot(xb, wy_ref[k], preferred_element_type=jnp.float32)
        + by_ref[k:k + 1, :]
    )
  z_ref[...] = (
      jnp.dot(xb, wp_ref[...], preferred_element_type=jnp.float32) + bp_ref[...]
  )


def _upconv_call(x4, wy, by, wp4, bp4):
  nb = pl.cdiv(RAWP4, _RBA)
  return pl.pallas_call(
      _upconv_body,
      grid=(nb,),
      in_specs=[
          pl.BlockSpec((_RBA, 256), lambda i: (i, 0)),
          pl.BlockSpec((7, 256, 128), lambda i: (0, 0, 0)),
          pl.BlockSpec((7, 128), lambda i: (0, 0)),
          pl.BlockSpec((256, 448), lambda i: (0, 0)),
          pl.BlockSpec((1, 448), lambda i: (0, 0)),
      ],
      out_specs=[
          pl.BlockSpec((7, _RBA, 128), lambda i: (0, i, 0)),
          pl.BlockSpec((_RBA, 448), lambda i: (i, 0)),
      ],
      out_shape=[
          jax.ShapeDtypeStruct((7, RAWP4, 128), jnp.float32),
          jax.ShapeDtypeStruct((RAWP4, 448), jnp.float32),
      ],
  )(x4, wy, by, wp4, bp4)


Z16_ROWS = RAWP4 * 448 // 16
X1_LASTW = (NW - 1) * X1_PER_W
X1_VALID = RAW - X1_LASTW
X1_MS0 = 784


@functools.partial(
    pl.kernel,
    out_type=(
        jax.ShapeDtypeStruct((X1P, 32), jnp.float32),
        jax.ShapeDtypeStruct((2 * X2N, 16), jnp.float32),
    ),
    mesh=_mesh,
    scratch_types=[
        pltpu.VMEM((X2_CHUNK,), jnp.int32),
        pltpu.VMEM((X2_CHUNK, 16), jnp.float32),
        pltpu.VMEM((X1_PER_W,), jnp.int32),
        pltpu.VMEM((X1_PER_W,), jnp.int32),
        pltpu.VMEM((X1_PER_W, 32), jnp.float32),
        pltpu.SemaphoreType.DMA,
    ],
    compiler_params=_sc_params,
)
def _upgather(ytab, z16, top, down, h_a, h_b, idx2_v, buf2_v, top_v, idx1_v,
              buf1_v, sem):
  wid = _worker_id()
  def x2_chunk(c, _):
    rowbase = wid * X2_PER_W + c * X2_CHUNK
    pltpu.sync_copy(down.at[pl.ds(rowbase, X2_CHUNK)], idx2_v)
    pltpu.async_copy(z16.at[idx2_v], buf2_v, sem).wait()
    pltpu.sync_copy(buf2_v, h_b.at[pl.ds(rowbase, X2_CHUNK)])
    return 0
  lax.fori_loop(0, X2_PER_W // X2_CHUNK, x2_chunk, 0)

  tbase = wid * X1_PER_W
  lanes = lax.iota(jnp.int32, 16)

  @pl.when(wid < NW - 1)
  def _():
    pltpu.sync_copy(top.at[pl.ds(tbase, X1_PER_W)], top_v)

  @pl.when(wid == NW - 1)
  def _():
    def ms(i, _):
      top_v[pl.ds(X1_MS0 + 16 * i, 16)] = jnp.zeros((16,), jnp.int32)
      return 0
    lax.fori_loop(0, (X1_PER_W - X1_MS0) // 16, ms, 0)
    pltpu.sync_copy(top.at[pl.ds(X1_LASTW, X1_VALID)],
                    top_v.at[pl.ds(0, X1_VALID)])

  def build(j, _):
    v = plsc.load_gather(top_v, [j * 16 + lanes])
    r = ((v.astype(jnp.float32) + 0.5) * (1.0 / 7.0)).astype(jnp.int32)
    k = v - r * 7
    idx1_v[pl.ds(j * 16, 16)] = k * RAWP + r
    return 0
  lax.fori_loop(0, X1_PER_W // 16, build, 0)
  pltpu.async_copy(ytab.at[idx1_v], buf1_v, sem).wait()
  pltpu.sync_copy(buf1_v, h_a.at[pl.ds(tbase, X1_PER_W)])


_RBC = 2048


_HB_NB = HB4 // _RBC


def _proj_body(hb_ref, ha_ref, w_ref, out_ref):
  i = pl.program_id(0)
  hb = jnp.where(i < _HB_NB, hb_ref[...], ha_ref[...])
  for k in range(7):
    out_ref[k] = jnp.dot(hb, w_ref[k], preferred_element_type=jnp.float32)


def _proj_call(hb4, ha4, wb):
  nb = pl.cdiv(NEWP4, _RBC)
  return pl.pallas_call(
      _proj_body,
      grid=(nb,),
      in_specs=[
          pl.BlockSpec((_RBC, 128), lambda i: (jnp.minimum(i, _HB_NB - 1), 0)),
          pl.BlockSpec((_RBC, 128),
                       lambda i: (jnp.maximum(i - _HB_NB, 0), 0)),
          pl.BlockSpec((7, 128, 128), lambda i: (0, 0, 0)),
      ],
      out_specs=pl.BlockSpec((7, _RBC, 128), lambda i: (0, i, 0)),
      out_shape=jax.ShapeDtypeStruct((7, NEWP4, 128), jnp.float32),
  )(hb4, ha4, wb)


def _fold128(s):
  return s[:, 0:32] + s[:, 32:64] + s[:, 64:96] + s[:, 96:128]


def _normalize_packed(t, s_ref, g_ref, bt_ref):
  s = _fold128(s_ref[...])
  mean = s[0:1, :] * (1.0 / NEW)
  var = s[1:2, :] * (1.0 / NEW) - mean * mean
  a = g_ref[...] * lax.rsqrt(var + 1e-5)
  c = bt_ref[...] - mean * a
  a4 = jnp.concatenate([a, a, a, a], axis=1)
  c4 = jnp.concatenate([c, c, c, c], axis=1)
  t = t * a4 + c4
  return jnp.where(t >= 0, t, 0.2 * t)


def _bnproj_body(t_ref, s_ref, g_ref, bt_ref, w_ref, out_ref):
  hb = _normalize_packed(t_ref[...], s_ref, g_ref, bt_ref)
  for k in range(7):
    out_ref[k] = jnp.dot(hb, w_ref[k], preferred_element_type=jnp.float32)


def _bnproj_call(t4, s, g, bt, wb):
  nb = pl.cdiv(NEWP4, _RBC)
  return pl.pallas_call(
      _bnproj_body,
      grid=(nb,),
      in_specs=[
          pl.BlockSpec((_RBC, 128), lambda i: (i, 0)),
          pl.BlockSpec((2, 128), lambda i: (0, 0)),
          pl.BlockSpec((1, 32), lambda i: (0, 0)),
          pl.BlockSpec((1, 32), lambda i: (0, 0)),
          pl.BlockSpec((7, 128, 128), lambda i: (0, 0, 0)),
      ],
      out_specs=pl.BlockSpec((7, _RBC, 128), lambda i: (0, i, 0)),
      out_shape=jax.ShapeDtypeStruct((7, NEWP4, 128), jnp.float32),
  )(t4, s, g, bt, wb)


G_NCH = Q // QC
G_LASTBASE = (NW - 1) * Q + (G_NCH - 1) * QC
G_VALID7 = 7 * (NEW - G_LASTBASE)


def _make_gather7(remap):
  @functools.partial(
      pl.kernel,
      out_type=jax.ShapeDtypeStruct((NEWP, 32), jnp.float32),
      mesh=_mesh,
      scratch_types=[
          pltpu.VMEM((7 * QC,), jnp.int32),
          pltpu.VMEM((7 * QC,), jnp.int32),
          pltpu.VMEM((7, QC), jnp.int32),
          pltpu.VMEM((7, QC), jnp.int32),
          pltpu.VMEM((QC, 32), jnp.float32),
          pltpu.SemaphoreType.DMA,
          pltpu.SemaphoreType.DMA,
      ],
      name="gather7_remap" if remap else "gather7",
      compiler_params=_sc_params,
  )
  def gather7(h_tables, neigh, out, nraw0, nraw1, idxk0, idxk1, acc_v, sem_g,
              sem_w):
    wid = _worker_id()
    lanes7 = lax.iota(jnp.int32, 16) * 7
    nraws, idxks = (nraw0, nraw1), (idxk0, idxk1)

    def load_idx(t, nraw_v):
      base = wid * Q + t * QC
      if t == G_NCH - 1:
        @pl.when(wid == NW - 1)
        def _():
          def ms(i, _):
            nraw_v[pl.ds(16 * i, 16)] = jnp.zeros((16,), jnp.int32)
            return 0
          lax.fori_loop(0, 7 * QC // 16, ms, 0)
          pltpu.sync_copy(neigh.at[pl.ds(7 * G_LASTBASE, G_VALID7)],
                          nraw_v.at[pl.ds(0, G_VALID7)])

        @pl.when(wid < NW - 1)
        def _():
          pltpu.sync_copy(neigh.at[pl.ds(7 * base, 7 * QC)], nraw_v)
      else:
        pltpu.sync_copy(neigh.at[pl.ds(7 * base, 7 * QC)], nraw_v)

    def deint(nraw_v, idxk_v):
      def body(j, _):
        for k in range(7):
          v = plsc.load_gather(nraw_v, [j * 112 + k + lanes7])
          if remap:
            v = jnp.where(v < RAW, v + X2N, v - RAW)
          idxk_v[k, pl.ds(j * 16, 16)] = v + k * NEWP
        return 0
      lax.fori_loop(0, QC // 16, body, 0)

    load_idx(0, nraws[0])
    deint(nraws[0], idxks[0])
    pending_write = None
    for t in range(G_NCH):
      idxk_v = idxks[t % 2]
      base = wid * Q + t * QC
      if pending_write is not None:
        pending_write.wait()
      pltpu.async_copy(h_tables.at[idxk_v.at[0]], acc_v, sem_g).wait()
      descs = [
          pltpu.async_copy(h_tables.at[idxk_v.at[k]], acc_v, sem_g, add=True)
          for k in range(1, 7)
      ]
      if t + 1 < G_NCH:
        load_idx(t + 1, nraws[(t + 1) % 2])
        deint(nraws[(t + 1) % 2], idxks[(t + 1) % 2])
      for d in descs:
        d.wait()
      if t + 1 < G_NCH:
        pending_write = pltpu.async_copy(acc_v, out.at[pl.ds(base, QC)], sem_w)
      else:
        pltpu.sync_copy(acc_v, out.at[pl.ds(base, QC)])

  return gather7


_gather7_remap = _make_gather7(True)
_gather7_plain = _make_gather7(False)


_RBS = 2048


def _stats_accum(t_ref, acc_ref, i):
  @pl.when(i == 0)
  def _():
    acc_ref[...] = jnp.zeros_like(acc_ref)

  t = t_ref[...]
  rows = lax.broadcasted_iota(jnp.int32, t.shape, 0) + i * _RBS
  cols = lax.broadcasted_iota(jnp.int32, t.shape, 1)
  valid = rows * 4 + lax.shift_right_logical(cols, 5) < NEW
  t = jnp.where(valid, t, 0.0)
  acc_ref[0:1, :] += jnp.sum(t, axis=0, keepdims=True)
  acc_ref[1:2, :] += jnp.sum(t * t, axis=0, keepdims=True)


def _stats_body(t_ref, o_ref, acc_ref):
  i = pl.program_id(0)
  _stats_accum(t_ref, acc_ref, i)

  @pl.when(i == pl.num_programs(0) - 1)
  def _():
    o_ref[...] = acc_ref[...]


def _stats_call(t4):
  nb = pl.cdiv(NEWP4, _RBS)
  return pl.pallas_call(
      _stats_body,
      grid=(nb,),
      in_specs=[pl.BlockSpec((_RBS, 128), lambda i: (i, 0))],
      out_specs=pl.BlockSpec((2, 128), lambda i: (0, 0)),
      out_shape=jax.ShapeDtypeStruct((2, 128), jnp.float32),
      scratch_shapes=[pltpu.VMEM((2, 128), jnp.float32)],
  )(t4)


def _stats_ac_body(t_ref, g_ref, bt_ref, o_ref, acc_ref):
  i = pl.program_id(0)
  _stats_accum(t_ref, acc_ref, i)

  @pl.when(i == pl.num_programs(0) - 1)
  def _():
    s = _fold128(acc_ref[...])
    mean = s[0:1, :] * (1.0 / NEW)
    var = s[1:2, :] * (1.0 / NEW) - mean * mean
    a = g_ref[...] * lax.rsqrt(var + 1e-5)
    c = bt_ref[...] - mean * a
    o_ref[...] = jnp.concatenate([a, c], axis=0)


def _stats_ac_call(t4, g, bt):
  nb = pl.cdiv(NEWP4, _RBS)
  return pl.pallas_call(
      _stats_ac_body,
      grid=(nb,),
      in_specs=[
          pl.BlockSpec((_RBS, 128), lambda i: (i, 0)),
          pl.BlockSpec((1, 32), lambda i: (0, 0)),
          pl.BlockSpec((1, 32), lambda i: (0, 0)),
      ],
      out_specs=pl.BlockSpec((2, 32), lambda i: (0, 0)),
      out_shape=jax.ShapeDtypeStruct((2, 32), jnp.float32),
      scratch_shapes=[pltpu.VMEM((2, 128), jnp.float32)],
  )(t4, g, bt)


G_FVALID = NEW - G_LASTBASE


@functools.partial(
    pl.kernel,
    out_type=jax.ShapeDtypeStruct((NEW, 32), jnp.float32),
    mesh=_mesh,
    scratch_types=[
        pltpu.VMEM((2, 32), jnp.float32),
        pltpu.VMEM((QC, 32), jnp.float32),
        pltpu.SemaphoreType.DMA,
    ],
    name="finalize",
    compiler_params=_sc_params,
)
def _finalize(t_hbm, ac_hbm, out_hbm, ac_v, buf_v, sem):
  wid = _worker_id()
  pltpu.sync_copy(ac_hbm, ac_v)
  a_lo = ac_v[0, pl.ds(0, 16)]
  a_hi = ac_v[0, pl.ds(16, 16)]
  c_lo = ac_v[1, pl.ds(0, 16)]
  c_hi = ac_v[1, pl.ds(16, 16)]

  def chunk(t, _):
    base = wid * Q + t * QC
    pltpu.sync_copy(t_hbm.at[pl.ds(base, QC)], buf_v)

    def rows(j, _):
      for rr in range(4):
        r = j * 4 + rr
        u = buf_v[r, pl.ds(0, 16)] * a_lo + c_lo
        buf_v[r, pl.ds(0, 16)] = jnp.maximum(u, 0.2 * u)
        u = buf_v[r, pl.ds(16, 16)] * a_hi + c_hi
        buf_v[r, pl.ds(16, 16)] = jnp.maximum(u, 0.2 * u)
      return 0
    lax.fori_loop(0, QC // 4, rows, 0)

    @pl.when(base + QC <= NEW)
    def _():
      pltpu.sync_copy(buf_v, out_hbm.at[pl.ds(base, QC)])

    @pl.when(base + QC > NEW)
    def _():
      pltpu.sync_copy(buf_v.at[pl.ds(0, G_FVALID)],
                      out_hbm.at[pl.ds(G_LASTBASE, G_FVALID)])
    return 0
  lax.fori_loop(0, Q // QC, chunk, 0)


def kernel(x, neigh_orders, upconv_top_index, upconv_down_index, W_up, b_up,
           W1, b1, g1, beta1, W2, b2, g2, beta2):
  del b1, b2
  f32 = jnp.float32
  w_pair = 0.5 * (W_up[:, 0::2] + W_up[:, 1::2])
  b_pair = 0.5 * (b_up[0::2] + b_up[1::2])
  eye4 = jnp.eye(4, dtype=f32)
  wyk = W_up.reshape(64, 7, 32).transpose(1, 0, 2)
  wy = jnp.einsum("ab,kio->kaibo", eye4, wyk).reshape(7, 256, 128)
  by = jnp.tile(b_up.reshape(7, 32), (1, 4))
  wp4 = _blockdiag4(w_pair)
  bp4 = jnp.tile(b_pair, 4).reshape(1, 448)
  w1r = W1.reshape(7, 32, 32)
  wb1 = jnp.einsum("ab,kio->kaibo", eye4, w1r).reshape(7, 128, 128)
  w2r = W2.reshape(7, 32, 32)
  wb2 = jnp.einsum("ab,kio->kaibo", eye4, w2r).reshape(7, 128, 128)

  x4 = jnp.concatenate(
      [x, jnp.zeros((RAWP - RAW, 64), f32)]).reshape(RAWP4, 256)

  ytabp, z4 = _upconv_call(x4, wy, by, wp4, bp4)
  ytab = ytabp.reshape(7 * RAWP, 32)
  z16 = z4.reshape(Z16_ROWS, 16)

  h_a, h_b = _upgather(ytab, z16, upconv_top_index, upconv_down_index)

  ht1 = _proj_call(h_b.reshape(HB4, 128), h_a.reshape(HA4, 128),
                   wb1).reshape(7 * NEWP, 32)
  out1 = _gather7_remap(ht1, neigh_orders)
  out1p = out1.reshape(NEWP4, 128)
  s1 = _stats_call(out1p)

  ht2 = _bnproj_call(out1p, s1, g1.reshape(1, 32), beta1.reshape(1, 32),
                     wb2).reshape(7 * NEWP, 32)
  out2 = _gather7_plain(ht2, neigh_orders)
  ac2 = _stats_ac_call(out2.reshape(NEWP4, 128), g2.reshape(1, 32),
                       beta2.reshape(1, 32))
  return _finalize(out2, ac2)

# --- scband reference (transcript-rebuilt; emitter-appended) ---
"""Pipeline reference for scband-simple-up-block-26388279067304 (READ-ONLY COPY).

The authoritative reference and input builder live on the scoring server;
editing this copy changes nothing except your own understanding.
"""

import jax, jax.numpy as jnp
import numpy as np

RAW = 40962
NEW = RAW * 4 - 6  # 163842
IN_CH = 64
OUT_CH = 32


def setup_inputs(seed: int = 0) -> dict:
    key = jax.random.key(seed)
    ks = jax.random.split(key, 16)
    x = jax.random.normal(ks[0], (RAW, IN_CH), dtype=jnp.float32)
    neigh_orders = jax.random.randint(ks[1], (7 * NEW,), 0, NEW, dtype=jnp.int32)
    upconv_top_index = jax.random.randint(ks[2], (RAW,), 0, 7 * RAW, dtype=jnp.int32)
    upconv_down_index = jax.random.randint(ks[3], ((NEW - RAW) * 2,), 0, 7 * RAW, dtype=jnp.int32)
    # upconv_layer: nn.Linear(in_ch, 7*out_ch) -> stored as [in, 7*out] (transposed torch layout)
    W_up = jax.random.normal(ks[4], (IN_CH, 7 * OUT_CH), dtype=jnp.float32) * 0.02
    b_up = jnp.zeros((7 * OUT_CH,), dtype=jnp.float32)
    # onering_conv_layer: nn.Linear(7*out_ch, out_ch)
    W1 = jax.random.normal(ks[5], (7 * OUT_CH, OUT_CH), dtype=jnp.float32) * 0.02
    b1 = jnp.zeros((OUT_CH,), dtype=jnp.float32)
    W2 = jax.random.normal(ks[6], (7 * OUT_CH, OUT_CH), dtype=jnp.float32) * 0.02
    b2 = jnp.zeros((OUT_CH,), dtype=jnp.float32)
    # BatchNorm1d affine params (track_running_stats=False -> batch stats always)
    g1 = jnp.ones((OUT_CH,), dtype=jnp.float32)
    beta1 = jnp.zeros((OUT_CH,), dtype=jnp.float32)
    g2 = jnp.ones((OUT_CH,), dtype=jnp.float32)
    beta2 = jnp.zeros((OUT_CH,), dtype=jnp.float32)
    return {"x": x, "neigh_orders": neigh_orders, "upconv_top_index": upconv_top_index,
            "upconv_down_index": upconv_down_index, "W_up": W_up, "b_up": b_up,
            "W1": W1, "b1": b1, "g1": g1, "beta1": beta1,
            "W2": W2, "b2": b2, "g2": g2, "beta2": beta2}


def reference(x, neigh_orders, upconv_top_index, upconv_down_index,
              W_up, b_up, W1, b1, g1, beta1, W2, b2, g2, beta2):
    # upconv_layer
    y = x @ W_up + b_up                      # [RAW, 7*OUT_CH]
    y = y.reshape(RAW * 7, OUT_CH)           # [7*RAW, OUT_CH]
    x1 = y[upconv_top_index]                 # [RAW, OUT_CH]
    x2 = y[upconv_down_index].reshape(-1, OUT_CH, 2).mean(axis=2)  # [NEW-RAW, OUT_CH]
    h = jnp.concatenate([x1, x2], axis=0)    # [NEW, OUT_CH]

    def conv(t, W, b):
        mat = t[neigh_orders].reshape(t.shape[0], 7 * OUT_CH)
        return mat @ W + b

    def bn(t, g, bt):
        m = t.mean(axis=0)
        v = ((t - m) ** 2).mean(axis=0)      # biased variance, as torch BN normalization
        return (t - m) * jax.lax.rsqrt(v + 1e-5) * g + bt

    def lrelu(t):
        return jnp.where(t >= 0, t, 0.2 * t)

    h = lrelu(bn(conv(h, W1, b1), g1, beta1))
    h = lrelu(bn(conv(h, W2, b2), g2, beta2))
    return h

if __name__ == "__main__":
    import jax
    _d = setup_inputs()
    print(jax.jit(kernel)(*tuple(_d.values())))

</pallas_src>

<mosaic_0001>
#map = affine_map<(d0, d1) -> (0, 0)>
#map1 = affine_map<(d0, d1) -> (0)>
module attributes {stable_mosaic.version = 14 : i64} {
  func.func @_upgather(%arg0: i32, %arg1: i32, %arg2: memref<286944x32xf32, #tpu.memory_space<hbm>>, %arg3: memref<286944x16xf32, #tpu.memory_space<hbm>>, %arg4: memref<40962xi32, #tpu.memory_space<hbm>>, %arg5: memref<245760xi32, #tpu.memory_space<hbm>>, %arg6: memref<41472x32xf32, #tpu.memory_space<hbm>>, %arg7: memref<245760x16xf32, #tpu.memory_space<hbm>>, %arg8: memref<1920xi32, #tpu.memory_space<vmem>>, %arg9: memref<1920x16xf32, #tpu.memory_space<vmem>>, %arg10: memref<1296xi32, #tpu.memory_space<vmem>>, %arg11: memref<1296xi32, #tpu.memory_space<vmem>>, %arg12: memref<1296x32xf32, #tpu.memory_space<vmem>>, %arg13: memref<!tpu.dma_semaphore, #tpu.memory_space<semaphore_mem>>) attributes {dimension_semantics = [#tpu.dimension_semantics<core_parallel>, #tpu.dimension_semantics<subcore_parallel>], iteration_bounds = array<i64: 2, 16>, scalar_prefetch = 0 : i64, scratch_operands = 6 : i64, tpu.core_type = #tpu.core_type<sc_vector_subcore>, window_params = [{transform_indices = #map}, {transform_indices = #map}, {transform_indices = #map1}, {transform_indices = #map1}, {transform_indices = #map}, {transform_indices = #map}]} {
    %mul3A = arith.constant 2 : i32
    %mul3A_0 = arith.muli %arg1, %mul3A : i32
    %add3A = arith.addi %mul3A_0, %arg0 : i32
    %scan3A = arith.constant 0 : i32
    %scan3A_1 = arith.constant 0 : i32
    %scan3A_2 = arith.constant 4 : i32
    %scan3A_3 = arith.addi %scan3A_1, %scan3A_2 : i32
    %scan3A_4 = arith.constant 1 : i32
    %scan3A_5 = scf.for %scan3A_26 = %scan3A_1 to %scan3A_3 step %scan3A_4 iter_args(%scan3A_27 = %scan3A) -> (i32)  : i32 {
      %mul3A_28 = arith.constant 7680 : i32
      %mul3A_29 = arith.muli %add3A, %mul3A_28 : i32
      %mul3A_30 = arith.constant 1920 : i32
      %mul3A_31 = arith.muli %scan3A_26, %mul3A_30 : i32
      %add3A_32 = arith.addi %mul3A_29, %mul3A_31 : i32
      "tpu.region"() ({
        %run_scoped3A = tpu.sem_alloc : memref<!tpu.dma_semaphore, #tpu.memory_space<semaphore_mem>>
        %dma_start3A_40 = tpu.memref_slice %arg5[%add3A_32] : memref<245760xi32, #tpu.memory_space<hbm>> -> memref<1920xi32, #tpu.memory_space<hbm>>
        %dma_start3A_41 = tpu.memref_slice %arg5[%add3A_32] : memref<245760xi32, #tpu.memory_space<hbm>> -> memref<1920xi32, #tpu.memory_space<hbm>>
        tpu.enqueue_dma source(%dma_start3A_41 : memref<1920xi32, #tpu.memory_space<hbm>>) target(%arg8 : memref<1920xi32, #tpu.memory_space<vmem>>) target_semaphore(%run_scoped3A : memref<!tpu.dma_semaphore, #tpu.memory_space<semaphore_mem>>)
        %dma_wait3A_42 = tpu.memref_slice %arg5[%add3A_32] : memref<245760xi32, #tpu.memory_space<hbm>> -> memref<1920xi32, #tpu.memory_space<hbm>>
        %dma_wait3A_43 = tpu.memref_slice %arg5[%add3A_32] : memref<245760xi32, #tpu.memory_space<hbm>> -> memref<1920xi32, #tpu.memory_space<hbm>>
        tpu.wait_dma2 semaphore(%run_scoped3A : memref<!tpu.dma_semaphore, #tpu.memory_space<semaphore_mem>>) src(%dma_wait3A_43 : memref<1920xi32, #tpu.memory_space<hbm>>) dst(%arg8 : memref<1920xi32, #tpu.memory_space<vmem>>)
        tpu.yield
      }) : () -> ()
      %dma_start3A_33 = arith.constant 0 : i32
      %dma_start3A_34 = arith.constant 0 : i32
      %dma_start3A_35 = tpu.memref_slice %arg3[%dma_start3A_33, %dma_start3A_34] : memref<286944x16xf32, #tpu.memory_space<hbm>> -> memref<286944x16xf32, #tpu.memory_space<hbm>>
      tpu.enqueue_indirect_dma source(%dma_start3A_35 : memref<286944x16xf32, #tpu.memory_space<hbm>>) target(%arg9 : memref<1920x16xf32, #tpu.memory_space<vmem>>) offsets(%arg8 : memref<1920xi32, #tpu.memory_space<vmem>>) semaphore(%arg13 : memref<!tpu.dma_semaphore, #tpu.memory_space<semaphore_mem>>)
      %dma_wait3A_36 = arith.constant 0 : i32
      %dma_wait3A_37 = arith.constant 0 : i32
      %dma_wait3A_38 = tpu.memref_slice %arg3[%dma_wait3A_36, %dma_wait3A_37] : memref<286944x16xf32, #tpu.memory_space<hbm>> -> memref<286944x16xf32, #tpu.memory_space<hbm>>
      tpu.wait_indirect_dma semaphore(%arg13 : memref<!tpu.dma_semaphore, #tpu.memory_space<semaphore_mem>>) src(%dma_wait3A_38 : memref<286944x16xf32, #tpu.memory_space<hbm>>) dst(%arg9 : memref<1920x16xf32, #tpu.memory_space<vmem>>)
      "tpu.region"() ({
        %run_scoped3A = tpu.sem_alloc : memref<!tpu.dma_semaphore, #tpu.memory_space<semaphore_mem>>
        %dma_start3A_40 = arith.constant 0 : i32
        %dma_start3A_41 = tpu.memref_slice %arg7[%add3A_32, %dma_start3A_40] : memref<245760x16xf32, #tpu.memory_space<hbm>> -> memref<1920x16xf32, #tpu.memory_space<hbm>>
        %dma_start3A_42 = arith.constant 0 : i32
        %dma_start3A_43 = tpu.memref_slice %arg7[%add3A_32, %dma_start3A_42] : memref<245760x16xf32, #tpu.memory_space<hbm>> -> memref<1920x16xf32, #tpu.memory_space<hbm>>
        tpu.enqueue_dma source(%arg9 : memref<1920x16xf32, #tpu.memory_space<vmem>>) target(%dma_start3A_43 : memref<1920x16xf32, #tpu.memory_space<hbm>>) target_semaphore(%run_scoped3A : memref<!tpu.dma_semaphore, #tpu.memory_space<semaphore_mem>>)
        %dma_wait3A_44 = arith.constant 0 : i32
        %dma_wait3A_45 = tpu.memref_slice %arg7[%add3A_32, %dma_wait3A_44] : memref<245760x16xf32, #tpu.memory_space<hbm>> -> memref<1920x16xf32, #tpu.memory_space<hbm>>
        %dma_wait3A_46 = arith.constant 0 : i32
        %dma_wait3A_47 = tpu.memref_slice %arg7[%add3A_32, %dma_wait3A_46] : memref<245760x16xf32, #tpu.memory_space<hbm>> -> memref<1920x16xf32, #tpu.memory_space<hbm>>
        tpu.wait_dma2 semaphore(%run_scoped3A : memref<!tpu.dma_semaphore, #tpu.memory_space<semaphore_mem>>) src(%arg9 : memref<1920x16xf32, #tpu.memory_space<vmem>>) dst(%dma_wait3A_47 : memref<1920x16xf32, #tpu.memory_space<hbm>>)
        tpu.yield
      }) : () -> ()
      %scan3A_39 = arith.constant 0 : i32
      scf.yield %scan3A_39 : i32
    }
    %scan3A_6 = arith.constant 4 : i32
    %mul3A_7 = arith.constant 1296 : i32
    %mul3A_8 = arith.muli %add3A, %mul3A_7 : i32
    %iota3A = tpu.iota {dimensions = array<i32: 0>} : vector<16xi32>
    %lt3A = arith.constant 31 : i32
    %lt3A_9 = arith.cmpi slt, %add3A, %lt3A : i32
    %convert_element_type3A = arith.extui %lt3A_9 : i1 to i32
    %cond3A = arith.constant 0 : i32
    %cond3A_10 = arith.cmpi ne, %convert_element_type3A, %cond3A : i32
    scf.if %cond3A_10 {
      "tpu.region"() ({
        %run_scoped3A = tpu.sem_alloc : memref<!tpu.dma_semaphore, #tpu.memory_space<semaphore_mem>>
        %dma_start3A_26 = tpu.memref_slice %arg4[%mul3A_8] : memref<40962xi32, #tpu.memory_space<hbm>> -> memref<1296xi32, #tpu.memory_space<hbm>>
        %dma_start3A_27 = tpu.memref_slice %arg4[%mul3A_8] : memref<40962xi32, #tpu.memory_space<hbm>> -> memref<1296xi32, #tpu.memory_space<hbm>>
        tpu.enqueue_dma source(%dma_start3A_27 : memref<1296xi32, #tpu.memory_space<hbm>>) target(%arg10 : memref<1296xi32, #tpu.memory_space<vmem>>) target_semaphore(%run_scoped3A : memref<!tpu.dma_semaphore, #tpu.memory_space<semaphore_mem>>)
        %dma_wait3A_28 = tpu.memref_slice %arg4[%mul3A_8] : memref<40962xi32, #tpu.memory_space<hbm>> -> memref<1296xi32, #tpu.memory_space<hbm>>
        %dma_wait3A_29 = tpu.memref_slice %arg4[%mul3A_8] : memref<40962xi32, #tpu.memory_space<hbm>> -> memref<1296xi32, #tpu.memory_space<hbm>>
        tpu.wait_dma2 semaphore(%run_scoped3A : memref<!tpu.dma_semaphore, #tpu.memory_space<semaphore_mem>>) src(%dma_wait3A_29 : memref<1296xi32, #tpu.memory_space<hbm>>) dst(%arg10 : memref<1296xi32, #tpu.memory_space<vmem>>)
        tpu.yield
      }) : () -> ()
    } else {
    }
    %eq3A = arith.constant 31 : i32
    %eq3A_11 = arith.cmpi eq, %add3A, %eq3A : i32
    %convert_element_type3A_12 = arith.extui %eq3A_11 : i1 to i32
    %cond3A_13 = arith.constant 0 : i32
    %cond3A_14 = arith.cmpi ne, %convert_element_type3A_12, %cond3A_13 : i32
    scf.if %cond3A_14 {
      %scan3A_26 = arith.constant 0 : i32
      %scan3A_27 = arith.constant 0 : i32
      %scan3A_28 = arith.constant 32 : i32
      %scan3A_29 = arith.addi %scan3A_27, %scan3A_28 : i32
      %scan3A_30 = arith.constant 1 : i32
      %scan3A_31 = scf.for %scan3A_33 = %scan3A_27 to %scan3A_29 step %scan3A_30 iter_args(%scan3A_34 = %scan3A_26) -> (i32)  : i32 {
        %broadcast_in_dim3A = arith.constant 0 : i32
        %broadcast_in_dim3A_35 = vector.broadcast %broadcast_in_dim3A : i32 to vector<16xi32>
        %mul3A_36 = arith.constant 16 : i32
        %mul3A_37 = arith.muli %mul3A_36, %scan3A_33 : i32
        %add3A_38 = arith.constant 784 : i32
        %add3A_39 = arith.addi %add3A_38, %mul3A_37 : i32
        %swap3A = arith.index_cast %add3A_39 : i32 to index
        %swap3A_40 = tpu.vector_load %arg10[%swap3A] {strides = array<i32>} : memref<1296xi32, #tpu.memory_space<vmem>>, vector<16xi32>,
        tpu.vector_store %arg10[%swap3A], %broadcast_in_dim3A_35 {strides = array<i32>} : memref<1296xi32, #tpu.memory_space<vmem>>, vector<16xi32>,
        %scan3A_41 = arith.constant 0 : i32
        scf.yield %scan3A_41 : i32
      }
      %scan3A_32 = arith.constant 32 : i32
      "tpu.region"() ({
        %run_scoped3A = tpu.sem_alloc : memref<!tpu.dma_semaphore, #tpu.memory_space<semaphore_mem>>
        %dma_start3A_33 = arith.constant 0 : i32
        %dma_start3A_34 = tpu.memref_slice %arg10[%dma_start3A_33] : memref<1296xi32, #tpu.memory_space<vmem>> -> memref<786xi32, #tpu.memory_space<vmem>>
        %dma_start3A_35 = arith.constant 40176 : i32
        %dma_start3A_36 = tpu.memref_slice %arg4[%dma_start3A_35] : memref<40962xi32, #tpu.memory_space<hbm>> -> memref<786xi32, #tpu.memory_space<hbm>>
        %dma_start3A_37 = arith.constant 0 : i32
        %dma_start3A_38 = tpu.memref_slice %arg10[%dma_start3A_37] : memref<1296xi32, #tpu.memory_space<vmem>> -> memref<786xi32, #tpu.memory_space<vmem>>
        %dma_start3A_39 = arith.constant 40176 : i32
        %dma_start3A_40 = tpu.memref_slice %arg4[%dma_start3A_39] : memref<40962xi32, #tpu.memory_space<hbm>> -> memref<786xi32, #tpu.memory_space<hbm>>
        tpu.enqueue_dma source(%dma_start3A_40 : memref<786xi32, #tpu.memory_space<hbm>>) target(%dma_start3A_38 : memref<786xi32, #tpu.memory_space<vmem>>) target_semaphore(%run_scoped3A : memref<!tpu.dma_semaphore, #tpu.memory_space<semaphore_mem>>)
        %dma_wait3A_41 = arith.constant 0 : i32
        %dma_wait3A_42 = tpu.memref_slice %arg10[%dma_wait3A_41] : memref<1296xi32, #tpu.memory_space<vmem>> -> memref<786xi32, #tpu.memory_space<vmem>>
        %dma_wait3A_43 = arith.constant 40176 : i32
        %dma_wait3A_44 = tpu.memref_slice %arg4[%dma_wait3A_43] : memref<40962xi32, #tpu.memory_space<hbm>> -> memref<786xi32, #tpu.memory_space<hbm>>
        %dma_wait3A_45 = arith.constant 0 : i32
        %dma_wait3A_46 = tpu.memref_slice %arg10[%dma_wait3A_45] : memref<1296xi32, #tpu.memory_space<vmem>> -> memref<786xi32, #tpu.memory_space<vmem>>
        %dma_wait3A_47 = arith.constant 40176 : i32
        %dma_wait3A_48 = tpu.memref_slice %arg4[%dma_wait3A_47] : memref<40962xi32, #tpu.memory_space<hbm>> -> memref<786xi32, #tpu.memory_space<hbm>>
        tpu.wait_dma2 semaphore(%run_scoped3A : memref<!tpu.dma_semaphore, #tpu.memory_space<semaphore_mem>>) src(%dma_wait3A_48 : memref<786xi32, #tpu.memory_space<hbm>>) dst(%dma_wait3A_46 : memref<786xi32, #tpu.memory_space<vmem>>)
        tpu.yield
      }) : () -> ()
    } else {
    }
    %scan3A_15 = arith.constant 0 : i32
    %scan3A_16 = arith.constant 0 : i32
    %scan3A_17 = arith.constant 81 : i32
    %scan3A_18 = arith.addi %scan3A_16, %scan3A_17 : i32
    %scan3A_19 = arith.constant 1 : i32
    %scan3A_20 = scf.for %scan3A_26 = %scan3A_16 to %scan3A_18 step %scan3A_19 iter_args(%scan3A_27 = %scan3A_15) -> (i32)  : i32 {
      %mul3A_28 = arith.constant 16 : i32
      %mul3A_29 = arith.muli %scan3A_26, %mul3A_28 : i32
      %add3A_30 = vector.broadcast %mul3A_29 : i32 to vector<16xi32>
      %add3A_31 = arith.addi %add3A_30, %iota3A : vector<16xi32>
      %gather3A = tpu.vector_load_idx %arg10[%add3A_31] : memref<1296xi32, #tpu.memory_space<vmem>>[vector<16xi32>], vector<16xi32>,
      %convert_element_type3A_32 = arith.sitofp %gather3A : vector<16xi32> to vector<16xf32>
      %add3A_33 = arith.constant 5.000000e-01 : f32
      %add3A_34 = vector.broadcast %add3A_33 : f32 to vector<16xf32>
      %add3A_35 = arith.addf %convert_element_type3A_32, %add3A_34 : vector<16xf32>
      %mul3A_36 = arith.constant 0.142857149 : f32
      %mul3A_37 = vector.broadcast %mul3A_36 : f32 to vector<16xf32>
      %mul3A_38 = arith.mulf %add3A_35, %mul3A_37 : vector<16xf32>
      %convert_element_type3A_39 = arith.fptosi %mul3A_38 : vector<16xf32> to vector<16xi32>
      %mul3A_40 = arith.constant 7 : i32
      %mul3A_41 = vector.broadcast %mul3A_40 : i32 to vector<16xi32>
      %mul3A_42 = arith.muli %convert_element_type3A_39, %mul3A_41 : vector<16xi32>
      %sub3A = arith.subi %gather3A, %mul3A_42 : vector<16xi32>
      %mul3A_43 = arith.constant 40992 : i32
      %mul3A_44 = vector.broadcast %mul3A_43 : i32 to vector<16xi32>
      %mul3A_45 = arith.muli %sub3A, %mul3A_44 : vector<16xi32>
      %add3A_46 = arith.addi %mul3A_45, %convert_element_type3A_39 : vector<16xi32>
      %mul3A_47 = arith.constant 16 : i32
      %mul3A_48 = arith.muli %scan3A_26, %mul3A_47 : i32
      %swap3A = arith.index_cast %mul3A_48 : i32 to index
      %swap3A_49 = tpu.vector_load %arg11[%swap3A] {strides = array<i32>} : memref<1296xi32, #tpu.memory_space<vmem>>, vector<16xi32>,
      tpu.vector_store %arg11[%swap3A], %add3A_46 {strides = array<i32>} : memref<1296xi32, #tpu.memory_space<vmem>>, vector<16xi32>,
      %scan3A_50 = arith.constant 0 : i32
      scf.yield %scan3A_50 : i32
    }
    %scan3A_21 = arith.constant 81 : i32
    %dma_start3A = arith.constant 0 : i32
    %dma_start3A_22 = arith.constant 0 : i32
    %dma_start3A_23 = tpu.memref_slice %arg2[%dma_start3A, %dma_start3A_22] : memref<286944x32xf32, #tpu.memory_space<hbm>> -> memref<286944x32xf32, #tpu.memory_space<hbm>>
    tpu.enqueue_indirect_dma source(%dma_start3A_23 : memref<286944x32xf32, #tpu.memory_space<hbm>>) target(%arg12 : memref<1296x32xf32, #tpu.memory_space<vmem>>) offsets(%arg11 : memref<1296xi32, #tpu.memory_space<vmem>>) semaphore(%arg13 : memref<!tpu.dma_semaphore, #tpu.memory_space<semaphore_mem>>)
    %dma_wait3A = arith.constant 0 : i32
    %dma_wait3A_24 = arith.constant 0 : i32
    %dma_wait3A_25 = tpu.memref_slice %arg2[%dma_wait3A, %dma_wait3A_24] : memref<286944x32xf32, #tpu.memory_space<hbm>> -> memref<286944x32xf32, #tpu.memory_space<hbm>>
    tpu.wait_indirect_dma semaphore(%arg13 : memref<!tpu.dma_semaphore, #tpu.memory_space<semaphore_mem>>) src(%dma_wait3A_25 : memref<286944x32xf32, #tpu.memory_space<hbm>>) dst(%arg12 : memref<1296x32xf32, #tpu.memory_space<vmem>>)
    "tpu.region"() ({
      %run_scoped3A = tpu.sem_alloc : memref<!tpu.dma_semaphore, #tpu.memory_space<semaphore_mem>>
      %dma_start3A_26 = arith.constant 0 : i32
      %dma_start3A_27 = tpu.memref_slice %arg6[%mul3A_8, %dma_start3A_26] : memref<41472x32xf32, #tpu.memory_space<hbm>> -> memref<1296x32xf32, #tpu.memory_space<hbm>>
      %dma_start3A_28 = arith.constant 0 : i32
      %dma_start3A_29 = tpu.memref_slice %arg6[%mul3A_8, %dma_start3A_28] : memref<41472x32xf32, #tpu.memory_space<hbm>> -> memref<1296x32xf32, #tpu.memory_space<hbm>>
      tpu.enqueue_dma source(%arg12 : memref<1296x32xf32, #tpu.memory_space<vmem>>) target(%dma_start3A_29 : memref<1296x32xf32, #tpu.memory_space<hbm>>) target_semaphore(%run_scoped3A : memref<!tpu.dma_semaphore, #tpu.memory_space<semaphore_mem>>)
      %dma_wait3A_30 = arith.constant 0 : i32
      %dma_wait3A_31 = tpu.memref_slice %arg6[%mul3A_8, %dma_wait3A_30] : memref<41472x32xf32, #tpu.memory_space<hbm>> -> memref<1296x32xf32, #tpu.memory_space<hbm>>
      %dma_wait3A_32 = arith.constant 0 : i32
      %dma_wait3A_33 = tpu.memref_slice %arg6[%mul3A_8, %dma_wait3A_32] : memref<41472x32xf32, #tpu.memory_space<hbm>> -> memref<1296x32xf32, #tpu.memory_space<hbm>>
      tpu.wait_dma2 semaphore(%run_scoped3A : memref<!tpu.dma_semaphore, #tpu.memory_space<semaphore_mem>>) src(%arg12 : memref<1296x32xf32, #tpu.memory_space<vmem>>) dst(%dma_wait3A_33 : memref<1296x32xf32, #tpu.memory_space<hbm>>)
      tpu.yield
    }) : () -> ()
    return
  }
}

#map = affine_map<(d0, d1) -> (0, 0)>
#map1 = affine_map<(d0, d1) -> (0)>
module attributes {stable_mosaic.version = 14 : i64} {
  func.func @gather7(%arg0: i32, %arg1: i32, %arg2: memref<1150464x32xf32, #tpu.memory_space<hbm>>, %arg3: memref<1146894xi32, #tpu.memory_space<hbm>>, %arg4: memref<164352x32xf32, #tpu.memory_space<hbm>>, %arg5: memref<11984xi32, #tpu.memory_space<vmem>>, %arg6: memref<11984xi32, #tpu.memory_space<vmem>>, %arg7: memref<7x1712xi32, #tpu.memory_space<vmem>>, %arg8: memref<7x1712xi32, #tpu.memory_space<vmem>>, %arg9: memref<1712x32xf32, #tpu.memory_space<vmem>>, %arg10: memref<!tpu.dma_semaphore, #tpu.memory_space<semaphore_mem>>, %arg11: memref<!tpu.dma_semaphore, #tpu.memory_space<semaphore_mem>>) attributes {dimension_semantics = [#tpu.dimension_semantics<core_parallel>, #tpu.dimension_semantics<subcore_parallel>], iteration_bounds = array<i64: 2, 16>, scalar_prefetch = 0 : i64, scratch_operands = 7 : i64, tpu.core_type = #tpu.core_type<sc_vector_subcore>, window_params = [{transform_indices = #map}, {transform_indices = #map1}, {transform_indices = #map}]} {
    %mul3A = arith.constant 2 : i32
    %mul3A_0 = arith.muli %arg1, %mul3A : i32
    %add3A = arith.addi %mul3A_0, %arg0 : i32
    %iota3A = tpu.iota {dimensions = array<i32: 0>} : vector<16xi32>
    %mul3A_1 = arith.constant 7 : i32
    %mul3A_2 = vector.broadcast %mul3A_1 : i32 to vector<16xi32>
    %mul3A_3 = arith.muli %iota3A, %mul3A_2 : vector<16xi32>
    %mul3A_4 = arith.constant 5136 : i32
    %mul3A_5 = arith.muli %add3A, %mul3A_4 : i32
    %add3A_6 = arith.constant 0 : i32
    %add3A_7 = arith.addi %mul3A_5, %add3A_6 : i32
    %mul3A_8 = arith.constant 7 : i32
    %mul3A_9 = arith.muli %mul3A_8, %add3A_7 : i32
    "tpu.region"() ({
      %run_scoped3A = tpu.sem_alloc : memref<!tpu.dma_semaphore, #tpu.memory_space<semaphore_mem>>
      %dma_start3A_366 = tpu.memref_slice %arg3[%mul3A_9] : memref<1146894xi32, #tpu.memory_space<hbm>> -> memref<11984xi32, #tpu.memory_space<hbm>>
      %dma_start3A_367 = tpu.memref_slice %arg3[%mul3A_9] : memref<1146894xi32, #tpu.memory_space<hbm>> -> memref<11984xi32, #tpu.memory_space<hbm>>
      tpu.enqueue_dma source(%dma_start3A_367 : memref<11984xi32, #tpu.memory_space<hbm>>) target(%arg5 : memref<11984xi32, #tpu.memory_space<vmem>>) target_semaphore(%run_scoped3A : memref<!tpu.dma_semaphore, #tpu.memory_space<semaphore_mem>>)
      %dma_wait3A_368 = tpu.memref_slice %arg3[%mul3A_9] : memref<1146894xi32, #tpu.memory_space<hbm>> -> memref<11984xi32, #tpu.memory_space<hbm>>
      %dma_wait3A_369 = tpu.memref_slice %arg3[%mul3A_9] : memref<1146894xi32, #tpu.memory_space<hbm>> -> memref<11984xi32, #tpu.memory_space<hbm>>
      tpu.wait_dma2 semaphore(%run_scoped3A : memref<!tpu.dma_semaphore, #tpu.memory_space<semaphore_mem>>) src(%dma_wait3A_369 : memref<11984xi32, #tpu.memory_space<hbm>>) dst(%arg5 : memref<11984xi32, #tpu.memory_space<vmem>>)
      tpu.yield
    }) : () -> ()
    %scan3A = arith.constant 0 : i32
    %scan3A_10 = arith.constant 0 : i32
    %scan3A_11 = arith.constant 107 : i32
    %scan3A_12 = arith.addi %scan3A_10, %scan3A_11 : i32
    %scan3A_13 = arith.constant 1 : i32
    %scan3A_14 = scf.for %scan3A_366 = %scan3A_10 to %scan3A_12 step %scan3A_13 iter_args(%scan3A_367 = %scan3A) -> (i32)  : i32 {
      %mul3A_368 = arith.constant 112 : i32
      %mul3A_369 = arith.muli %scan3A_366, %mul3A_368 : i32
      %add3A_370 = arith.constant 0 : i32
      %add3A_371 = arith.addi %mul3A_369, %add3A_370 : i32
      %add3A_372 = vector.broadcast %add3A_371 : i32 to vector<16xi32>
      %add3A_373 = arith.addi %add3A_372, %mul3A_3 : vector<16xi32>
      %gather3A = tpu.vector_load_idx %arg5[%add3A_373] : memref<11984xi32, #tpu.memory_space<vmem>>[vector<16xi32>], vector<16xi32>,
      %add3A_374 = arith.constant 0 : i32
      %add3A_375 = vector.broadcast %add3A_374 : i32 to vector<16xi32>
      %add3A_376 = arith.addi %gather3A, %add3A_375 : vector<16xi32>
      %mul3A_377 = arith.constant 16 : i32
      %mul3A_378 = arith.muli %scan3A_366, %mul3A_377 : i32
      %swap3A = arith.constant 0 : i32
      %swap3A_379 = arith.index_cast %swap3A : i32 to index
      %swap3A_380 = arith.index_cast %mul3A_378 : i32 to index
      %swap3A_381 = tpu.vector_load %arg7[%swap3A_379, %swap3A_380] {strides = array<i32>} : memref<7x1712xi32, #tpu.memory_space<vmem>>, vector<16xi32>,
      tpu.vector_store %arg7[%swap3A_379, %swap3A_380], %add3A_376 {strides = array<i32>} : memref<7x1712xi32, #tpu.memory_space<vmem>>, vector<16xi32>,
      %mul3A_382 = arith.constant 112 : i32
      %mul3A_383 = arith.muli %scan3A_366, %mul3A_382 : i32
      %add3A_384 = arith.constant 1 : i32
      %add3A_385 = arith.addi %mul3A_383, %add3A_384 : i32
      %add3A_386 = vector.broadcast %add3A_385 : i32 to vector<16xi32>
      %add3A_387 = arith.addi %add3A_386, %mul3A_3 : vector<16xi32>
      %gather3A_388 = tpu.vector_load_idx %arg5[%add3A_387] : memref<11984xi32, #tpu.memory_space<vmem>>[vector<16xi32>], vector<16xi32>,
      %add3A_389 = arith.constant 164352 : i32
      %add3A_390 = vector.broadcast %add3A_389 : i32 to vector<16xi32>
      %add3A_391 = arith.addi %gather3A_388, %add3A_390 : vector<16xi32>
      %mul3A_392 = arith.constant 16 : i32
      %mul3A_393 = arith.muli %scan3A_366, %mul3A_392 : i32
      %swap3A_394 = arith.constant 1 : i32
      %swap3A_395 = arith.index_cast %swap3A_394 : i32 to index
      %swap3A_396 = arith.index_cast %mul3A_393 : i32 to index
      %swap3A_397 = tpu.vector_load %arg7[%swap3A_395, %swap3A_396] {strides = array<i32>} : memref<7x1712xi32, #tpu.memory_space<vmem>>, vector<16xi32>,
      tpu.vector_store %arg7[%swap3A_395, %swap3A_396], %add3A_391 {strides = array<i32>} : memref<7x1712xi32, #tpu.memory_space<vmem>>, vector<16xi32>,
      %mul3A_398 = arith.constant 112 : i32
      %mul3A_399 = arith.muli %scan3A_366, %mul3A_398 : i32
      %add3A_400 = arith.constant 2 : i32
      %add3A_401 = arith.addi %mul3A_399, %add3A_400 : i32
      %add3A_402 = vector.broadcast %add3A_401 : i32 to vector<16xi32>
      %add3A_403 = arith.addi %add3A_402, %mul3A_3 : vector<16xi32>
      %gather3A_404 = tpu.vector_load_idx %arg5[%add3A_403] : memref<11984xi32, #tpu.memory_space<vmem>>[vector<16xi32>], vector<16xi32>,
      %add3A_405 = arith.constant 328704 : i32
      %add3A_406 = vector.broadcast %add3A_405 : i32 to vector<16xi32>
      %add3A_407 = arith.addi %gather3A_404, %add3A_406 : vector<16xi32>
      %mul3A_408 = arith.constant 16 : i32
      %mul3A_409 = arith.muli %scan3A_366, %mul3A_408 : i32
      %swap3A_410 = arith.constant 2 : i32
      %swap3A_411 = arith.index_cast %swap3A_410 : i32 to index
      %swap3A_412 = arith.index_cast %mul3A_409 : i32 to index
      %swap3A_413 = tpu.vector_load %arg7[%swap3A_411, %swap3A_412] {strides = array<i32>} : memref<7x1712xi32, #tpu.memory_space<vmem>>, vector<16xi32>,
      tpu.vector_store %arg7[%swap3A_411, %swap3A_412], %add3A_407 {strides = array<i32>} : memref<7x1712xi32, #tpu.memory_space<vmem>>, vector<16xi32>,
      %mul3A_414 = arith.constant 112 : i32
      %mul3A_415 = arith.muli %scan3A_366, %mul3A_414 : i32
      %add3A_416 = arith.constant 3 : i32
      %add3A_417 = arith.addi %mul3A_415, %add3A_416 : i32
      %add3A_418 = vector.broadcast %add3A_417 : i32 to vector<16xi32>
      %add3A_419 = arith.addi %add3A_418, %mul3A_3 : vector<16xi32>
      %gather3A_420 = tpu.vector_load_idx %arg5[%add3A_419] : memref<11984xi32, #tpu.memory_space<vmem>>[vector<16xi32>], vector<16xi32>,
      %add3A_421 = arith.constant 493056 : i32
      %add3A_422 = vector.broadcast %add3A_421 : i32 to vector<16xi32>
      %add3A_423 = arith.addi %gather3A_420, %add3A_422 : vector<16xi32>
      %mul3A_424 = arith.constant 16 : i32
      %mul3A_425 = arith.muli %scan3A_366, %mul3A_424 : i32
      %swap3A_426 = arith.constant 3 : i32
      %swap3A_427 = arith.index_cast %swap3A_426 : i32 to index
      %swap3A_428 = arith.index_cast %mul3A_425 : i32 to index
      %swap3A_429 = tpu.vector_load %arg7[%swap3A_427, %swap3A_428] {strides = array<i32>} : memref<7x1712xi32, #tpu.memory_space<vmem>>, vector<16xi32>,
      tpu.vector_store %arg7[%swap3A_427, %swap3A_428], %add3A_423 {strides = array<i32>} : memref<7x1712xi32, #tpu.memory_space<vmem>>, vector<16xi32>,
      %mul3A_430 = arith.constant 112 : i32
      %mul3A_431 = arith.muli %scan3A_366, %mul3A_430 : i32
      %add3A_432 = arith.constant 4 : i32
      %add3A_433 = arith.addi %mul3A_431, %add3A_432 : i32
      %add3A_434 = vector.broadcast %add3A_433 : i32 to vector<16xi32>
      %add3A_435 = arith.addi %add3A_434, %mul3A_3 : vector<16xi32>
      %gather3A_436 = tpu.vector_load_idx %arg5[%add3A_435] : memref<11984xi32, #tpu.memory_space<vmem>>[vector<16xi32>], vector<16xi32>,
      %add3A_437 = arith.constant 657408 : i32
      %add3A_438 = vector.broadcast %add3A_437 : i32 to vector<16xi32>
      %add3A_439 = arith.addi %gather3A_436, %add3A_438 : vector<16xi32>
      %mul3A_440 = arith.constant 16 : i32
      %mul3A_441 = arith.muli %scan3A_366, %mul3A_440 : i32
      %swap3A_442 = arith.constant 4 : i32
      %swap3A_443 = arith.index_cast %swap3A_442 : i32 to index
      %swap3A_444 = arith.index_cast %mul3A_441 : i32 to index
      %swap3A_445 = tpu.vector_load %arg7[%swap3A_443, %swap3A_444] {strides = array<i32>} : memref<7x1712xi32, #tpu.memory_space<vmem>>, vector<16xi32>,
      tpu.vector_store %arg7[%swap3A_443, %swap3A_444], %add3A_439 {strides = array<i32>} : memref<7x1712xi32, #tpu.memory_space<vmem>>, vector<16xi32>,
      %mul3A_446 = arith.constant 112 : i32
      %mul3A_447 = arith.muli %scan3A_366, %mul3A_446 : i32
      %add3A_448 = arith.constant 5 : i32
      %add3A_449 = arith.addi %mul3A_447, %add3A_448 : i32
      %add3A_450 = vector.broadcast %add3A_449 : i32 to vector<16xi32>
      %add3A_451 = arith.addi %add3A_450, %mul3A_3 : vector<16xi32>
      %gather3A_452 = tpu.vector_load_idx %arg5[%add3A_451] : memref<11984xi32, #tpu.memory_space<vmem>>[vector<16xi32>], vector<16xi32>,
      %add3A_453 = arith.constant 821760 : i32
      %add3A_454 = vector.broadcast %add3A_453 : i32 to vector<16xi32>
      %add3A_455 = arith.addi %gather3A_452, %add3A_454 : vector<16xi32>
      %mul3A_456 = arith.constant 16 : i32
      %mul3A_457 = arith.muli %scan3A_366, %mul3A_456 : i32
      %swap3A_458 = arith.constant 5 : i32
      %swap3A_459 = arith.index_cast %swap3A_458 : i32 to index
      %swap3A_460 = arith.index_cast %mul3A_457 : i32 to index
      %swap3A_461 = tpu.vector_load %arg7[%swap3A_459, %swap3A_460] {strides = array<i32>} : memref<7x1712xi32, #tpu.memory_space<vmem>>, vector<16xi32>,
      tpu.vector_store %arg7[%swap3A_459, %swap3A_460], %add3A_455 {strides = array<i32>} : memref<7x1712xi32, #tpu.memory_space<vmem>>, vector<16xi32>,
      %mul3A_462 = arith.constant 112 : i32
      %mul3A_463 = arith.muli %scan3A_366, %mul3A_462 : i32
      %add3A_464 = arith.constant 6 : i32
      %add3A_465 = arith.addi %mul3A_463, %add3A_464 : i32
      %add3A_466 = vector.broadcast %add3A_465 : i32 to vector<16xi32>
      %add3A_467 = arith.addi %add3A_466, %mul3A_3 : vector<16xi32>
      %gather3A_468 = tpu.vector_load_idx %arg5[%add3A_467] : memref<11984xi32, #tpu.memory_space<vmem>>[vector<16xi32>], vector<16xi32>,
      %add3A_469 = arith.constant 986112 : i32
      %add3A_470 = vector.broadcast %add3A_469 : i32 to vector<16xi32>
      %add3A_471 = arith.addi %gather3A_468, %add3A_470 : vector<16xi32>
      %mul3A_472 = arith.constant 16 : i32
      %mul3A_473 = arith.muli %scan3A_366, %mul3A_472 : i32
      %swap3A_474 = arith.constant 6 : i32
      %swap3A_475 = arith.index_cast %swap3A_474 : i32 to index
      %swap3A_476 = arith.index_cast %mul3A_473 : i32 to index
      %swap3A_477 = tpu.vector_load %arg7[%swap3A_475, %swap3A_476] {strides = array<i32>} : memref<7x1712xi32, #tpu.memory_space<vmem>>, vector<16xi32>,
      tpu.vector_store %arg7[%swap3A_475, %swap3A_476], %add3A_471 {strides = array<i32>} : memref<7x1712xi32, #tpu.memory_space<vmem>>, vector<16xi32>,
      %scan3A_478 = arith.constant 0 : i32
      scf.yield %scan3A_478 : i32
    }
    %scan3A_15 = arith.constant 107 : i32
    %mul3A_16 = arith.constant 5136 : i32
    %mul3A_17 = arith.muli %add3A, %mul3A_16 : i32
    %add3A_18 = arith.constant 0 : i32
    %add3A_19 = arith.addi %mul3A_17, %add3A_18 : i32
    %dma_start3A = arith.constant 0 : i32
    %dma_start3A_20 = arith.constant 0 : i32
    %dma_start3A_21 = tpu.memref_slice %arg7[%dma_start3A, %dma_start3A_20] : memref<7x1712xi32, #tpu.memory_space<vmem>> -> memref<1x1712xi32, #tpu.memory_space<vmem>>
    %dma_start3A_22 = tpu.memref_squeeze %dma_start3A_21 : memref<1x1712xi32, #tpu.memory_space<vmem>> -> memref<1712xi32, #tpu.memory_space<vmem>>
    %dma_start3A_23 = arith.constant 0 : i32
    %dma_start3A_24 = arith.constant 0 : i32
    %dma_start3A_25 = tpu.memref_slice %arg2[%dma_start3A_23, %dma_start3A_24] : memref<1150464x32xf32, #tpu.memory_space<hbm>> -> memref<1150464x32xf32, #tpu.memory_space<hbm>>
    tpu.enqueue_indirect_dma source(%dma_start3A_25 : memref<1150464x32xf32, #tpu.memory_space<hbm>>) target(%arg9 : memref<1712x32xf32, #tpu.memory_space<vmem>>) offsets(%dma_start3A_22 : memref<1712xi32, #tpu.memory_space<vmem>>) semaphore(%arg10 : memref<!tpu.dma_semaphore, #tpu.memory_space<semaphore_mem>>)
    %dma_wait3A = arith.constant 0 : i32
    %dma_wait3A_26 = arith.constant 0 : i32
    %dma_wait3A_27 = tpu.memref_slice %arg7[%dma_wait3A, %dma_wait3A_26] : memref<7x1712xi32, #tpu.memory_space<vmem>> -> memref<1x1712xi32, #tpu.memory_space<vmem>>
    %dma_wait3A_28 = tpu.memref_squeeze %dma_wait3A_27 : memref<1x1712xi32, #tpu.memory_space<vmem>> -> memref<1712xi32, #tpu.memory_space<vmem>>
    %dma_wait3A_29 = arith.constant 0 : i32
    %dma_wait3A_30 = arith.constant 0 : i32
    %dma_wait3A_31 = tpu.memref_slice %arg2[%dma_wait3A_29, %dma_wait3A_30] : memref<1150464x32xf32, #tpu.memory_space<hbm>> -> memref<1150464x32xf32, #tpu.memory_space<hbm>>
    tpu.wait_indirect_dma semaphore(%arg10 : memref<!tpu.dma_semaphore, #tpu.memory_space<semaphore_mem>>) src(%dma_wait3A_31 : memref<1150464x32xf32, #tpu.memory_space<hbm>>) dst(%arg9 : memref<1712x32xf32, #tpu.memory_space<vmem>>)
    %dma_start3A_32 = arith.constant 1 : i32
    %dma_start3A_33 = arith.constant 0 : i32
    %dma_start3A_34 = tpu.memref_slice %arg7[%dma_start3A_32, %dma_start3A_33] : memref<7x1712xi32, #tpu.memory_space<vmem>> -> memref<1x1712xi32, #tpu.memory_space<vmem>>
    %dma_start3A_35 = tpu.memref_squeeze %dma_start3A_34 : memref<1x1712xi32, #tpu.memory_space<vmem>> -> memref<1712xi32, #tpu.memory_space<vmem>>
    %dma_start3A_36 = arith.constant 0 : i32
    %dma_start3A_37 = arith.constant 0 : i32
    %dma_start3A_38 = tpu.memref_slice %arg2[%dma_start3A_36, %dma_start3A_37] : memref<1150464x32xf32, #tpu.memory_space<hbm>> -> memref<1150464x32xf32, #tpu.memory_space<hbm>>
    tpu.enqueue_indirect_dma source(%dma_start3A_38 : memref<1150464x32xf32, #tpu.memory_space<hbm>>) target(%arg9 : memref<1712x32xf32, #tpu.memory_space<vmem>>) offsets(%dma_start3A_35 : memref<1712xi32, #tpu.memory_space<vmem>>) semaphore(%arg10 : memref<!tpu.dma_semaphore, #tpu.memory_space<semaphore_mem>>) {add = true}
    %dma_start3A_39 = arith.constant 2 : i32
    %dma_start3A_40 = arith.constant 0 : i32
    %dma_start3A_41 = tpu.memref_slice %arg7[%dma_start3A_39, %dma_start3A_40] : memref<7x1712xi32, #tpu.memory_space<vmem>> -> memref<1x1712xi32, #tpu.memory_space<vmem>>
    %dma_start3A_42 = tpu.memref_squeeze %dma_start3A_41 : memref<1x1712xi32, #tpu.memory_space<vmem>> -> memref<1712xi32, #tpu.memory_space<vmem>>
    %dma_start3A_43 = arith.constant 0 : i32
    %dma_start3A_44 = arith.constant 0 : i32
    %dma_start3A_45 = tpu.memref_slice %arg2[%dma_start3A_43, %dma_start3A_44] : memref<1150464x32xf32, #tpu.memory_space<hbm>> -> memref<1150464x32xf32, #tpu.memory_space<hbm>>
    tpu.enqueue_indirect_dma source(%dma_start3A_45 : memref<1150464x32xf32, #tpu.memory_space<hbm>>) target(%arg9 : memref<1712x32xf32, #tpu.memory_space<vmem>>) offsets(%dma_start3A_42 : memref<1712xi32, #tpu.memory_space<vmem>>) semaphore(%arg10 : memref<!tpu.dma_semaphore, #tpu.memory_space<semaphore_mem>>) {add = true}
    %dma_start3A_46 = arith.constant 3 : i32
    %dma_start3A_47 = arith.constant 0 : i32
    %dma_start3A_48 = tpu.memref_slice %arg7[%dma_start3A_46, %dma_start3A_47] : memref<7x1712xi32, #tpu.memory_space<vmem>> -> memref<1x1712xi32, #tpu.memory_space<vmem>>
    %dma_start3A_49 = tpu.memref_squeeze %dma_start3A_48 : memref<1x1712xi32, #tpu.memory_space<vmem>> -> memref<1712xi32, #tpu.memory_space<vmem>>
    %dma_start3A_50 = arith.constant 0 : i32
    %dma_start3A_51 = arith.constant 0 : i32
    %dma_start3A_52 = tpu.memref_slice %arg2[%dma_start3A_50, %dma_start3A_51] : memref<1150464x32xf32, #tpu.memory_space<hbm>> -> memref<1150464x32xf32, #tpu.memory_space<hbm>>
    tpu.enqueue_indirect_dma source(%dma_start3A_52 : memref<1150464x32xf32, #tpu.memory_space<hbm>>) target(%arg9 : memref<1712x32xf32, #tpu.memory_space<vmem>>) offsets(%dma_start3A_49 : memref<1712xi32, #tpu.memory_space<vmem>>) semaphore(%arg10 : memref<!tpu.dma_semaphore, #tpu.memory_space<semaphore_mem>>) {add = true}
    %dma_start3A_53 = arith.constant 4 : i32
    %dma_start3A_54 = arith.constant 0 : i32
    %dma_start3A_55 = tpu.memref_slice %arg7[%dma_start3A_53, %dma_start3A_54] : memref<7x1712xi32, #tpu.memory_space<vmem>> -> memref<1x1712xi32, #tpu.memory_space<vmem>>
    %dma_start3A_56 = tpu.memref_squeeze %dma_start3A_55 : memref<1x1712xi32, #tpu.memory_space<vmem>> -> memref<1712xi32, #tpu.memory_space<vmem>>
    %dma_start3A_57 = arith.constant 0 : i32
    %dma_start3A_58 = arith.constant 0 : i32
    %dma_start3A_59 = tpu.memref_slice %arg2[%dma_start3A_57, %dma_start3A_58] : memref<1150464x32xf32, #tpu.memory_space<hbm>> -> memref<1150464x32xf32, #tpu.memory_space<hbm>>
    tpu.enqueue_indirect_dma source(%dma_start3A_59 : memref<1150464x32xf32, #tpu.memory_space<hbm>>) target(%arg9 : memref<1712x32xf32, #tpu.memory_space<vmem>>) offsets(%dma_start3A_56 : memref<1712xi32, #tpu.memory_space<vmem>>) semaphore(%arg10 : memref<!tpu.dma_semaphore, #tpu.memory_space<semaphore_mem>>) {add = true}
    %dma_start3A_60 = arith.constant 5 : i32
    %dma_start3A_61 = arith.constant 0 : i32
    %dma_start3A_62 = tpu.memref_slice %arg7[%dma_start3A_60, %dma_start3A_61] : memref<7x1712xi32, #tpu.memory_space<vmem>> -> memref<1x1712xi32, #tpu.memory_space<vmem>>
    %dma_start3A_63 = tpu.memref_squeeze %dma_start3A_62 : memref<1x1712xi32, #tpu.memory_space<vmem>> -> memref<1712xi32, #tpu.memory_space<vmem>>
    %dma_start3A_64 = arith.constant 0 : i32
    %dma_start3A_65 = arith.constant 0 : i32
    %dma_start3A_66 = tpu.memref_slice %arg2[%dma_start3A_64, %dma_start3A_65] : memref<1150464x32xf32, #tpu.memory_space<hbm>> -> memref<1150464x32xf32, #tpu.memory_space<hbm>>
    tpu.enqueue_indirect_dma source(%dma_start3A_66 : memref<1150464x32xf32, #tpu.memory_space<hbm>>) target(%arg9 : memref<1712x32xf32, #tpu.memory_space<vmem>>) offsets(%dma_start3A_63 : memref<1712xi32, #tpu.memory_space<vmem>>) semaphore(%arg10 : memref<!tpu.dma_semaphore, #tpu.memory_space<semaphore_mem>>) {add = true}
    %dma_start3A_67 = arith.constant 6 : i32
    %dma_start3A_68 = arith.constant 0 : i32
    %dma_start3A_69 = tpu.memref_slice %arg7[%dma_start3A_67, %dma_start3A_68] : memref<7x1712xi32, #tpu.memory_space<vmem>> -> memref<1x1712xi32, #tpu.memory_space<vmem>>
    %dma_start3A_70 = tpu.memref_squeeze %dma_start3A_69 : memref<1x1712xi32, #tpu.memory_space<vmem>> -> memref<1712xi32, #tpu.memory_space<vmem>>
    %dma_start3A_71 = arith.constant 0 : i32
    %dma_start3A_72 = arith.constant 0 : i32
    %dma_start3A_73 = tpu.memref_slice %arg2[%dma_start3A_71, %dma_start3A_72] : memref<1150464x32xf32, #tpu.memory_space<hbm>> -> memref<1150464x32xf32, #tpu.memory_space<hbm>>
    tpu.enqueue_indirect_dma source(%dma_start3A_73 : memref<1150464x32xf32, #tpu.memory_space<hbm>>) target(%arg9 : memref<1712x32xf32, #tpu.memory_space<vmem>>) offsets(%dma_start3A_70 : memref<1712xi32, #tpu.memory_space<vmem>>) semaphore(%arg10 : memref<!tpu.dma_semaphore, #tpu.memory_space<semaphore_mem>>) {add = true}
    %mul3A_74 = arith.constant 5136 : i32
    %mul3A_75 = arith.muli %add3A, %mul3A_74 : i32
    %add3A_76 = arith.constant 1712 : i32
    %add3A_77 = arith.addi %mul3A_75, %add3A_76 : i32
    %mul3A_78 = arith.constant 7 : i32
    %mul3A_79 = arith.muli %mul3A_78, %add3A_77 : i32
    "tpu.region"() ({
      %run_scoped3A = tpu.sem_alloc : memref<!tpu.dma_semaphore, #tpu.memory_space<semaphore_mem>>
      %dma_start3A_366 = tpu.memref_slice %arg3[%mul3A_79] : memref<1146894xi32, #tpu.memory_space<hbm>> -> memref<11984xi32, #tpu.memory_space<hbm>>
      %dma_start3A_367 = tpu.memref_slice %arg3[%mul3A_79] : memref<1146894xi32, #tpu.memory_space<hbm>> -> memref<11984xi32, #tpu.memory_space<hbm>>
      tpu.enqueue_dma source(%dma_start3A_367 : memref<11984xi32, #tpu.memory_space<hbm>>) target(%arg6 : memref<11984xi32, #tpu.memory_space<vmem>>) target_semaphore(%run_scoped3A : memref<!tpu.dma_semaphore, #tpu.memory_space<semaphore_mem>>)
      %dma_wait3A_368 = tpu.memref_slice %arg3[%mul3A_79] : memref<1146894xi32, #tpu.memory_space<hbm>> -> memref<11984xi32, #tpu.memory_space<hbm>>
      %dma_wait3A_369 = tpu.memref_slice %arg3[%mul3A_79] : memref<1146894xi32, #tpu.memory_space<hbm>> -> memref<11984xi32, #tpu.memory_space<hbm>>
      tpu.wait_dma2 semaphore(%run_scoped3A : memref<!tpu.dma_semaphore, #tpu.memory_space<semaphore_mem>>) src(%dma_wait3A_369 : memref<11984xi32, #tpu.memory_space<hbm>>) dst(%arg6 : memref<11984xi32, #tpu.memory_space<vmem>>)
      tpu.yield
    }) : () -> ()
    %scan3A_80 = arith.constant 0 : i32
    %scan3A_81 = arith.constant 0 : i32
    %scan3A_82 = arith.constant 107 : i32
    %scan3A_83 = arith.addi %scan3A_81, %scan3A_82 : i32
    %scan3A_84 = arith.constant 1 : i32
    %scan3A_85 = scf.for %scan3A_366 = %scan3A_81 to %scan3A_83 step %scan3A_84 iter_args(%scan3A_367 = %scan3A_80) -> (i32)  : i32 {
      %mul3A_368 = arith.constant 112 : i32
      %mul3A_369 = arith.muli %scan3A_366, %mul3A_368 : i32
      %add3A_370 = arith.constant 0 : i32
      %add3A_371 = arith.addi %mul3A_369, %add3A_370 : i32
      %add3A_372 = vector.broadcast %add3A_371 : i32 to vector<16xi32>
      %add3A_373 = arith.addi %add3A_372, %mul3A_3 : vector<16xi32>
      %gather3A = tpu.vector_load_idx %arg6[%add3A_373] : memref<11984xi32, #tpu.memory_space<vmem>>[vector<16xi32>], vector<16xi32>,
      %add3A_374 = arith.constant 0 : i32
      %add3A_375 = vector.broadcast %add3A_374 : i32 to vector<16xi32>
      %add3A_376 = arith.addi %gather3A, %add3A_375 : vector<16xi32>
      %mul3A_377 = arith.constant 16 : i32
      %mul3A_378 = arith.muli %scan3A_366, %mul3A_377 : i32
      %swap3A = arith.constant 0 : i32
      %swap3A_379 = arith.index_cast %swap3A : i32 to index
      %swap3A_380 = arith.index_cast %mul3A_378 : i32 to index
      %swap3A_381 = tpu.vector_load %arg8[%swap3A_379, %swap3A_380] {strides = array<i32>} : memref<7x1712xi32, #tpu.memory_space<vmem>>, vector<16xi32>,
      tpu.vector_store %arg8[%swap3A_379, %swap3A_380], %add3A_376 {strides = array<i32>} : memref<7x1712xi32, #tpu.memory_space<vmem>>, vector<16xi32>,
      %mul3A_382 = arith.constant 112 : i32
      %mul3A_383 = arith.muli %scan3A_366, %mul3A_382 : i32
      %add3A_384 = arith.constant 1 : i32
      %add3A_385 = arith.addi %mul3A_383, %add3A_384 : i32
      %add3A_386 = vector.broadcast %add3A_385 : i32 to vector<16xi32>
      %add3A_387 = arith.addi %add3A_386, %mul3A_3 : vector<16xi32>
      %gather3A_388 = tpu.vector_load_idx %arg6[%add3A_387] : memref<11984xi32, #tpu.memory_space<vmem>>[vector<16xi32>], vector<16xi32>,
      %add3A_389 = arith.constant 164352 : i32
      %add3A_390 = vector.broadcast %add3A_389 : i32 to vector<16xi32>
      %add3A_391 = arith.addi %gather3A_388, %add3A_390 : vector<16xi32>
      %mul3A_392 = arith.constant 16 : i32
      %mul3A_393 = arith.muli %scan3A_366, %mul3A_392 : i32
      %swap3A_394 = arith.constant 1 : i32
      %swap3A_395 = arith.index_cast %swap3A_394 : i32 to index
      %swap3A_396 = arith.index_cast %mul3A_393 : i32 to index
      %swap3A_397 = tpu.vector_load %arg8[%swap3A_395, %swap3A_396] {strides = array<i32>} : memref<7x1712xi32, #tpu.memory_space<vmem>>, vector<16xi32>,
      tpu.vector_store %arg8[%swap3A_395, %swap3A_396], %add3A_391 {strides = array<i32>} : memref<7x1712xi32, #tpu.memory_space<vmem>>, vector<16xi32>,
      %mul3A_398 = arith.constant 112 : i32
      %mul3A_399 = arith.muli %scan3A_366, %mul3A_398 : i32
      %add3A_400 = arith.constant 2 : i32
      %add3A_401 = arith.addi %mul3A_399, %add3A_400 : i32
      %add3A_402 = vector.broadcast %add3A_401 : i32 to vector<16xi32>
      %add3A_403 = arith.addi %add3A_402, %mul3A_3 : vector<16xi32>
      %gather3A_404 = tpu.vector_load_idx %arg6[%add3A_403] : memref<11984xi32, #tpu.memory_space<vmem>>[vector<16xi32>], vector<16xi32>,
      %add3A_405 = arith.constant 328704 : i32
      %add3A_406 = vector.broadcast %add3A_405 : i32 to vector<16xi32>
      %add3A_407 = arith.addi %gather3A_404, %add3A_406 : vector<16xi32>
      %mul3A_408 = arith.constant 16 : i32
      %mul3A_409 = arith.muli %scan3A_366, %mul3A_408 : i32
      %swap3A_410 = arith.constant 2 : i32
      %swap3A_411 = arith.index_cast %swap3A_410 : i32 to index
      %swap3A_412 = arith.index_cast %mul3A_409 : i32 to index
      %swap3A_413 = tpu.vector_load %arg8[%swap3A_411, %swap3A_412] {strides = array<i32>} : memref<7x1712xi32, #tpu.memory_space<vmem>>, vector<16xi32>,
      tpu.vector_store %arg8[%swap3A_411, %swap3A_412], %add3A_407 {strides = array<i32>} : memref<7x1712xi32, #tpu.memory_space<vmem>>, vector<16xi32>,
      %mul3A_414 = arith.constant 112 : i32
      %mul3A_415 = arith.muli %scan3A_366, %mul3A_414 : i32
      %add3A_416 = arith.constant 3 : i32
      %add3A_417 = arith.addi %mul3A_415, %add3A_416 : i32
      %add3A_418 = vector.broadcast %add3A_417 : i32 to vector<16xi32>
      %add3A_419 = arith.addi %add3A_418, %mul3A_3 : vector<16xi32>
      %gather3A_420 = tpu.vector_load_idx %arg6[%add3A_419] : memref<11984xi32, #tpu.memory_space<vmem>>[vector<16xi32>], vector<16xi32>,
      %add3A_421 = arith.constant 493056 : i32
      %add3A_422 = vector.broadcast %add3A_421 : i32 to vector<16xi32>
      %add3A_423 = arith.addi %gather3A_420, %add3A_422 : vector<16xi32>
      %mul3A_424 = arith.constant 16 : i32
      %mul3A_425 = arith.muli %scan3A_366, %mul3A_424 : i32
      %swap3A_426 = arith.constant 3 : i32
      %swap3A_427 = arith.index_cast %swap3A_426 : i32 to index
      %swap3A_428 = arith.index_cast %mul3A_425 : i32 to index
      %swap3A_429 = tpu.vector_load %arg8[%swap3A_427, %swap3A_428] {strides = array<i32>} : memref<7x1712xi32, #tpu.memory_space<vmem>>, vector<16xi32>,
      tpu.vector_store %arg8[%swap3A_427, %swap3A_428], %add3A_423 {strides = array<i32>} : memref<7x1712xi32, #tpu.memory_space<vmem>>, vector<16xi32>,
      %mul3A_430 = arith.constant 112 : i32
      %mul3A_431 = arith.muli %scan3A_366, %mul3A_430 : i32
      %add3A_432 = arith.constant 4 : i32
      %add3A_433 = arith.addi %mul3A_431, %add3A_432 : i32
      %add3A_434 = vector.broadcast %add3A_433 : i32 to vector<16xi32>
      %add3A_435 = arith.addi %add3A_434, %mul3A_3 : vector<16xi32>
      %gather3A_436 = tpu.vector_load_idx %arg6[%add3A_435] : memref<11984xi32, #tpu.memory_space<vmem>>[vector<16xi32>], vector<16xi32>,
      %add3A_437 = arith.constant 657408 : i32
      %add3A_438 = vector.broadcast %add3A_437 : i32 to vector<16xi32>
      %add3A_439 = arith.addi %gather3A_436, %add3A_438 : vector<16xi32>
      %mul3A_440 = arith.constant 16 : i32
      %mul3A_441 = arith.muli %scan3A_366, %mul3A_440 : i32
      %swap3A_442 = arith.constant 4 : i32
      %swap3A_443 = arith.index_cast %swap3A_442 : i32 to index
      %swap3A_444 = arith.index_cast %mul3A_441 : i32 to index
      %swap3A_445 = tpu.vector_load %arg8[%swap3A_443, %swap3A_444] {strides = array<i32>} : memref<7x1712xi32, #tpu.memory_space<vmem>>, vector<16xi32>,
      tpu.vector_store %arg8[%swap3A_443, %swap3A_444], %add3A_439 {strides = array<i32>} : memref<7x1712xi32, #tpu.memory_space<vmem>>, vector<16xi32>,
      %mul3A_446 = arith.constant 112 : i32
      %mul3A_447 = arith.muli %scan3A_366, %mul3A_446 : i32
      %add3A_448 = arith.constant 5 : i32
      %add3A_449 = arith.addi %mul3A_447, %add3A_448 : i32
      %add3A_450 = vector.broadcast %add3A_449 : i32 to vector<16xi32>
      %add3A_451 = arith.addi %add3A_450, %mul3A_3 : vector<16xi32>
      %gather3A_452 = tpu.vector_load_idx %arg6[%add3A_451] : memref<11984xi32, #tpu.memory_space<vmem>>[vector<16xi32>], vector<16xi32>,
      %add3A_453 = arith.constant 821760 : i32
      %add3A_454 = vector.broadcast %add3A_453 : i32 to vector<16xi32>
      %add3A_455 = arith.addi %gather3A_452, %add3A_454 : vector<16xi32>
      %mul3A_456 = arith.constant 16 : i32
      %mul3A_457 = arith.muli %scan3A_366, %mul3A_456 : i32
      %swap3A_458 = arith.constant 5 : i32
      %swap3A_459 = arith.index_cast %swap3A_458 : i32 to index
      %swap3A_460 = arith.index_cast %mul3A_457 : i32 to index
      %swap3A_461 = tpu.vector_load %arg8[%swap3A_459, %swap3A_460] {strides = array<i32>} : memref<7x1712xi32, #tpu.memory_space<vmem>>, vector<16xi32>,
      tpu.vector_store %arg8[%swap3A_459, %swap3A_460], %add3A_455 {strides = array<i32>} : memref<7x1712xi32, #tpu.memory_space<vmem>>, vector<16xi32>,
      %mul3A_462 = arith.constant 112 : i32
      %mul3A_463 = arith.muli %scan3A_366, %mul3A_462 : i32
      %add3A_464 = arith.constant 6 : i32
      %add3A_465 = arith.addi %mul3A_463, %add3A_464 : i32
      %add3A_466 = vector.broadcast %add3A_465 : i32 to vector<16xi32>
      %add3A_467 = arith.addi %add3A_466, %mul3A_3 : vector<16xi32>
      %gather3A_468 = tpu.vector_load_idx %arg6[%add3A_467] : memref<11984xi32, #tpu.memory_space<vmem>>[vector<16xi32>], vector<16xi32>,
      %add3A_469 = arith.constant 986112 : i32
      %add3A_470 = vector.broadcast %add3A_469 : i32 to vector<16xi32>
      %add3A_471 = arith.addi %gather3A_468, %add3A_470 : vector<16xi32>
      %mul3A_472 = arith.constant 16 : i32
      %mul3A_473 = arith.muli %scan3A_366, %mul3A_472 : i32
      %swap3A_474 = arith.constant 6 : i32
      %swap3A_475 = arith.index_cast %swap3A_474 : i32 to index
      %swap3A_476 = arith.index_cast %mul3A_473 : i32 to index
      %swap3A_477 = tpu.vector_load %arg8[%swap3A_475, %swap3A_476] {strides = array<i32>} : memref<7x1712xi32, #tpu.memory_space<vmem>>, vector<16xi32>,
      tpu.vector_store %arg8[%swap3A_475, %swap3A_476], %add3A_471 {strides = array<i32>} : memref<7x1712xi32, #tpu.memory_space<vmem>>, vector<16xi32>,
      %scan3A_478 = arith.constant 0 : i32
      scf.yield %scan3A_478 : i32
    }
    %scan3A_86 = arith.constant 107 : i32
    %dma_wait3A_87 = arith.constant 1 : i32
    %dma_wait3A_88 = arith.constant 0 : i32
    %dma_wait3A_89 = tpu.memref_slice %arg7[%dma_wait3A_87, %dma_wait3A_88] : memref<7x1712xi32, #tpu.memory_space<vmem>> -> memref<1x1712xi32, #tpu.memory_space<vmem>>
    %dma_wait3A_90 = tpu.memref_squeeze %dma_wait3A_89 : memref<1x1712xi32, #tpu.memory_space<vmem>> -> memref<1712xi32, #tpu.memory_space<vmem>>
    %dma_wait3A_91 = arith.constant 0 : i32
    %dma_wait3A_92 = arith.constant 0 : i32
    %dma_wait3A_93 = tpu.memref_slice %arg2[%dma_wait3A_91, %dma_wait3A_92] : memref<1150464x32xf32, #tpu.memory_space<hbm>> -> memref<1150464x32xf32, #tpu.memory_space<hbm>>
    tpu.wait_indirect_dma semaphore(%arg10 : memref<!tpu.dma_semaphore, #tpu.memory_space<semaphore_mem>>) src(%dma_wait3A_93 : memref<1150464x32xf32, #tpu.memory_space<hbm>>) dst(%arg9 : memref<1712x32xf32, #tpu.memory_space<vmem>>)
    %dma_wait3A_94 = arith.constant 2 : i32
    %dma_wait3A_95 = arith.constant 0 : i32
    %dma_wait3A_96 = tpu.memref_slice %arg7[%dma_wait3A_94, %dma_wait3A_95] : memref<7x1712xi32, #tpu.memory_space<vmem>> -> memref<1x1712xi32, #tpu.memory_space<vmem>>
    %dma_wait3A_97 = tpu.memref_squeeze %dma_wait3A_96 : memref<1x1712xi32, #tpu.memory_space<vmem>> -> memref<1712xi32, #tpu.memory_space<vmem>>
    %dma_wait3A_98 = arith.constant 0 : i32
    %dma_wait3A_99 = arith.constant 0 : i32
    %dma_wait3A_100 = tpu.memref_slice %arg2[%dma_wait3A_98, %dma_wait3A_99] : memref<1150464x32xf32, #tpu.memory_space<hbm>> -> memref<1150464x32xf32, #tpu.memory_space<hbm>>
    tpu.wait_indirect_dma semaphore(%arg10 : memref<!tpu.dma_semaphore, #tpu.memory_space<semaphore_mem>>) src(%dma_wait3A_100 : memref<1150464x32xf32, #tpu.memory_space<hbm>>) dst(%arg9 : memref<1712x32xf32, #tpu.memory_space<vmem>>)
    %dma_wait3A_101 = arith.constant 3 : i32
    %dma_wait3A_102 = arith.constant 0 : i32
    %dma_wait3A_103 = tpu.memref_slice %arg7[%dma_wait3A_101, %dma_wait3A_102] : memref<7x1712xi32, #tpu.memory_space<vmem>> -> memref<1x1712xi32, #tpu.memory_space<vmem>>
    %dma_wait3A_104 = tpu.memref_squeeze %dma_wait3A_103 : memref<1x1712xi32, #tpu.memory_space<vmem>> -> memref<1712xi32, #tpu.memory_space<vmem>>
    %dma_wait3A_105 = arith.constant 0 : i32
    %dma_wait3A_106 = arith.constant 0 : i32
    %dma_wait3A_107 = tpu.memref_slice %arg2[%dma_wait3A_105, %dma_wait3A_106] : memref<1150464x32xf32, #tpu.memory_space<hbm>> -> memref<1150464x32xf32, #tpu.memory_space<hbm>>
    tpu.wait_indirect_dma semaphore(%arg10 : memref<!tpu.dma_semaphore, #tpu.memory_space<semaphore_mem>>) src(%dma_wait3A_107 : memref<1150464x32xf32, #tpu.memory_space<hbm>>) dst(%arg9 : memref<1712x32xf32, #tpu.memory_space<vmem>>)
    %dma_wait3A_108 = arith.constant 4 : i32
    %dma_wait3A_109 = arith.constant 0 : i32
    %dma_wait3A_110 = tpu.memref_slice %arg7[%dma_wait3A_108, %dma_wait3A_109] : memref<7x1712xi32, #tpu.memory_space<vmem>> -> memref<1x1712xi32, #tpu.memory_space<vmem>>
    %dma_wait3A_111 = tpu.memref_squeeze %dma_wait3A_110 : memref<1x1712xi32, #tpu.memory_space<vmem>> -> memref<1712xi32, #tpu.memory_space<vmem>>
    %dma_wait3A_112 = arith.constant 0 : i32
    %dma_wait3A_113 = arith.constant 0 : i32
    %dma_wait3A_114 = tpu.memref_slice %arg2[%dma_wait3A_112, %dma_wait3A_113] : memref<1150464x32xf32, #tpu.memory_space<hbm>> -> memref<1150464x32xf32, #tpu.memory_space<hbm>>
    tpu.wait_indirect_dma semaphore(%arg10 : memref<!tpu.dma_semaphore, #tpu.memory_space<semaphore_mem>>) src(%dma_wait3A_114 : memref<1150464x32xf32, #tpu.memory_space<hbm>>) dst(%arg9 : memref<1712x32xf32, #tpu.memory_space<vmem>>)
    %dma_wait3A_115 = arith.constant 5 : i32
    %dma_wait3A_116 = arith.constant 0 : i32
    %dma_wait3A_117 = tpu.memref_slice %arg7[%dma_wait3A_115, %dma_wait3A_116] : memref<7x1712xi32, #tpu.memory_space<vmem>> -> memref<1x1712xi32, #tpu.memory_space<vmem>>
    %dma_wait3A_118 = tpu.memref_squeeze %dma_wait3A_117 : memref<1x1712xi32, #tpu.memory_space<vmem>> -> memref<1712xi32, #tpu.memory_space<vmem>>
    %dma_wait3A_119 = arith.constant 0 : i32
    %dma_wait3A_120 = arith.constant 0 : i32
    %dma_wait3A_121 = tpu.memref_slice %arg2[%dma_wait3A_119, %dma_wait3A_120] : memref<1150464x32xf32, #tpu.memory_space<hbm>> -> memref<1150464x32xf32, #tpu.memory_space<hbm>>
    tpu.wait_indirect_dma semaphore(%arg10 : memref<!tpu.dma_semaphore, #tpu.memory_space<semaphore_mem>>) src(%dma_wait3A_121 : memref<1150464x32xf32, #tpu.memory_space<hbm>>) dst(%arg9 : memref<1712x32xf32, #tpu.memory_space<vmem>>)
    %dma_wait3A_122 = arith.constant 6 : i32
    %dma_wait3A_123 = arith.constant 0 : i32
    %dma_wait3A_124 = tpu.memref_slice %arg7[%dma_wait3A_122, %dma_wait3A_123] : memref<7x1712xi32, #tpu.memory_space<vmem>> -> memref<1x1712xi32, #tpu.memory_space<vmem>>
    %dma_wait3A_125 = tpu.memref_squeeze %dma_wait3A_124 : memref<1x1712xi32, #tpu.memory_space<vmem>> -> memref<1712xi32, #tpu.memory_space<vmem>>
    %dma_wait3A_126 = arith.constant 0 : i32
    %dma_wait3A_127 = arith.constant 0 : i32
    %dma_wait3A_128 = tpu.memref_slice %arg2[%dma_wait3A_126, %dma_wait3A_127] : memref<1150464x32xf32, #tpu.memory_space<hbm>> -> memref<1150464x32xf32, #tpu.memory_space<hbm>>
    tpu.wait_indirect_dma semaphore(%arg10 : memref<!tpu.dma_semaphore, #tpu.memory_space<semaphore_mem>>) src(%dma_wait3A_128 : memref<1150464x32xf32, #tpu.memory_space<hbm>>) dst(%arg9 : memref<1712x32xf32, #tpu.memory_space<vmem>>)
    %dma_start3A_129 = arith.constant 0 : i32
    %dma_start3A_130 = tpu.memref_slice %arg4[%add3A_19, %dma_start3A_129] : memref<164352x32xf32, #tpu.memory_space<hbm>> -> memref<1712x32xf32, #tpu.memory_space<hbm>>
    %dma_start3A_131 = arith.constant 0 : i32
    %dma_start3A_132 = tpu.memref_slice %arg4[%add3A_19, %dma_start3A_131] : memref<164352x32xf32, #tpu.memory_space<hbm>> -> memref<1712x32xf32, #tpu.memory_space<hbm>>
    tpu.enqueue_dma source(%arg9 : memref<1712x32xf32, #tpu.memory_space<vmem>>) target(%dma_start3A_132 : memref<1712x32xf32, #tpu.memory_space<hbm>>) target_semaphore(%arg11 : memref<!tpu.dma_semaphore, #tpu.memory_space<semaphore_mem>>)
    %mul3A_133 = arith.constant 5136 : i32
    %mul3A_134 = arith.muli %add3A, %mul3A_133 : i32
    %add3A_135 = arith.constant 1712 : i32
    %add3A_136 = arith.addi %mul3A_134, %add3A_135 : i32
    %dma_wait3A_137 = arith.constant 0 : i32
    %dma_wait3A_138 = tpu.memref_slice %arg4[%add3A_19, %dma_wait3A_137] : memref<164352x32xf32, #tpu.memory_space<hbm>> -> memref<1712x32xf32, #tpu.memory_space<hbm>>
    %dma_wait3A_139 = arith.constant 0 : i32
    %dma_wait3A_140 = tpu.memref_slice %arg4[%add3A_19, %dma_wait3A_139] : memref<164352x32xf32, #tpu.memory_space<hbm>> -> memref<1712x32xf32, #tpu.memory_space<hbm>>
    tpu.wait_dma2 semaphore(%arg11 : memref<!tpu.dma_semaphore, #tpu.memory_space<semaphore_mem>>) src(%arg9 : memref<1712x32xf32, #tpu.memory_space<vmem>>) dst(%dma_wait3A_140 : memref<1712x32xf32, #tpu.memory_space<hbm>>)
    %dma_start3A_141 = arith.constant 0 : i32
    %dma_start3A_142 = arith.constant 0 : i32
    %dma_start3A_143 = tpu.memref_slice %arg8[%dma_start3A_141, %dma_start3A_142] : memref<7x1712xi32, #tpu.memory_space<vmem>> -> memref<1x1712xi32, #tpu.memory_space<vmem>>
    %dma_start3A_144 = tpu.memref_squeeze %dma_start3A_143 : memref<1x1712xi32, #tpu.memory_space<vmem>> -> memref<1712xi32, #tpu.memory_space<vmem>>
    %dma_start3A_145 = arith.constant 0 : i32
    %dma_start3A_146 = arith.constant 0 : i32
    %dma_start3A_147 = tpu.memref_slice %arg2[%dma_start3A_145, %dma_start3A_146] : memref<1150464x32xf32, #tpu.memory_space<hbm>> -> memref<1150464x32xf32, #tpu.memory_space<hbm>>
    tpu.enqueue_indirect_dma source(%dma_start3A_147 : memref<1150464x32xf32, #tpu.memory_space<hbm>>) target(%arg9 : memref<1712x32xf32, #tpu.memory_space<vmem>>) offsets(%dma_start3A_144 : memref<1712xi32, #tpu.memory_space<vmem>>) semaphore(%arg10 : memref<!tpu.dma_semaphore, #tpu.memory_space<semaphore_mem>>)
    %dma_wait3A_148 = arith.constant 0 : i32
    %dma_wait3A_149 = arith.constant 0 : i32
    %dma_wait3A_150 = tpu.memref_slice %arg8[%dma_wait3A_148, %dma_wait3A_149] : memref<7x1712xi32, #tpu.memory_space<vmem>> -> memref<1x1712xi32, #tpu.memory_space<vmem>>
    %dma_wait3A_151 = tpu.memref_squeeze %dma_wait3A_150 : memref<1x1712xi32, #tpu.memory_space<vmem>> -> memref<1712xi32, #tpu.memory_space<vmem>>
    %dma_wait3A_152 = arith.constant 0 : i32
    %dma_wait3A_153 = arith.constant 0 : i32
    %dma_wait3A_154 = tpu.memref_slice %arg2[%dma_wait3A_152, %dma_wait3A_153] : memref<1150464x32xf32, #tpu.memory_space<hbm>> -> memref<1150464x32xf32, #tpu.memory_space<hbm>>
    tpu.wait_indirect_dma semaphore(%arg10 : memref<!tpu.dma_semaphore, #tpu.memory_space<semaphore_mem>>) src(%dma_wait3A_154 : memref<1150464x32xf32, #tpu.memory_space<hbm>>) dst(%arg9 : memref<1712x32xf32, #tpu.memory_space<vmem>>)
    %dma_start3A_155 = arith.constant 1 : i32
    %dma_start3A_156 = arith.constant 0 : i32
    %dma_start3A_157 = tpu.memref_slice %arg8[%dma_start3A_155, %dma_start3A_156] : memref<7x1712xi32, #tpu.memory_space<vmem>> -> memref<1x1712xi32, #tpu.memory_space<vmem>>
    %dma_start3A_158 = tpu.memref_squeeze %dma_start3A_157 : memref<1x1712xi32, #tpu.memory_space<vmem>> -> memref<1712xi32, #tpu.memory_space<vmem>>
    %dma_start3A_159 = arith.constant 0 : i32
    %dma_start3A_160 = arith.constant 0 : i32
    %dma_start3A_161 = tpu.memref_slice %arg2[%dma_start3A_159, %dma_start3A_160] : memref<1150464x32xf32, #tpu.memory_space<hbm>> -> memref<1150464x32xf32, #tpu.memory_space<hbm>>
    tpu.enqueue_indirect_dma source(%dma_start3A_161 : memref<1150464x32xf32, #tpu.memory_space<hbm>>) target(%arg9 : memref<1712x32xf32, #tpu.memory_space<vmem>>) offsets(%dma_start3A_158 : memref<1712xi32, #tpu.memory_space<vmem>>) semaphore(%arg10 : memref<!tpu.dma_semaphore, #tpu.memory_space<semaphore_mem>>) {add = true}
    %dma_start3A_162 = arith.constant 2 : i32
    %dma_start3A_163 = arith.constant 0 : i32
    %dma_start3A_164 = tpu.memref_slice %arg8[%dma_start3A_162, %dma_start3A_163] : memref<7x1712xi32, #tpu.memory_space<vmem>> -> memref<1x1712xi32, #tpu.memory_space<vmem>>
    %dma_start3A_165 = tpu.memref_squeeze %dma_start3A_164 : memref<1x1712xi32, #tpu.memory_space<vmem>> -> memref<1712xi32, #tpu.memory_space<vmem>>
    %dma_start3A_166 = arith.constant 0 : i32
    %dma_start3A_167 = arith.constant 0 : i32
    %dma_start3A_168 = tpu.memref_slice %arg2[%dma_start3A_166, %dma_start3A_167] : memref<1150464x32xf32, #tpu.memory_space<hbm>> -> memref<1150464x32xf32, #tpu.memory_space<hbm>>
    tpu.enqueue_indirect_dma source(%dma_start3A_168 : memref<1150464x32xf32, #tpu.memory_space<hbm>>) target(%arg9 : memref<1712x32xf32, #tpu.memory_space<vmem>>) offsets(%dma_start3A_165 : memref<1712xi32, #tpu.memory_space<vmem>>) semaphore(%arg10 : memref<!tpu.dma_semaphore, #tpu.memory_space<semaphore_mem>>) {add = true}
    %dma_start3A_169 = arith.constant 3 : i32
    %dma_start3A_170 = arith.constant 0 : i32
    %dma_start3A_171 = tpu.memref_slice %arg8[%dma_start3A_169, %dma_start3A_170] : memref<7x1712xi32, #tpu.memory_space<vmem>> -> memref<1x1712xi32, #tpu.memory_space<vmem>>
    %dma_start3A_172 = tpu.memref_squeeze %dma_start3A_171 : memref<1x1712xi32, #tpu.memory_space<vmem>> -> memref<1712xi32, #tpu.memory_space<vmem>>
    %dma_start3A_173 = arith.constant 0 : i32
    %dma_start3A_174 = arith.constant 0 : i32
    %dma_start3A_175 = tpu.memref_slice %arg2[%dma_start3A_173, %dma_start3A_174] : memref<1150464x32xf32, #tpu.memory_space<hbm>> -> memref<1150464x32xf32, #tpu.memory_space<hbm>>
    tpu.enqueue_indirect_dma source(%dma_start3A_175 : memref<1150464x32xf32, #tpu.memory_space<hbm>>) target(%arg9 : memref<1712x32xf32, #tpu.memory_space<vmem>>) offsets(%dma_start3A_172 : memref<1712xi32, #tpu.memory_space<vmem>>) semaphore(%arg10 : memref<!tpu.dma_semaphore, #tpu.memory_space<semaphore_mem>>) {add = true}
    %dma_start3A_176 = arith.constant 4 : i32
    %dma_start3A_177 = arith.constant 0 : i32
    %dma_start3A_178 = tpu.memref_slice %arg8[%dma_start3A_176, %dma_start3A_177] : memref<7x1712xi32, #tpu.memory_space<vmem>> -> memref<1x1712xi32, #tpu.memory_space<vmem>>
    %dma_start3A_179 = tpu.memref_squeeze %dma_start3A_178 : memref<1x1712xi32, #tpu.memory_space<vmem>> -> memref<1712xi32, #tpu.memory_space<vmem>>
    %dma_start3A_180 = arith.constant 0 : i32
    %dma_start3A_181 = arith.constant 0 : i32
    %dma_start3A_182 = tpu.memref_slice %arg2[%dma_start3A_180, %dma_start3A_181] : memref<1150464x32xf32, #tpu.memory_space<hbm>> -> memref<1150464x32xf32, #tpu.memory_space<hbm>>
    tpu.enqueue_indirect_dma source(%dma_start3A_182 : memref<1150464x32xf32, #tpu.memory_space<hbm>>) target(%arg9 : memref<1712x32xf32, #tpu.memory_space<vmem>>) offsets(%dma_start3A_179 : memref<1712xi32, #tpu.memory_space<vmem>>) semaphore(%arg10 : memref<!tpu.dma_semaphore, #tpu.memory_space<semaphore_mem>>) {add = true}
    %dma_start3A_183 = arith.constant 5 : i32
    %dma_start3A_184 = arith.constant 0 : i32
    %dma_start3A_185 = tpu.memref_slice %arg8[%dma_start3A_183, %dma_start3A_184] : memref<7x1712xi32, #tpu.memory_space<vmem>> -> memref<1x1712xi32, #tpu.memory_space<vmem>>
    %dma_start3A_186 = tpu.memref_squeeze %dma_start3A_185 : memref<1x1712xi32, #tpu.memory_space<vmem>> -> memref<1712xi32, #tpu.memory_space<vmem>>
    %dma_start3A_187 = arith.constant 0 : i32
    %dma_start3A_188 = arith.constant 0 : i32
    %dma_start3A_189 = tpu.memref_slice %arg2[%dma_start3A_187, %dma_start3A_188] : memref<1150464x32xf32, #tpu.memory_space<hbm>> -> memref<1150464x32xf32, #tpu.memory_space<hbm>>
    tpu.enqueue_indirect_dma source(%dma_start3A_189 : memref<1150464x32xf32, #tpu.memory_space<hbm>>) target(%arg9 : memref<1712x32xf32, #tpu.memory_space<vmem>>) offsets(%dma_start3A_186 : memref<1712xi32, #tpu.memory_space<vmem>>) semaphore(%arg10 : memref<!tpu.dma_semaphore, #tpu.memory_space<semaphore_mem>>) {add = true}
    %dma_start3A_190 = arith.constant 6 : i32
    %dma_start3A_191 = arith.constant 0 : i32
    %dma_start3A_192 = tpu.memref_slice %arg8[%dma_start3A_190, %dma_start3A_191] : memref<7x1712xi32, #tpu.memory_space<vmem>> -> memref<1x1712xi32, #tpu.memory_space<vmem>>
    %dma_start3A_193 = tpu.memref_squeeze %dma_start3A_192 : memref<1x1712xi32, #tpu.memory_space<vmem>> -> memref<1712xi32, #tpu.memory_space<vmem>>
    %dma_start3A_194 = arith.constant 0 : i32
    %dma_start3A_195 = arith.constant 0 : i32
    %dma_start3A_196 = tpu.memref_slice %arg2[%dma_start3A_194, %dma_start3A_195] : memref<1150464x32xf32, #tpu.memory_space<hbm>> -> memref<1150464x32xf32, #tpu.memory_space<hbm>>
    tpu.enqueue_indirect_dma source(%dma_start3A_196 : memref<1150464x32xf32, #tpu.memory_space<hbm>>) target(%arg9 : memref<1712x32xf32, #tpu.memory_space<vmem>>) offsets(%dma_start3A_193 : memref<1712xi32, #tpu.memory_space<vmem>>) semaphore(%arg10 : memref<!tpu.dma_semaphore, #tpu.memory_space<semaphore_mem>>) {add = true}
    %mul3A_197 = arith.constant 5136 : i32
    %mul3A_198 = arith.muli %add3A, %mul3A_197 : i32
    %add3A_199 = arith.constant 3424 : i32
    %add3A_200 = arith.addi %mul3A_198, %add3A_199 : i32
    %eq3A = arith.constant 31 : i32
    %eq3A_201 = arith.cmpi eq, %add3A, %eq3A : i32
    %convert_element_type3A = arith.extui %eq3A_201 : i1 to i32
    %cond3A = arith.constant 0 : i32
    %cond3A_202 = arith.cmpi ne, %convert_element_type3A, %cond3A : i32
    scf.if %cond3A_202 {
      %scan3A_366 = arith.constant 0 : i32
      %scan3A_367 = arith.constant 0 : i32
      %scan3A_368 = arith.constant 749 : i32
      %scan3A_369 = arith.addi %scan3A_367, %scan3A_368 : i32
      %scan3A_370 = arith.constant 1 : i32
      %scan3A_371 = scf.for %scan3A_373 = %scan3A_367 to %scan3A_369 step %scan3A_370 iter_args(%scan3A_374 = %scan3A_366) -> (i32)  : i32 {
        %broadcast_in_dim3A = arith.constant 0 : i32
        %broadcast_in_dim3A_375 = vector.broadcast %broadcast_in_dim3A : i32 to vector<16xi32>
        %mul3A_376 = arith.constant 16 : i32
        %mul3A_377 = arith.muli %mul3A_376, %scan3A_373 : i32
        %swap3A = arith.index_cast %mul3A_377 : i32 to index
        %swap3A_378 = tpu.vector_load %arg5[%swap3A] {strides = array<i32>} : memref<11984xi32, #tpu.memory_space<vmem>>, vector<16xi32>,
        tpu.vector_store %arg5[%swap3A], %broadcast_in_dim3A_375 {strides = array<i32>} : memref<11984xi32, #tpu.memory_space<vmem>>, vector<16xi32>,
        %scan3A_379 = arith.constant 0 : i32
        scf.yield %scan3A_379 : i32
      }
      %scan3A_372 = arith.constant 749 : i32
      "tpu.region"() ({
        %run_scoped3A = tpu.sem_alloc : memref<!tpu.dma_semaphore, #tpu.memory_space<semaphore_mem>>
        %dma_start3A_373 = arith.constant 0 : i32
        %dma_start3A_374 = tpu.memref_slice %arg5[%dma_start3A_373] : memref<11984xi32, #tpu.memory_space<vmem>> -> memref<8414xi32, #tpu.memory_space<vmem>>
        %dma_start3A_375 = arith.constant 1138480 : i32
        %dma_start3A_376 = tpu.memref_slice %arg3[%dma_start3A_375] : memref<1146894xi32, #tpu.memory_space<hbm>> -> memref<8414xi32, #tpu.memory_space<hbm>>
        %dma_start3A_377 = arith.constant 0 : i32
        %dma_start3A_378 = tpu.memref_slice %arg5[%dma_start3A_377] : memref<11984xi32, #tpu.memory_space<vmem>> -> memref<8414xi32, #tpu.memory_space<vmem>>
        %dma_start3A_379 = arith.constant 1138480 : i32
        %dma_start3A_380 = tpu.memref_slice %arg3[%dma_start3A_379] : memref<1146894xi32, #tpu.memory_space<hbm>> -> memref<8414xi32, #tpu.memory_space<hbm>>
        tpu.enqueue_dma source(%dma_start3A_380 : memref<8414xi32, #tpu.memory_space<hbm>>) target(%dma_start3A_378 : memref<8414xi32, #tpu.memory_space<vmem>>) target_semaphore(%run_scoped3A : memref<!tpu.dma_semaphore, #tpu.memory_space<semaphore_mem>>)
        %dma_wait3A_381 = arith.constant 0 : i32
        %dma_wait3A_382 = tpu.memref_slice %arg5[%dma_wait3A_381] : memref<11984xi32, #tpu.memory_space<vmem>> -> memref<8414xi32, #tpu.memory_space<vmem>>
        %dma_wait3A_383 = arith.constant 1138480 : i32
        %dma_wait3A_384 = tpu.memref_slice %arg3[%dma_wait3A_383] : memref<1146894xi32, #tpu.memory_space<hbm>> -> memref<8414xi32, #tpu.memory_space<hbm>>
        %dma_wait3A_385 = arith.constant 0 : i32
        %dma_wait3A_386 = tpu.memref_slice %arg5[%dma_wait3A_385] : memref<11984xi32, #tpu.memory_space<vmem>> -> memref<8414xi32, #tpu.memory_space<vmem>>
        %dma_wait3A_387 = arith.constant 1138480 : i32
        %dma_wait3A_388 = tpu.memref_slice %arg3[%dma_wait3A_387] : memref<1146894xi32, #tpu.memory_space<hbm>> -> memref<8414xi32, #tpu.memory_space<hbm>>
        tpu.wait_dma2 semaphore(%run_scoped3A : memref<!tpu.dma_semaphore, #tpu.memory_space<semaphore_mem>>) src(%dma_wait3A_388 : memref<8414xi32, #tpu.memory_space<hbm>>) dst(%dma_wait3A_386 : memref<8414xi32, #tpu.memory_space<vmem>>)
        tpu.yield
      }) : () -> ()
    } else {
    }
    %lt3A = arith.constant 31 : i32
    %lt3A_203 = arith.cmpi slt, %add3A, %lt3A : i32
    %convert_element_type3A_204 = arith.extui %lt3A_203 : i1 to i32
    %cond3A_205 = arith.constant 0 : i32
    %cond3A_206 = arith.cmpi ne, %convert_element_type3A_204, %cond3A_205 : i32
    scf.if %cond3A_206 {
      %mul3A_366 = arith.constant 7 : i32
      %mul3A_367 = arith.muli %mul3A_366, %add3A_200 : i32
      "tpu.region"() ({
        %run_scoped3A = tpu.sem_alloc : memref<!tpu.dma_semaphore, #tpu.memory_space<semaphore_mem>>
        %dma_start3A_368 = tpu.memref_slice %arg3[%mul3A_367] : memref<1146894xi32, #tpu.memory_space<hbm>> -> memref<11984xi32, #tpu.memory_space<hbm>>
        %dma_start3A_369 = tpu.memref_slice %arg3[%mul3A_367] : memref<1146894xi32, #tpu.memory_space<hbm>> -> memref<11984xi32, #tpu.memory_space<hbm>>
        tpu.enqueue_dma source(%dma_start3A_369 : memref<11984xi32, #tpu.memory_space<hbm>>) target(%arg5 : memref<11984xi32, #tpu.memory_space<vmem>>) target_semaphore(%run_scoped3A : memref<!tpu.dma_semaphore, #tpu.memory_space<semaphore_mem>>)
        %dma_wait3A_370 = tpu.memref_slice %arg3[%mul3A_367] : memref<1146894xi32, #tpu.memory_space<hbm>> -> memref<11984xi32, #tpu.memory_space<hbm>>
        %dma_wait3A_371 = tpu.memref_slice %arg3[%mul3A_367] : memref<1146894xi32, #tpu.memory_space<hbm>> -> memref<11984xi32, #tpu.memory_space<hbm>>
        tpu.wait_dma2 semaphore(%run_scoped3A : memref<!tpu.dma_semaphore, #tpu.memory_space<semaphore_mem>>) src(%dma_wait3A_371 : memref<11984xi32, #tpu.memory_space<hbm>>) dst(%arg5 : memref<11984xi32, #tpu.memory_space<vmem>>)
        tpu.yield
      }) : () -> ()
    } else {
    }
    %scan3A_207 = arith.constant 0 : i32
    %scan3A_208 = arith.constant 0 : i32
    %scan3A_209 = arith.constant 107 : i32
    %scan3A_210 = arith.addi %scan3A_208, %scan3A_209 : i32
    %scan3A_211 = arith.constant 1 : i32
    %scan3A_212 = scf.for %scan3A_366 = %scan3A_208 to %scan3A_210 step %scan3A_211 iter_args(%scan3A_367 = %scan3A_207) -> (i32)  : i32 {
      %mul3A_368 = arith.constant 112 : i32
      %mul3A_369 = arith.muli %scan3A_366, %mul3A_368 : i32
      %add3A_370 = arith.constant 0 : i32
      %add3A_371 = arith.addi %mul3A_369, %add3A_370 : i32
      %add3A_372 = vector.broadcast %add3A_371 : i32 to vector<16xi32>
      %add3A_373 = arith.addi %add3A_372, %mul3A_3 : vector<16xi32>
      %gather3A = tpu.vector_load_idx %arg5[%add3A_373] : memref<11984xi32, #tpu.memory_space<vmem>>[vector<16xi32>], vector<16xi32>,
      %add3A_374 = arith.constant 0 : i32
      %add3A_375 = vector.broadcast %add3A_374 : i32 to vector<16xi32>
      %add3A_376 = arith.addi %gather3A, %add3A_375 : vector<16xi32>
      %mul3A_377 = arith.constant 16 : i32
      %mul3A_378 = arith.muli %scan3A_366, %mul3A_377 : i32
      %swap3A = arith.constant 0 : i32
      %swap3A_379 = arith.index_cast %swap3A : i32 to index
      %swap3A_380 = arith.index_cast %mul3A_378 : i32 to index
      %swap3A_381 = tpu.vector_load %arg7[%swap3A_379, %swap3A_380] {strides = array<i32>} : memref<7x1712xi32, #tpu.memory_space<vmem>>, vector<16xi32>,
      tpu.vector_store %arg7[%swap3A_379, %swap3A_380], %add3A_376 {strides = array<i32>} : memref<7x1712xi32, #tpu.memory_space<vmem>>, vector<16xi32>,
      %mul3A_382 = arith.constant 112 : i32
      %mul3A_383 = arith.muli %scan3A_366, %mul3A_382 : i32
      %add3A_384 = arith.constant 1 : i32
      %add3A_385 = arith.addi %mul3A_383, %add3A_384 : i32
      %add3A_386 = vector.broadcast %add3A_385 : i32 to vector<16xi32>
      %add3A_387 = arith.addi %add3A_386, %mul3A_3 : vector<16xi32>
      %gather3A_388 = tpu.vector_load_idx %arg5[%add3A_387] : memref<11984xi32, #tpu.memory_space<vmem>>[vector<16xi32>], vector<16xi32>,
      %add3A_389 = arith.constant 164352 : i32
      %add3A_390 = vector.broadcast %add3A_389 : i32 to vector<16xi32>
      %add3A_391 = arith.addi %gather3A_388, %add3A_390 : vector<16xi32>
      %mul3A_392 = arith.constant 16 : i32
      %mul3A_393 = arith.muli %scan3A_366, %mul3A_392 : i32
      %swap3A_394 = arith.constant 1 : i32
      %swap3A_395 = arith.index_cast %swap3A_394 : i32 to index
      %swap3A_396 = arith.index_cast %mul3A_393 : i32 to index
      %swap3A_397 = tpu.vector_load %arg7[%swap3A_395, %swap3A_396] {strides = array<i32>} : memref<7x1712xi32, #tpu.memory_space<vmem>>, vector<16xi32>,
      tpu.vector_store %arg7[%swap3A_395, %swap3A_396], %add3A_391 {strides = array<i32>} : memref<7x1712xi32, #tpu.memory_space<vmem>>, vector<16xi32>,
      %mul3A_398 = arith.constant 112 : i32
      %mul3A_399 = arith.muli %scan3A_366, %mul3A_398 : i32
      %add3A_400 = arith.constant 2 : i32
      %add3A_401 = arith.addi %mul3A_399, %add3A_400 : i32
      %add3A_402 = vector.broadcast %add3A_401 : i32 to vector<16xi32>
      %add3A_403 = arith.addi %add3A_402, %mul3A_3 : vector<16xi32>
      %gather3A_404 = tpu.vector_load_idx %arg5[%add3A_403] : memref<11984xi32, #tpu.memory_space<vmem>>[vector<16xi32>], vector<16xi32>,
      %add3A_405 = arith.constant 328704 : i32
      %add3A_406 = vector.broadcast %add3A_405 : i32 to vector<16xi32>
      %add3A_407 = arith.addi %gather3A_404, %add3A_406 : vector<16xi32>
      %mul3A_408 = arith.constant 16 : i32
      %mul3A_409 = arith.muli %scan3A_366, %mul3A_408 : i32
      %swap3A_410 = arith.constant 2 : i32
      %swap3A_411 = arith.index_cast %swap3A_410 : i32 to index
      %swap3A_412 = arith.index_cast %mul3A_409 : i32 to index
      %swap3A_413 = tpu.vector_load %arg7[%swap3A_411, %swap3A_412] {strides = array<i32>} : memref<7x1712xi32, #tpu.memory_space<vmem>>, vector<16xi32>,
      tpu.vector_store %arg7[%swap3A_411, %swap3A_412], %add3A_407 {strides = array<i32>} : memref<7x1712xi32, #tpu.memory_space<vmem>>, vector<16xi32>,
      %mul3A_414 = arith.constant 112 : i32
      %mul3A_415 = arith.muli %scan3A_366, %mul3A_414 : i32
      %add3A_416 = arith.constant 3 : i32
      %add3A_417 = arith.addi %mul3A_415, %add3A_416 : i32
      %add3A_418 = vector.broadcast %add3A_417 : i32 to vector<16xi32>
      %add3A_419 = arith.addi %add3A_418, %mul3A_3 : vector<16xi32>
      %gather3A_420 = tpu.vector_load_idx %arg5[%add3A_419] : memref<11984xi32, #tpu.memory_space<vmem>>[vector<16xi32>], vector<16xi32>,
      %add3A_421 = arith.constant 493056 : i32
      %add3A_422 = vector.broadcast %add3A_421 : i32 to vector<16xi32>
      %add3A_423 = arith.addi %gather3A_420, %add3A_422 : vector<16xi32>
      %mul3A_424 = arith.constant 16 : i32
      %mul3A_425 = arith.muli %scan3A_366, %mul3A_424 : i32
      %swap3A_426 = arith.constant 3 : i32
      %swap3A_427 = arith.index_cast %swap3A_426 : i32 to index
      %swap3A_428 = arith.index_cast %mul3A_425 : i32 to index
      %swap3A_429 = tpu.vector_load %arg7[%swap3A_427, %swap3A_428] {strides = array<i32>} : memref<7x1712xi32, #tpu.memory_space<vmem>>, vector<16xi32>,
      tpu.vector_store %arg7[%swap3A_427, %swap3A_428], %add3A_423 {strides = array<i32>} : memref<7x1712xi32, #tpu.memory_space<vmem>>, vector<16xi32>,
      %mul3A_430 = arith.constant 112 : i32
      %mul3A_431 = arith.muli %scan3A_366, %mul3A_430 : i32
      %add3A_432 = arith.constant 4 : i32
      %add3A_433 = arith.addi %mul3A_431, %add3A_432 : i32
      %add3A_434 = vector.broadcast %add3A_433 : i32 to vector<16xi32>
      %add3A_435 = arith.addi %add3A_434, %mul3A_3 : vector<16xi32>
      %gather3A_436 = tpu.vector_load_idx %arg5[%add3A_435] : memref<11984xi32, #tpu.memory_space<vmem>>[vector<16xi32>], vector<16xi32>,
      %add3A_437 = arith.constant 657408 : i32
      %add3A_438 = vector.broadcast %add3A_437 : i32 to vector<16xi32>
      %add3A_439 = arith.addi %gather3A_436, %add3A_438 : vector<16xi32>
      %mul3A_440 = arith.constant 16 : i32
      %mul3A_441 = arith.muli %scan3A_366, %mul3A_440 : i32
      %swap3A_442 = arith.constant 4 : i32
      %swap3A_443 = arith.index_cast %swap3A_442 : i32 to index
      %swap3A_444 = arith.index_cast %mul3A_441 : i32 to index
      %swap3A_445 = tpu.vector_load %arg7[%swap3A_443, %swap3A_444] {strides = array<i32>} : memref<7x1712xi32, #tpu.memory_space<vmem>>, vector<16xi32>,
      tpu.vector_store %arg7[%swap3A_443, %swap3A_444], %add3A_439 {strides = array<i32>} : memref<7x1712xi32, #tpu.memory_space<vmem>>, vector<16xi32>,
      %mul3A_446 = arith.constant 112 : i32
      %mul3A_447 = arith.muli %scan3A_366, %mul3A_446 : i32
      %add3A_448 = arith.constant 5 : i32
      %add3A_449 = arith.addi %mul3A_447, %add3A_448 : i32
      %add3A_450 = vector.broadcast %add3A_449 : i32 to vector<16xi32>
      %add3A_451 = arith.addi %add3A_450, %mul3A_3 : vector<16xi32>
      %gather3A_452 = tpu.vector_load_idx %arg5[%add3A_451] : memref<11984xi32, #tpu.memory_space<vmem>>[vector<16xi32>], vector<16xi32>,
      %add3A_453 = arith.constant 821760 : i32
      %add3A_454 = vector.broadcast %add3A_453 : i32 to vector<16xi32>
      %add3A_455 = arith.addi %gather3A_452, %add3A_454 : vector<16xi32>
      %mul3A_456 = arith.constant 16 : i32
      %mul3A_457 = arith.muli %scan3A_366, %mul3A_456 : i32
      %swap3A_458 = arith.constant 5 : i32
      %swap3A_459 = arith.index_cast %swap3A_458 : i32 to index
      %swap3A_460 = arith.index_cast %mul3A_457 : i32 to index
      %swap3A_461 = tpu.vector_load %arg7[%swap3A_459, %swap3A_460] {strides = array<i32>} : memref<7x1712xi32, #tpu.memory_space<vmem>>, vector<16xi32>,
      tpu.vector_store %arg7[%swap3A_459, %swap3A_460], %add3A_455 {strides = array<i32>} : memref<7x1712xi32, #tpu.memory_space<vmem>>, vector<16xi32>,
      %mul3A_462 = arith.constant 112 : i32
      %mul3A_463 = arith.muli %scan3A_366, %mul3A_462 : i32
      %add3A_464 = arith.constant 6 : i32
      %add3A_465 = arith.addi %mul3A_463, %add3A_464 : i32
      %add3A_466 = vector.broadcast %add3A_465 : i32 to vector<16xi32>
      %add3A_467 = arith.addi %add3A_466, %mul3A_3 : vector<16xi32>
      %gather3A_468 = tpu.vector_load_idx %arg5[%add3A_467] : memref<11984xi32, #tpu.memory_space<vmem>>[vector<16xi32>], vector<16xi32>,
      %add3A_469 = arith.constant 986112 : i32
      %add3A_470 = vector.broadcast %add3A_469 : i32 to vector<16xi32>
      %add3A_471 = arith.addi %gather3A_468, %add3A_470 : vector<16xi32>
      %mul3A_472 = arith.constant 16 : i32
      %mul3A_473 = arith.muli %scan3A_366, %mul3A_472 : i32
      %swap3A_474 = arith.constant 6 : i32
      %swap3A_475 = arith.index_cast %swap3A_474 : i32 to index
      %swap3A_476 = arith.index_cast %mul3A_473 : i32 to index
      %swap3A_477 = tpu.vector_load %arg7[%swap3A_475, %swap3A_476] {strides = array<i32>} : memref<7x1712xi32, #tpu.memory_space<vmem>>, vector<16xi32>,
      tpu.vector_store %arg7[%swap3A_475, %swap3A_476], %add3A_471 {strides = array<i32>} : memref<7x1712xi32, #tpu.memory_space<vmem>>, vector<16xi32>,
      %scan3A_478 = arith.constant 0 : i32
      scf.yield %scan3A_478 : i32
    }
    %scan3A_213 = arith.constant 107 : i32
    %dma_wait3A_214 = arith.constant 1 : i32
    %dma_wait3A_215 = arith.constant 0 : i32
    %dma_wait3A_216 = tpu.memref_slice %arg8[%dma_wait3A_214, %dma_wait3A_215] : memref<7x1712xi32, #tpu.memory_space<vmem>> -> memref<1x1712xi32, #tpu.memory_space<vmem>>
    %dma_wait3A_217 = tpu.memref_squeeze %dma_wait3A_216 : memref<1x1712xi32, #tpu.memory_space<vmem>> -> memref<1712xi32, #tpu.memory_space<vmem>>
    %dma_wait3A_218 = arith.constant 0 : i32
    %dma_wait3A_219 = arith.constant 0 : i32
    %dma_wait3A_220 = tpu.memref_slice %arg2[%dma_wait3A_218, %dma_wait3A_219] : memref<1150464x32xf32, #tpu.memory_space<hbm>> -> memref<1150464x32xf32, #tpu.memory_space<hbm>>
    tpu.wait_indirect_dma semaphore(%arg10 : memref<!tpu.dma_semaphore, #tpu.memory_space<semaphore_mem>>) src(%dma_wait3A_220 : memref<1150464x32xf32, #tpu.memory_space<hbm>>) dst(%arg9 : memref<1712x32xf32, #tpu.memory_space<vmem>>)
    %dma_wait3A_221 = arith.constant 2 : i32
    %dma_wait3A_222 = arith.constant 0 : i32
    %dma_wait3A_223 = tpu.memref_slice %arg8[%dma_wait3A_221, %dma_wait3A_222] : memref<7x1712xi32, #tpu.memory_space<vmem>> -> memref<1x1712xi32, #tpu.memory_space<vmem>>
    %dma_wait3A_224 = tpu.memref_squeeze %dma_wait3A_223 : memref<1x1712xi32, #tpu.memory_space<vmem>> -> memref<1712xi32, #tpu.memory_space<vmem>>
    %dma_wait3A_225 = arith.constant 0 : i32
    %dma_wait3A_226 = arith.constant 0 : i32
    %dma_wait3A_227 = tpu.memref_slice %arg2[%dma_wait3A_225, %dma_wait3A_226] : memref<1150464x32xf32, #tpu.memory_space<hbm>> -> memref<1150464x32xf32, #tpu.memory_space<hbm>>
    tpu.wait_indirect_dma semaphore(%arg10 : memref<!tpu.dma_semaphore, #tpu.memory_space<semaphore_mem>>) src(%dma_wait3A_227 : memref<1150464x32xf32, #tpu.memory_space<hbm>>) dst(%arg9 : memref<1712x32xf32, #tpu.memory_space<vmem>>)
    %dma_wait3A_228 = arith.constant 3 : i32
    %dma_wait3A_229 = arith.constant 0 : i32
    %dma_wait3A_230 = tpu.memref_slice %arg8[%dma_wait3A_228, %dma_wait3A_229] : memref<7x1712xi32, #tpu.memory_space<vmem>> -> memref<1x1712xi32, #tpu.memory_space<vmem>>
    %dma_wait3A_231 = tpu.memref_squeeze %dma_wait3A_230 : memref<1x1712xi32, #tpu.memory_space<vmem>> -> memref<1712xi32, #tpu.memory_space<vmem>>
    %dma_wait3A_232 = arith.constant 0 : i32
    %dma_wait3A_233 = arith.constant 0 : i32
    %dma_wait3A_234 = tpu.memref_slice %arg2[%dma_wait3A_232, %dma_wait3A_233] : memref<1150464x32xf32, #tpu.memory_space<hbm>> -> memref<1150464x32xf32, #tpu.memory_space<hbm>>
    tpu.wait_indirect_dma semaphore(%arg10 : memref<!tpu.dma_semaphore, #tpu.memory_space<semaphore_mem>>) src(%dma_wait3A_234 : memref<1150464x32xf32, #tpu.memory_space<hbm>>) dst(%arg9 : memref<1712x32xf32, #tpu.memory_space<vmem>>)
    %dma_wait3A_235 = arith.constant 4 : i32
    %dma_wait3A_236 = arith.constant 0 : i32
    %dma_wait3A_237 = tpu.memref_slice %arg8[%dma_wait3A_235, %dma_wait3A_236] : memref<7x1712xi32, #tpu.memory_space<vmem>> -> memref<1x1712xi32, #tpu.memory_space<vmem>>
    %dma_wait3A_238 = tpu.memref_squeeze %dma_wait3A_237 : memref<1x1712xi32, #tpu.memory_space<vmem>> -> memref<1712xi32, #tpu.memory_space<vmem>>
    %dma_wait3A_239 = arith.constant 0 : i32
    %dma_wait3A_240 = arith.constant 0 : i32
    %dma_wait3A_241 = tpu.memref_slice %arg2[%dma_wait3A_239, %dma_wait3A_240] : memref<1150464x32xf32, #tpu.memory_space<hbm>> -> memref<1150464x32xf32, #tpu.memory_space<hbm>>
    tpu.wait_indirect_dma semaphore(%arg10 : memref<!tpu.dma_semaphore, #tpu.memory_space<semaphore_mem>>) src(%dma_wait3A_241 : memref<1150464x32xf32, #tpu.memory_space<hbm>>) dst(%arg9 : memref<1712x32xf32, #tpu.memory_space<vmem>>)
    %dma_wait3A_242 = arith.constant 5 : i32
    %dma_wait3A_243 = arith.constant 0 : i32
    %dma_wait3A_244 = tpu.memref_slice %arg8[%dma_wait3A_242, %dma_wait3A_243] : memref<7x1712xi32, #tpu.memory_space<vmem>> -> memref<1x1712xi32, #tpu.memory_space<vmem>>
    %dma_wait3A_245 = tpu.memref_squeeze %dma_wait3A_244 : memref<1x1712xi32, #tpu.memory_space<vmem>> -> memref<1712xi32, #tpu.memory_space<vmem>>
    %dma_wait3A_246 = arith.constant 0 : i32
    %dma_wait3A_247 = arith.constant 0 : i32
    %dma_wait3A_248 = tpu.memref_slice %arg2[%dma_wait3A_246, %dma_wait3A_247] : memref<1150464x32xf32, #tpu.memory_space<hbm>> -> memref<1150464x32xf32, #tpu.memory_space<hbm>>
    tpu.wait_indirect_dma semaphore(%arg10 : memref<!tpu.dma_semaphore, #tpu.memory_space<semaphore_mem>>) src(%dma_wait3A_248 : memref<1150464x32xf32, #tpu.memory_space<hbm>>) dst(%arg9 : memref<1712x32xf32, #tpu.memory_space<vmem>>)
    %dma_wait3A_249 = arith.constant 6 : i32
    %dma_wait3A_250 = arith.constant 0 : i32
    %dma_wait3A_251 = tpu.memref_slice %arg8[%dma_wait3A_249, %dma_wait3A_250] : memref<7x1712xi32, #tpu.memory_space<vmem>> -> memref<1x1712xi32, #tpu.memory_space<vmem>>
    %dma_wait3A_252 = tpu.memref_squeeze %dma_wait3A_251 : memref<1x1712xi32, #tpu.memory_space<vmem>> -> memref<1712xi32, #tpu.memory_space<vmem>>
    %dma_wait3A_253 = arith.constant 0 : i32
    %dma_wait3A_254 = arith.constant 0 : i32
    %dma_wait3A_255 = tpu.memref_slice %arg2[%dma_wait3A_253, %dma_wait3A_254] : memref<1150464x32xf32, #tpu.memory_space<hbm>> -> memref<1150464x32xf32, #tpu.memory_space<hbm>>
    tpu.wait_indirect_dma semaphore(%arg10 : memref<!tpu.dma_semaphore, #tpu.memory_space<semaphore_mem>>) src(%dma_wait3A_255 : memref<1150464x32xf32, #tpu.memory_space<hbm>>) dst(%arg9 : memref<1712x32xf32, #tpu.memory_space<vmem>>)
    %dma_start3A_256 = arith.constant 0 : i32
    %dma_start3A_257 = tpu.memref_slice %arg4[%add3A_136, %dma_start3A_256] : memref<164352x32xf32, #tpu.memory_space<hbm>> -> memref<1712x32xf32, #tpu.memory_space<hbm>>
    %dma_start3A_258 = arith.constant 0 : i32
    %dma_start3A_259 = tpu.memref_slice %arg4[%add3A_136, %dma_start3A_258] : memref<164352x32xf32, #tpu.memory_space<hbm>> -> memref<1712x32xf32, #tpu.memory_space<hbm>>
    tpu.enqueue_dma source(%arg9 : memref<1712x32xf32, #tpu.memory_space<vmem>>) target(%dma_start3A_259 : memref<1712x32xf32, #tpu.memory_space<hbm>>) target_semaphore(%arg11 : memref<!tpu.dma_semaphore, #tpu.memory_space<semaphore_mem>>)
    %mul3A_260 = arith.constant 5136 : i32
    %mul3A_261 = arith.muli %add3A, %mul3A_260 : i32
    %add3A_262 = arith.constant 3424 : i32
    %add3A_263 = arith.addi %mul3A_261, %add3A_262 : i32
    %dma_wait3A_264 = arith.constant 0 : i32
    %dma_wait3A_265 = tpu.memref_slice %arg4[%add3A_136, %dma_wait3A_264] : memref<164352x32xf32, #tpu.memory_space<hbm>> -> memref<1712x32xf32, #tpu.memory_space<hbm>>
    %dma_wait3A_266 = arith.constant 0 : i32
    %dma_wait3A_267 = tpu.memref_slice %arg4[%add3A_136, %dma_wait3A_266] : memref<164352x32xf32, #tpu.memory_space<hbm>> -> memref<1712x32xf32, #tpu.memory_space<hbm>>
    tpu.wait_dma2 semaphore(%arg11 : memref<!tpu.dma_semaphore, #tpu.memory_space<semaphore_mem>>) src(%arg9 : memref<1712x32xf32, #tpu.memory_space<vmem>>) dst(%dma_wait3A_267 : memref<1712x32xf32, #tpu.memory_space<hbm>>)
    %dma_start3A_268 = arith.constant 0 : i32
    %dma_start3A_269 = arith.constant 0 : i32
    %dma_start3A_270 = tpu.memref_slice %arg7[%dma_start3A_268, %dma_start3A_269] : memref<7x1712xi32, #tpu.memory_space<vmem>> -> memref<1x1712xi32, #tpu.memory_space<vmem>>
    %dma_start3A_271 = tpu.memref_squeeze %dma_start3A_270 : memref<1x1712xi32, #tpu.memory_space<vmem>> -> memref<1712xi32, #tpu.memory_space<vmem>>
    %dma_start3A_272 = arith.constant 0 : i32
    %dma_start3A_273 = arith.constant 0 : i32
    %dma_start3A_274 = tpu.memref_slice %arg2[%dma_start3A_272, %dma_start3A_273] : memref<1150464x32xf32, #tpu.memory_space<hbm>> -> memref<1150464x32xf32, #tpu.memory_space<hbm>>
    tpu.enqueue_indirect_dma source(%dma_start3A_274 : memref<1150464x32xf32, #tpu.memory_space<hbm>>) target(%arg9 : memref<1712x32xf32, #tpu.memory_space<vmem>>) offsets(%dma_start3A_271 : memref<1712xi32, #tpu.memory_space<vmem>>) semaphore(%arg10 : memref<!tpu.dma_semaphore, #tpu.memory_space<semaphore_mem>>)
    %dma_wait3A_275 = arith.constant 0 : i32
    %dma_wait3A_276 = arith.constant 0 : i32
    %dma_wait3A_277 = tpu.memref_slice %arg7[%dma_wait3A_275, %dma_wait3A_276] : memref<7x1712xi32, #tpu.memory_space<vmem>> -> memref<1x1712xi32, #tpu.memory_space<vmem>>
    %dma_wait3A_278 = tpu.memref_squeeze %dma_wait3A_277 : memref<1x1712xi32, #tpu.memory_space<vmem>> -> memref<1712xi32, #tpu.memory_space<vmem>>
    %dma_wait3A_279 = arith.constant 0 : i32
    %dma_wait3A_280 = arith.constant 0 : i32
    %dma_wait3A_281 = tpu.memref_slice %arg2[%dma_wait3A_279, %dma_wait3A_280] : memref<1150464x32xf32, #tpu.memory_space<hbm>> -> memref<1150464x32xf32, #tpu.memory_space<hbm>>
    tpu.wait_indirect_dma semaphore(%arg10 : memref<!tpu.dma_semaphore, #tpu.memory_space<semaphore_mem>>) src(%dma_wait3A_281 : memref<1150464x32xf32, #tpu.memory_space<hbm>>) dst(%arg9 : memref<1712x32xf32, #tpu.memory_space<vmem>>)
    %dma_start3A_282 = arith.constant 1 : i32
    %dma_start3A_283 = arith.constant 0 : i32
    %dma_start3A_284 = tpu.memref_slice %arg7[%dma_start3A_282, %dma_start3A_283] : memref<7x1712xi32, #tpu.memory_space<vmem>> -> memref<1x1712xi32, #tpu.memory_space<vmem>>
    %dma_start3A_285 = tpu.memref_squeeze %dma_start3A_284 : memref<1x1712xi32, #tpu.memory_space<vmem>> -> memref<1712xi32, #tpu.memory_space<vmem>>
    %dma_start3A_286 = arith.constant 0 : i32
    %dma_start3A_287 = arith.constant 0 : i32
    %dma_start3A_288 = tpu.memref_slice %arg2[%dma_start3A_286, %dma_start3A_287] : memref<1150464x32xf32, #tpu.memory_space<hbm>> -> memref<1150464x32xf32, #tpu.memory_space<hbm>>
    tpu.enqueue_indirect_dma source(%dma_start3A_288 : memref<1150464x32xf32, #tpu.memory_space<hbm>>) target(%arg9 : memref<1712x32xf32, #tpu.memory_space<vmem>>) offsets(%dma_start3A_285 : memref<1712xi32, #tpu.memory_space<vmem>>) semaphore(%arg10 : memref<!tpu.dma_semaphore, #tpu.memory_space<semaphore_mem>>) {add = true}
    %dma_start3A_289 = arith.constant 2 : i32
    %dma_start3A_290 = arith.constant 0 : i32
    %dma_start3A_291 = tpu.memref_slice %arg7[%dma_start3A_289, %dma_start3A_290] : memref<7x1712xi32, #tpu.memory_space<vmem>> -> memref<1x1712xi32, #tpu.memory_space<vmem>>
    %dma_start3A_292 = tpu.memref_squeeze %dma_start3A_291 : memref<1x1712xi32, #tpu.memory_space<vmem>> -> memref<1712xi32, #tpu.memory_space<vmem>>
    %dma_start3A_293 = arith.constant 0 : i32
    %dma_start3A_294 = arith.constant 0 : i32
    %dma_start3A_295 = tpu.memref_slice %arg2[%dma_start3A_293, %dma_start3A_294] : memref<1150464x32xf32, #tpu.memory_space<hbm>> -> memref<1150464x32xf32, #tpu.memory_space<hbm>>
    tpu.enqueue_indirect_dma source(%dma_start3A_295 : memref<1150464x32xf32, #tpu.memory_space<hbm>>) target(%arg9 : memref<1712x32xf32, #tpu.memory_space<vmem>>) offsets(%dma_start3A_292 : memref<1712xi32, #tpu.memory_space<vmem>>) semaphore(%arg10 : memref<!tpu.dma_semaphore, #tpu.memory_space<semaphore_mem>>) {add = true}
    %dma_start3A_296 = arith.constant 3 : i32
    %dma_start3A_297 = arith.constant 0 : i32
    %dma_start3A_298 = tpu.memref_slice %arg7[%dma_start3A_296, %dma_start3A_297] : memref<7x1712xi32, #tpu.memory_space<vmem>> -> memref<1x1712xi32, #tpu.memory_space<vmem>>
    %dma_start3A_299 = tpu.memref_squeeze %dma_start3A_298 : memref<1x1712xi32, #tpu.memory_space<vmem>> -> memref<1712xi32, #tpu.memory_space<vmem>>
    %dma_start3A_300 = arith.constant 0 : i32
    %dma_start3A_301 = arith.constant 0 : i32
    %dma_start3A_302 = tpu.memref_slice %arg2[%dma_start3A_300, %dma_start3A_301] : memref<1150464x32xf32, #tpu.memory_space<hbm>> -> memref<1150464x32xf32, #tpu.memory_space<hbm>>
    tpu.enqueue_indirect_dma source(%dma_start3A_302 : memref<1150464x32xf32, #tpu.memory_space<hbm>>) target(%arg9 : memref<1712x32xf32, #tpu.memory_space<vmem>>) offsets(%dma_start3A_299 : memref<1712xi32, #tpu.memory_space<vmem>>) semaphore(%arg10 : memref<!tpu.dma_semaphore, #tpu.memory_space<semaphore_mem>>) {add = true}
    %dma_start3A_303 = arith.constant 4 : i32
    %dma_start3A_304 = arith.constant 0 : i32
    %dma_start3A_305 = tpu.memref_slice %arg7[%dma_start3A_303, %dma_start3A_304] : memref<7x1712xi32, #tpu.memory_space<vmem>> -> memref<1x1712xi32, #tpu.memory_space<vmem>>
    %dma_start3A_306 = tpu.memref_squeeze %dma_start3A_305 : memref<1x1712xi32, #tpu.memory_space<vmem>> -> memref<1712xi32, #tpu.memory_space<vmem>>
    %dma_start3A_307 = arith.constant 0 : i32
    %dma_start3A_308 = arith.constant 0 : i32
    %dma_start3A_309 = tpu.memref_slice %arg2[%dma_start3A_307, %dma_start3A_308] : memref<1150464x32xf32, #tpu.memory_space<hbm>> -> memref<1150464x32xf32, #tpu.memory_space<hbm>>
    tpu.enqueue_indirect_dma source(%dma_start3A_309 : memref<1150464x32xf32, #tpu.memory_space<hbm>>) target(%arg9 : memref<1712x32xf32, #tpu.memory_space<vmem>>) offsets(%dma_start3A_306 : memref<1712xi32, #tpu.memory_space<vmem>>) semaphore(%arg10 : memref<!tpu.dma_semaphore, #tpu.memory_space<semaphore_mem>>) {add = true}
    %dma_start3A_310 = arith.constant 5 : i32
    %dma_start3A_311 = arith.constant 0 : i32
    %dma_start3A_312 = tpu.memref_slice %arg7[%dma_start3A_310, %dma_start3A_311] : memref<7x1712xi32, #tpu.memory_space<vmem>> -> memref<1x1712xi32, #tpu.memory_space<vmem>>
    %dma_start3A_313 = tpu.memref_squeeze %dma_start3A_312 : memref<1x1712xi32, #tpu.memory_space<vmem>> -> memref<1712xi32, #tpu.memory_space<vmem>>
    %dma_start3A_314 = arith.constant 0 : i32
    %dma_start3A_315 = arith.constant 0 : i32
    %dma_start3A_316 = tpu.memref_slice %arg2[%dma_start3A_314, %dma_start3A_315] : memref<1150464x32xf32, #tpu.memory_space<hbm>> -> memref<1150464x32xf32, #tpu.memory_space<hbm>>
    tpu.enqueue_indirect_dma source(%dma_start3A_316 : memref<1150464x32xf32, #tpu.memory_space<hbm>>) target(%arg9 : memref<1712x32xf32, #tpu.memory_space<vmem>>) offsets(%dma_start3A_313 : memref<1712xi32, #tpu.memory_space<vmem>>) semaphore(%arg10 : memref<!tpu.dma_semaphore, #tpu.memory_space<semaphore_mem>>) {add = true}
    %dma_start3A_317 = arith.constant 6 : i32
    %dma_start3A_318 = arith.constant 0 : i32
    %dma_start3A_319 = tpu.memref_slice %arg7[%dma_start3A_317, %dma_start3A_318] : memref<7x1712xi32, #tpu.memory_space<vmem>> -> memref<1x1712xi32, #tpu.memory_space<vmem>>
    %dma_start3A_320 = tpu.memref_squeeze %dma_start3A_319 : memref<1x1712xi32, #tpu.memory_space<vmem>> -> memref<1712xi32, #tpu.memory_space<vmem>>
    %dma_start3A_321 = arith.constant 0 : i32
    %dma_start3A_322 = arith.constant 0 : i32
    %dma_start3A_323 = tpu.memref_slice %arg2[%dma_start3A_321, %dma_start3A_322] : memref<1150464x32xf32, #tpu.memory_space<hbm>> -> memref<1150464x32xf32, #tpu.memory_space<hbm>>
    tpu.enqueue_indirect_dma source(%dma_start3A_323 : memref<1150464x32xf32, #tpu.memory_space<hbm>>) target(%arg9 : memref<1712x32xf32, #tpu.memory_space<vmem>>) offsets(%dma_start3A_320 : memref<1712xi32, #tpu.memory_space<vmem>>) semaphore(%arg10 : memref<!tpu.dma_semaphore, #tpu.memory_space<semaphore_mem>>) {add = true}
    %dma_wait3A_324 = arith.constant 1 : i32
    %dma_wait3A_325 = arith.constant 0 : i32
    %dma_wait3A_326 = tpu.memref_slice %arg7[%dma_wait3A_324, %dma_wait3A_325] : memref<7x1712xi32, #tpu.memory_space<vmem>> -> memref<1x1712xi32, #tpu.memory_space<vmem>>
    %dma_wait3A_327 = tpu.memref_squeeze %dma_wait3A_326 : memref<1x1712xi32, #tpu.memory_space<vmem>> -> memref<1712xi32, #tpu.memory_space<vmem>>
    %dma_wait3A_328 = arith.constant 0 : i32
    %dma_wait3A_329 = arith.constant 0 : i32
    %dma_wait3A_330 = tpu.memref_slice %arg2[%dma_wait3A_328, %dma_wait3A_329] : memref<1150464x32xf32, #tpu.memory_space<hbm>> -> memref<1150464x32xf32, #tpu.memory_space<hbm>>
    tpu.wait_indirect_dma semaphore(%arg10 : memref<!tpu.dma_semaphore, #tpu.memory_space<semaphore_mem>>) src(%dma_wait3A_330 : memref<1150464x32xf32, #tpu.memory_space<hbm>>) dst(%arg9 : memref<1712x32xf32, #tpu.memory_space<vmem>>)
    %dma_wait3A_331 = arith.constant 2 : i32
    %dma_wait3A_332 = arith.constant 0 : i32
    %dma_wait3A_333 = tpu.memref_slice %arg7[%dma_wait3A_331, %dma_wait3A_332] : memref<7x1712xi32, #tpu.memory_space<vmem>> -> memref<1x1712xi32, #tpu.memory_space<vmem>>
    %dma_wait3A_334 = tpu.memref_squeeze %dma_wait3A_333 : memref<1x1712xi32, #tpu.memory_space<vmem>> -> memref<1712xi32, #tpu.memory_space<vmem>>
    %dma_wait3A_335 = arith.constant 0 : i32
    %dma_wait3A_336 = arith.constant 0 : i32
    %dma_wait3A_337 = tpu.memref_slice %arg2[%dma_wait3A_335, %dma_wait3A_336] : memref<1150464x32xf32, #tpu.memory_space<hbm>> -> memref<1150464x32xf32, #tpu.memory_space<hbm>>
    tpu.wait_indirect_dma semaphore(%arg10 : memref<!tpu.dma_semaphore, #tpu.memory_space<semaphore_mem>>) src(%dma_wait3A_337 : memref<1150464x32xf32, #tpu.memory_space<hbm>>) dst(%arg9 : memref<1712x32xf32, #tpu.memory_space<vmem>>)
    %dma_wait3A_338 = arith.constant 3 : i32
    %dma_wait3A_339 = arith.constant 0 : i32
    %dma_wait3A_340 = tpu.memref_slice %arg7[%dma_wait3A_338, %dma_wait3A_339] : memref<7x1712xi32, #tpu.memory_space<vmem>> -> memref<1x1712xi32, #tpu.memory_space<vmem>>
    %dma_wait3A_341 = tpu.memref_squeeze %dma_wait3A_340 : memref<1x1712xi32, #tpu.memory_space<vmem>> -> memref<1712xi32, #tpu.memory_space<vmem>>
    %dma_wait3A_342 = arith.constant 0 : i32
    %dma_wait3A_343 = arith.constant 0 : i32
    %dma_wait3A_344 = tpu.memref_slice %arg2[%dma_wait3A_342, %dma_wait3A_343] : memref<1150464x32xf32, #tpu.memory_space<hbm>> -> memref<1150464x32xf32, #tpu.memory_space<hbm>>
    tpu.wait_indirect_dma semaphore(%arg10 : memref<!tpu.dma_semaphore, #tpu.memory_space<semaphore_mem>>) src(%dma_wait3A_344 : memref<1150464x32xf32, #tpu.memory_space<hbm>>) dst(%arg9 : memref<1712x32xf32, #tpu.memory_space<vmem>>)
    %dma_wait3A_345 = arith.constant 4 : i32
    %dma_wait3A_346 = arith.constant 0 : i32
    %dma_wait3A_347 = tpu.memref_slice %arg7[%dma_wait3A_345, %dma_wait3A_346] : memref<7x1712xi32, #tpu.memory_space<vmem>> -> memref<1x1712xi32, #tpu.memory_space<vmem>>
    %dma_wait3A_348 = tpu.memref_squeeze %dma_wait3A_347 : memref<1x1712xi32, #tpu.memory_space<vmem>> -> memref<1712xi32, #tpu.memory_space<vmem>>
    %dma_wait3A_349 = arith.constant 0 : i32
    %dma_wait3A_350 = arith.constant 0 : i32
    %dma_wait3A_351 = tpu.memref_slice %arg2[%dma_wait3A_349, %dma_wait3A_350] : memref<1150464x32xf32, #tpu.memory_space<hbm>> -> memref<1150464x32xf32, #tpu.memory_space<hbm>>
    tpu.wait_indirect_dma semaphore(%arg10 : memref<!tpu.dma_semaphore, #tpu.memory_space<semaphore_mem>>) src(%dma_wait3A_351 : memref<1150464x32xf32, #tpu.memory_space<hbm>>) dst(%arg9 : memref<1712x32xf32, #tpu.memory_space<vmem>>)
    %dma_wait3A_352 = arith.constant 5 : i32
    %dma_wait3A_353 = arith.constant 0 : i32
    %dma_wait3A_354 = tpu.memref_slice %arg7[%dma_wait3A_352, %dma_wait3A_353] : memref<7x1712xi32, #tpu.memory_space<vmem>> -> memref<1x1712xi32, #tpu.memory_space<vmem>>
    %dma_wait3A_355 = tpu.memref_squeeze %dma_wait3A_354 : memref<1x1712xi32, #tpu.memory_space<vmem>> -> memref<1712xi32, #tpu.memory_space<vmem>>
    %dma_wait3A_356 = arith.constant 0 : i32
    %dma_wait3A_357 = arith.constant 0 : i32
    %dma_wait3A_358 = tpu.memref_slice %arg2[%dma_wait3A_356, %dma_wait3A_357] : memref<1150464x32xf32, #tpu.memory_space<hbm>> -> memref<1150464x32xf32, #tpu.memory_space<hbm>>
    tpu.wait_indirect_dma semaphore(%arg10 : memref<!tpu.dma_semaphore, #tpu.memory_space<semaphore_mem>>) src(%dma_wait3A_358 : memref<1150464x32xf32, #tpu.memory_space<hbm>>) dst(%arg9 : memref<1712x32xf32, #tpu.memory_space<vmem>>)
    %dma_wait3A_359 = arith.constant 6 : i32
    %dma_wait3A_360 = arith.constant 0 : i32
    %dma_wait3A_361 = tpu.memref_slice %arg7[%dma_wait3A_359, %dma_wait3A_360] : memref<7x1712xi32, #tpu.memory_space<vmem>> -> memref<1x1712xi32, #tpu.memory_space<vmem>>
    %dma_wait3A_362 = tpu.memref_squeeze %dma_wait3A_361 : memref<1x1712xi32, #tpu.memory_space<vmem>> -> memref<1712xi32, #tpu.memory_space<vmem>>
    %dma_wait3A_363 = arith.constant 0 : i32
    %dma_wait3A_364 = arith.constant 0 : i32
    %dma_wait3A_365 = tpu.memref_slice %arg2[%dma_wait3A_363, %dma_wait3A_364] : memref<1150464x32xf32, #tpu.memory_space<hbm>> -> memref<1150464x32xf32, #tpu.memory_space<hbm>>
    tpu.wait_indirect_dma semaphore(%arg10 : memref<!tpu.dma_semaphore, #tpu.memory_space<semaphore_mem>>) src(%dma_wait3A_365 : memref<1150464x32xf32, #tpu.memory_space<hbm>>) dst(%arg9 : memref<1712x32xf32, #tpu.memory_space<vmem>>)
    "tpu.region"() ({
      %run_scoped3A = tpu.sem_alloc : memref<!tpu.dma_semaphore, #tpu.memory_space<semaphore_mem>>
      %dma_start3A_366 = arith.constant 0 : i32
      %dma_start3A_367 = tpu.memref_slice %arg4[%add3A_263, %dma_start3A_366] : memref<164352x32xf32, #tpu.memory_space<hbm>> -> memref<1712x32xf32, #tpu.memory_space<hbm>>
      %dma_start3A_368 = arith.constant 0 : i32
      %dma_start3A_369 = tpu.memref_slice %arg4[%add3A_263, %dma_start3A_368] : memref<164352x32xf32, #tpu.memory_space<hbm>> -> memref<1712x32xf32, #tpu.memory_space<hbm>>
      tpu.enqueue_dma source(%arg9 : memref<1712x32xf32, #tpu.memory_space<vmem>>) target(%dma_start3A_369 : memref<1712x32xf32, #tpu.memory_space<hbm>>) target_semaphore(%run_scoped3A : memref<!tpu.dma_semaphore, #tpu.memory_space<semaphore_mem>>)
      %dma_wait3A_370 = arith.constant 0 : i32
      %dma_wait3A_371 = tpu.memref_slice %arg4[%add3A_263, %dma_wait3A_370] : memref<164352x32xf32, #tpu.memory_space<hbm>> -> memref<1712x32xf32, #tpu.memory_space<hbm>>
      %dma_wait3A_372 = arith.constant 0 : i32
      %dma_wait3A_373 = tpu.memref_slice %arg4[%add3A_263, %dma_wait3A_372] : memref<164352x32xf32, #tpu.memory_space<hbm>> -> memref<1712x32xf32, #tpu.memory_space<hbm>>
      tpu.wait_dma2 semaphore(%run_scoped3A : memref<!tpu.dma_semaphore, #tpu.memory_space<semaphore_mem>>) src(%arg9 : memref<1712x32xf32, #tpu.memory_space<vmem>>) dst(%dma_wait3A_373 : memref<1712x32xf32, #tpu.memory_space<hbm>>)
      tpu.yield
    }) : () -> ()
    return
  }
}

#map = affine_map<(d0, d1) -> (0, 0)>
#map1 = affine_map<(d0, d1) -> (0)>
module attributes {stable_mosaic.version = 14 : i64} {
  func.func @gather7_remap(%arg0: i32, %arg1: i32, %arg2: memref<1150464x32xf32, #tpu.memory_space<hbm>>, %arg3: memref<1146894xi32, #tpu.memory_space<hbm>>, %arg4: memref<164352x32xf32, #tpu.memory_space<hbm>>, %arg5: memref<11984xi32, #tpu.memory_space<vmem>>, %arg6: memref<11984xi32, #tpu.memory_space<vmem>>, %arg7: memref<7x1712xi32, #tpu.memory_space<vmem>>, %arg8: memref<7x1712xi32, #tpu.memory_space<vmem>>, %arg9: memref<1712x32xf32, #tpu.memory_space<vmem>>, %arg10: memref<!tpu.dma_semaphore, #tpu.memory_space<semaphore_mem>>, %arg11: memref<!tpu.dma_semaphore, #tpu.memory_space<semaphore_mem>>) attributes {dimension_semantics = [#tpu.dimension_semantics<core_parallel>, #tpu.dimension_semantics<subcore_parallel>], iteration_bounds = array<i64: 2, 16>, scalar_prefetch = 0 : i64, scratch_operands = 7 : i64, tpu.core_type = #tpu.core_type<sc_vector_subcore>, window_params = [{transform_indices = #map}, {transform_indices = #map1}, {transform_indices = #map}]} {
    %mul3A = arith.constant 2 : i32
    %mul3A_0 = arith.muli %arg1, %mul3A : i32
    %add3A = arith.addi %mul3A_0, %arg0 : i32
    %iota3A = tpu.iota {dimensions = array<i32: 0>} : vector<16xi32>
    %mul3A_1 = arith.constant 7 : i32
    %mul3A_2 = vector.broadcast %mul3A_1 : i32 to vector<16xi32>
    %mul3A_3 = arith.muli %iota3A, %mul3A_2 : vector<16xi32>
    %mul3A_4 = arith.constant 5136 : i32
    %mul3A_5 = arith.muli %add3A, %mul3A_4 : i32
    %add3A_6 = arith.constant 0 : i32
    %add3A_7 = arith.addi %mul3A_5, %add3A_6 : i32
    %mul3A_8 = arith.constant 7 : i32
    %mul3A_9 = arith.muli %mul3A_8, %add3A_7 : i32
    "tpu.region"() ({
      %run_scoped3A = tpu.sem_alloc : memref<!tpu.dma_semaphore, #tpu.memory_space<semaphore_mem>>
      %dma_start3A_366 = tpu.memref_slice %arg3[%mul3A_9] : memref<1146894xi32, #tpu.memory_space<hbm>> -> memref<11984xi32, #tpu.memory_space<hbm>>
      %dma_start3A_367 = tpu.memref_slice %arg3[%mul3A_9] : memref<1146894xi32, #tpu.memory_space<hbm>> -> memref<11984xi32, #tpu.memory_space<hbm>>
      tpu.enqueue_dma source(%dma_start3A_367 : memref<11984xi32, #tpu.memory_space<hbm>>) target(%arg5 : memref<11984xi32, #tpu.memory_space<vmem>>) target_semaphore(%run_scoped3A : memref<!tpu.dma_semaphore, #tpu.memory_space<semaphore_mem>>)
      %dma_wait3A_368 = tpu.memref_slice %arg3[%mul3A_9] : memref<1146894xi32, #tpu.memory_space<hbm>> -> memref<11984xi32, #tpu.memory_space<hbm>>
      %dma_wait3A_369 = tpu.memref_slice %arg3[%mul3A_9] : memref<1146894xi32, #tpu.memory_space<hbm>> -> memref<11984xi32, #tpu.memory_space<hbm>>
      tpu.wait_dma2 semaphore(%run_scoped3A : memref<!tpu.dma_semaphore, #tpu.memory_space<semaphore_mem>>) src(%dma_wait3A_369 : memref<11984xi32, #tpu.memory_space<hbm>>) dst(%arg5 : memref<11984xi32, #tpu.memory_space<vmem>>)
      tpu.yield
    }) : () -> ()
    %scan3A = arith.constant 0 : i32
    %scan3A_10 = arith.constant 0 : i32
    %scan3A_11 = arith.constant 107 : i32
    %scan3A_12 = arith.addi %scan3A_10, %scan3A_11 : i32
    %scan3A_13 = arith.constant 1 : i32
    %scan3A_14 = scf.for %scan3A_366 = %scan3A_10 to %scan3A_12 step %scan3A_13 iter_args(%scan3A_367 = %scan3A) -> (i32)  : i32 {
      %mul3A_368 = arith.constant 112 : i32
      %mul3A_369 = arith.muli %scan3A_366, %mul3A_368 : i32
      %add3A_370 = arith.constant 0 : i32
      %add3A_371 = arith.addi %mul3A_369, %add3A_370 : i32
      %add3A_372 = vector.broadcast %add3A_371 : i32 to vector<16xi32>
      %add3A_373 = arith.addi %add3A_372, %mul3A_3 : vector<16xi32>
      %gather3A = tpu.vector_load_idx %arg5[%add3A_373] : memref<11984xi32, #tpu.memory_space<vmem>>[vector<16xi32>], vector<16xi32>,
      %lt3A_374 = arith.constant 40962 : i32
      %lt3A_375 = vector.broadcast %lt3A_374 : i32 to vector<16xi32>
      %lt3A_376 = arith.cmpi slt, %gather3A, %lt3A_375 : vector<16xi32>
      %add3A_377 = arith.constant 122880 : i32
      %add3A_378 = vector.broadcast %add3A_377 : i32 to vector<16xi32>
      %add3A_379 = arith.addi %gather3A, %add3A_378 : vector<16xi32>
      %sub3A = arith.constant 40962 : i32
      %sub3A_380 = vector.broadcast %sub3A : i32 to vector<16xi32>
      %sub3A_381 = arith.subi %gather3A, %sub3A_380 : vector<16xi32>
      %select_n3A = arith.select %lt3A_376, %add3A_379, %sub3A_381 : vector<16xi1>, vector<16xi32>
      %add3A_382 = arith.constant 0 : i32
      %add3A_383 = vector.broadcast %add3A_382 : i32 to vector<16xi32>
      %add3A_384 = arith.addi %select_n3A, %add3A_383 : vector<16xi32>
      %mul3A_385 = arith.constant 16 : i32
      %mul3A_386 = arith.muli %scan3A_366, %mul3A_385 : i32
      %swap3A = arith.constant 0 : i32
      %swap3A_387 = arith.index_cast %swap3A : i32 to index
      %swap3A_388 = arith.index_cast %mul3A_386 : i32 to index
      %swap3A_389 = tpu.vector_load %arg7[%swap3A_387, %swap3A_388] {strides = array<i32>} : memref<7x1712xi32, #tpu.memory_space<vmem>>, vector<16xi32>,
      tpu.vector_store %arg7[%swap3A_387, %swap3A_388], %add3A_384 {strides = array<i32>} : memref<7x1712xi32, #tpu.memory_space<vmem>>, vector<16xi32>,
      %mul3A_390 = arith.constant 112 : i32
      %mul3A_391 = arith.muli %scan3A_366, %mul3A_390 : i32
      %add3A_392 = arith.constant 1 : i32
      %add3A_393 = arith.addi %mul3A_391, %add3A_392 : i32
      %add3A_394 = vector.broadcast %add3A_393 : i32 to vector<16xi32>
      %add3A_395 = arith.addi %add3A_394, %mul3A_3 : vector<16xi32>
      %gather3A_396 = tpu.vector_load_idx %arg5[%add3A_395] : memref<11984xi32, #tpu.memory_space<vmem>>[vector<16xi32>], vector<16xi32>,
      %lt3A_397 = arith.constant 40962 : i32
      %lt3A_398 = vector.broadcast %lt3A_397 : i32 to vector<16xi32>
      %lt3A_399 = arith.cmpi slt, %gather3A_396, %lt3A_398 : vector<16xi32>
      %add3A_400 = arith.constant 122880 : i32
      %add3A_401 = vector.broadcast %add3A_400 : i32 to vector<16xi32>
      %add3A_402 = arith.addi %gather3A_396, %add3A_401 : vector<16xi32>
      %sub3A_403 = arith.constant 40962 : i32
      %sub3A_404 = vector.broadcast %sub3A_403 : i32 to vector<16xi32>
      %sub3A_405 = arith.subi %gather3A_396, %sub3A_404 : vector<16xi32>
      %select_n3A_406 = arith.select %lt3A_399, %add3A_402, %sub3A_405 : vector<16xi1>, vector<16xi32>
      %add3A_407 = arith.constant 164352 : i32
      %add3A_408 = vector.broadcast %add3A_407 : i32 to vector<16xi32>
      %add3A_409 = arith.addi %select_n3A_406, %add3A_408 : vector<16xi32>
      %mul3A_410 = arith.constant 16 : i32
      %mul3A_411 = arith.muli %scan3A_366, %mul3A_410 : i32
      %swap3A_412 = arith.constant 1 : i32
      %swap3A_413 = arith.index_cast %swap3A_412 : i32 to index
      %swap3A_414 = arith.index_cast %mul3A_411 : i32 to index
      %swap3A_415 = tpu.vector_load %arg7[%swap3A_413, %swap3A_414] {strides = array<i32>} : memref<7x1712xi32, #tpu.memory_space<vmem>>, vector<16xi32>,
      tpu.vector_store %arg7[%swap3A_413, %swap3A_414], %add3A_409 {strides = array<i32>} : memref<7x1712xi32, #tpu.memory_space<vmem>>, vector<16xi32>,
      %mul3A_416 = arith.constant 112 : i32
      %mul3A_417 = arith.muli %scan3A_366, %mul3A_416 : i32
      %add3A_418 = arith.constant 2 : i32
      %add3A_419 = arith.addi %mul3A_417, %add3A_418 : i32
      %add3A_420 = vector.broadcast %add3A_419 : i32 to vector<16xi32>
      %add3A_421 = arith.addi %add3A_420, %mul3A_3 : vector<16xi32>
      %gather3A_422 = tpu.vector_load_idx %arg5[%add3A_421] : memref<11984xi32, #tpu.memory_space<vmem>>[vector<16xi32>], vector<16xi32>,
      %lt3A_423 = arith.constant 40962 : i32
      %lt3A_424 = vector.broadcast %lt3A_423 : i32 to vector<16xi32>
      %lt3A_425 = arith.cmpi slt, %gather3A_422, %lt3A_424 : vector<16xi32>
      %add3A_426 = arith.constant 122880 : i32
      %add3A_427 = vector.broadcast %add3A_426 : i32 to vector<16xi32>
      %add3A_428 = arith.addi %gather3A_422, %add3A_427 : vector<16xi32>
      %sub3A_429 = arith.constant 40962 : i32
      %sub3A_430 = vector.broadcast %sub3A_429 : i32 to vector<16xi32>
      %sub3A_431 = arith.subi %gather3A_422, %sub3A_430 : vector<16xi32>
      %select_n3A_432 = arith.select %lt3A_425, %add3A_428, %sub3A_431 : vector<16xi1>, vector<16xi32>
      %add3A_433 = arith.constant 328704 : i32
      %add3A_434 = vector.broadcast %add3A_433 : i32 to vector<16xi32>
      %add3A_435 = arith.addi %select_n3A_432, %add3A_434 : vector<16xi32>
      %mul3A_436 = arith.constant 16 : i32
      %mul3A_437 = arith.muli %scan3A_366, %mul3A_436 : i32
      %swap3A_438 = arith.constant 2 : i32
      %swap3A_439 = arith.index_cast %swap3A_438 : i32 to index
      %swap3A_440 = arith.index_cast %mul3A_437 : i32 to index
      %swap3A_441 = tpu.vector_load %arg7[%swap3A_439, %swap3A_440] {strides = array<i32>} : memref<7x1712xi32, #tpu.memory_space<vmem>>, vector<16xi32>,
      tpu.vector_store %arg7[%swap3A_439, %swap3A_440], %add3A_435 {strides = array<i32>} : memref<7x1712xi32, #tpu.memory_space<vmem>>, vector<16xi32>,
      %mul3A_442 = arith.constant 112 : i32
      %mul3A_443 = arith.muli %scan3A_366, %mul3A_442 : i32
      %add3A_444 = arith.constant 3 : i32
      %add3A_445 = arith.addi %mul3A_443, %add3A_444 : i32
      %add3A_446 = vector.broadcast %add3A_445 : i32 to vector<16xi32>
      %add3A_447 = arith.addi %add3A_446, %mul3A_3 : vector<16xi32>
      %gather3A_448 = tpu.vector_load_idx %arg5[%add3A_447] : memref<11984xi32, #tpu.memory_space<vmem>>[vector<16xi32>], vector<16xi32>,
      %lt3A_449 = arith.constant 40962 : i32
      %lt3A_450 = vector.broadcast %lt3A_449 : i32 to vector<16xi32>
      %lt3A_451 = arith.cmpi slt, %gather3A_448, %lt3A_450 : vector<16xi32>
      %add3A_452 = arith.constant 122880 : i32
      %add3A_453 = vector.broadcast %add3A_452 : i32 to vector<16xi32>
      %add3A_454 = arith.addi %gather3A_448, %add3A_453 : vector<16xi32>
      %sub3A_455 = arith.constant 40962 : i32
      %sub3A_456 = vector.broadcast %sub3A_455 : i32 to vector<16xi32>
      %sub3A_457 = arith.subi %gather3A_448, %sub3A_456 : vector<16xi32>
      %select_n3A_458 = arith.select %lt3A_451, %add3A_454, %sub3A_457 : vector<16xi1>, vector<16xi32>
      %add3A_459 = arith.constant 493056 : i32
      %add3A_460 = vector.broadcast %add3A_459 : i32 to vector<16xi32>
      %add3A_461 = arith.addi %select_n3A_458, %add3A_460 : vector<16xi32>
      %mul3A_462 = arith.constant 16 : i32
      %mul3A_463 = arith.muli %scan3A_366, %mul3A_462 : i32
      %swap3A_464 = arith.constant 3 : i32
      %swap3A_465 = arith.index_cast %swap3A_464 : i32 to index
      %swap3A_466 = arith.index_cast %mul3A_463 : i32 to index
      %swap3A_467 = tpu.vector_load %arg7[%swap3A_465, %swap3A_466] {strides = array<i32>} : memref<7x1712xi32, #tpu.memory_space<vmem>>, vector<16xi32>,
      tpu.vector_store %arg7[%swap3A_465, %swap3A_466], %add3A_461 {strides = array<i32>} : memref<7x1712xi32, #tpu.memory_space<vmem>>, vector<16xi32>,
      %mul3A_468 = arith.constant 112 : i32
      %mul3A_469 = arith.muli %scan3A_366, %mul3A_468 : i32
      %add3A_470 = arith.constant 4 : i32
      %add3A_471 = arith.addi %mul3A_469, %add3A_470 : i32
      %add3A_472 = vector.broadcast %add3A_471 : i32 to vector<16xi32>
      %add3A_473 = arith.addi %add3A_472, %mul3A_3 : vector<16xi32>
      %gather3A_474 = tpu.vector_load_idx %arg5[%add3A_473] : memref<11984xi32, #tpu.memory_space<vmem>>[vector<16xi32>], vector<16xi32>,
      %lt3A_475 = arith.constant 40962 : i32
      %lt3A_476 = vector.broadcast %lt3A_475 : i32 to vector<16xi32>
      %lt3A_477 = arith.cmpi slt, %gather3A_474, %lt3A_476 : vector<16xi32>
      %add3A_478 = arith.constant 122880 : i32
      %add3A_479 = vector.broadcast %add3A_478 : i32 to vector<16xi32>
      %add3A_480 = arith.addi %gather3A_474, %add3A_479 : vector<16xi32>
      %sub3A_481 = arith.constant 40962 : i32
      %sub3A_482 = vector.broadcast %sub3A_481 : i32 to vector<16xi32>
      %sub3A_483 = arith.subi %gather3A_474, %sub3A_482 : vector<16xi32>
      %select_n3A_484 = arith.select %lt3A_477, %add3A_480, %sub3A_483 : vector<16xi1>, vector<16xi32>
      %add3A_485 = arith.constant 657408 : i32
      %add3A_486 = vector.broadcast %add3A_485 : i32 to vector<16xi32>
      %add3A_487 = arith.addi %select_n3A_484, %add3A_486 : vector<16xi32>
      %mul3A_488 = arith.constant 16 : i32
      %mul3A_489 = arith.muli %scan3A_366, %mul3A_488 : i32
      %swap3A_490 = arith.constant 4 : i32
      %swap3A_491 = arith.index_cast %swap3A_490 : i32 to index
      %swap3A_492 = arith.index_cast %mul3A_489 : i32 to index
      %swap3A_493 = tpu.vector_load %arg7[%swap3A_491, %swap3A_492] {strides = array<i32>} : memref<7x1712xi32, #tpu.memory_space<vmem>>, vector<16xi32>,
      tpu.vector_store %arg7[%swap3A_491, %swap3A_492], %add3A_487 {strides = array<i32>} : memref<7x1712xi32, #tpu.memory_space<vmem>>, vector<16xi32>,
      %mul3A_494 = arith.constant 112 : i32
      %mul3A_495 = arith.muli %scan3A_366, %mul3A_494 : i32
      %add3A_496 = arith.constant 5 : i32
      %add3A_497 = arith.addi %mul3A_495, %add3A_496 : i32
      %add3A_498 = vector.broadcast %add3A_497 : i32 to vector<16xi32>
      %add3A_499 = arith.addi %add3A_498, %mul3A_3 : vector<16xi32>
      %gather3A_500 = tpu.vector_load_idx %arg5[%add3A_499] : memref<11984xi32, #tpu.memory_space<vmem>>[vector<16xi32>], vector<16xi32>,
      %lt3A_501 = arith.constant 40962 : i32
      %lt3A_502 = vector.broadcast %lt3A_501 : i32 to vector<16xi32>
      %lt3A_503 = arith.cmpi slt, %gather3A_500, %lt3A_502 : vector<16xi32>
      %add3A_504 = arith.constant 122880 : i32
      %add3A_505 = vector.broadcast %add3A_504 : i32 to vector<16xi32>
      %add3A_506 = arith.addi %gather3A_500, %add3A_505 : vector<16xi32>
      %sub3A_507 = arith.constant 40962 : i32
      %sub3A_508 = vector.broadcast %sub3A_507 : i32 to vector<16xi32>
      %sub3A_509 = arith.subi %gather3A_500, %sub3A_508 : vector<16xi32>
      %select_n3A_510 = arith.select %lt3A_503, %add3A_506, %sub3A_509 : vector<16xi1>, vector<16xi32>
      %add3A_511 = arith.constant 821760 : i32
      %add3A_512 = vector.broadcast %add3A_511 : i32 to vector<16xi32>
      %add3A_513 = arith.addi %select_n3A_510, %add3A_512 : vector<16xi32>
      %mul3A_514 = arith.constant 16 : i32
      %mul3A_515 = arith.muli %scan3A_366, %mul3A_514 : i32
      %swap3A_516 = arith.constant 5 : i32
      %swap3A_517 = arith.index_cast %swap3A_516 : i32 to index
      %swap3A_518 = arith.index_cast %mul3A_515 : i32 to index
      %swap3A_519 = tpu.vector_load %arg7[%swap3A_517, %swap3A_518] {strides = array<i32>} : memref<7x1712xi32, #tpu.memory_space<vmem>>, vector<16xi32>,
      tpu.vector_store %arg7[%swap3A_517, %swap3A_518], %add3A_513 {strides = array<i32>} : memref<7x1712xi32, #tpu.memory_space<vmem>>, vector<16xi32>,
      %mul3A_520 = arith.constant 112 : i32
      %mul3A_521 = arith.muli %scan3A_366, %mul3A_520 : i32
      %add3A_522 = arith.constant 6 : i32
      %add3A_523 = arith.addi %mul3A_521, %add3A_522 : i32
      %add3A_524 = vector.broadcast %add3A_523 : i32 to vector<16xi32>
      %add3A_525 = arith.addi %add3A_524, %mul3A_3 : vector<16xi32>
      %gather3A_526 = tpu.vector_load_idx %arg5[%add3A_525] : memref<11984xi32, #tpu.memory_space<vmem>>[vector<16xi32>], vector<16xi32>,
      %lt3A_527 = arith.constant 40962 : i32
      %lt3A_528 = vector.broadcast %lt3A_527 : i32 to vector<16xi32>
      %lt3A_529 = arith.cmpi slt, %gather3A_526, %lt3A_528 : vector<16xi32>
      %add3A_530 = arith.constant 122880 : i32
      %add3A_531 = vector.broadcast %add3A_530 : i32 to vector<16xi32>
      %add3A_532 = arith.addi %gather3A_526, %add3A_531 : vector<16xi32>
      %sub3A_533 = arith.constant 40962 : i32
      %sub3A_534 = vector.broadcast %sub3A_533 : i32 to vector<16xi32>
      %sub3A_535 = arith.subi %gather3A_526, %sub3A_534 : vector<16xi32>
      %select_n3A_536 = arith.select %lt3A_529, %add3A_532, %sub3A_535 : vector<16xi1>, vector<16xi32>
      %add3A_537 = arith.constant 986112 : i32
      %add3A_538 = vector.broadcast %add3A_537 : i32 to vector<16xi32>
      %add3A_539 = arith.addi %select_n3A_536, %add3A_538 : vector<16xi32>
      %mul3A_540 = arith.constant 16 : i32
      %mul3A_541 = arith.muli %scan3A_366, %mul3A_540 : i32
      %swap3A_542 = arith.constant 6 : i32
      %swap3A_543 = arith.index_cast %swap3A_542 : i32 to index
      %swap3A_544 = arith.index_cast %mul3A_541 : i32 to index
      %swap3A_545 = tpu.vector_load %arg7[%swap3A_543, %swap3A_544] {strides = array<i32>} : memref<7x1712xi32, #tpu.memory_space<vmem>>, vector<16xi32>,
      tpu.vector_store %arg7[%swap3A_543, %swap3A_544], %add3A_539 {strides = array<i32>} : memref<7x1712xi32, #tpu.memory_space<vmem>>, vector<16xi32>,
      %scan3A_546 = arith.constant 0 : i32
      scf.yield %scan3A_546 : i32
    }
    %scan3A_15 = arith.constant 107 : i32
    %mul3A_16 = arith.constant 5136 : i32
    %mul3A_17 = arith.muli %add3A, %mul3A_16 : i32
    %add3A_18 = arith.constant 0 : i32
    %add3A_19 = arith.addi %mul3A_17, %add3A_18 : i32
    %dma_start3A = arith.constant 0 : i32
    %dma_start3A_20 = arith.constant 0 : i32
    %dma_start3A_21 = tpu.memref_slice %arg7[%dma_start3A, %dma_start3A_20] : memref<7x1712xi32, #tpu.memory_space<vmem>> -> memref<1x1712xi32, #tpu.memory_space<vmem>>
    %dma_start3A_22 = tpu.memref_squeeze %dma_start3A_21 : memref<1x1712xi32, #tpu.memory_space<vmem>> -> memref<1712xi32, #tpu.memory_space<vmem>>
    %dma_start3A_23 = arith.constant 0 : i32
    %dma_start3A_24 = arith.constant 0 : i32
    %dma_start3A_25 = tpu.memref_slice %arg2[%dma_start3A_23, %dma_start3A_24] : memref<1150464x32xf32, #tpu.memory_space<hbm>> -> memref<1150464x32xf32, #tpu.memory_space<hbm>>
    tpu.enqueue_indirect_dma source(%dma_start3A_25 : memref<1150464x32xf32, #tpu.memory_space<hbm>>) target(%arg9 : memref<1712x32xf32, #tpu.memory_space<vmem>>) offsets(%dma_start3A_22 : memref<1712xi32, #tpu.memory_space<vmem>>) semaphore(%arg10 : memref<!tpu.dma_semaphore, #tpu.memory_space<semaphore_mem>>)
    %dma_wait3A = arith.constant 0 : i32
    %dma_wait3A_26 = arith.constant 0 : i32
    %dma_wait3A_27 = tpu.memref_slice %arg7[%dma_wait3A, %dma_wait3A_26] : memref<7x1712xi32, #tpu.memory_space<vmem>> -> memref<1x1712xi32, #tpu.memory_space<vmem>>
    %dma_wait3A_28 = tpu.memref_squeeze %dma_wait3A_27 : memref<1x1712xi32, #tpu.memory_space<vmem>> -> memref<1712xi32, #tpu.memory_space<vmem>>
    %dma_wait3A_29 = arith.constant 0 : i32
    %dma_wait3A_30 = arith.constant 0 : i32
    %dma_wait3A_31 = tpu.memref_slice %arg2[%dma_wait3A_29, %dma_wait3A_30] : memref<1150464x32xf32, #tpu.memory_space<hbm>> -> memref<1150464x32xf32, #tpu.memory_space<hbm>>
    tpu.wait_indirect_dma semaphore(%arg10 : memref<!tpu.dma_semaphore, #tpu.memory_space<semaphore_mem>>) src(%dma_wait3A_31 : memref<1150464x32xf32, #tpu.memory_space<hbm>>) dst(%arg9 : memref<1712x32xf32, #tpu.memory_space<vmem>>)
    %dma_start3A_32 = arith.constant 1 : i32
    %dma_start3A_33 = arith.constant 0 : i32
    %dma_start3A_34 = tpu.memref_slice %arg7[%dma_start3A_32, %dma_start3A_33] : memref<7x1712xi32, #tpu.memory_space<vmem>> -> memref<1x1712xi32, #tpu.memory_space<vmem>>
    %dma_start3A_35 = tpu.memref_squeeze %dma_start3A_34 : memref<1x1712xi32, #tpu.memory_space<vmem>> -> memref<1712xi32, #tpu.memory_space<vmem>>
    %dma_start3A_36 = arith.constant 0 : i32
    %dma_start3A_37 = arith.constant 0 : i32
    %dma_start3A_38 = tpu.memref_slice %arg2[%dma_start3A_36, %dma_start3A_37] : memref<1150464x32xf32, #tpu.memory_space<hbm>> -> memref<1150464x32xf32, #tpu.memory_space<hbm>>
    tpu.enqueue_indirect_dma source(%dma_start3A_38 : memref<1150464x32xf32, #tpu.memory_space<hbm>>) target(%arg9 : memref<1712x32xf32, #tpu.memory_space<vmem>>) offsets(%dma_start3A_35 : memref<1712xi32, #tpu.memory_space<vmem>>) semaphore(%arg10 : memref<!tpu.dma_semaphore, #tpu.memory_space<semaphore_mem>>) {add = true}
    %dma_start3A_39 = arith.constant 2 : i32
    %dma_start3A_40 = arith.constant 0 : i32
    %dma_start3A_41 = tpu.memref_slice %arg7[%dma_start3A_39, %dma_start3A_40] : memref<7x1712xi32, #tpu.memory_space<vmem>> -> memref<1x1712xi32, #tpu.memory_space<vmem>>
    %dma_start3A_42 = tpu.memref_squeeze %dma_start3A_41 : memref<1x1712xi32, #tpu.memory_space<vmem>> -> memref<1712xi32, #tpu.memory_space<vmem>>
    %dma_start3A_43 = arith.constant 0 : i32
    %dma_start3A_44 = arith.constant 0 : i32
    %dma_start3A_45 = tpu.memref_slice %arg2[%dma_start3A_43, %dma_start3A_44] : memref<1150464x32xf32, #tpu.memory_space<hbm>> -> memref<1150464x32xf32, #tpu.memory_space<hbm>>
    tpu.enqueue_indirect_dma source(%dma_start3A_45 : memref<1150464x32xf32, #tpu.memory_space<hbm>>) target(%arg9 : memref<1712x32xf32, #tpu.memory_space<vmem>>) offsets(%dma_start3A_42 : memref<1712xi32, #tpu.memory_space<vmem>>) semaphore(%arg10 : memref<!tpu.dma_semaphore, #tpu.memory_space<semaphore_mem>>) {add = true}
    %dma_start3A_46 = arith.constant 3 : i32
    %dma_start3A_47 = arith.constant 0 : i32
    %dma_start3A_48 = tpu.memref_slice %arg7[%dma_start3A_46, %dma_start3A_47] : memref<7x1712xi32, #tpu.memory_space<vmem>> -> memref<1x1712xi32, #tpu.memory_space<vmem>>
    %dma_start3A_49 = tpu.memref_squeeze %dma_start3A_48 : memref<1x1712xi32, #tpu.memory_space<vmem>> -> memref<1712xi32, #tpu.memory_space<vmem>>
    %dma_start3A_50 = arith.constant 0 : i32
    %dma_start3A_51 = arith.constant 0 : i32
    %dma_start3A_52 = tpu.memref_slice %arg2[%dma_start3A_50, %dma_start3A_51] : memref<1150464x32xf32, #tpu.memory_space<hbm>> -> memref<1150464x32xf32, #tpu.memory_space<hbm>>
    tpu.enqueue_indirect_dma source(%dma_start3A_52 : memref<1150464x32xf32, #tpu.memory_space<hbm>>) target(%arg9 : memref<1712x32xf32, #tpu.memory_space<vmem>>) offsets(%dma_start3A_49 : memref<1712xi32, #tpu.memory_space<vmem>>) semaphore(%arg10 : memref<!tpu.dma_semaphore, #tpu.memory_space<semaphore_mem>>) {add = true}
    %dma_start3A_53 = arith.constant 4 : i32
    %dma_start3A_54 = arith.constant 0 : i32
    %dma_start3A_55 = tpu.memref_slice %arg7[%dma_start3A_53, %dma_start3A_54] : memref<7x1712xi32, #tpu.memory_space<vmem>> -> memref<1x1712xi32, #tpu.memory_space<vmem>>
    %dma_start3A_56 = tpu.memref_squeeze %dma_start3A_55 : memref<1x1712xi32, #tpu.memory_space<vmem>> -> memref<1712xi32, #tpu.memory_space<vmem>>
    %dma_start3A_57 = arith.constant 0 : i32
    %dma_start3A_58 = arith.constant 0 : i32
    %dma_start3A_59 = tpu.memref_slice %arg2[%dma_start3A_57, %dma_start3A_58] : memref<1150464x32xf32, #tpu.memory_space<hbm>> -> memref<1150464x32xf32, #tpu.memory_space<hbm>>
    tpu.enqueue_indirect_dma source(%dma_start3A_59 : memref<1150464x32xf32, #tpu.memory_space<hbm>>) target(%arg9 : memref<1712x32xf32, #tpu.memory_space<vmem>>) offsets(%dma_start3A_56 : memref<1712xi32, #tpu.memory_space<vmem>>) semaphore(%arg10 : memref<!tpu.dma_semaphore, #tpu.memory_space<semaphore_mem>>) {add = true}
    %dma_start3A_60 = arith.constant 5 : i32
    %dma_start3A_61 = arith.constant 0 : i32
    %dma_start3A_62 = tpu.memref_slice %arg7[%dma_start3A_60, %dma_start3A_61] : memref<7x1712xi32, #tpu.memory_space<vmem>> -> memref<1x1712xi32, #tpu.memory_space<vmem>>
    %dma_start3A_63 = tpu.memref_squeeze %dma_start3A_62 : memref<1x1712xi32, #tpu.memory_space<vmem>> -> memref<1712xi32, #tpu.memory_space<vmem>>
    %dma_start3A_64 = arith.constant 0 : i32
    %dma_start3A_65 = arith.constant 0 : i32
    %dma_start3A_66 = tpu.memref_slice %arg2[%dma_start3A_64, %dma_start3A_65] : memref<1150464x32xf32, #tpu.memory_space<hbm>> -> memref<1150464x32xf32, #tpu.memory_space<hbm>>
    tpu.enqueue_indirect_dma source(%dma_start3A_66 : memref<1150464x32xf32, #tpu.memory_space<hbm>>) target(%arg9 : memref<1712x32xf32, #tpu.memory_space<vmem>>) offsets(%dma_start3A_63 : memref<1712xi32, #tpu.memory_space<vmem>>) semaphore(%arg10 : memref<!tpu.dma_semaphore, #tpu.memory_space<semaphore_mem>>) {add = true}
    %dma_start3A_67 = arith.constant 6 : i32
    %dma_start3A_68 = arith.constant 0 : i32
    %dma_start3A_69 = tpu.memref_slice %arg7[%dma_start3A_67, %dma_start3A_68] : memref<7x1712xi32, #tpu.memory_space<vmem>> -> memref<1x1712xi32, #tpu.memory_space<vmem>>
    %dma_start3A_70 = tpu.memref_squeeze %dma_start3A_69 : memref<1x1712xi32, #tpu.memory_space<vmem>> -> memref<1712xi32, #tpu.memory_space<vmem>>
    %dma_start3A_71 = arith.constant 0 : i32
    %dma_start3A_72 = arith.constant 0 : i32
    %dma_start3A_73 = tpu.memref_slice %arg2[%dma_start3A_71, %dma_start3A_72] : memref<1150464x32xf32, #tpu.memory_space<hbm>> -> memref<1150464x32xf32, #tpu.memory_space<hbm>>
    tpu.enqueue_indirect_dma source(%dma_start3A_73 : memref<1150464x32xf32, #tpu.memory_space<hbm>>) target(%arg9 : memref<1712x32xf32, #tpu.memory_space<vmem>>) offsets(%dma_start3A_70 : memref<1712xi32, #tpu.memory_space<vmem>>) semaphore(%arg10 : memref<!tpu.dma_semaphore, #tpu.memory_space<semaphore_mem>>) {add = true}
    %mul3A_74 = arith.constant 5136 : i32
    %mul3A_75 = arith.muli %add3A, %mul3A_74 : i32
    %add3A_76 = arith.constant 1712 : i32
    %add3A_77 = arith.addi %mul3A_75, %add3A_76 : i32
    %mul3A_78 = arith.constant 7 : i32
    %mul3A_79 = arith.muli %mul3A_78, %add3A_77 : i32
    "tpu.region"() ({
      %run_scoped3A = tpu.sem_alloc : memref<!tpu.dma_semaphore, #tpu.memory_space<semaphore_mem>>
      %dma_start3A_366 = tpu.memref_slice %arg3[%mul3A_79] : memref<1146894xi32, #tpu.memory_space<hbm>> -> memref<11984xi32, #tpu.memory_space<hbm>>
      %dma_start3A_367 = tpu.memref_slice %arg3[%mul3A_79] : memref<1146894xi32, #tpu.memory_space<hbm>> -> memref<11984xi32, #tpu.memory_space<hbm>>
      tpu.enqueue_dma source(%dma_start3A_367 : memref<11984xi32, #tpu.memory_space<hbm>>) target(%arg6 : memref<11984xi32, #tpu.memory_space<vmem>>) target_semaphore(%run_scoped3A : memref<!tpu.dma_semaphore, #tpu.memory_space<semaphore_mem>>)
      %dma_wait3A_368 = tpu.memref_slice %arg3[%mul3A_79] : memref<1146894xi32, #tpu.memory_space<hbm>> -> memref<11984xi32, #tpu.memory_space<hbm>>
      %dma_wait3A_369 = tpu.memref_slice %arg3[%mul3A_79] : memref<1146894xi32, #tpu.memory_space<hbm>> -> memref<11984xi32, #tpu.memory_space<hbm>>
      tpu.wait_dma2 semaphore(%run_scoped3A : memref<!tpu.dma_semaphore, #tpu.memory_space<semaphore_mem>>) src(%dma_wait3A_369 : memref<11984xi32, #tpu.memory_space<hbm>>) dst(%arg6 : memref<11984xi32, #tpu.memory_space<vmem>>)
      tpu.yield
    }) : () -> ()
    %scan3A_80 = arith.constant 0 : i32
    %scan3A_81 = arith.constant 0 : i32
    %scan3A_82 = arith.constant 107 : i32
    %scan3A_83 = arith.addi %scan3A_81, %scan3A_82 : i32
    %scan3A_84 = arith.constant 1 : i32
    %scan3A_85 = scf.for %scan3A_366 = %scan3A_81 to %scan3A_83 step %scan3A_84 iter_args(%scan3A_367 = %scan3A_80) -> (i32)  : i32 {
      %mul3A_368 = arith.constant 112 : i32
      %mul3A_369 = arith.muli %scan3A_366, %mul3A_368 : i32
      %add3A_370 = arith.constant 0 : i32
      %add3A_371 = arith.addi %mul3A_369, %add3A_370 : i32
      %add3A_372 = vector.broadcast %add3A_371 : i32 to vector<16xi32>
      %add3A_373 = arith.addi %add3A_372, %mul3A_3 : vector<16xi32>
      %gather3A = tpu.vector_load_idx %arg6[%add3A_373] : memref<11984xi32, #tpu.memory_space<vmem>>[vector<16xi32>], vector<16xi32>,
      %lt3A_374 = arith.constant 40962 : i32
      %lt3A_375 = vector.broadcast %lt3A_374 : i32 to vector<16xi32>
      %lt3A_376 = arith.cmpi slt, %gather3A, %lt3A_375 : vector<16xi32>
      %add3A_377 = arith.constant 122880 : i32
      %add3A_378 = vector.broadcast %add3A_377 : i32 to vector<16xi32>
      %add3A_379 = arith.addi %gather3A, %add3A_378 : vector<16xi32>
      %sub3A = arith.constant 40962 : i32
      %sub3A_380 = vector.broadcast %sub3A : i32 to vector<16xi32>
      %sub3A_381 = arith.subi %gather3A, %sub3A_380 : vector<16xi32>
      %select_n3A = arith.select %lt3A_376, %add3A_379, %sub3A_381 : vector<16xi1>, vector<16xi32>
      %add3A_382 = arith.constant 0 : i32
      %add3A_383 = vector.broadcast %add3A_382 : i32 to vector<16xi32>
      %add3A_384 = arith.addi %select_n3A, %add3A_383 : vector<16xi32>
      %mul3A_385 = arith.constant 16 : i32
      %mul3A_386 = arith.muli %scan3A_366, %mul3A_385 : i32
      %swap3A = arith.constant 0 : i32
      %swap3A_387 = arith.index_cast %swap3A : i32 to index
      %swap3A_388 = arith.index_cast %mul3A_386 : i32 to index
      %swap3A_389 = tpu.vector_load %arg8[%swap3A_387, %swap3A_388] {strides = array<i32>} : memref<7x1712xi32, #tpu.memory_space<vmem>>, vector<16xi32>,
      tpu.vector_store %arg8[%swap3A_387, %swap3A_388], %add3A_384 {strides = array<i32>} : memref<7x1712xi32, #tpu.memory_space<vmem>>, vector<16xi32>,
      %mul3A_390 = arith.constant 112 : i32
      %mul3A_391 = arith.muli %scan3A_366, %mul3A_390 : i32
      %add3A_392 = arith.constant 1 : i32
      %add3A_393 = arith.addi %mul3A_391, %add3A_392 : i32
      %add3A_394 = vector.broadcast %add3A_393 : i32 to vector<16xi32>
      %add3A_395 = arith.addi %add3A_394, %mul3A_3 : vector<16xi32>
      %gather3A_396 = tpu.vector_load_idx %arg6[%add3A_395] : memref<11984xi32, #tpu.memory_space<vmem>>[vector<16xi32>], vector<16xi32>,
      %lt3A_397 = arith.constant 40962 : i32
      %lt3A_398 = vector.broadcast %lt3A_397 : i32 to vector<16xi32>
      %lt3A_399 = arith.cmpi slt, %gather3A_396, %lt3A_398 : vector<16xi32>
      %add3A_400 = arith.constant 122880 : i32
      %add3A_401 = vector.broadcast %add3A_400 : i32 to vector<16xi32>
      %add3A_402 = arith.addi %gather3A_396, %add3A_401 : vector<16xi32>
      %sub3A_403 = arith.constant 40962 : i32
      %sub3A_404 = vector.broadcast %sub3A_403 : i32 to vector<16xi32>
      %sub3A_405 = arith.subi %gather3A_396, %sub3A_404 : vector<16xi32>
      %select_n3A_406 = arith.select %lt3A_399, %add3A_402, %sub3A_405 : vector<16xi1>, vector<16xi32>
      %add3A_407 = arith.constant 164352 : i32
      %add3A_408 = vector.broadcast %add3A_407 : i32 to vector<16xi32>
      %add3A_409 = arith.addi %select_n3A_406, %add3A_408 : vector<16xi32>
      %mul3A_410 = arith.constant 16 : i32
      %mul3A_411 = arith.muli %scan3A_366, %mul3A_410 : i32
      %swap3A_412 = arith.constant 1 : i32
      %swap3A_413 = arith.index_cast %swap3A_412 : i32 to index
      %swap3A_414 = arith.index_cast %mul3A_411 : i32 to index
      %swap3A_415 = tpu.vector_load %arg8[%swap3A_413, %swap3A_414] {strides = array<i32>} : memref<7x1712xi32, #tpu.memory_space<vmem>>, vector<16xi32>,
      tpu.vector_store %arg8[%swap3A_413, %swap3A_414], %add3A_409 {strides = array<i32>} : memref<7x1712xi32, #tpu.memory_space<vmem>>, vector<16xi32>,
      %mul3A_416 = arith.constant 112 : i32
      %mul3A_417 = arith.muli %scan3A_366, %mul3A_416 : i32
      %add3A_418 = arith.constant 2 : i32
      %add3A_419 = arith.addi %mul3A_417, %add3A_418 : i32
      %add3A_420 = vector.broadcast %add3A_419 : i32 to vector<16xi32>
      %add3A_421 = arith.addi %add3A_420, %mul3A_3 : vector<16xi32>
      %gather3A_422 = tpu.vector_load_idx %arg6[%add3A_421] : memref<11984xi32, #tpu.memory_space<vmem>>[vector<16xi32>], vector<16xi32>,
      %lt3A_423 = arith.constant 40962 : i32
      %lt3A_424 = vector.broadcast %lt3A_423 : i32 to vector<16xi32>
      %lt3A_425 = arith.cmpi slt, %gather3A_422, %lt3A_424 : vector<16xi32>
      %add3A_426 = arith.constant 122880 : i32
      %add3A_427 = vector.broadcast %add3A_426 : i32 to vector<16xi32>
      %add3A_428 = arith.addi %gather3A_422, %add3A_427 : vector<16xi32>
      %sub3A_429 = arith.constant 40962 : i32
      %sub3A_430 = vector.broadcast %sub3A_429 : i32 to vector<16xi32>
      %sub3A_431 = arith.subi %gather3A_422, %sub3A_430 : vector<16xi32>
      %select_n3A_432 = arith.select %lt3A_425, %add3A_428, %sub3A_431 : vector<16xi1>, vector<16xi32>
      %add3A_433 = arith.constant 328704 : i32
      %add3A_434 = vector.broadcast %add3A_433 : i32 to vector<16xi32>
      %add3A_435 = arith.addi %select_n3A_432, %add3A_434 : vector<16xi32>
      %mul3A_436 = arith.constant 16 : i32
      %mul3A_437 = arith.muli %scan3A_366, %mul3A_436 : i32
      %swap3A_438 = arith.constant 2 : i32
      %swap3A_439 = arith.index_cast %swap3A_438 : i32 to index
      %swap3A_440 = arith.index_cast %mul3A_437 : i32 to index
      %swap3A_441 = tpu.vector_load %arg8[%swap3A_439, %swap3A_440] {strides = array<i32>} : memref<7x1712xi32, #tpu.memory_space<vmem>>, vector<16xi32>,
      tpu.vector_store %arg8[%swap3A_439, %swap3A_440], %add3A_435 {strides = array<i32>} : memref<7x1712xi32, #tpu.memory_space<vmem>>, vector<16xi32>,
      %mul3A_442 = arith.constant 112 : i32
      %mul3A_443 = arith.muli %scan3A_366, %mul3A_442 : i32
      %add3A_444 = arith.constant 3 : i32
      %add3A_445 = arith.addi %mul3A_443, %add3A_444 : i32
      %add3A_446 = vector.broadcast %add3A_445 : i32 to vector<16xi32>
      %add3A_447 = arith.addi %add3A_446, %mul3A_3 : vector<16xi32>
      %gather3A_448 = tpu.vector_load_idx %arg6[%add3A_447] : memref<11984xi32, #tpu.memory_space<vmem>>[vector<16xi32>], vector<16xi32>,
      %lt3A_449 = arith.constant 40962 : i32
      %lt3A_450 = vector.broadcast %lt3A_449 : i32 to vector<16xi32>
      %lt3A_451 = arith.cmpi slt, %gather3A_448, %lt3A_450 : vector<16xi32>
      %add3A_452 = arith.constant 122880 : i32
      %add3A_453 = vector.broadcast %add3A_452 : i32 to vector<16xi32>
      %add3A_454 = arith.addi %gather3A_448, %add3A_453 : vector<16xi32>
      %sub3A_455 = arith.constant 40962 : i32
      %sub3A_456 = vector.broadcast %sub3A_455 : i32 to vector<16xi32>
      %sub3A_457 = arith.subi %gather3A_448, %sub3A_456 : vector<16xi32>
      %select_n3A_458 = arith.select %lt3A_451, %add3A_454, %sub3A_457 : vector<16xi1>, vector<16xi32>
      %add3A_459 = arith.constant 493056 : i32
      %add3A_460 = vector.broadcast %add3A_459 : i32 to vector<16xi32>
      %add3A_461 = arith.addi %select_n3A_458, %add3A_460 : vector<16xi32>
      %mul3A_462 = arith.constant 16 : i32
      %mul3A_463 = arith.muli %scan3A_366, %mul3A_462 : i32
      %swap3A_464 = arith.constant 3 : i32
      %swap3A_465 = arith.index_cast %swap3A_464 : i32 to index
      %swap3A_466 = arith.index_cast %mul3A_463 : i32 to index
      %swap3A_467 = tpu.vector_load %arg8[%swap3A_465, %swap3A_466] {strides = array<i32>} : memref<7x1712xi32, #tpu.memory_space<vmem>>, vector<16xi32>,
      tpu.vector_store %arg8[%swap3A_465, %swap3A_466], %add3A_461 {strides = array<i32>} : memref<7x1712xi32, #tpu.memory_space<vmem>>, vector<16xi32>,
      %mul3A_468 = arith.constant 112 : i32
      %mul3A_469 = arith.muli %scan3A_366, %mul3A_468 : i32
      %add3A_470 = arith.constant 4 : i32
      %add3A_471 = arith.addi %mul3A_469, %add3A_470 : i32
      %add3A_472 = vector.broadcast %add3A_471 : i32 to vector<16xi32>
      %add3A_473 = arith.addi %add3A_472, %mul3A_3 : vector<16xi32>
      %gather3A_474 = tpu.vector_load_idx %arg6[%add3A_473] : memref<11984xi32, #tpu.memory_space<vmem>>[vector<16xi32>], vector<16xi32>,
      %lt3A_475 = arith.constant 40962 : i32
      %lt3A_476 = vector.broadcast %lt3A_475 : i32 to vector<16xi32>
      %lt3A_477 = arith.cmpi slt, %gather3A_474, %lt3A_476 : vector<16xi32>
      %add3A_478 = arith.constant 122880 : i32
      %add3A_479 = vector.broadcast %add3A_478 : i32 to vector<16xi32>
      %add3A_480 = arith.addi %gather3A_474, %add3A_479 : vector<16xi32>
      %sub3A_481 = arith.constant 40962 : i32
      %sub3A_482 = vector.broadcast %sub3A_481 : i32 to vector<16xi32>
      %sub3A_483 = arith.subi %gather3A_474, %sub3A_482 : vector<16xi32>
      %select_n3A_484 = arith.select %lt3A_477, %add3A_480, %sub3A_483 : vector<16xi1>, vector<16xi32>
      %add3A_485 = arith.constant 657408 : i32
      %add3A_486 = vector.broadcast %add3A_485 : i32 to vector<16xi32>
      %add3A_487 = arith.addi %select_n3A_484, %add3A_486 : vector<16xi32>
      %mul3A_488 = arith.constant 16 : i32
      %mul3A_489 = arith.muli %scan3A_366, %mul3A_488 : i32
      %swap3A_490 = arith.constant 4 : i32
      %swap3A_491 = arith.index_cast %swap3A_490 : i32 to index
      %swap3A_492 = arith.index_cast %mul3A_489 : i32 to index
      %swap3A_493 = tpu.vector_load %arg8[%swap3A_491, %swap3A_492] {strides = array<i32>} : memref<7x1712xi32, #tpu.memory_space<vmem>>, vector<16xi32>,
      tpu.vector_store %arg8[%swap3A_491, %swap3A_492], %add3A_487 {strides = array<i32>} : memref<7x1712xi32, #tpu.memory_space<vmem>>, vector<16xi32>,
      %mul3A_494 = arith.constant 112 : i32
      %mul3A_495 = arith.muli %scan3A_366, %mul3A_494 : i32
      %add3A_496 = arith.constant 5 : i32
      %add3A_497 = arith.addi %mul3A_495, %add3A_496 : i32
      %add3A_498 = vector.broadcast %add3A_497 : i32 to vector<16xi32>
      %add3A_499 = arith.addi %add3A_498, %mul3A_3 : vector<16xi32>
      %gather3A_500 = tpu.vector_load_idx %arg6[%add3A_499] : memref<11984xi32, #tpu.memory_space<vmem>>[vector<16xi32>], vector<16xi32>,
      %lt3A_501 = arith.constant 40962 : i32
      %lt3A_502 = vector.broadcast %lt3A_501 : i32 to vector<16xi32>
      %lt3A_503 = arith.cmpi slt, %gather3A_500, %lt3A_502 : vector<16xi32>
      %add3A_504 = arith.constant 122880 : i32
      %add3A_505 = vector.broadcast %add3A_504 : i32 to vector<16xi32>
      %add3A_506 = arith.addi %gather3A_500, %add3A_505 : vector<16xi32>
      %sub3A_507 = arith.constant 40962 : i32
      %sub3A_508 = vector.broadcast %sub3A_507 : i32 to vector<16xi32>
      %sub3A_509 = arith.subi %gather3A_500, %sub3A_508 : vector<16xi32>
      %select_n3A_510 = arith.select %lt3A_503, %add3A_506, %sub3A_509 : vector<16xi1>, vector<16xi32>
      %add3A_511 = arith.constant 821760 : i32
      %add3A_512 = vector.broadcast %add3A_511 : i32 to vector<16xi32>
      %add3A_513 = arith.addi %select_n3A_510, %add3A_512 : vector<16xi32>
      %mul3A_514 = arith.constant 16 : i32
      %mul3A_515 = arith.muli %scan3A_366, %mul3A_514 : i32
      %swap3A_516 = arith.constant 5 : i32
      %swap3A_517 = arith.index_cast %swap3A_516 : i32 to index
      %swap3A_518 = arith.index_cast %mul3A_515 : i32 to index
      %swap3A_519 = tpu.vector_load %arg8[%swap3A_517, %swap3A_518] {strides = array<i32>} : memref<7x1712xi32, #tpu.memory_space<vmem>>, vector<16xi32>,
      tpu.vector_store %arg8[%swap3A_517, %swap3A_518], %add3A_513 {strides = array<i32>} : memref<7x1712xi32, #tpu.memory_space<vmem>>, vector<16xi32>,
      %mul3A_520 = arith.constant 112 : i32
      %mul3A_521 = arith.muli %scan3A_366, %mul3A_520 : i32
      %add3A_522 = arith.constant 6 : i32
      %add3A_523 = arith.addi %mul3A_521, %add3A_522 : i32
      %add3A_524 = vector.broadcast %add3A_523 : i32 to vector<16xi32>
      %add3A_525 = arith.addi %add3A_524, %mul3A_3 : vector<16xi32>
      %gather3A_526 = tpu.vector_load_idx %arg6[%add3A_525] : memref<11984xi32, #tpu.memory_space<vmem>>[vector<16xi32>], vector<16xi32>,
      %lt3A_527 = arith.constant 40962 : i32
      %lt3A_528 = vector.broadcast %lt3A_527 : i32 to vector<16xi32>
      %lt3A_529 = arith.cmpi slt, %gather3A_526, %lt3A_528 : vector<16xi32>
      %add3A_530 = arith.constant 122880 : i32
      %add3A_531 = vector.broadcast %add3A_530 : i32 to vector<16xi32>
      %add3A_532 = arith.addi %gather3A_526, %add3A_531 : vector<16xi32>
      %sub3A_533 = arith.constant 40962 : i32
      %sub3A_534 = vector.broadcast %sub3A_533 : i32 to vector<16xi32>
      %sub3A_535 = arith.subi %gather3A_526, %sub3A_534 : vector<16xi32>
      %select_n3A_536 = arith.select %lt3A_529, %add3A_532, %sub3A_535 : vector<16xi1>, vector<16xi32>
      %add3A_537 = arith.constant 986112 : i32
      %add3A_538 = vector.broadcast %add3A_537 : i32 to vector<16xi32>
      %add3A_539 = arith.addi %select_n3A_536, %add3A_538 : vector<16xi32>
      %mul3A_540 = arith.constant 16 : i32
      %mul3A_541 = arith.muli %scan3A_366, %mul3A_540 : i32
      %swap3A_542 = arith.constant 6 : i32
      %swap3A_543 = arith.index_cast %swap3A_542 : i32 to index
      %swap3A_544 = arith.index_cast %mul3A_541 : i32 to index
      %swap3A_545 = tpu.vector_load %arg8[%swap3A_543, %swap3A_544] {strides = array<i32>} : memref<7x1712xi32, #tpu.memory_space<vmem>>, vector<16xi32>,
      tpu.vector_store %arg8[%swap3A_543, %swap3A_544], %add3A_539 {strides = array<i32>} : memref<7x1712xi32, #tpu.memory_space<vmem>>, vector<16xi32>,
      %scan3A_546 = arith.constant 0 : i32
      scf.yield %scan3A_546 : i32
    }
    %scan3A_86 = arith.constant 107 : i32
    %dma_wait3A_87 = arith.constant 1 : i32
    %dma_wait3A_88 = arith.constant 0 : i32
    %dma_wait3A_89 = tpu.memref_slice %arg7[%dma_wait3A_87, %dma_wait3A_88] : memref<7x1712xi32, #tpu.memory_space<vmem>> -> memref<1x1712xi32, #tpu.memory_space<vmem>>
    %dma_wait3A_90 = tpu.memref_squeeze %dma_wait3A_89 : memref<1x1712xi32, #tpu.memory_space<vmem>> -> memref<1712xi32, #tpu.memory_space<vmem>>
    %dma_wait3A_91 = arith.constant 0 : i32
    %dma_wait3A_92 = arith.constant 0 : i32
    %dma_wait3A_93 = tpu.memref_slice %arg2[%dma_wait3A_91, %dma_wait3A_92] : memref<1150464x32xf32, #tpu.memory_space<hbm>> -> memref<1150464x32xf32, #tpu.memory_space<hbm>>
    tpu.wait_indirect_dma semaphore(%arg10 : memref<!tpu.dma_semaphore, #tpu.memory_space<semaphore_mem>>) src(%dma_wait3A_93 : memref<1150464x32xf32, #tpu.memory_space<hbm>>) dst(%arg9 : memref<1712x32xf32, #tpu.memory_space<vmem>>)
    %dma_wait3A_94 = arith.constant 2 : i32
    %dma_wait3A_95 = arith.constant 0 : i32
    %dma_wait3A_96 = tpu.memref_slice %arg7[%dma_wait3A_94, %dma_wait3A_95] : memref<7x1712xi32, #tpu.memory_space<vmem>> -> memref<1x1712xi32, #tpu.memory_space<vmem>>
    %dma_wait3A_97 = tpu.memref_squeeze %dma_wait3A_96 : memref<1x1712xi32, #tpu.memory_space<vmem>> -> memref<1712xi32, #tpu.memory_space<vmem>>
    %dma_wait3A_98 = arith.constant 0 : i32
    %dma_wait3A_99 = arith.constant 0 : i32
    %dma_wait3A_100 = tpu.memref_slice %arg2[%dma_wait3A_98, %dma_wait3A_99] : memref<1150464x32xf32, #tpu.memory_space<hbm>> -> memref<1150464x32xf32, #tpu.memory_space<hbm>>
    tpu.wait_indirect_dma semaphore(%arg10 : memref<!tpu.dma_semaphore, #tpu.memory_space<semaphore_mem>>) src(%dma_wait3A_100 : memref<1150464x32xf32, #tpu.memory_space<hbm>>) dst(%arg9 : memref<1712x32xf32, #tpu.memory_space<vmem>>)
    %dma_wait3A_101 = arith.constant 3 : i32
    %dma_wait3A_102 = arith.constant 0 : i32
    %dma_wait3A_103 = tpu.memref_slice %arg7[%dma_wait3A_101, %dma_wait3A_102] : memref<7x1712xi32, #tpu.memory_space<vmem>> -> memref<1x1712xi32, #tpu.memory_space<vmem>>
    %dma_wait3A_104 = tpu.memref_squeeze %dma_wait3A_103 : memref<1x1712xi32, #tpu.memory_space<vmem>> -> memref<1712xi32, #tpu.memory_space<vmem>>
    %dma_wait3A_105 = arith.constant 0 : i32
    %dma_wait3A_106 = arith.constant 0 : i32
    %dma_wait3A_107 = tpu.memref_slice %arg2[%dma_wait3A_105, %dma_wait3A_106] : memref<1150464x32xf32, #tpu.memory_space<hbm>> -> memref<1150464x32xf32, #tpu.memory_space<hbm>>
    tpu.wait_indirect_dma semaphore(%arg10 : memref<!tpu.dma_semaphore, #tpu.memory_space<semaphore_mem>>) src(%dma_wait3A_107 : memref<1150464x32xf32, #tpu.memory_space<hbm>>) dst(%arg9 : memref<1712x32xf32, #tpu.memory_space<vmem>>)
    %dma_wait3A_108 = arith.constant 4 : i32
    %dma_wait3A_109 = arith.constant 0 : i32
    %dma_wait3A_110 = tpu.memref_slice %arg7[%dma_wait3A_108, %dma_wait3A_109] : memref<7x1712xi32, #tpu.memory_space<vmem>> -> memref<1x1712xi32, #tpu.memory_space<vmem>>
    %dma_wait3A_111 = tpu.memref_squeeze %dma_wait3A_110 : memref<1x1712xi32, #tpu.memory_space<vmem>> -> memref<1712xi32, #tpu.memory_space<vmem>>
    %dma_wait3A_112 = arith.constant 0 : i32
    %dma_wait3A_113 = arith.constant 0 : i32
    %dma_wait3A_114 = tpu.memref_slice %arg2[%dma_wait3A_112, %dma_wait3A_113] : memref<1150464x32xf32, #tpu.memory_space<hbm>> -> memref<1150464x32xf32, #tpu.memory_space<hbm>>
    tpu.wait_indirect_dma semaphore(%arg10 : memref<!tpu.dma_semaphore, #tpu.memory_space<semaphore_mem>>) src(%dma_wait3A_114 : memref<1150464x32xf32, #tpu.memory_space<hbm>>) dst(%arg9 : memref<1712x32xf32, #tpu.memory_space<vmem>>)
    %dma_wait3A_115 = arith.constant 5 : i32
    %dma_wait3A_116 = arith.constant 0 : i32
    %dma_wait3A_117 = tpu.memref_slice %arg7[%dma_wait3A_115, %dma_wait3A_116] : memref<7x1712xi32, #tpu.memory_space<vmem>> -> memref<1x1712xi32, #tpu.memory_space<vmem>>
    %dma_wait3A_118 = tpu.memref_squeeze %dma_wait3A_117 : memref<1x1712xi32, #tpu.memory_space<vmem>> -> memref<1712xi32, #tpu.memory_space<vmem>>
    %dma_wait3A_119 = arith.constant 0 : i32
    %dma_wait3A_120 = arith.constant 0 : i32
    %dma_wait3A_121 = tpu.memref_slice %arg2[%dma_wait3A_119, %dma_wait3A_120] : memref<1150464x32xf32, #tpu.memory_space<hbm>> -> memref<1150464x32xf32, #tpu.memory_space<hbm>>
    tpu.wait_indirect_dma semaphore(%arg10 : memref<!tpu.dma_semaphore, #tpu.memory_space<semaphore_mem>>) src(%dma_wait3A_121 : memref<1150464x32xf32, #tpu.memory_space<hbm>>) dst(%arg9 : memref<1712x32xf32, #tpu.memory_space<vmem>>)
    %dma_wait3A_122 = arith.constant 6 : i32
    %dma_wait3A_123 = arith.constant 0 : i32
    %dma_wait3A_124 = tpu.memref_slice %arg7[%dma_wait3A_122, %dma_wait3A_123] : memref<7x1712xi32, #tpu.memory_space<vmem>> -> memref<1x1712xi32, #tpu.memory_space<vmem>>
    %dma_wait3A_125 = tpu.memref_squeeze %dma_wait3A_124 : memref<1x1712xi32, #tpu.memory_space<vmem>> -> memref<1712xi32, #tpu.memory_space<vmem>>
    %dma_wait3A_126 = arith.constant 0 : i32
    %dma_wait3A_127 = arith.constant 0 : i32
    %dma_wait3A_128 = tpu.memref_slice %arg2[%dma_wait3A_126, %dma_wait3A_127] : memref<1150464x32xf32, #tpu.memory_space<hbm>> -> memref<1150464x32xf32, #tpu.memory_space<hbm>>
    tpu.wait_indirect_dma semaphore(%arg10 : memref<!tpu.dma_semaphore, #tpu.memory_space<semaphore_mem>>) src(%dma_wait3A_128 : memref<1150464x32xf32, #tpu.memory_space<hbm>>) dst(%arg9 : memref<1712x32xf32, #tpu.memory_space<vmem>>)
    %dma_start3A_129 = arith.constant 0 : i32
    %dma_start3A_130 = tpu.memref_slice %arg4[%add3A_19, %dma_start3A_129] : memref<164352x32xf32, #tpu.memory_space<hbm>> -> memref<1712x32xf32, #tpu.memory_space<hbm>>
    %dma_start3A_131 = arith.constant 0 : i32
    %dma_start3A_132 = tpu.memref_slice %arg4[%add3A_19, %dma_start3A_131] : memref<164352x32xf32, #tpu.memory_space<hbm>> -> memref<1712x32xf32, #tpu.memory_space<hbm>>
    tpu.enqueue_dma source(%arg9 : memref<1712x32xf32, #tpu.memory_space<vmem>>) target(%dma_start3A_132 : memref<1712x32xf32, #tpu.memory_space<hbm>>) target_semaphore(%arg11 : memref<!tpu.dma_semaphore, #tpu.memory_space<semaphore_mem>>)
    %mul3A_133 = arith.constant 5136 : i32
    %mul3A_134 = arith.muli %add3A, %mul3A_133 : i32
    %add3A_135 = arith.constant 1712 : i32
    %add3A_136 = arith.addi %mul3A_134, %add3A_135 : i32
    %dma_wait3A_137 = arith.constant 0 : i32
    %dma_wait3A_138 = tpu.memref_slice %arg4[%add3A_19, %dma_wait3A_137] : memref<164352x32xf32, #tpu.memory_space<hbm>> -> memref<1712x32xf32, #tpu.memory_space<hbm>>
    %dma_wait3A_139 = arith.constant 0 : i32
    %dma_wait3A_140 = tpu.memref_slice %arg4[%add3A_19, %dma_wait3A_139] : memref<164352x32xf32, #tpu.memory_space<hbm>> -> memref<1712x32xf32, #tpu.memory_space<hbm>>
    tpu.wait_dma2 semaphore(%arg11 : memref<!tpu.dma_semaphore, #tpu.memory_space<semaphore_mem>>) src(%arg9 : memref<1712x32xf32, #tpu.memory_space<vmem>>) dst(%dma_wait3A_140 : memref<1712x32xf32, #tpu.memory_space<hbm>>)
    %dma_start3A_141 = arith.constant 0 : i32
    %dma_start3A_142 = arith.constant 0 : i32
    %dma_start3A_143 = tpu.memref_slice %arg8[%dma_start3A_141, %dma_start3A_142] : memref<7x1712xi32, #tpu.memory_space<vmem>> -> memref<1x1712xi32, #tpu.memory_space<vmem>>
    %dma_start3A_144 = tpu.memref_squeeze %dma_start3A_143 : memref<1x1712xi32, #tpu.memory_space<vmem>> -> memref<1712xi32, #tpu.memory_space<vmem>>
    %dma_start3A_145 = arith.constant 0 : i32
    %dma_start3A_146 = arith.constant 0 : i32
    %dma_start3A_147 = tpu.memref_slice %arg2[%dma_start3A_145, %dma_start3A_146] : memref<1150464x32xf32, #tpu.memory_space<hbm>> -> memref<1150464x32xf32, #tpu.memory_space<hbm>>
    tpu.enqueue_indirect_dma source(%dma_start3A_147 : memref<1150464x32xf32, #tpu.memory_space<hbm>>) target(%arg9 : memref<1712x32xf32, #tpu.memory_space<vmem>>) offsets(%dma_start3A_144 : memref<1712xi32, #tpu.memory_space<vmem>>) semaphore(%arg10 : memref<!tpu.dma_semaphore, #tpu.memory_space<semaphore_mem>>)
    %dma_wait3A_148 = arith.constant 0 : i32
    %dma_wait3A_149 = arith.constant 0 : i32
    %dma_wait3A_150 = tpu.memref_slice %arg8[%dma_wait3A_148, %dma_wait3A_149] : memref<7x1712xi32, #tpu.memory_space<vmem>> -> memref<1x1712xi32, #tpu.memory_space<vmem>>
    %dma_wait3A_151 = tpu.memref_squeeze %dma_wait3A_150 : memref<1x1712xi32, #tpu.memory_space<vmem>> -> memref<1712xi32, #tpu.memory_space<vmem>>
    %dma_wait3A_152 = arith.constant 0 : i32
    %dma_wait3A_153 = arith.constant 0 : i32
    %dma_wait3A_154 = tpu.memref_slice %arg2[%dma_wait3A_152, %dma_wait3A_153] : memref<1150464x32xf32, #tpu.memory_space<hbm>> -> memref<1150464x32xf32, #tpu.memory_space<hbm>>
    tpu.wait_indirect_dma semaphore(%arg10 : memref<!tpu.dma_semaphore, #tpu.memory_space<semaphore_mem>>) src(%dma_wait3A_154 : memref<1150464x32xf32, #tpu.memory_space<hbm>>) dst(%arg9 : memref<1712x32xf32, #tpu.memory_space<vmem>>)
    %dma_start3A_155 = arith.constant 1 : i32
    %dma_start3A_156 = arith.constant 0 : i32
    %dma_start3A_157 = tpu.memref_slice %arg8[%dma_start3A_155, %dma_start3A_156] : memref<7x1712xi32, #tpu.memory_space<vmem>> -> memref<1x1712xi32, #tpu.memory_space<vmem>>
    %dma_start3A_158 = tpu.memref_squeeze %dma_start3A_157 : memref<1x1712xi32, #tpu.memory_space<vmem>> -> memref<1712xi32, #tpu.memory_space<vmem>>
    %dma_start3A_159 = arith.constant 0 : i32
    %dma_start3A_160 = arith.constant 0 : i32
    %dma_start3A_161 = tpu.memref_slice %arg2[%dma_start3A_159, %dma_start3A_160] : memref<1150464x32xf32, #tpu.memory_space<hbm>> -> memref<1150464x32xf32, #tpu.memory_space<hbm>>
    tpu.enqueue_indirect_dma source(%dma_start3A_161 : memref<1150464x32xf32, #tpu.memory_space<hbm>>) target(%arg9 : memref<1712x32xf32, #tpu.memory_space<vmem>>) offsets(%dma_start3A_158 : memref<1712xi32, #tpu.memory_space<vmem>>) semaphore(%arg10 : memref<!tpu.dma_semaphore, #tpu.memory_space<semaphore_mem>>) {add = true}
    %dma_start3A_162 = arith.constant 2 : i32
    %dma_start3A_163 = arith.constant 0 : i32
    %dma_start3A_164 = tpu.memref_slice %arg8[%dma_start3A_162, %dma_start3A_163] : memref<7x1712xi32, #tpu.memory_space<vmem>> -> memref<1x1712xi32, #tpu.memory_space<vmem>>
    %dma_start3A_165 = tpu.memref_squeeze %dma_start3A_164 : memref<1x1712xi32, #tpu.memory_space<vmem>> -> memref<1712xi32, #tpu.memory_space<vmem>>
    %dma_start3A_166 = arith.constant 0 : i32
    %dma_start3A_167 = arith.constant 0 : i32
    %dma_start3A_168 = tpu.memref_slice %arg2[%dma_start3A_166, %dma_start3A_167] : memref<1150464x32xf32, #tpu.memory_space<hbm>> -> memref<1150464x32xf32, #tpu.memory_space<hbm>>
    tpu.enqueue_indirect_dma source(%dma_start3A_168 : memref<1150464x32xf32, #tpu.memory_space<hbm>>) target(%arg9 : memref<1712x32xf32, #tpu.memory_space<vmem>>) offsets(%dma_start3A_165 : memref<1712xi32, #tpu.memory_space<vmem>>) semaphore(%arg10 : memref<!tpu.dma_semaphore, #tpu.memory_space<semaphore_mem>>) {add = true}
    %dma_start3A_169 = arith.constant 3 : i32
    %dma_start3A_170 = arith.constant 0 : i32
    %dma_start3A_171 = tpu.memref_slice %arg8[%dma_start3A_169, %dma_start3A_170] : memref<7x1712xi32, #tpu.memory_space<vmem>> -> memref<1x1712xi32, #tpu.memory_space<vmem>>
    %dma_start3A_172 = tpu.memref_squeeze %dma_start3A_171 : memref<1x1712xi32, #tpu.memory_space<vmem>> -> memref<1712xi32, #tpu.memory_space<vmem>>
    %dma_start3A_173 = arith.constant 0 : i32
    %dma_start3A_174 = arith.constant 0 : i32
    %dma_start3A_175 = tpu.memref_slice %arg2[%dma_start3A_173, %dma_start3A_174] : memref<1150464x32xf32, #tpu.memory_space<hbm>> -> memref<1150464x32xf32, #tpu.memory_space<hbm>>
    tpu.enqueue_indirect_dma source(%dma_start3A_175 : memref<1150464x32xf32, #tpu.memory_space<hbm>>) target(%arg9 : memref<1712x32xf32, #tpu.memory_space<vmem>>) offsets(%dma_start3A_172 : memref<1712xi32, #tpu.memory_space<vmem>>) semaphore(%arg10 : memref<!tpu.dma_semaphore, #tpu.memory_space<semaphore_mem>>) {add = true}
    %dma_start3A_176 = arith.constant 4 : i32
    %dma_start3A_177 = arith.constant 0 : i32
    %dma_start3A_178 = tpu.memref_slice %arg8[%dma_start3A_176, %dma_start3A_177] : memref<7x1712xi32, #tpu.memory_space<vmem>> -> memref<1x1712xi32, #tpu.memory_space<vmem>>
    %dma_start3A_179 = tpu.memref_squeeze %dma_start3A_178 : memref<1x1712xi32, #tpu.memory_space<vmem>> -> memref<1712xi32, #tpu.memory_space<vmem>>
    %dma_start3A_180 = arith.constant 0 : i32
    %dma_start3A_181 = arith.constant 0 : i32
    %dma_start3A_182 = tpu.memref_slice %arg2[%dma_start3A_180, %dma_start3A_181] : memref<1150464x32xf32, #tpu.memory_space<hbm>> -> memref<1150464x32xf32, #tpu.memory_space<hbm>>
    tpu.enqueue_indirect_dma source(%dma_start3A_182 : memref<1150464x32xf32, #tpu.memory_space<hbm>>) target(%arg9 : memref<1712x32xf32, #tpu.memory_space<vmem>>) offsets(%dma_start3A_179 : memref<1712xi32, #tpu.memory_space<vmem>>) semaphore(%arg10 : memref<!tpu.dma_semaphore, #tpu.memory_space<semaphore_mem>>) {add = true}
    %dma_start3A_183 = arith.constant 5 : i32
    %dma_start3A_184 = arith.constant 0 : i32
    %dma_start3A_185 = tpu.memref_slice %arg8[%dma_start3A_183, %dma_start3A_184] : memref<7x1712xi32, #tpu.memory_space<vmem>> -> memref<1x1712xi32, #tpu.memory_space<vmem>>
    %dma_start3A_186 = tpu.memref_squeeze %dma_start3A_185 : memref<1x1712xi32, #tpu.memory_space<vmem>> -> memref<1712xi32, #tpu.memory_space<vmem>>
    %dma_start3A_187 = arith.constant 0 : i32
    %dma_start3A_188 = arith.constant 0 : i32
    %dma_start3A_189 = tpu.memref_slice %arg2[%dma_start3A_187, %dma_start3A_188] : memref<1150464x32xf32, #tpu.memory_space<hbm>> -> memref<1150464x32xf32, #tpu.memory_space<hbm>>
    tpu.enqueue_indirect_dma source(%dma_start3A_189 : memref<1150464x32xf32, #tpu.memory_space<hbm>>) target(%arg9 : memref<1712x32xf32, #tpu.memory_space<vmem>>) offsets(%dma_start3A_186 : memref<1712xi32, #tpu.memory_space<vmem>>) semaphore(%arg10 : memref<!tpu.dma_semaphore, #tpu.memory_space<semaphore_mem>>) {add = true}
    %dma_start3A_190 = arith.constant 6 : i32
    %dma_start3A_191 = arith.constant 0 : i32
    %dma_start3A_192 = tpu.memref_slice %arg8[%dma_start3A_190, %dma_start3A_191] : memref<7x1712xi32, #tpu.memory_space<vmem>> -> memref<1x1712xi32, #tpu.memory_space<vmem>>
    %dma_start3A_193 = tpu.memref_squeeze %dma_start3A_192 : memref<1x1712xi32, #tpu.memory_space<vmem>> -> memref<1712xi32, #tpu.memory_space<vmem>>
    %dma_start3A_194 = arith.constant 0 : i32
    %dma_start3A_195 = arith.constant 0 : i32
    %dma_start3A_196 = tpu.memref_slice %arg2[%dma_start3A_194, %dma_start3A_195] : memref<1150464x32xf32, #tpu.memory_space<hbm>> -> memref<1150464x32xf32, #tpu.memory_space<hbm>>
    tpu.enqueue_indirect_dma source(%dma_start3A_196 : memref<1150464x32xf32, #tpu.memory_space<hbm>>) target(%arg9 : memref<1712x32xf32, #tpu.memory_space<vmem>>) offsets(%dma_start3A_193 : memref<1712xi32, #tpu.memory_space<vmem>>) semaphore(%arg10 : memref<!tpu.dma_semaphore, #tpu.memory_space<semaphore_mem>>) {add = true}
    %mul3A_197 = arith.constant 5136 : i32
    %mul3A_198 = arith.muli %add3A, %mul3A_197 : i32
    %add3A_199 = arith.constant 3424 : i32
    %add3A_200 = arith.addi %mul3A_198, %add3A_199 : i32
    %eq3A = arith.constant 31 : i32
    %eq3A_201 = arith.cmpi eq, %add3A, %eq3A : i32
    %convert_element_type3A = arith.extui %eq3A_201 : i1 to i32
    %cond3A = arith.constant 0 : i32
    %cond3A_202 = arith.cmpi ne, %convert_element_type3A, %cond3A : i32
    scf.if %cond3A_202 {
      %scan3A_366 = arith.constant 0 : i32
      %scan3A_367 = arith.constant 0 : i32
      %scan3A_368 = arith.constant 749 : i32
      %scan3A_369 = arith.addi %scan3A_367, %scan3A_368 : i32
      %scan3A_370 = arith.constant 1 : i32
      %scan3A_371 = scf.for %scan3A_373 = %scan3A_367 to %scan3A_369 step %scan3A_370 iter_args(%scan3A_374 = %scan3A_366) -> (i32)  : i32 {
        %broadcast_in_dim3A = arith.constant 0 : i32
        %broadcast_in_dim3A_375 = vector.broadcast %broadcast_in_dim3A : i32 to vector<16xi32>
        %mul3A_376 = arith.constant 16 : i32
        %mul3A_377 = arith.muli %mul3A_376, %scan3A_373 : i32
        %swap3A = arith.index_cast %mul3A_377 : i32 to index
        %swap3A_378 = tpu.vector_load %arg5[%swap3A] {strides = array<i32>} : memref<11984xi32, #tpu.memory_space<vmem>>, vector<16xi32>,
        tpu.vector_store %arg5[%swap3A], %broadcast_in_dim3A_375 {strides = array<i32>} : memref<11984xi32, #tpu.memory_space<vmem>>, vector<16xi32>,
        %scan3A_379 = arith.constant 0 : i32
        scf.yield %scan3A_379 : i32
      }
      %scan3A_372 = arith.constant 749 : i32
      "tpu.region"() ({
        %run_scoped3A = tpu.sem_alloc : memref<!tpu.dma_semaphore, #tpu.memory_space<semaphore_mem>>
        %dma_start3A_373 = arith.constant 0 : i32
        %dma_start3A_374 = tpu.memref_slice %arg5[%dma_start3A_373] : memref<11984xi32, #tpu.memory_space<vmem>> -> memref<8414xi32, #tpu.memory_space<vmem>>
        %dma_start3A_375 = arith.constant 1138480 : i32
        %dma_start3A_376 = tpu.memref_slice %arg3[%dma_start3A_375] : memref<1146894xi32, #tpu.memory_space<hbm>> -> memref<8414xi32, #tpu.memory_space<hbm>>
        %dma_start3A_377 = arith.constant 0 : i32
        %dma_start3A_378 = tpu.memref_slice %arg5[%dma_start3A_377] : memref<11984xi32, #tpu.memory_space<vmem>> -> memref<8414xi32, #tpu.memory_space<vmem>>
        %dma_start3A_379 = arith.constant 1138480 : i32
        %dma_start3A_380 = tpu.memref_slice %arg3[%dma_start3A_379] : memref<1146894xi32, #tpu.memory_space<hbm>> -> memref<8414xi32, #tpu.memory_space<hbm>>
        tpu.enqueue_dma source(%dma_start3A_380 : memref<8414xi32, #tpu.memory_space<hbm>>) target(%dma_start3A_378 : memref<8414xi32, #tpu.memory_space<vmem>>) target_semaphore(%run_scoped3A : memref<!tpu.dma_semaphore, #tpu.memory_space<semaphore_mem>>)
        %dma_wait3A_381 = arith.constant 0 : i32
        %dma_wait3A_382 = tpu.memref_slice %arg5[%dma_wait3A_381] : memref<11984xi32, #tpu.memory_space<vmem>> -> memref<8414xi32, #tpu.memory_space<vmem>>
        %dma_wait3A_383 = arith.constant 1138480 : i32
        %dma_wait3A_384 = tpu.memref_slice %arg3[%dma_wait3A_383] : memref<1146894xi32, #tpu.memory_space<hbm>> -> memref<8414xi32, #tpu.memory_space<hbm>>
        %dma_wait3A_385 = arith.constant 0 : i32
        %dma_wait3A_386 = tpu.memref_slice %arg5[%dma_wait3A_385] : memref<11984xi32, #tpu.memory_space<vmem>> -> memref<8414xi32, #tpu.memory_space<vmem>>
        %dma_wait3A_387 = arith.constant 1138480 : i32
        %dma_wait3A_388 = tpu.memref_slice %arg3[%dma_wait3A_387] : memref<1146894xi32, #tpu.memory_space<hbm>> -> memref<8414xi32, #tpu.memory_space<hbm>>
        tpu.wait_dma2 semaphore(%run_scoped3A : memref<!tpu.dma_semaphore, #tpu.memory_space<semaphore_mem>>) src(%dma_wait3A_388 : memref<8414xi32, #tpu.memory_space<hbm>>) dst(%dma_wait3A_386 : memref<8414xi32, #tpu.memory_space<vmem>>)
        tpu.yield
      }) : () -> ()
    } else {
    }
    %lt3A = arith.constant 31 : i32
    %lt3A_203 = arith.cmpi slt, %add3A, %lt3A : i32
    %convert_element_type3A_204 = arith.extui %lt3A_203 : i1 to i32
    %cond3A_205 = arith.constant 0 : i32
    %cond3A_206 = arith.cmpi ne, %convert_element_type3A_204, %cond3A_205 : i32
    scf.if %cond3A_206 {
      %mul3A_366 = arith.constant 7 : i32
      %mul3A_367 = arith.muli %mul3A_366, %add3A_200 : i32
      "tpu.region"() ({
        %run_scoped3A = tpu.sem_alloc : memref<!tpu.dma_semaphore, #tpu.memory_space<semaphore_mem>>
        %dma_start3A_368 = tpu.memref_slice %arg3[%mul3A_367] : memref<1146894xi32, #tpu.memory_space<hbm>> -> memref<11984xi32, #tpu.memory_space<hbm>>
        %dma_start3A_369 = tpu.memref_slice %arg3[%mul3A_367] : memref<1146894xi32, #tpu.memory_space<hbm>> -> memref<11984xi32, #tpu.memory_space<hbm>>
        tpu.enqueue_dma source(%dma_start3A_369 : memref<11984xi32, #tpu.memory_space<hbm>>) target(%arg5 : memref<11984xi32, #tpu.memory_space<vmem>>) target_semaphore(%run_scoped3A : memref<!tpu.dma_semaphore, #tpu.memory_space<semaphore_mem>>)
        %dma_wait3A_370 = tpu.memref_slice %arg3[%mul3A_367] : memref<1146894xi32, #tpu.memory_space<hbm>> -> memref<11984xi32, #tpu.memory_space<hbm>>
        %dma_wait3A_371 = tpu.memref_slice %arg3[%mul3A_367] : memref<1146894xi32, #tpu.memory_space<hbm>> -> memref<11984xi32, #tpu.memory_space<hbm>>
        tpu.wait_dma2 semaphore(%run_scoped3A : memref<!tpu.dma_semaphore, #tpu.memory_space<semaphore_mem>>) src(%dma_wait3A_371 : memref<11984xi32, #tpu.memory_space<hbm>>) dst(%arg5 : memref<11984xi32, #tpu.memory_space<vmem>>)
        tpu.yield
      }) : () -> ()
    } else {
    }
    %scan3A_207 = arith.constant 0 : i32
    %scan3A_208 = arith.constant 0 : i32
    %scan3A_209 = arith.constant 107 : i32
    %scan3A_210 = arith.addi %scan3A_208, %scan3A_209 : i32
    %scan3A_211 = arith.constant 1 : i32
    %scan3A_212 = scf.for %scan3A_366 = %scan3A_208 to %scan3A_210 step %scan3A_211 iter_args(%scan3A_367 = %scan3A_207) -> (i32)  : i32 {
      %mul3A_368 = arith.constant 112 : i32
      %mul3A_369 = arith.muli %scan3A_366, %mul3A_368 : i32
      %add3A_370 = arith.constant 0 : i32
      %add3A_371 = arith.addi %mul3A_369, %add3A_370 : i32
      %add3A_372 = vector.broadcast %add3A_371 : i32 to vector<16xi32>
      %add3A_373 = arith.addi %add3A_372, %mul3A_3 : vector<16xi32>
      %gather3A = tpu.vector_load_idx %arg5[%add3A_373] : memref<11984xi32, #tpu.memory_space<vmem>>[vector<16xi32>], vector<16xi32>,
      %lt3A_374 = arith.constant 40962 : i32
      %lt3A_375 = vector.broadcast %lt3A_374 : i32 to vector<16xi32>
      %lt3A_376 = arith.cmpi slt, %gather3A, %lt3A_375 : vector<16xi32>
      %add3A_377 = arith.constant 122880 : i32
      %add3A_378 = vector.broadcast %add3A_377 : i32 to vector<16xi32>
      %add3A_379 = arith.addi %gather3A, %add3A_378 : vector<16xi32>
      %sub3A = arith.constant 40962 : i32
      %sub3A_380 = vector.broadcast %sub3A : i32 to vector<16xi32>
      %sub3A_381 = arith.subi %gather3A, %sub3A_380 : vector<16xi32>
      %select_n3A = arith.select %lt3A_376, %add3A_379, %sub3A_381 : vector<16xi1>, vector<16xi32>
      %add3A_382 = arith.constant 0 : i32
      %add3A_383 = vector.broadcast %add3A_382 : i32 to vector<16xi32>
      %add3A_384 = arith.addi %select_n3A, %add3A_383 : vector<16xi32>
      %mul3A_385 = arith.constant 16 : i32
      %mul3A_386 = arith.muli %scan3A_366, %mul3A_385 : i32
      %swap3A = arith.constant 0 : i32
      %swap3A_387 = arith.index_cast %swap3A : i32 to index
      %swap3A_388 = arith.index_cast %mul3A_386 : i32 to index
      %swap3A_389 = tpu.vector_load %arg7[%swap3A_387, %swap3A_388] {strides = array<i32>} : memref<7x1712xi32, #tpu.memory_space<vmem>>, vector<16xi32>,
      tpu.vector_store %arg7[%swap3A_387, %swap3A_388], %add3A_384 {strides = array<i32>} : memref<7x1712xi32, #tpu.memory_space<vmem>>, vector<16xi32>,
      %mul3A_390 = arith.constant 112 : i32
      %mul3A_391 = arith.muli %scan3A_366, %mul3A_390 : i32
      %add3A_392 = arith.constant 1 : i32
      %add3A_393 = arith.addi %mul3A_391, %add3A_392 : i32
      %add3A_394 = vector.broadcast %add3A_393 : i32 to vector<16xi32>
      %add3A_395 = arith.addi %add3A_394, %mul3A_3 : vector<16xi32>
      %gather3A_396 = tpu.vector_load_idx %arg5[%add3A_395] : memref<11984xi32, #tpu.memory_space<vmem>>[vector<16xi32>], vector<16xi32>,
      %lt3A_397 = arith.constant 40962 : i32
      %lt3A_398 = vector.broadcast %lt3A_397 : i32 to vector<16xi32>
      %lt3A_399 = arith.cmpi slt, %gather3A_396, %lt3A_398 : vector<16xi32>
      %add3A_400 = arith.constant 122880 : i32
      %add3A_401 = vector.broadcast %add3A_400 : i32 to vector<16xi32>
      %add3A_402 = arith.addi %gather3A_396, %add3A_401 : vector<16xi32>
      %sub3A_403 = arith.constant 40962 : i32
      %sub3A_404 = vector.broadcast %sub3A_403 : i32 to vector<16xi32>
      %sub3A_405 = arith.subi %gather3A_396, %sub3A_404 : vector<16xi32>
      %select_n3A_406 = arith.select %lt3A_399, %add3A_402, %sub3A_405 : vector<16xi1>, vector<16xi32>
      %add3A_407 = arith.constant 164352 : i32
      %add3A_408 = vector.broadcast %add3A_407 : i32 to vector<16xi32>
      %add3A_409 = arith.addi %select_n3A_406, %add3A_408 : vector<16xi32>
      %mul3A_410 = arith.constant 16 : i32
      %mul3A_411 = arith.muli %scan3A_366, %mul3A_410 : i32
      %swap3A_412 = arith.constant 1 : i32
      %swap3A_413 = arith.index_cast %swap3A_412 : i32 to index
      %swap3A_414 = arith.index_cast %mul3A_411 : i32 to index
      %swap3A_415 = tpu.vector_load %arg7[%swap3A_413, %swap3A_414] {strides = array<i32>} : memref<7x1712xi32, #tpu.memory_space<vmem>>, vector<16xi32>,
      tpu.vector_store %arg7[%swap3A_413, %swap3A_414], %add3A_409 {strides = array<i32>} : memref<7x1712xi32, #tpu.memory_space<vmem>>, vector<16xi32>,
      %mul3A_416 = arith.constant 112 : i32
      %mul3A_417 = arith.muli %scan3A_366, %mul3A_416 : i32
      %add3A_418 = arith.constant 2 : i32
      %add3A_419 = arith.addi %mul3A_417, %add3A_418 : i32
      %add3A_420 = vector.broadcast %add3A_419 : i32 to vector<16xi32>
      %add3A_421 = arith.addi %add3A_420, %mul3A_3 : vector<16xi32>
      %gather3A_422 = tpu.vector_load_idx %arg5[%add3A_421] : memref<11984xi32, #tpu.memory_space<vmem>>[vector<16xi32>], vector<16xi32>,
      %lt3A_423 = arith.constant 40962 : i32
      %lt3A_424 = vector.broadcast %lt3A_423 : i32 to vector<16xi32>
      %lt3A_425 = arith.cmpi slt, %gather3A_422, %lt3A_424 : vector<16xi32>
      %add3A_426 = arith.constant 122880 : i32
      %add3A_427 = vector.broadcast %add3A_426 : i32 to vector<16xi32>
      %add3A_428 = arith.addi %gather3A_422, %add3A_427 : vector<16xi32>
      %sub3A_429 = arith.constant 40962 : i32
      %sub3A_430 = vector.broadcast %sub3A_429 : i32 to vector<16xi32>
      %sub3A_431 = arith.subi %gather3A_422, %sub3A_430 : vector<16xi32>
      %select_n3A_432 = arith.select %lt3A_425, %add3A_428, %sub3A_431 : vector<16xi1>, vector<16xi32>
      %add3A_433 = arith.constant 328704 : i32
      %add3A_434 = vector.broadcast %add3A_433 : i32 to vector<16xi32>
      %add3A_435 = arith.addi %select_n3A_432, %add3A_434 : vector<16xi32>
      %mul3A_436 = arith.constant 16 : i32
      %mul3A_437 = arith.muli %scan3A_366, %mul3A_436 : i32
      %swap3A_438 = arith.constant 2 : i32
      %swap3A_439 = arith.index_cast %swap3A_438 : i32 to index
      %swap3A_440 = arith.index_cast %mul3A_437 : i32 to index
      %swap3A_441 = tpu.vector_load %arg7[%swap3A_439, %swap3A_440] {strides = array<i32>} : memref<7x1712xi32, #tpu.memory_space<vmem>>, vector<16xi32>,
      tpu.vector_store %arg7[%swap3A_439, %swap3A_440], %add3A_435 {strides = array<i32>} : memref<7x1712xi32, #tpu.memory_space<vmem>>, vector<16xi32>,
      %mul3A_442 = arith.constant 112 : i32
      %mul3A_443 = arith.muli %scan3A_366, %mul3A_442 : i32
      %add3A_444 = arith.constant 3 : i32
      %add3A_445 = arith.addi %mul3A_443, %add3A_444 : i32
      %add3A_446 = vector.broadcast %add3A_445 : i32 to vector<16xi32>
      %add3A_447 = arith.addi %add3A_446, %mul3A_3 : vector<16xi32>
      %gather3A_448 = tpu.vector_load_idx %arg5[%add3A_447] : memref<11984xi32, #tpu.memory_space<vmem>>[vector<16xi32>], vector<16xi32>,
      %lt3A_449 = arith.constant 40962 : i32
      %lt3A_450 = vector.broadcast %lt3A_449 : i32 to vector<16xi32>
      %lt3A_451 = arith.cmpi slt, %gather3A_448, %lt3A_450 : vector<16xi32>
      %add3A_452 = arith.constant 122880 : i32
      %add3A_453 = vector.broadcast %add3A_452 : i32 to vector<16xi32>
      %add3A_454 = arith.addi %gather3A_448, %add3A_453 : vector<16xi32>
      %sub3A_455 = arith.constant 40962 : i32
      %sub3A_456 = vector.broadcast %sub3A_455 : i32 to vector<16xi32>
      %sub3A_457 = arith.subi %gather3A_448, %sub3A_456 : vector<16xi32>
      %select_n3A_458 = arith.select %lt3A_451, %add3A_454, %sub3A_457 : vector<16xi1>, vector<16xi32>
      %add3A_459 = arith.constant 493056 : i32
      %add3A_460 = vector.broadcast %add3A_459 : i32 to vector<16xi32>
      %add3A_461 = arith.addi %select_n3A_458, %add3A_460 : vector<16xi32>
      %mul3A_462 = arith.constant 16 : i32
      %mul3A_463 = arith.muli %scan3A_366, %mul3A_462 : i32
      %swap3A_464 = arith.constant 3 : i32
      %swap3A_465 = arith.index_cast %swap3A_464 : i32 to index
      %swap3A_466 = arith.index_cast %mul3A_463 : i32 to index
      %swap3A_467 = tpu.vector_load %arg7[%swap3A_465, %swap3A_466] {strides = array<i32>} : memref<7x1712xi32, #tpu.memory_space<vmem>>, vector<16xi32>,
      tpu.vector_store %arg7[%swap3A_465, %swap3A_466], %add3A_461 {strides = array<i32>} : memref<7x1712xi32, #tpu.memory_space<vmem>>, vector<16xi32>,
      %mul3A_468 = arith.constant 112 : i32
      %mul3A_469 = arith.muli %scan3A_366, %mul3A_468 : i32
      %add3A_470 = arith.constant 4 : i32
      %add3A_471 = arith.addi %mul3A_469, %add3A_470 : i32
      %add3A_472 = vector.broadcast %add3A_471 : i32 to vector<16xi32>
      %add3A_473 = arith.addi %add3A_472, %mul3A_3 : vector<16xi32>
      %gather3A_474 = tpu.vector_load_idx %arg5[%add3A_473] : memref<11984xi32, #tpu.memory_space<vmem>>[vector<16xi32>], vector<16xi32>,
      %lt3A_475 = arith.constant 40962 : i32
      %lt3A_476 = vector.broadcast %lt3A_475 : i32 to vector<16xi32>
      %lt3A_477 = arith.cmpi slt, %gather3A_474, %lt3A_476 : vector<16xi32>
      %add3A_478 = arith.constant 122880 : i32
      %add3A_479 = vector.broadcast %add3A_478 : i32 to vector<16xi32>
      %add3A_480 = arith.addi %gather3A_474, %add3A_479 : vector<16xi32>
      %sub3A_481 = arith.constant 40962 : i32
      %sub3A_482 = vector.broadcast %sub3A_481 : i32 to vector<16xi32>
      %sub3A_483 = arith.subi %gather3A_474, %sub3A_482 : vector<16xi32>
      %select_n3A_484 = arith.select %lt3A_477, %add3A_480, %sub3A_483 : vector<16xi1>, vector<16xi32>
      %add3A_485 = arith.constant 657408 : i32
      %add3A_486 = vector.broadcast %add3A_485 : i32 to vector<16xi32>
      %add3A_487 = arith.addi %select_n3A_484, %add3A_486 : vector<16xi32>
      %mul3A_488 = arith.constant 16 : i32
      %mul3A_489 = arith.muli %scan3A_366, %mul3A_488 : i32
      %swap3A_490 = arith.constant 4 : i32
      %swap3A_491 = arith.index_cast %swap3A_490 : i32 to index
      %swap3A_492 = arith.index_cast %mul3A_489 : i32 to index
      %swap3A_493 = tpu.vector_load %arg7[%swap3A_491, %swap3A_492] {strides = array<i32>} : memref<7x1712xi32, #tpu.memory_space<vmem>>, vector<16xi32>,
      tpu.vector_store %arg7[%swap3A_491, %swap3A_492], %add3A_487 {strides = array<i32>} : memref<7x1712xi32, #tpu.memory_space<vmem>>, vector<16xi32>,
      %mul3A_494 = arith.constant 112 : i32
      %mul3A_495 = arith.muli %scan3A_366, %mul3A_494 : i32
      %add3A_496 = arith.constant 5 : i32
      %add3A_497 = arith.addi %mul3A_495, %add3A_496 : i32
      %add3A_498 = vector.broadcast %add3A_497 : i32 to vector<16xi32>
      %add3A_499 = arith.addi %add3A_498, %mul3A_3 : vector<16xi32>
      %gather3A_500 = tpu.vector_load_idx %arg5[%add3A_499] : memref<11984xi32, #tpu.memory_space<vmem>>[vector<16xi32>], vector<16xi32>,
      %lt3A_501 = arith.constant 40962 : i32
      %lt3A_502 = vector.broadcast %lt3A_501 : i32 to vector<16xi32>
      %lt3A_503 = arith.cmpi slt, %gather3A_500, %lt3A_502 : vector<16xi32>
      %add3A_504 = arith.constant 122880 : i32
      %add3A_505 = vector.broadcast %add3A_504 : i32 to vector<16xi32>
      %add3A_506 = arith.addi %gather3A_500, %add3A_505 : vector<16xi32>
      %sub3A_507 = arith.constant 40962 : i32
      %sub3A_508 = vector.broadcast %sub3A_507 : i32 to vector<16xi32>
      %sub3A_509 = arith.subi %gather3A_500, %sub3A_508 : vector<16xi32>
      %select_n3A_510 = arith.select %lt3A_503, %add3A_506, %sub3A_509 : vector<16xi1>, vector<16xi32>
      %add3A_511 = arith.constant 821760 : i32
      %add3A_512 = vector.broadcast %add3A_511 : i32 to vector<16xi32>
      %add3A_513 = arith.addi %select_n3A_510, %add3A_512 : vector<16xi32>
      %mul3A_514 = arith.constant 16 : i32
      %mul3A_515 = arith.muli %scan3A_366, %mul3A_514 : i32
      %swap3A_516 = arith.constant 5 : i32
      %swap3A_517 = arith.index_cast %swap3A_516 : i32 to index
      %swap3A_518 = arith.index_cast %mul3A_515 : i32 to index
      %swap3A_519 = tpu.vector_load %arg7[%swap3A_517, %swap3A_518] {strides = array<i32>} : memref<7x1712xi32, #tpu.memory_space<vmem>>, vector<16xi32>,
      tpu.vector_store %arg7[%swap3A_517, %swap3A_518], %add3A_513 {strides = array<i32>} : memref<7x1712xi32, #tpu.memory_space<vmem>>, vector<16xi32>,
      %mul3A_520 = arith.constant 112 : i32
      %mul3A_521 = arith.muli %scan3A_366, %mul3A_520 : i32
      %add3A_522 = arith.constant 6 : i32
      %add3A_523 = arith.addi %mul3A_521, %add3A_522 : i32
      %add3A_524 = vector.broadcast %add3A_523 : i32 to vector<16xi32>
      %add3A_525 = arith.addi %add3A_524, %mul3A_3 : vector<16xi32>
      %gather3A_526 = tpu.vector_load_idx %arg5[%add3A_525] : memref<11984xi32, #tpu.memory_space<vmem>>[vector<16xi32>], vector<16xi32>,
      %lt3A_527 = arith.constant 40962 : i32
      %lt3A_528 = vector.broadcast %lt3A_527 : i32 to vector<16xi32>
      %lt3A_529 = arith.cmpi slt, %gather3A_526, %lt3A_528 : vector<16xi32>
      %add3A_530 = arith.constant 122880 : i32
      %add3A_531 = vector.broadcast %add3A_530 : i32 to vector<16xi32>
      %add3A_532 = arith.addi %gather3A_526, %add3A_531 : vector<16xi32>
      %sub3A_533 = arith.constant 40962 : i32
      %sub3A_534 = vector.broadcast %sub3A_533 : i32 to vector<16xi32>
      %sub3A_535 = arith.subi %gather3A_526, %sub3A_534 : vector<16xi32>
      %select_n3A_536 = arith.select %lt3A_529, %add3A_532, %sub3A_535 : vector<16xi1>, vector<16xi32>
      %add3A_537 = arith.constant 986112 : i32
      %add3A_538 = vector.broadcast %add3A_537 : i32 to vector<16xi32>
      %add3A_539 = arith.addi %select_n3A_536, %add3A_538 : vector<16xi32>
      %mul3A_540 = arith.constant 16 : i32
      %mul3A_541 = arith.muli %scan3A_366, %mul3A_540 : i32
      %swap3A_542 = arith.constant 6 : i32
      %swap3A_543 = arith.index_cast %swap3A_542 : i32 to index
      %swap3A_544 = arith.index_cast %mul3A_541 : i32 to index
      %swap3A_545 = tpu.vector_load %arg7[%swap3A_543, %swap3A_544] {strides = array<i32>} : memref<7x1712xi32, #tpu.memory_space<vmem>>, vector<16xi32>,
      tpu.vector_store %arg7[%swap3A_543, %swap3A_544], %add3A_539 {strides = array<i32>} : memref<7x1712xi32, #tpu.memory_space<vmem>>, vector<16xi32>,
      %scan3A_546 = arith.constant 0 : i32
      scf.yield %scan3A_546 : i32
    }
    %scan3A_213 = arith.constant 107 : i32
    %dma_wait3A_214 = arith.constant 1 : i32
    %dma_wait3A_215 = arith.constant 0 : i32
    %dma_wait3A_216 = tpu.memref_slice %arg8[%dma_wait3A_214, %dma_wait3A_215] : memref<7x1712xi32, #tpu.memory_space<vmem>> -> memref<1x1712xi32, #tpu.memory_space<vmem>>
    %dma_wait3A_217 = tpu.memref_squeeze %dma_wait3A_216 : memref<1x1712xi32, #tpu.memory_space<vmem>> -> memref<1712xi32, #tpu.memory_space<vmem>>
    %dma_wait3A_218 = arith.constant 0 : i32
    %dma_wait3A_219 = arith.constant 0 : i32
    %dma_wait3A_220 = tpu.memref_slice %arg2[%dma_wait3A_218, %dma_wait3A_219] : memref<1150464x32xf32, #tpu.memory_space<hbm>> -> memref<1150464x32xf32, #tpu.memory_space<hbm>>
    tpu.wait_indirect_dma semaphore(%arg10 : memref<!tpu.dma_semaphore, #tpu.memory_space<semaphore_mem>>) src(%dma_wait3A_220 : memref<1150464x32xf32, #tpu.memory_space<hbm>>) dst(%arg9 : memref<1712x32xf32, #tpu.memory_space<vmem>>)
    %dma_wait3A_221 = arith.constant 2 : i32
    %dma_wait3A_222 = arith.constant 0 : i32
    %dma_wait3A_223 = tpu.memref_slice %arg8[%dma_wait3A_221, %dma_wait3A_222] : memref<7x1712xi32, #tpu.memory_space<vmem>> -> memref<1x1712xi32, #tpu.memory_space<vmem>>
    %dma_wait3A_224 = tpu.memref_squeeze %dma_wait3A_223 : memref<1x1712xi32, #tpu.memory_space<vmem>> -> memref<1712xi32, #tpu.memory_space<vmem>>
    %dma_wait3A_225 = arith.constant 0 : i32
    %dma_wait3A_226 = arith.constant 0 : i32
    %dma_wait3A_227 = tpu.memref_slice %arg2[%dma_wait3A_225, %dma_wait3A_226] : memref<1150464x32xf32, #tpu.memory_space<hbm>> -> memref<1150464x32xf32, #tpu.memory_space<hbm>>
    tpu.wait_indirect_dma semaphore(%arg10 : memref<!tpu.dma_semaphore, #tpu.memory_space<semaphore_mem>>) src(%dma_wait3A_227 : memref<1150464x32xf32, #tpu.memory_space<hbm>>) dst(%arg9 : memref<1712x32xf32, #tpu.memory_space<vmem>>)
    %dma_wait3A_228 = arith.constant 3 : i32
    %dma_wait3A_229 = arith.constant 0 : i32
    %dma_wait3A_230 = tpu.memref_slice %arg8[%dma_wait3A_228, %dma_wait3A_229] : memref<7x1712xi32, #tpu.memory_space<vmem>> -> memref<1x1712xi32, #tpu.memory_space<vmem>>
    %dma_wait3A_231 = tpu.memref_squeeze %dma_wait3A_230 : memref<1x1712xi32, #tpu.memory_space<vmem>> -> memref<1712xi32, #tpu.memory_space<vmem>>
    %dma_wait3A_232 = arith.constant 0 : i32
    %dma_wait3A_233 = arith.constant 0 : i32
    %dma_wait3A_234 = tpu.memref_slice %arg2[%dma_wait3A_232, %dma_wait3A_233] : memref<1150464x32xf32, #tpu.memory_space<hbm>> -> memref<1150464x32xf32, #tpu.memory_space<hbm>>
    tpu.wait_indirect_dma semaphore(%arg10 : memref<!tpu.dma_semaphore, #tpu.memory_space<semaphore_mem>>) src(%dma_wait3A_234 : memref<1150464x32xf32, #tpu.memory_space<hbm>>) dst(%arg9 : memref<1712x32xf32, #tpu.memory_space<vmem>>)
    %dma_wait3A_235 = arith.constant 4 : i32
    %dma_wait3A_236 = arith.constant 0 : i32
    %dma_wait3A_237 = tpu.memref_slice %arg8[%dma_wait3A_235, %dma_wait3A_236] : memref<7x1712xi32, #tpu.memory_space<vmem>> -> memref<1x1712xi32, #tpu.memory_space<vmem>>
    %dma_wait3A_238 = tpu.memref_squeeze %dma_wait3A_237 : memref<1x1712xi32, #tpu.memory_space<vmem>> -> memref<1712xi32, #tpu.memory_space<vmem>>
    %dma_wait3A_239 = arith.constant 0 : i32
    %dma_wait3A_240 = arith.constant 0 : i32
    %dma_wait3A_241 = tpu.memref_slice %arg2[%dma_wait3A_239, %dma_wait3A_240] : memref<1150464x32xf32, #tpu.memory_space<hbm>> -> memref<1150464x32xf32, #tpu.memory_space<hbm>>
    tpu.wait_indirect_dma semaphore(%arg10 : memref<!tpu.dma_semaphore, #tpu.memory_space<semaphore_mem>>) src(%dma_wait3A_241 : memref<1150464x32xf32, #tpu.memory_space<hbm>>) dst(%arg9 : memref<1712x32xf32, #tpu.memory_space<vmem>>)
    %dma_wait3A_242 = arith.constant 5 : i32
    %dma_wait3A_243 = arith.constant 0 : i32
    %dma_wait3A_244 = tpu.memref_slice %arg8[%dma_wait3A_242, %dma_wait3A_243] : memref<7x1712xi32, #tpu.memory_space<vmem>> -> memref<1x1712xi32, #tpu.memory_space<vmem>>
    %dma_wait3A_245 = tpu.memref_squeeze %dma_wait3A_244 : memref<1x1712xi32, #tpu.memory_space<vmem>> -> memref<1712xi32, #tpu.memory_space<vmem>>
    %dma_wait3A_246 = arith.constant 0 : i32
    %dma_wait3A_247 = arith.constant 0 : i32
    %dma_wait3A_248 = tpu.memref_slice %arg2[%dma_wait3A_246, %dma_wait3A_247] : memref<1150464x32xf32, #tpu.memory_space<hbm>> -> memref<1150464x32xf32, #tpu.memory_space<hbm>>
    tpu.wait_indirect_dma semaphore(%arg10 : memref<!tpu.dma_semaphore, #tpu.memory_space<semaphore_mem>>) src(%dma_wait3A_248 : memref<1150464x32xf32, #tpu.memory_space<hbm>>) dst(%arg9 : memref<1712x32xf32, #tpu.memory_space<vmem>>)
    %dma_wait3A_249 = arith.constant 6 : i32
    %dma_wait3A_250 = arith.constant 0 : i32
    %dma_wait3A_251 = tpu.memref_slice %arg8[%dma_wait3A_249, %dma_wait3A_250] : memref<7x1712xi32, #tpu.memory_space<vmem>> -> memref<1x1712xi32, #tpu.memory_space<vmem>>
    %dma_wait3A_252 = tpu.memref_squeeze %dma_wait3A_251 : memref<1x1712xi32, #tpu.memory_space<vmem>> -> memref<1712xi32, #tpu.memory_space<vmem>>
    %dma_wait3A_253 = arith.constant 0 : i32
    %dma_wait3A_254 = arith.constant 0 : i32
    %dma_wait3A_255 = tpu.memref_slice %arg2[%dma_wait3A_253, %dma_wait3A_254] : memref<1150464x32xf32, #tpu.memory_space<hbm>> -> memref<1150464x32xf32, #tpu.memory_space<hbm>>
    tpu.wait_indirect_dma semaphore(%arg10 : memref<!tpu.dma_semaphore, #tpu.memory_space<semaphore_mem>>) src(%dma_wait3A_255 : memref<1150464x32xf32, #tpu.memory_space<hbm>>) dst(%arg9 : memref<1712x32xf32, #tpu.memory_space<vmem>>)
    %dma_start3A_256 = arith.constant 0 : i32
    %dma_start3A_257 = tpu.memref_slice %arg4[%add3A_136, %dma_start3A_256] : memref<164352x32xf32, #tpu.memory_space<hbm>> -> memref<1712x32xf32, #tpu.memory_space<hbm>>
    %dma_start3A_258 = arith.constant 0 : i32
    %dma_start3A_259 = tpu.memref_slice %arg4[%add3A_136, %dma_start3A_258] : memref<164352x32xf32, #tpu.memory_space<hbm>> -> memref<1712x32xf32, #tpu.memory_space<hbm>>
    tpu.enqueue_dma source(%arg9 : memref<1712x32xf32, #tpu.memory_space<vmem>>) target(%dma_start3A_259 : memref<1712x32xf32, #tpu.memory_space<hbm>>) target_semaphore(%arg11 : memref<!tpu.dma_semaphore, #tpu.memory_space<semaphore_mem>>)
    %mul3A_260 = arith.constant 5136 : i32
    %mul3A_261 = arith.muli %add3A, %mul3A_260 : i32
    %add3A_262 = arith.constant 3424 : i32
    %add3A_263 = arith.addi %mul3A_261, %add3A_262 : i32
    %dma_wait3A_264 = arith.constant 0 : i32
    %dma_wait3A_265 = tpu.memref_slice %arg4[%add3A_136, %dma_wait3A_264] : memref<164352x32xf32, #tpu.memory_space<hbm>> -> memref<1712x32xf32, #tpu.memory_space<hbm>>
    %dma_wait3A_266 = arith.constant 0 : i32
    %dma_wait3A_267 = tpu.memref_slice %arg4[%add3A_136, %dma_wait3A_266] : memref<164352x32xf32, #tpu.memory_space<hbm>> -> memref<1712x32xf32, #tpu.memory_space<hbm>>
    tpu.wait_dma2 semaphore(%arg11 : memref<!tpu.dma_semaphore, #tpu.memory_space<semaphore_mem>>) src(%arg9 : memref<1712x32xf32, #tpu.memory_space<vmem>>) dst(%dma_wait3A_267 : memref<1712x32xf32, #tpu.memory_space<hbm>>)
    %dma_start3A_268 = arith.constant 0 : i32
    %dma_start3A_269 = arith.constant 0 : i32
    %dma_start3A_270 = tpu.memref_slice %arg7[%dma_start3A_268, %dma_start3A_269] : memref<7x1712xi32, #tpu.memory_space<vmem>> -> memref<1x1712xi32, #tpu.memory_space<vmem>>
    %dma_start3A_271 = tpu.memref_squeeze %dma_start3A_270 : memref<1x1712xi32, #tpu.memory_space<vmem>> -> memref<1712xi32, #tpu.memory_space<vmem>>
    %dma_start3A_272 = arith.constant 0 : i32
    %dma_start3A_273 = arith.constant 0 : i32
    %dma_start3A_274 = tpu.memref_slice %arg2[%dma_start3A_272, %dma_start3A_273] : memref<1150464x32xf32, #tpu.memory_space<hbm>> -> memref<1150464x32xf32, #tpu.memory_space<hbm>>
    tpu.enqueue_indirect_dma source(%dma_start3A_274 : memref<1150464x32xf32, #tpu.memory_space<hbm>>) target(%arg9 : memref<1712x32xf32, #tpu.memory_space<vmem>>) offsets(%dma_start3A_271 : memref<1712xi32, #tpu.memory_space<vmem>>) semaphore(%arg10 : memref<!tpu.dma_semaphore, #tpu.memory_space<semaphore_mem>>)
    %dma_wait3A_275 = arith.constant 0 : i32
    %dma_wait3A_276 = arith.constant 0 : i32
    %dma_wait3A_277 = tpu.memref_slice %arg7[%dma_wait3A_275, %dma_wait3A_276] : memref<7x1712xi32, #tpu.memory_space<vmem>> -> memref<1x1712xi32, #tpu.memory_space<vmem>>
    %dma_wait3A_278 = tpu.memref_squeeze %dma_wait3A_277 : memref<1x1712xi32, #tpu.memory_space<vmem>> -> memref<1712xi32, #tpu.memory_space<vmem>>
    %dma_wait3A_279 = arith.constant 0 : i32
    %dma_wait3A_280 = arith.constant 0 : i32
    %dma_wait3A_281 = tpu.memref_slice %arg2[%dma_wait3A_279, %dma_wait3A_280] : memref<1150464x32xf32, #tpu.memory_space<hbm>> -> memref<1150464x32xf32, #tpu.memory_space<hbm>>
    tpu.wait_indirect_dma semaphore(%arg10 : memref<!tpu.dma_semaphore, #tpu.memory_space<semaphore_mem>>) src(%dma_wait3A_281 : memref<1150464x32xf32, #tpu.memory_space<hbm>>) dst(%arg9 : memref<1712x32xf32, #tpu.memory_space<vmem>>)
    %dma_start3A_282 = arith.constant 1 : i32
    %dma_start3A_283 = arith.constant 0 : i32
    %dma_start3A_284 = tpu.memref_slice %arg7[%dma_start3A_282, %dma_start3A_283] : memref<7x1712xi32, #tpu.memory_space<vmem>> -> memref<1x1712xi32, #tpu.memory_space<vmem>>
    %dma_start3A_285 = tpu.memref_squeeze %dma_start3A_284 : memref<1x1712xi32, #tpu.memory_space<vmem>> -> memref<1712xi32, #tpu.memory_space<vmem>>
    %dma_start3A_286 = arith.constant 0 : i32
    %dma_start3A_287 = arith.constant 0 : i32
    %dma_start3A_288 = tpu.memref_slice %arg2[%dma_start3A_286, %dma_start3A_287] : memref<1150464x32xf32, #tpu.memory_space<hbm>> -> memref<1150464x32xf32, #tpu.memory_space<hbm>>
    tpu.enqueue_indirect_dma source(%dma_start3A_288 : memref<1150464x32xf32, #tpu.memory_space<hbm>>) target(%arg9 : memref<1712x32xf32, #tpu.memory_space<vmem>>) offsets(%dma_start3A_285 : memref<1712xi32, #tpu.memory_space<vmem>>) semaphore(%arg10 : memref<!tpu.dma_semaphore, #tpu.memory_space<semaphore_mem>>) {add = true}
    %dma_start3A_289 = arith.constant 2 : i32
    %dma_start3A_290 = arith.constant 0 : i32
    %dma_start3A_291 = tpu.memref_slice %arg7[%dma_start3A_289, %dma_start3A_290] : memref<7x1712xi32, #tpu.memory_space<vmem>> -> memref<1x1712xi32, #tpu.memory_space<vmem>>
    %dma_start3A_292 = tpu.memref_squeeze %dma_start3A_291 : memref<1x1712xi32, #tpu.memory_space<vmem>> -> memref<1712xi32, #tpu.memory_space<vmem>>
    %dma_start3A_293 = arith.constant 0 : i32
    %dma_start3A_294 = arith.constant 0 : i32
    %dma_start3A_295 = tpu.memref_slice %arg2[%dma_start3A_293, %dma_start3A_294] : memref<1150464x32xf32, #tpu.memory_space<hbm>> -> memref<1150464x32xf32, #tpu.memory_space<hbm>>
    tpu.enqueue_indirect_dma source(%dma_start3A_295 : memref<1150464x32xf32, #tpu.memory_space<hbm>>) target(%arg9 : memref<1712x32xf32, #tpu.memory_space<vmem>>) offsets(%dma_start3A_292 : memref<1712xi32, #tpu.memory_space<vmem>>) semaphore(%arg10 : memref<!tpu.dma_semaphore, #tpu.memory_space<semaphore_mem>>) {add = true}
    %dma_start3A_296 = arith.constant 3 : i32
    %dma_start3A_297 = arith.constant 0 : i32
    %dma_start3A_298 = tpu.memref_slice %arg7[%dma_start3A_296, %dma_start3A_297] : memref<7x1712xi32, #tpu.memory_space<vmem>> -> memref<1x1712xi32, #tpu.memory_space<vmem>>
    %dma_start3A_299 = tpu.memref_squeeze %dma_start3A_298 : memref<1x1712xi32, #tpu.memory_space<vmem>> -> memref<1712xi32, #tpu.memory_space<vmem>>
    %dma_start3A_300 = arith.constant 0 : i32
    %dma_start3A_301 = arith.constant 0 : i32
    %dma_start3A_302 = tpu.memref_slice %arg2[%dma_start3A_300, %dma_start3A_301] : memref<1150464x32xf32, #tpu.memory_space<hbm>> -> memref<1150464x32xf32, #tpu.memory_space<hbm>>
    tpu.enqueue_indirect_dma source(%dma_start3A_302 : memref<1150464x32xf32, #tpu.memory_space<hbm>>) target(%arg9 : memref<1712x32xf32, #tpu.memory_space<vmem>>) offsets(%dma_start3A_299 : memref<1712xi32, #tpu.memory_space<vmem>>) semaphore(%arg10 : memref<!tpu.dma_semaphore, #tpu.memory_space<semaphore_mem>>) {add = true}
    %dma_start3A_303 = arith.constant 4 : i32
    %dma_start3A_304 = arith.constant 0 : i32
    %dma_start3A_305 = tpu.memref_slice %arg7[%dma_start3A_303, %dma_start3A_304] : memref<7x1712xi32, #tpu.memory_space<vmem>> -> memref<1x1712xi32, #tpu.memory_space<vmem>>
    %dma_start3A_306 = tpu.memref_squeeze %dma_start3A_305 : memref<1x1712xi32, #tpu.memory_space<vmem>> -> memref<1712xi32, #tpu.memory_space<vmem>>
    %dma_start3A_307 = arith.constant 0 : i32
    %dma_start3A_308 = arith.constant 0 : i32
    %dma_start3A_309 = tpu.memref_slice %arg2[%dma_start3A_307, %dma_start3A_308] : memref<1150464x32xf32, #tpu.memory_space<hbm>> -> memref<1150464x32xf32, #tpu.memory_space<hbm>>
    tpu.enqueue_indirect_dma source(%dma_start3A_309 : memref<1150464x32xf32, #tpu.memory_space<hbm>>) target(%arg9 : memref<1712x32xf32, #tpu.memory_space<vmem>>) offsets(%dma_start3A_306 : memref<1712xi32, #tpu.memory_space<vmem>>) semaphore(%arg10 : memref<!tpu.dma_semaphore, #tpu.memory_space<semaphore_mem>>) {add = true}
    %dma_start3A_310 = arith.constant 5 : i32
    %dma_start3A_311 = arith.constant 0 : i32
    %dma_start3A_312 = tpu.memref_slice %arg7[%dma_start3A_310, %dma_start3A_311] : memref<7x1712xi32, #tpu.memory_space<vmem>> -> memref<1x1712xi32, #tpu.memory_space<vmem>>
    %dma_start3A_313 = tpu.memref_squeeze %dma_start3A_312 : memref<1x1712xi32, #tpu.memory_space<vmem>> -> memref<1712xi32, #tpu.memory_space<vmem>>
    %dma_start3A_314 = arith.constant 0 : i32
    %dma_start3A_315 = arith.constant 0 : i32
    %dma_start3A_316 = tpu.memref_slice %arg2[%dma_start3A_314, %dma_start3A_315] : memref<1150464x32xf32, #tpu.memory_space<hbm>> -> memref<1150464x32xf32, #tpu.memory_space<hbm>>
    tpu.enqueue_indirect_dma source(%dma_start3A_316 : memref<1150464x32xf32, #tpu.memory_space<hbm>>) target(%arg9 : memref<1712x32xf32, #tpu.memory_space<vmem>>) offsets(%dma_start3A_313 : memref<1712xi32, #tpu.memory_space<vmem>>) semaphore(%arg10 : memref<!tpu.dma_semaphore, #tpu.memory_space<semaphore_mem>>) {add = true}
    %dma_start3A_317 = arith.constant 6 : i32
    %dma_start3A_318 = arith.constant 0 : i32
    %dma_start3A_319 = tpu.memref_slice %arg7[%dma_start3A_317, %dma_start3A_318] : memref<7x1712xi32, #tpu.memory_space<vmem>> -> memref<1x1712xi32, #tpu.memory_space<vmem>>
    %dma_start3A_320 = tpu.memref_squeeze %dma_start3A_319 : memref<1x1712xi32, #tpu.memory_space<vmem>> -> memref<1712xi32, #tpu.memory_space<vmem>>
    %dma_start3A_321 = arith.constant 0 : i32
    %dma_start3A_322 = arith.constant 0 : i32
    %dma_start3A_323 = tpu.memref_slice %arg2[%dma_start3A_321, %dma_start3A_322] : memref<1150464x32xf32, #tpu.memory_space<hbm>> -> memref<1150464x32xf32, #tpu.memory_space<hbm>>
    tpu.enqueue_indirect_dma source(%dma_start3A_323 : memref<1150464x32xf32, #tpu.memory_space<hbm>>) target(%arg9 : memref<1712x32xf32, #tpu.memory_space<vmem>>) offsets(%dma_start3A_320 : memref<1712xi32, #tpu.memory_space<vmem>>) semaphore(%arg10 : memref<!tpu.dma_semaphore, #tpu.memory_space<semaphore_mem>>) {add = true}
    %dma_wait3A_324 = arith.constant 1 : i32
    %dma_wait3A_325 = arith.constant 0 : i32
    %dma_wait3A_326 = tpu.memref_slice %arg7[%dma_wait3A_324, %dma_wait3A_325] : memref<7x1712xi32, #tpu.memory_space<vmem>> -> memref<1x1712xi32, #tpu.memory_space<vmem>>
    %dma_wait3A_327 = tpu.memref_squeeze %dma_wait3A_326 : memref<1x1712xi32, #tpu.memory_space<vmem>> -> memref<1712xi32, #tpu.memory_space<vmem>>
    %dma_wait3A_328 = arith.constant 0 : i32
    %dma_wait3A_329 = arith.constant 0 : i32
    %dma_wait3A_330 = tpu.memref_slice %arg2[%dma_wait3A_328, %dma_wait3A_329] : memref<1150464x32xf32, #tpu.memory_space<hbm>> -> memref<1150464x32xf32, #tpu.memory_space<hbm>>
    tpu.wait_indirect_dma semaphore(%arg10 : memref<!tpu.dma_semaphore, #tpu.memory_space<semaphore_mem>>) src(%dma_wait3A_330 : memref<1150464x32xf32, #tpu.memory_space<hbm>>) dst(%arg9 : memref<1712x32xf32, #tpu.memory_space<vmem>>)
    %dma_wait3A_331 = arith.constant 2 : i32
    %dma_wait3A_332 = arith.constant 0 : i32
    %dma_wait3A_333 = tpu.memref_slice %arg7[%dma_wait3A_331, %dma_wait3A_332] : memref<7x1712xi32, #tpu.memory_space<vmem>> -> memref<1x1712xi32, #tpu.memory_space<vmem>>
    %dma_wait3A_334 = tpu.memref_squeeze %dma_wait3A_333 : memref<1x1712xi32, #tpu.memory_space<vmem>> -> memref<1712xi32, #tpu.memory_space<vmem>>
    %dma_wait3A_335 = arith.constant 0 : i32
    %dma_wait3A_336 = arith.constant 0 : i32
    %dma_wait3A_337 = tpu.memref_slice %arg2[%dma_wait3A_335, %dma_wait3A_336] : memref<1150464x32xf32, #tpu.memory_space<hbm>> -> memref<1150464x32xf32, #tpu.memory_space<hbm>>
    tpu.wait_indirect_dma semaphore(%arg10 : memref<!tpu.dma_semaphore, #tpu.memory_space<semaphore_mem>>) src(%dma_wait3A_337 : memref<1150464x32xf32, #tpu.memory_space<hbm>>) dst(%arg9 : memref<1712x32xf32, #tpu.memory_space<vmem>>)
    %dma_wait3A_338 = arith.constant 3 : i32
    %dma_wait3A_339 = arith.constant 0 : i32
    %dma_wait3A_340 = tpu.memref_slice %arg7[%dma_wait3A_338, %dma_wait3A_339] : memref<7x1712xi32, #tpu.memory_space<vmem>> -> memref<1x1712xi32, #tpu.memory_space<vmem>>
    %dma_wait3A_341 = tpu.memref_squeeze %dma_wait3A_340 : memref<1x1712xi32, #tpu.memory_space<vmem>> -> memref<1712xi32, #tpu.memory_space<vmem>>
    %dma_wait3A_342 = arith.constant 0 : i32
    %dma_wait3A_343 = arith.constant 0 : i32
    %dma_wait3A_344 = tpu.memref_slice %arg2[%dma_wait3A_342, %dma_wait3A_343] : memref<1150464x32xf32, #tpu.memory_space<hbm>> -> memref<1150464x32xf32, #tpu.memory_space<hbm>>
    tpu.wait_indirect_dma semaphore(%arg10 : memref<!tpu.dma_semaphore, #tpu.memory_space<semaphore_mem>>) src(%dma_wait3A_344 : memref<1150464x32xf32, #tpu.memory_space<hbm>>) dst(%arg9 : memref<1712x32xf32, #tpu.memory_space<vmem>>)
    %dma_wait3A_345 = arith.constant 4 : i32
    %dma_wait3A_346 = arith.constant 0 : i32
    %dma_wait3A_347 = tpu.memref_slice %arg7[%dma_wait3A_345, %dma_wait3A_346] : memref<7x1712xi32, #tpu.memory_space<vmem>> -> memref<1x1712xi32, #tpu.memory_space<vmem>>
    %dma_wait3A_348 = tpu.memref_squeeze %dma_wait3A_347 : memref<1x1712xi32, #tpu.memory_space<vmem>> -> memref<1712xi32, #tpu.memory_space<vmem>>
    %dma_wait3A_349 = arith.constant 0 : i32
    %dma_wait3A_350 = arith.constant 0 : i32
    %dma_wait3A_351 = tpu.memref_slice %arg2[%dma_wait3A_349, %dma_wait3A_350] : memref<1150464x32xf32, #tpu.memory_space<hbm>> -> memref<1150464x32xf32, #tpu.memory_space<hbm>>
    tpu.wait_indirect_dma semaphore(%arg10 : memref<!tpu.dma_semaphore, #tpu.memory_space<semaphore_mem>>) src(%dma_wait3A_351 : memref<1150464x32xf32, #tpu.memory_space<hbm>>) dst(%arg9 : memref<1712x32xf32, #tpu.memory_space<vmem>>)
    %dma_wait3A_352 = arith.constant 5 : i32
    %dma_wait3A_353 = arith.constant 0 : i32
    %dma_wait3A_354 = tpu.memref_slice %arg7[%dma_wait3A_352, %dma_wait3A_353] : memref<7x1712xi32, #tpu.memory_space<vmem>> -> memref<1x1712xi32, #tpu.memory_space<vmem>>
    %dma_wait3A_355 = tpu.memref_squeeze %dma_wait3A_354 : memref<1x1712xi32, #tpu.memory_space<vmem>> -> memref<1712xi32, #tpu.memory_space<vmem>>
    %dma_wait3A_356 = arith.constant 0 : i32
    %dma_wait3A_357 = arith.constant 0 : i32
    %dma_wait3A_358 = tpu.memref_slice %arg2[%dma_wait3A_356, %dma_wait3A_357] : memref<1150464x32xf32, #tpu.memory_space<hbm>> -> memref<1150464x32xf32, #tpu.memory_space<hbm>>
    tpu.wait_indirect_dma semaphore(%arg10 : memref<!tpu.dma_semaphore, #tpu.memory_space<semaphore_mem>>) src(%dma_wait3A_358 : memref<1150464x32xf32, #tpu.memory_space<hbm>>) dst(%arg9 : memref<1712x32xf32, #tpu.memory_space<vmem>>)
    %dma_wait3A_359 = arith.constant 6 : i32
    %dma_wait3A_360 = arith.constant 0 : i32
    %dma_wait3A_361 = tpu.memref_slice %arg7[%dma_wait3A_359, %dma_wait3A_360] : memref<7x1712xi32, #tpu.memory_space<vmem>> -> memref<1x1712xi32, #tpu.memory_space<vmem>>
    %dma_wait3A_362 = tpu.memref_squeeze %dma_wait3A_361 : memref<1x1712xi32, #tpu.memory_space<vmem>> -> memref<1712xi32, #tpu.memory_space<vmem>>
    %dma_wait3A_363 = arith.constant 0 : i32
    %dma_wait3A_364 = arith.constant 0 : i32
    %dma_wait3A_365 = tpu.memref_slice %arg2[%dma_wait3A_363, %dma_wait3A_364] : memref<1150464x32xf32, #tpu.memory_space<hbm>> -> memref<1150464x32xf32, #tpu.memory_space<hbm>>
    tpu.wait_indirect_dma semaphore(%arg10 : memref<!tpu.dma_semaphore, #tpu.memory_space<semaphore_mem>>) src(%dma_wait3A_365 : memref<1150464x32xf32, #tpu.memory_space<hbm>>) dst(%arg9 : memref<1712x32xf32, #tpu.memory_space<vmem>>)
    "tpu.region"() ({
      %run_scoped3A = tpu.sem_alloc : memref<!tpu.dma_semaphore, #tpu.memory_space<semaphore_mem>>
      %dma_start3A_366 = arith.constant 0 : i32
      %dma_start3A_367 = tpu.memref_slice %arg4[%add3A_263, %dma_start3A_366] : memref<164352x32xf32, #tpu.memory_space<hbm>> -> memref<1712x32xf32, #tpu.memory_space<hbm>>
      %dma_start3A_368 = arith.constant 0 : i32
      %dma_start3A_369 = tpu.memref_slice %arg4[%add3A_263, %dma_start3A_368] : memref<164352x32xf32, #tpu.memory_space<hbm>> -> memref<1712x32xf32, #tpu.memory_space<hbm>>
      tpu.enqueue_dma source(%arg9 : memref<1712x32xf32, #tpu.memory_space<vmem>>) target(%dma_start3A_369 : memref<1712x32xf32, #tpu.memory_space<hbm>>) target_semaphore(%run_scoped3A : memref<!tpu.dma_semaphore, #tpu.memory_space<semaphore_mem>>)
      %dma_wait3A_370 = arith.constant 0 : i32
      %dma_wait3A_371 = tpu.memref_slice %arg4[%add3A_263, %dma_wait3A_370] : memref<164352x32xf32, #tpu.memory_space<hbm>> -> memref<1712x32xf32, #tpu.memory_space<hbm>>
      %dma_wait3A_372 = arith.constant 0 : i32
      %dma_wait3A_373 = tpu.memref_slice %arg4[%add3A_263, %dma_wait3A_372] : memref<164352x32xf32, #tpu.memory_space<hbm>> -> memref<1712x32xf32, #tpu.memory_space<hbm>>
      tpu.wait_dma2 semaphore(%run_scoped3A : memref<!tpu.dma_semaphore, #tpu.memory_space<semaphore_mem>>) src(%arg9 : memref<1712x32xf32, #tpu.memory_space<vmem>>) dst(%dma_wait3A_373 : memref<1712x32xf32, #tpu.memory_space<hbm>>)
      tpu.yield
    }) : () -> ()
    return
  }
}

#map = affine_map<(d0, d1) -> (0, 0)>
module attributes {stable_mosaic.version = 14 : i64} {
  func.func @finalize(%arg0: i32, %arg1: i32, %arg2: memref<164352x32xf32, #tpu.memory_space<hbm>>, %arg3: memref<2x32xf32, #tpu.memory_space<hbm>>, %arg4: memref<163842x32xf32, #tpu.memory_space<hbm>>, %arg5: memref<2x32xf32, #tpu.memory_space<vmem>>, %arg6: memref<1712x32xf32, #tpu.memory_space<vmem>>, %arg7: memref<!tpu.dma_semaphore, #tpu.memory_space<semaphore_mem>>) attributes {dimension_semantics = [#tpu.dimension_semantics<core_parallel>, #tpu.dimension_semantics<subcore_parallel>], iteration_bounds = array<i64: 2, 16>, scalar_prefetch = 0 : i64, scratch_operands = 3 : i64, tpu.core_type = #tpu.core_type<sc_vector_subcore>, window_params = [{transform_indices = #map}, {transform_indices = #map}, {transform_indices = #map}]} {
    %mul3A = arith.constant 2 : i32
    %mul3A_0 = arith.muli %arg1, %mul3A : i32
    %add3A = arith.addi %mul3A_0, %arg0 : i32
    "tpu.region"() ({
      %run_scoped3A = tpu.sem_alloc : memref<!tpu.dma_semaphore, #tpu.memory_space<semaphore_mem>>
      tpu.enqueue_dma source(%arg3 : memref<2x32xf32, #tpu.memory_space<hbm>>) target(%arg5 : memref<2x32xf32, #tpu.memory_space<vmem>>) target_semaphore(%run_scoped3A : memref<!tpu.dma_semaphore, #tpu.memory_space<semaphore_mem>>)
      tpu.wait_dma2 semaphore(%run_scoped3A : memref<!tpu.dma_semaphore, #tpu.memory_space<semaphore_mem>>) src(%arg3 : memref<2x32xf32, #tpu.memory_space<hbm>>) dst(%arg5 : memref<2x32xf32, #tpu.memory_space<vmem>>)
      tpu.yield
    }) : () -> ()
    %get3A = arith.constant 0 : i32
    %get3A_1 = arith.index_cast %get3A : i32 to index
    %get3A_2 = arith.constant 0 : index
    %get3A_3 = tpu.vector_load %arg5[%get3A_1, %get3A_2] {strides = array<i32>} : memref<2x32xf32, #tpu.memory_space<vmem>>, vector<16xf32>,
    %get3A_4 = arith.constant 0 : i32
    %get3A_5 = arith.index_cast %get3A_4 : i32 to index
    %get3A_6 = arith.constant 16 : index
    %get3A_7 = tpu.vector_load %arg5[%get3A_5, %get3A_6] {strides = array<i32>} : memref<2x32xf32, #tpu.memory_space<vmem>>, vector<16xf32>,
    %get3A_8 = arith.constant 1 : i32
    %get3A_9 = arith.index_cast %get3A_8 : i32 to index
    %get3A_10 = arith.constant 0 : index
    %get3A_11 = tpu.vector_load %arg5[%get3A_9, %get3A_10] {strides = array<i32>} : memref<2x32xf32, #tpu.memory_space<vmem>>, vector<16xf32>,
    %get3A_12 = arith.constant 1 : i32
    %get3A_13 = arith.index_cast %get3A_12 : i32 to index
    %get3A_14 = arith.constant 16 : index
    %get3A_15 = tpu.vector_load %arg5[%get3A_13, %get3A_14] {strides = array<i32>} : memref<2x32xf32, #tpu.memory_space<vmem>>, vector<16xf32>,
    %scan3A = arith.constant 0 : i32
    %scan3A_16 = arith.constant 0 : i32
    %scan3A_17 = arith.constant 3 : i32
    %scan3A_18 = arith.addi %scan3A_16, %scan3A_17 : i32
    %scan3A_19 = arith.constant 1 : i32
    %scan3A_20 = scf.for %scan3A_22 = %scan3A_16 to %scan3A_18 step %scan3A_19 iter_args(%scan3A_23 = %scan3A) -> (i32)  : i32 {
      %mul3A_24 = arith.constant 5136 : i32
      %mul3A_25 = arith.muli %add3A, %mul3A_24 : i32
      %mul3A_26 = arith.constant 1712 : i32
      %mul3A_27 = arith.muli %scan3A_22, %mul3A_26 : i32
      %add3A_28 = arith.addi %mul3A_25, %mul3A_27 : i32
      "tpu.region"() ({
        %run_scoped3A = tpu.sem_alloc : memref<!tpu.dma_semaphore, #tpu.memory_space<semaphore_mem>>
        %dma_start3A = arith.constant 0 : i32
        %dma_start3A_47 = tpu.memref_slice %arg2[%add3A_28, %dma_start3A] : memref<164352x32xf32, #tpu.memory_space<hbm>> -> memref<1712x32xf32, #tpu.memory_space<hbm>>
        %dma_start3A_48 = arith.constant 0 : i32
        %dma_start3A_49 = tpu.memref_slice %arg2[%add3A_28, %dma_start3A_48] : memref<164352x32xf32, #tpu.memory_space<hbm>> -> memref<1712x32xf32, #tpu.memory_space<hbm>>
        tpu.enqueue_dma source(%dma_start3A_49 : memref<1712x32xf32, #tpu.memory_space<hbm>>) target(%arg6 : memref<1712x32xf32, #tpu.memory_space<vmem>>) target_semaphore(%run_scoped3A : memref<!tpu.dma_semaphore, #tpu.memory_space<semaphore_mem>>)
        %dma_wait3A = arith.constant 0 : i32
        %dma_wait3A_50 = tpu.memref_slice %arg2[%add3A_28, %dma_wait3A] : memref<164352x32xf32, #tpu.memory_space<hbm>> -> memref<1712x32xf32, #tpu.memory_space<hbm>>
        %dma_wait3A_51 = arith.constant 0 : i32
        %dma_wait3A_52 = tpu.memref_slice %arg2[%add3A_28, %dma_wait3A_51] : memref<164352x32xf32, #tpu.memory_space<hbm>> -> memref<1712x32xf32, #tpu.memory_space<hbm>>
        tpu.wait_dma2 semaphore(%run_scoped3A : memref<!tpu.dma_semaphore, #tpu.memory_space<semaphore_mem>>) src(%dma_wait3A_52 : memref<1712x32xf32, #tpu.memory_space<hbm>>) dst(%arg6 : memref<1712x32xf32, #tpu.memory_space<vmem>>)
        tpu.yield
      }) : () -> ()
      %scan3A_29 = arith.constant 0 : i32
      %scan3A_30 = arith.constant 0 : i32
      %scan3A_31 = arith.constant 428 : i32
      %scan3A_32 = arith.addi %scan3A_30, %scan3A_31 : i32
      %scan3A_33 = arith.constant 1 : i32
      %scan3A_34 = scf.for %scan3A_47 = %scan3A_30 to %scan3A_32 step %scan3A_33 iter_args(%scan3A_48 = %scan3A_29) -> (i32)  : i32 {
        %mul3A_49 = arith.constant 4 : i32
        %mul3A_50 = arith.muli %scan3A_47, %mul3A_49 : i32
        %add3A_51 = arith.constant 0 : i32
        %add3A_52 = arith.addi %mul3A_50, %add3A_51 : i32
        %get3A_53 = arith.index_cast %add3A_52 : i32 to index
        %get3A_54 = arith.constant 0 : index
        %get3A_55 = tpu.vector_load %arg6[%get3A_53, %get3A_54] {strides = array<i32>} : memref<1712x32xf32, #tpu.memory_space<vmem>>, vector<16xf32>,
        %mul3A_56 = arith.mulf %get3A_55, %get3A_3 : vector<16xf32>
        %add3A_57 = arith.addf %mul3A_56, %get3A_11 : vector<16xf32>
        %mul3A_58 = arith.constant 2.000000e-01 : f32
        %mul3A_59 = vector.broadcast %mul3A_58 : f32 to vector<16xf32>
        %mul3A_60 = arith.mulf %mul3A_59, %add3A_57 : vector<16xf32>
        %max3A = arith.maximumf %add3A_57, %mul3A_60 : vector<16xf32>
        %swap3A = arith.index_cast %add3A_52 : i32 to index
        %swap3A_61 = arith.constant 0 : index
        %swap3A_62 = tpu.vector_load %arg6[%swap3A, %swap3A_61] {strides = array<i32>} : memref<1712x32xf32, #tpu.memory_space<vmem>>, vector<16xf32>,
        tpu.vector_store %arg6[%swap3A, %swap3A_61], %max3A {strides = array<i32>} : memref<1712x32xf32, #tpu.memory_space<vmem>>, vector<16xf32>,
        %get3A_63 = arith.index_cast %add3A_52 : i32 to index
        %get3A_64 = arith.constant 16 : index
        %get3A_65 = tpu.vector_load %arg6[%get3A_63, %get3A_64] {strides = array<i32>} : memref<1712x32xf32, #tpu.memory_space<vmem>>, vector<16xf32>,
        %mul3A_66 = arith.mulf %get3A_65, %get3A_7 : vector<16xf32>
        %add3A_67 = arith.addf %mul3A_66, %get3A_15 : vector<16xf32>
        %mul3A_68 = arith.constant 2.000000e-01 : f32
        %mul3A_69 = vector.broadcast %mul3A_68 : f32 to vector<16xf32>
        %mul3A_70 = arith.mulf %mul3A_69, %add3A_67 : vector<16xf32>
        %max3A_71 = arith.maximumf %add3A_67, %mul3A_70 : vector<16xf32>
        %swap3A_72 = arith.index_cast %add3A_52 : i32 to index
        %swap3A_73 = arith.constant 16 : index
        %swap3A_74 = tpu.vector_load %arg6[%swap3A_72, %swap3A_73] {strides = array<i32>} : memref<1712x32xf32, #tpu.memory_space<vmem>>, vector<16xf32>,
        tpu.vector_store %arg6[%swap3A_72, %swap3A_73], %max3A_71 {strides = array<i32>} : memref<1712x32xf32, #tpu.memory_space<vmem>>, vector<16xf32>,
        %mul3A_75 = arith.constant 4 : i32
        %mul3A_76 = arith.muli %scan3A_47, %mul3A_75 : i32
        %add3A_77 = arith.constant 1 : i32
        %add3A_78 = arith.addi %mul3A_76, %add3A_77 : i32
        %get3A_79 = arith.index_cast %add3A_78 : i32 to index
        %get3A_80 = arith.constant 0 : index
        %get3A_81 = tpu.vector_load %arg6[%get3A_79, %get3A_80] {strides = array<i32>} : memref<1712x32xf32, #tpu.memory_space<vmem>>, vector<16xf32>,
        %mul3A_82 = arith.mulf %get3A_81, %get3A_3 : vector<16xf32>
        %add3A_83 = arith.addf %mul3A_82, %get3A_11 : vector<16xf32>
        %mul3A_84 = arith.constant 2.000000e-01 : f32
        %mul3A_85 = vector.broadcast %mul3A_84 : f32 to vector<16xf32>
        %mul3A_86 = arith.mulf %mul3A_85, %add3A_83 : vector<16xf32>
        %max3A_87 = arith.maximumf %add3A_83, %mul3A_86 : vector<16xf32>
        %swap3A_88 = arith.index_cast %add3A_78 : i32 to index
        %swap3A_89 = arith.constant 0 : index
        %swap3A_90 = tpu.vector_load %arg6[%swap3A_88, %swap3A_89] {strides = array<i32>} : memref<1712x32xf32, #tpu.memory_space<vmem>>, vector<16xf32>,
        tpu.vector_store %arg6[%swap3A_88, %swap3A_89], %max3A_87 {strides = array<i32>} : memref<1712x32xf32, #tpu.memory_space<vmem>>, vector<16xf32>,
        %get3A_91 = arith.index_cast %add3A_78 : i32 to index
        %get3A_92 = arith.constant 16 : index
        %get3A_93 = tpu.vector_load %arg6[%get3A_91, %get3A_92] {strides = array<i32>} : memref<1712x32xf32, #tpu.memory_space<vmem>>, vector<16xf32>,
        %mul3A_94 = arith.mulf %get3A_93, %get3A_7 : vector<16xf32>
        %add3A_95 = arith.addf %mul3A_94, %get3A_15 : vector<16xf32>
        %mul3A_96 = arith.constant 2.000000e-01 : f32
        %mul3A_97 = vector.broadcast %mul3A_96 : f32 to vector<16xf32>
        %mul3A_98 = arith.mulf %mul3A_97, %add3A_95 : vector<16xf32>
        %max3A_99 = arith.maximumf %add3A_95, %mul3A_98 : vector<16xf32>
        %swap3A_100 = arith.index_cast %add3A_78 : i32 to index
        %swap3A_101 = arith.constant 16 : index
        %swap3A_102 = tpu.vector_load %arg6[%swap3A_100, %swap3A_101] {strides = array<i32>} : memref<1712x32xf32, #tpu.memory_space<vmem>>, vector<16xf32>,
        tpu.vector_store %arg6[%swap3A_100, %swap3A_101], %max3A_99 {strides = array<i32>} : memref<1712x32xf32, #tpu.memory_space<vmem>>, vector<16xf32>,
        %mul3A_103 = arith.constant 4 : i32
        %mul3A_104 = arith.muli %scan3A_47, %mul3A_103 : i32
        %add3A_105 = arith.constant 2 : i32
        %add3A_106 = arith.addi %mul3A_104, %add3A_105 : i32
        %get3A_107 = arith.index_cast %add3A_106 : i32 to index
        %get3A_108 = arith.constant 0 : index
        %get3A_109 = tpu.vector_load %arg6[%get3A_107, %get3A_108] {strides = array<i32>} : memref<1712x32xf32, #tpu.memory_space<vmem>>, vector<16xf32>,
        %mul3A_110 = arith.mulf %get3A_109, %get3A_3 : vector<16xf32>
        %add3A_111 = arith.addf %mul3A_110, %get3A_11 : vector<16xf32>
        %mul3A_112 = arith.constant 2.000000e-01 : f32
        %mul3A_113 = vector.broadcast %mul3A_112 : f32 to vector<16xf32>
        %mul3A_114 = arith.mulf %mul3A_113, %add3A_111 : vector<16xf32>
        %max3A_115 = arith.maximumf %add3A_111, %mul3A_114 : vector<16xf32>
        %swap3A_116 = arith.index_cast %add3A_106 : i32 to index
        %swap3A_117 = arith.constant 0 : index
        %swap3A_118 = tpu.vector_load %arg6[%swap3A_116, %swap3A_117] {strides = array<i32>} : memref<1712x32xf32, #tpu.memory_space<vmem>>, vector<16xf32>,
        tpu.vector_store %arg6[%swap3A_116, %swap3A_117], %max3A_115 {strides = array<i32>} : memref<1712x32xf32, #tpu.memory_space<vmem>>, vector<16xf32>,
        %get3A_119 = arith.index_cast %add3A_106 : i32 to index
        %get3A_120 = arith.constant 16 : index
        %get3A_121 = tpu.vector_load %arg6[%get3A_119, %get3A_120] {strides = array<i32>} : memref<1712x32xf32, #tpu.memory_space<vmem>>, vector<16xf32>,
        %mul3A_122 = arith.mulf %get3A_121, %get3A_7 : vector<16xf32>
        %add3A_123 = arith.addf %mul3A_122, %get3A_15 : vector<16xf32>
        %mul3A_124 = arith.constant 2.000000e-01 : f32
        %mul3A_125 = vector.broadcast %mul3A_124 : f32 to vector<16xf32>
        %mul3A_126 = arith.mulf %mul3A_125, %add3A_123 : vector<16xf32>
        %max3A_127 = arith.maximumf %add3A_123, %mul3A_126 : vector<16xf32>
        %swap3A_128 = arith.index_cast %add3A_106 : i32 to index
        %swap3A_129 = arith.constant 16 : index
        %swap3A_130 = tpu.vector_load %arg6[%swap3A_128, %swap3A_129] {strides = array<i32>} : memref<1712x32xf32, #tpu.memory_space<vmem>>, vector<16xf32>,
        tpu.vector_store %arg6[%swap3A_128, %swap3A_129], %max3A_127 {strides = array<i32>} : memref<1712x32xf32, #tpu.memory_space<vmem>>, vector<16xf32>,
        %mul3A_131 = arith.constant 4 : i32
        %mul3A_132 = arith.muli %scan3A_47, %mul3A_131 : i32
        %add3A_133 = arith.constant 3 : i32
        %add3A_134 = arith.addi %mul3A_132, %add3A_133 : i32
        %get3A_135 = arith.index_cast %add3A_134 : i32 to index
        %get3A_136 = arith.constant 0 : index
        %get3A_137 = tpu.vector_load %arg6[%get3A_135, %get3A_136] {strides = array<i32>} : memref<1712x32xf32, #tpu.memory_space<vmem>>, vector<16xf32>,
        %mul3A_138 = arith.mulf %get3A_137, %get3A_3 : vector<16xf32>
        %add3A_139 = arith.addf %mul3A_138, %get3A_11 : vector<16xf32>
        %mul3A_140 = arith.constant 2.000000e-01 : f32
        %mul3A_141 = vector.broadcast %mul3A_140 : f32 to vector<16xf32>
        %mul3A_142 = arith.mulf %mul3A_141, %add3A_139 : vector<16xf32>
        %max3A_143 = arith.maximumf %add3A_139, %mul3A_142 : vector<16xf32>
        %swap3A_144 = arith.index_cast %add3A_134 : i32 to index
        %swap3A_145 = arith.constant 0 : index
        %swap3A_146 = tpu.vector_load %arg6[%swap3A_144, %swap3A_145] {strides = array<i32>} : memref<1712x32xf32, #tpu.memory_space<vmem>>, vector<16xf32>,
        tpu.vector_store %arg6[%swap3A_144, %swap3A_145], %max3A_143 {strides = array<i32>} : memref<1712x32xf32, #tpu.memory_space<vmem>>, vector<16xf32>,
        %get3A_147 = arith.index_cast %add3A_134 : i32 to index
        %get3A_148 = arith.constant 16 : index
        %get3A_149 = tpu.vector_load %arg6[%get3A_147, %get3A_148] {strides = array<i32>} : memref<1712x32xf32, #tpu.memory_space<vmem>>, vector<16xf32>,
        %mul3A_150 = arith.mulf %get3A_149, %get3A_7 : vector<16xf32>
        %add3A_151 = arith.addf %mul3A_150, %get3A_15 : vector<16xf32>
        %mul3A_152 = arith.constant 2.000000e-01 : f32
        %mul3A_153 = vector.broadcast %mul3A_152 : f32 to vector<16xf32>
        %mul3A_154 = arith.mulf %mul3A_153, %add3A_151 : vector<16xf32>
        %max3A_155 = arith.maximumf %add3A_151, %mul3A_154 : vector<16xf32>
        %swap3A_156 = arith.index_cast %add3A_134 : i32 to index
        %swap3A_157 = arith.constant 16 : index
        %swap3A_158 = tpu.vector_load %arg6[%swap3A_156, %swap3A_157] {strides = array<i32>} : memref<1712x32xf32, #tpu.memory_space<vmem>>, vector<16xf32>,
        tpu.vector_store %arg6[%swap3A_156, %swap3A_157], %max3A_155 {strides = array<i32>} : memref<1712x32xf32, #tpu.memory_space<vmem>>, vector<16xf32>,
        %scan3A_159 = arith.constant 0 : i32
        scf.yield %scan3A_159 : i32
      }
      %scan3A_35 = arith.constant 428 : i32
      %add3A_36 = arith.constant 1712 : i32
      %add3A_37 = arith.addi %add3A_28, %add3A_36 : i32
      %le3A = arith.constant 163842 : i32
      %le3A_38 = arith.cmpi sle, %add3A_37, %le3A : i32
      %convert_element_type3A = arith.extui %le3A_38 : i1 to i32
      %cond3A = arith.constant 0 : i32
      %cond3A_39 = arith.cmpi ne, %convert_element_type3A, %cond3A : i32
      scf.if %cond3A_39 {
        "tpu.region"() ({
          %run_scoped3A = tpu.sem_alloc : memref<!tpu.dma_semaphore, #tpu.memory_space<semaphore_mem>>
          %dma_start3A = arith.constant 0 : i32
          %dma_start3A_47 = tpu.memref_slice %arg4[%add3A_28, %dma_start3A] : memref<163842x32xf32, #tpu.memory_space<hbm>> -> memref<1712x32xf32, #tpu.memory_space<hbm>>
          %dma_start3A_48 = arith.constant 0 : i32
          %dma_start3A_49 = tpu.memref_slice %arg4[%add3A_28, %dma_start3A_48] : memref<163842x32xf32, #tpu.memory_space<hbm>> -> memref<1712x32xf32, #tpu.memory_space<hbm>>
          tpu.enqueue_dma source(%arg6 : memref<1712x32xf32, #tpu.memory_space<vmem>>) target(%dma_start3A_49 : memref<1712x32xf32, #tpu.memory_space<hbm>>) target_semaphore(%run_scoped3A : memref<!tpu.dma_semaphore, #tpu.memory_space<semaphore_mem>>)
          %dma_wait3A = arith.constant 0 : i32
          %dma_wait3A_50 = tpu.memref_slice %arg4[%add3A_28, %dma_wait3A] : memref<163842x32xf32, #tpu.memory_space<hbm>> -> memref<1712x32xf32, #tpu.memory_space<hbm>>
          %dma_wait3A_51 = arith.constant 0 : i32
          %dma_wait3A_52 = tpu.memref_slice %arg4[%add3A_28, %dma_wait3A_51] : memref<163842x32xf32, #tpu.memory_space<hbm>> -> memref<1712x32xf32, #tpu.memory_space<hbm>>
          tpu.wait_dma2 semaphore(%run_scoped3A : memref<!tpu.dma_semaphore, #tpu.memory_space<semaphore_mem>>) src(%arg6 : memref<1712x32xf32, #tpu.memory_space<vmem>>) dst(%dma_wait3A_52 : memref<1712x32xf32, #tpu.memory_space<hbm>>)
          tpu.yield
        }) : () -> ()
      } else {
      }
      %add3A_40 = arith.constant 1712 : i32
      %add3A_41 = arith.addi %add3A_28, %add3A_40 : i32
      %gt3A = arith.constant 163842 : i32
      %gt3A_42 = arith.cmpi sgt, %add3A_41, %gt3A : i32
      %convert_element_type3A_43 = arith.extui %gt3A_42 : i1 to i32
      %cond3A_44 = arith.constant 0 : i32
      %cond3A_45 = arith.cmpi ne, %convert_element_type3A_43, %cond3A_44 : i32
      scf.if %cond3A_45 {
        "tpu.region"() ({
          %run_scoped3A = tpu.sem_alloc : memref<!tpu.dma_semaphore, #tpu.memory_space<semaphore_mem>>
          %dma_start3A = arith.constant 0 : i32
          %dma_start3A_47 = arith.constant 0 : i32
          %dma_start3A_48 = tpu.memref_slice %arg6[%dma_start3A, %dma_start3A_47] : memref<1712x32xf32, #tpu.memory_space<vmem>> -> memref<1202x32xf32, #tpu.memory_space<vmem>>
          %dma_start3A_49 = arith.constant 162640 : i32
          %dma_start3A_50 = arith.constant 0 : i32
          %dma_start3A_51 = tpu.memref_slice %arg4[%dma_start3A_49, %dma_start3A_50] : memref<163842x32xf32, #tpu.memory_space<hbm>> -> memref<1202x32xf32, #tpu.memory_space<hbm>>
          %dma_start3A_52 = arith.constant 162640 : i32
          %dma_start3A_53 = arith.constant 0 : i32
          %dma_start3A_54 = tpu.memref_slice %arg4[%dma_start3A_52, %dma_start3A_53] : memref<163842x32xf32, #tpu.memory_space<hbm>> -> memref<1202x32xf32, #tpu.memory_space<hbm>>
          %dma_start3A_55 = arith.constant 0 : i32
          %dma_start3A_56 = arith.constant 0 : i32
          %dma_start3A_57 = tpu.memref_slice %arg6[%dma_start3A_55, %dma_start3A_56] : memref<1712x32xf32, #tpu.memory_space<vmem>> -> memref<1202x32xf32, #tpu.memory_space<vmem>>
          tpu.enqueue_dma source(%dma_start3A_57 : memref<1202x32xf32, #tpu.memory_space<vmem>>) target(%dma_start3A_54 : memref<1202x32xf32, #tpu.memory_space<hbm>>) target_semaphore(%run_scoped3A : memref<!tpu.dma_semaphore, #tpu.memory_space<semaphore_mem>>)
          %dma_wait3A = arith.constant 0 : i32
          %dma_wait3A_58 = arith.constant 0 : i32
          %dma_wait3A_59 = tpu.memref_slice %arg6[%dma_wait3A, %dma_wait3A_58] : memref<1712x32xf32, #tpu.memory_space<vmem>> -> memref<1202x32xf32, #tpu.memory_space<vmem>>
          %dma_wait3A_60 = arith.constant 162640 : i32
          %dma_wait3A_61 = arith.constant 0 : i32
          %dma_wait3A_62 = tpu.memref_slice %arg4[%dma_wait3A_60, %dma_wait3A_61] : memref<163842x32xf32, #tpu.memory_space<hbm>> -> memref<1202x32xf32, #tpu.memory_space<hbm>>
          %dma_wait3A_63 = arith.constant 162640 : i32
          %dma_wait3A_64 = arith.constant 0 : i32
          %dma_wait3A_65 = tpu.memref_slice %arg4[%dma_wait3A_63, %dma_wait3A_64] : memref<163842x32xf32, #tpu.memory_space<hbm>> -> memref<1202x32xf32, #tpu.memory_space<hbm>>
          %dma_wait3A_66 = arith.constant 0 : i32
          %dma_wait3A_67 = arith.constant 0 : i32
          %dma_wait3A_68 = tpu.memref_slice %arg6[%dma_wait3A_66, %dma_wait3A_67] : memref<1712x32xf32, #tpu.memory_space<vmem>> -> memref<1202x32xf32, #tpu.memory_space<vmem>>
          tpu.wait_dma2 semaphore(%run_scoped3A : memref<!tpu.dma_semaphore, #tpu.memory_space<semaphore_mem>>) src(%dma_wait3A_68 : memref<1202x32xf32, #tpu.memory_space<vmem>>) dst(%dma_wait3A_65 : memref<1202x32xf32, #tpu.memory_space<hbm>>)
          tpu.yield
        }) : () -> ()
      } else {
      }
      %scan3A_46 = arith.constant 0 : i32
      scf.yield %scan3A_46 : i32
    }
    %scan3A_21 = arith.constant 3 : i32
    return
  }
}

module attributes {stable_mosaic.version = 14 : i64} {
  func.func @_upconv_body(%arg0: i32, %arg1: memref<1024x256xf32, #tpu.memory_space<vmem>>, %arg2: memref<7x256x128xf32, #tpu.memory_space<vmem>>, %arg3: memref<7x128xf32, #tpu.memory_space<vmem>>, %arg4: memref<256x448xf32, #tpu.memory_space<vmem>>, %arg5: memref<1x448xf32, #tpu.memory_space<vmem>>, %arg6: memref<7x1024x128xf32, #tpu.memory_space<vmem>>, %arg7: memref<1024x448xf32, #tpu.memory_space<vmem>>) attributes {dimension_semantics = [#tpu.dimension_semantics<arbitrary>], iteration_bounds = array<i64: 11>, scalar_prefetch = 0 : i64, scratch_operands = 0 : i64, tpu.core_type = #tpu.core_type<tc>, window_params = [{transform_indices = @transform_0, window_bounds = array<i64: 1024, 256>}, {pipeline_mode = #tpu.pipeline_mode<synchronous>, transform_indices = @transform_1, window_bounds = array<i64: 7, 256, 128>}, {pipeline_mode = #tpu.pipeline_mode<synchronous>, transform_indices = @transform_2, window_bounds = array<i64: 7, 128>}, {pipeline_mode = #tpu.pipeline_mode<synchronous>, transform_indices = @transform_3, window_bounds = array<i64: 256, 448>}, {pipeline_mode = #tpu.pipeline_mode<synchronous>, transform_indices = @transform_4, window_bounds = array<i64: 1, 448>}, {transform_indices = @transform_5, window_bounds = array<i64: 7, 1024, 128>}, {transform_indices = @transform_6, window_bounds = array<i64: 1024, 448>}]} {
    %get3A = arith.constant 0 : index
    %get3A_0 = arith.constant 0 : index
    %get3A_1 = vector.load %arg1[%get3A, %get3A_0] : memref<1024x256xf32, #tpu.memory_space<vmem>>, vector<1024x256xf32>
    %get3A_2 = arith.constant 0 : index
    %get3A_3 = arith.constant 0 : index
    %get3A_4 = arith.constant 0 : index
    %get3A_5 = vector.load %arg2[%get3A_2, %get3A_3, %get3A_4] : memref<7x256x128xf32, #tpu.memory_space<vmem>>, vector<1x256x128xf32>
    %get3A_6 = vector.shape_cast %get3A_5 : vector<1x256x128xf32> to vector<256x128xf32>
    %dot_general3A = arith.constant dense<0.000000e+00> : vector<1024x128xf32>
    %dot_general3A_7 = tpu.matmul %get3A_1, %get3A_6, %dot_general3A {dimension_numbers = #tpu.dot_dimension_numbers<[1], [0], [0], [1], [0, 0, 1, 1], [], []>, transpose_lhs_hint = false} : vector<1024x256xf32>, vector<256x128xf32>, vector<1024x128xf32> -> vector<1024x128xf32>
    %get3A_8 = arith.constant 0 : index
    %get3A_9 = arith.constant 0 : index
    %get3A_10 = vector.load %arg3[%get3A_8, %get3A_9] : memref<7x128xf32, #tpu.memory_space<vmem>>, vector<1x128xf32>
    %add3A = vector.broadcast %get3A_10 : vector<1x128xf32> to vector<1024x128xf32>
    %add3A_11 = arith.addf %dot_general3A_7, %add3A : vector<1024x128xf32>
    %swap3A = arith.constant 0 : index
    %swap3A_12 = arith.constant 0 : index
    %swap3A_13 = arith.constant 0 : index
    %swap3A_14 = vector.load %arg6[%swap3A, %swap3A_12, %swap3A_13] : memref<7x1024x128xf32, #tpu.memory_space<vmem>>, vector<1x1024x128xf32>
    %swap3A_15 = vector.shape_cast %swap3A_14 : vector<1x1024x128xf32> to vector<1024x128xf32>
    %swap3A_16 = vector.shape_cast %add3A_11 : vector<1024x128xf32> to vector<1x1024x128xf32>
    tpu.vector_store %arg6[%swap3A, %swap3A_12, %swap3A_13], %swap3A_16 {strides = array<i32>} : memref<7x1024x128xf32, #tpu.memory_space<vmem>>, vector<1x1024x128xf32>,
    %get3A_17 = arith.constant 1 : index
    %get3A_18 = arith.constant 0 : index
    %get3A_19 = arith.constant 0 : index
    %get3A_20 = vector.load %arg2[%get3A_17, %get3A_18, %get3A_19] : memref<7x256x128xf32, #tpu.memory_space<vmem>>, vector<1x256x128xf32>
    %get3A_21 = vector.shape_cast %get3A_20 : vector<1x256x128xf32> to vector<256x128xf32>
    %dot_general3A_22 = arith.constant dense<0.000000e+00> : vector<1024x128xf32>
    %dot_general3A_23 = tpu.matmul %get3A_1, %get3A_21, %dot_general3A_22 {dimension_numbers = #tpu.dot_dimension_numbers<[1], [0], [0], [1], [0, 0, 1, 1], [], []>, transpose_lhs_hint = false} : vector<1024x256xf32>, vector<256x128xf32>, vector<1024x128xf32> -> vector<1024x128xf32>
    %get3A_24 = arith.constant 1 : index
    %get3A_25 = arith.constant 0 : index
    %get3A_26 = vector.load %arg3[%get3A_24, %get3A_25] : memref<7x128xf32, #tpu.memory_space<vmem>>, vector<1x128xf32>
    %add3A_27 = vector.broadcast %get3A_26 : vector<1x128xf32> to vector<1024x128xf32>
    %add3A_28 = arith.addf %dot_general3A_23, %add3A_27 : vector<1024x128xf32>
    %swap3A_29 = arith.constant 1 : index
    %swap3A_30 = arith.constant 0 : index
    %swap3A_31 = arith.constant 0 : index
    %swap3A_32 = vector.load %arg6[%swap3A_29, %swap3A_30, %swap3A_31] : memref<7x1024x128xf32, #tpu.memory_space<vmem>>, vector<1x1024x128xf32>
    %swap3A_33 = vector.shape_cast %swap3A_32 : vector<1x1024x128xf32> to vector<1024x128xf32>
    %swap3A_34 = vector.shape_cast %add3A_28 : vector<1024x128xf32> to vector<1x1024x128xf32>
    tpu.vector_store %arg6[%swap3A_29, %swap3A_30, %swap3A_31], %swap3A_34 {strides = array<i32>} : memref<7x1024x128xf32, #tpu.memory_space<vmem>>, vector<1x1024x128xf32>,
    %get3A_35 = arith.constant 2 : index
    %get3A_36 = arith.constant 0 : index
    %get3A_37 = arith.constant 0 : index
    %get3A_38 = vector.load %arg2[%get3A_35, %get3A_36, %get3A_37] : memref<7x256x128xf32, #tpu.memory_space<vmem>>, vector<1x256x128xf32>
    %get3A_39 = vector.shape_cast %get3A_38 : vector<1x256x128xf32> to vector<256x128xf32>
    %dot_general3A_40 = arith.constant dense<0.000000e+00> : vector<1024x128xf32>
    %dot_general3A_41 = tpu.matmul %get3A_1, %get3A_39, %dot_general3A_40 {dimension_numbers = #tpu.dot_dimension_numbers<[1], [0], [0], [1], [0, 0, 1, 1], [], []>, transpose_lhs_hint = false} : vector<1024x256xf32>, vector<256x128xf32>, vector<1024x128xf32> -> vector<1024x128xf32>
    %get3A_42 = arith.constant 2 : index
    %get3A_43 = arith.constant 0 : index
    %get3A_44 = vector.load %arg3[%get3A_42, %get3A_43] : memref<7x128xf32, #tpu.memory_space<vmem>>, vector<1x128xf32>
    %add3A_45 = vector.broadcast %get3A_44 : vector<1x128xf32> to vector<1024x128xf32>
    %add3A_46 = arith.addf %dot_general3A_41, %add3A_45 : vector<1024x128xf32>
    %swap3A_47 = arith.constant 2 : index
    %swap3A_48 = arith.constant 0 : index
    %swap3A_49 = arith.constant 0 : index
    %swap3A_50 = vector.load %arg6[%swap3A_47, %swap3A_48, %swap3A_49] : memref<7x1024x128xf32, #tpu.memory_space<vmem>>, vector<1x1024x128xf32>
    %swap3A_51 = vector.shape_cast %swap3A_50 : vector<1x1024x128xf32> to vector<1024x128xf32>
    %swap3A_52 = vector.shape_cast %add3A_46 : vector<1024x128xf32> to vector<1x1024x128xf32>
    tpu.vector_store %arg6[%swap3A_47, %swap3A_48, %swap3A_49], %swap3A_52 {strides = array<i32>} : memref<7x1024x128xf32, #tpu.memory_space<vmem>>, vector<1x1024x128xf32>,
    %get3A_53 = arith.constant 3 : index
    %get3A_54 = arith.constant 0 : index
    %get3A_55 = arith.constant 0 : index
    %get3A_56 = vector.load %arg2[%get3A_53, %get3A_54, %get3A_55] : memref<7x256x128xf32, #tpu.memory_space<vmem>>, vector<1x256x128xf32>
    %get3A_57 = vector.shape_cast %get3A_56 : vector<1x256x128xf32> to vector<256x128xf32>
    %dot_general3A_58 = arith.constant dense<0.000000e+00> : vector<1024x128xf32>
    %dot_general3A_59 = tpu.matmul %get3A_1, %get3A_57, %dot_general3A_58 {dimension_numbers = #tpu.dot_dimension_numbers<[1], [0], [0], [1], [0, 0, 1, 1], [], []>, transpose_lhs_hint = false} : vector<1024x256xf32>, vector<256x128xf32>, vector<1024x128xf32> -> vector<1024x128xf32>
    %get3A_60 = arith.constant 3 : index
    %get3A_61 = arith.constant 0 : index
    %get3A_62 = vector.load %arg3[%get3A_60, %get3A_61] : memref<7x128xf32, #tpu.memory_space<vmem>>, vector<1x128xf32>
    %add3A_63 = vector.broadcast %get3A_62 : vector<1x128xf32> to vector<1024x128xf32>
    %add3A_64 = arith.addf %dot_general3A_59, %add3A_63 : vector<1024x128xf32>
    %swap3A_65 = arith.constant 3 : index
    %swap3A_66 = arith.constant 0 : index
    %swap3A_67 = arith.constant 0 : index
    %swap3A_68 = vector.load %arg6[%swap3A_65, %swap3A_66, %swap3A_67] : memref<7x1024x128xf32, #tpu.memory_space<vmem>>, vector<1x1024x128xf32>
    %swap3A_69 = vector.shape_cast %swap3A_68 : vector<1x1024x128xf32> to vector<1024x128xf32>
    %swap3A_70 = vector.shape_cast %add3A_64 : vector<1024x128xf32> to vector<1x1024x128xf32>
    tpu.vector_store %arg6[%swap3A_65, %swap3A_66, %swap3A_67], %swap3A_70 {strides = array<i32>} : memref<7x1024x128xf32, #tpu.memory_space<vmem>>, vector<1x1024x128xf32>,
    %get3A_71 = arith.constant 4 : index
    %get3A_72 = arith.constant 0 : index
    %get3A_73 = arith.constant 0 : index
    %get3A_74 = vector.load %arg2[%get3A_71, %get3A_72, %get3A_73] : memref<7x256x128xf32, #tpu.memory_space<vmem>>, vector<1x256x128xf32>
    %get3A_75 = vector.shape_cast %get3A_74 : vector<1x256x128xf32> to vector<256x128xf32>
    %dot_general3A_76 = arith.constant dense<0.000000e+00> : vector<1024x128xf32>
    %dot_general3A_77 = tpu.matmul %get3A_1, %get3A_75, %dot_general3A_76 {dimension_numbers = #tpu.dot_dimension_numbers<[1], [0], [0], [1], [0, 0, 1, 1], [], []>, transpose_lhs_hint = false} : vector<1024x256xf32>, vector<256x128xf32>, vector<1024x128xf32> -> vector<1024x128xf32>
    %get3A_78 = arith.constant 4 : index
    %get3A_79 = arith.constant 0 : index
    %get3A_80 = vector.load %arg3[%get3A_78, %get3A_79] : memref<7x128xf32, #tpu.memory_space<vmem>>, vector<1x128xf32>
    %add3A_81 = vector.broadcast %get3A_80 : vector<1x128xf32> to vector<1024x128xf32>
    %add3A_82 = arith.addf %dot_general3A_77, %add3A_81 : vector<1024x128xf32>
    %swap3A_83 = arith.constant 4 : index
    %swap3A_84 = arith.constant 0 : index
    %swap3A_85 = arith.constant 0 : index
    %swap3A_86 = vector.load %arg6[%swap3A_83, %swap3A_84, %swap3A_85] : memref<7x1024x128xf32, #tpu.memory_space<vmem>>, vector<1x1024x128xf32>
    %swap3A_87 = vector.shape_cast %swap3A_86 : vector<1x1024x128xf32> to vector<1024x128xf32>
    %swap3A_88 = vector.shape_cast %add3A_82 : vector<1024x128xf32> to vector<1x1024x128xf32>
    tpu.vector_store %arg6[%swap3A_83, %swap3A_84, %swap3A_85], %swap3A_88 {strides = array<i32>} : memref<7x1024x128xf32, #tpu.memory_space<vmem>>, vector<1x1024x128xf32>,
    %get3A_89 = arith.constant 5 : index
    %get3A_90 = arith.constant 0 : index
    %get3A_91 = arith.constant 0 : index
    %get3A_92 = vector.load %arg2[%get3A_89, %get3A_90, %get3A_91] : memref<7x256x128xf32, #tpu.memory_space<vmem>>, vector<1x256x128xf32>
    %get3A_93 = vector.shape_cast %get3A_92 : vector<1x256x128xf32> to vector<256x128xf32>
    %dot_general3A_94 = arith.constant dense<0.000000e+00> : vector<1024x128xf32>
    %dot_general3A_95 = tpu.matmul %get3A_1, %get3A_93, %dot_general3A_94 {dimension_numbers = #tpu.dot_dimension_numbers<[1], [0], [0], [1], [0, 0, 1, 1], [], []>, transpose_lhs_hint = false} : vector<1024x256xf32>, vector<256x128xf32>, vector<1024x128xf32> -> vector<1024x128xf32>
    %get3A_96 = arith.constant 5 : index
    %get3A_97 = arith.constant 0 : index
    %get3A_98 = vector.load %arg3[%get3A_96, %get3A_97] : memref<7x128xf32, #tpu.memory_space<vmem>>, vector<1x128xf32>
    %add3A_99 = vector.broadcast %get3A_98 : vector<1x128xf32> to vector<1024x128xf32>
    %add3A_100 = arith.addf %dot_general3A_95, %add3A_99 : vector<1024x128xf32>
    %swap3A_101 = arith.constant 5 : index
    %swap3A_102 = arith.constant 0 : index
    %swap3A_103 = arith.constant 0 : index
    %swap3A_104 = vector.load %arg6[%swap3A_101, %swap3A_102, %swap3A_103] : memref<7x1024x128xf32, #tpu.memory_space<vmem>>, vector<1x1024x128xf32>
    %swap3A_105 = vector.shape_cast %swap3A_104 : vector<1x1024x128xf32> to vector<1024x128xf32>
    %swap3A_106 = vector.shape_cast %add3A_100 : vector<1024x128xf32> to vector<1x1024x128xf32>
    tpu.vector_store %arg6[%swap3A_101, %swap3A_102, %swap3A_103], %swap3A_106 {strides = array<i32>} : memref<7x1024x128xf32, #tpu.memory_space<vmem>>, vector<1x1024x128xf32>,
    %get3A_107 = arith.constant 6 : index
    %get3A_108 = arith.constant 0 : index
    %get3A_109 = arith.constant 0 : index
    %get3A_110 = vector.load %arg2[%get3A_107, %get3A_108, %get3A_109] : memref<7x256x128xf32, #tpu.memory_space<vmem>>, vector<1x256x128xf32>
    %get3A_111 = vector.shape_cast %get3A_110 : vector<1x256x128xf32> to vector<256x128xf32>
    %dot_general3A_112 = arith.constant dense<0.000000e+00> : vector<1024x128xf32>
    %dot_general3A_113 = tpu.matmul %get3A_1, %get3A_111, %dot_general3A_112 {dimension_numbers = #tpu.dot_dimension_numbers<[1], [0], [0], [1], [0, 0, 1, 1], [], []>, transpose_lhs_hint = false} : vector<1024x256xf32>, vector<256x128xf32>, vector<1024x128xf32> -> vector<1024x128xf32>
    %get3A_114 = arith.constant 6 : index
    %get3A_115 = arith.constant 0 : index
    %get3A_116 = vector.load %arg3[%get3A_114, %get3A_115] : memref<7x128xf32, #tpu.memory_space<vmem>>, vector<1x128xf32>
    %add3A_117 = vector.broadcast %get3A_116 : vector<1x128xf32> to vector<1024x128xf32>
    %add3A_118 = arith.addf %dot_general3A_113, %add3A_117 : vector<1024x128xf32>
    %swap3A_119 = arith.constant 6 : index
    %swap3A_120 = arith.constant 0 : index
    %swap3A_121 = arith.constant 0 : index
    %swap3A_122 = vector.load %arg6[%swap3A_119, %swap3A_120, %swap3A_121] : memref<7x1024x128xf32, #tpu.memory_space<vmem>>, vector<1x1024x128xf32>
    %swap3A_123 = vector.shape_cast %swap3A_122 : vector<1x1024x128xf32> to vector<1024x128xf32>
    %swap3A_124 = vector.shape_cast %add3A_118 : vector<1024x128xf32> to vector<1x1024x128xf32>
    tpu.vector_store %arg6[%swap3A_119, %swap3A_120, %swap3A_121], %swap3A_124 {strides = array<i32>} : memref<7x1024x128xf32, #tpu.memory_space<vmem>>, vector<1x1024x128xf32>,
    %get3A_125 = arith.constant 0 : index
    %get3A_126 = arith.constant 0 : index
    %get3A_127 = vector.load %arg4[%get3A_125, %get3A_126] : memref<256x448xf32, #tpu.memory_space<vmem>>, vector<256x448xf32>
    %dot_general3A_128 = arith.constant dense<0.000000e+00> : vector<1024x448xf32>
    %dot_general3A_129 = tpu.matmul %get3A_1, %get3A_127, %dot_general3A_128 {dimension_numbers = #tpu.dot_dimension_numbers<[1], [0], [0], [1], [0, 0, 1, 1], [], []>, transpose_lhs_hint = false} : vector<1024x256xf32>, vector<256x448xf32>, vector<1024x448xf32> -> vector<1024x448xf32>
    %get3A_130 = arith.constant 0 : index
    %get3A_131 = arith.constant 0 : index
    %get3A_132 = vector.load %arg5[%get3A_130, %get3A_131] : memref<1x448xf32, #tpu.memory_space<vmem>>, vector<1x448xf32>
    %add3A_133 = vector.broadcast %get3A_132 : vector<1x448xf32> to vector<1024x448xf32>
    %add3A_134 = arith.addf %dot_general3A_129, %add3A_133 : vector<1024x448xf32>
    %swap3A_135 = arith.constant 0 : index
    %swap3A_136 = arith.constant 0 : index
    %swap3A_137 = vector.load %arg7[%swap3A_135, %swap3A_136] : memref<1024x448xf32, #tpu.memory_space<vmem>>, vector<1024x448xf32>
    tpu.vector_store %arg7[%swap3A_135, %swap3A_136], %add3A_134 {strides = array<i32>} : memref<1024x448xf32, #tpu.memory_space<vmem>>, vector<1024x448xf32>,
    return
  }
  func.func @transform_0(%arg0: i32) -> (i32, i32) {
    %c0_i32 = arith.constant 0 : i32
    %c0_i32_0 = arith.constant 0 : i32
    return %arg0, %c0_i32 : i32, i32
  }
  func.func @transform_1(%arg0: i32) -> (i32, i32, i32) {
    %c0_i32 = arith.constant 0 : i32
    %c0_i32_0 = arith.constant 0 : i32
    %c0_i32_1 = arith.constant 0 : i32
    %c0_i32_2 = arith.constant 0 : i32
    return %c0_i32, %c0_i32_0, %c0_i32_1 : i32, i32, i32
  }
  func.func @transform_2(%arg0: i32) -> (i32, i32) {
    %c0_i32 = arith.constant 0 : i32
    %c0_i32_0 = arith.constant 0 : i32
    %c0_i32_1 = arith.constant 0 : i32
    return %c0_i32, %c0_i32_0 : i32, i32
  }
  func.func @transform_3(%arg0: i32) -> (i32, i32) {
    %c0_i32 = arith.constant 0 : i32
    %c0_i32_0 = arith.constant 0 : i32
    %c0_i32_1 = arith.constant 0 : i32
    return %c0_i32, %c0_i32_0 : i32, i32
  }
  func.func @transform_4(%arg0: i32) -> (i32, i32) {
    %c0_i32 = arith.constant 0 : i32
    %c0_i32_0 = arith.constant 0 : i32
    %c0_i32_1 = arith.constant 0 : i32
    return %c0_i32, %c0_i32_0 : i32, i32
  }
  func.func @transform_5(%arg0: i32) -> (i32, i32, i32) {
    %c0_i32 = arith.constant 0 : i32
    %c0_i32_0 = arith.constant 0 : i32
    %c0_i32_1 = arith.constant 0 : i32
    return %c0_i32, %arg0, %c0_i32_0 : i32, i32, i32
  }
  func.func @transform_6(%arg0: i32) -> (i32, i32) {
    %c0_i32 = arith.constant 0 : i32
    %c0_i32_0 = arith.constant 0 : i32
    return %arg0, %c0_i32 : i32, i32
  }
}

module attributes {stable_mosaic.version = 14 : i64} {
  func.func @_proj_body(%arg0: i32, %arg1: memref<2048x128xf32, #tpu.memory_space<vmem>>, %arg2: memref<2048x128xf32, #tpu.memory_space<vmem>>, %arg3: memref<7x128x128xf32, #tpu.memory_space<vmem>>, %arg4: memref<7x2048x128xf32, #tpu.memory_space<vmem>>) attributes {dimension_semantics = [#tpu.dimension_semantics<arbitrary>], iteration_bounds = array<i64: 21>, scalar_prefetch = 0 : i64, scratch_operands = 0 : i64, tpu.core_type = #tpu.core_type<tc>, window_params = [{transform_indices = @transform_0, window_bounds = array<i64: 2048, 128>}, {transform_indices = @transform_1, window_bounds = array<i64: 2048, 128>}, {pipeline_mode = #tpu.pipeline_mode<synchronous>, transform_indices = @transform_2, window_bounds = array<i64: 7, 128, 128>}, {transform_indices = @transform_3, window_bounds = array<i64: 7, 2048, 128>}]} {
    %lt3A = arith.constant 15 : i32
    %lt3A_0 = arith.cmpi slt, %arg0, %lt3A : i32
    %get3A = arith.constant 0 : index
    %get3A_1 = arith.constant 0 : index
    %get3A_2 = vector.load %arg1[%get3A, %get3A_1] : memref<2048x128xf32, #tpu.memory_space<vmem>>, vector<2048x128xf32>
    %get3A_3 = arith.constant 0 : index
    %get3A_4 = arith.constant 0 : index
    %get3A_5 = vector.load %arg2[%get3A_3, %get3A_4] : memref<2048x128xf32, #tpu.memory_space<vmem>>, vector<2048x128xf32>
    %select_n3A = arith.select %lt3A_0, %get3A_2, %get3A_5 : vector<2048x128xf32>
    %get3A_6 = arith.constant 0 : index
    %get3A_7 = arith.constant 0 : index
    %get3A_8 = arith.constant 0 : index
    %get3A_9 = vector.load %arg3[%get3A_6, %get3A_7, %get3A_8] : memref<7x128x128xf32, #tpu.memory_space<vmem>>, vector<1x128x128xf32>
    %get3A_10 = vector.shape_cast %get3A_9 : vector<1x128x128xf32> to vector<128x128xf32>
    %dot_general3A = arith.constant dense<0.000000e+00> : vector<2048x128xf32>
    %dot_general3A_11 = tpu.matmul %select_n3A, %get3A_10, %dot_general3A {dimension_numbers = #tpu.dot_dimension_numbers<[1], [0], [0], [1], [0, 0, 1, 1], [], []>, transpose_lhs_hint = false} : vector<2048x128xf32>, vector<128x128xf32>, vector<2048x128xf32> -> vector<2048x128xf32>
    %swap3A = arith.constant 0 : index
    %swap3A_12 = arith.constant 0 : index
    %swap3A_13 = arith.constant 0 : index
    %swap3A_14 = vector.load %arg4[%swap3A, %swap3A_12, %swap3A_13] : memref<7x2048x128xf32, #tpu.memory_space<vmem>>, vector<1x2048x128xf32>
    %swap3A_15 = vector.shape_cast %swap3A_14 : vector<1x2048x128xf32> to vector<2048x128xf32>
    %swap3A_16 = vector.shape_cast %dot_general3A_11 : vector<2048x128xf32> to vector<1x2048x128xf32>
    tpu.vector_store %arg4[%swap3A, %swap3A_12, %swap3A_13], %swap3A_16 {strides = array<i32>} : memref<7x2048x128xf32, #tpu.memory_space<vmem>>, vector<1x2048x128xf32>,
    %get3A_17 = arith.constant 1 : index
    %get3A_18 = arith.constant 0 : index
    %get3A_19 = arith.constant 0 : index
    %get3A_20 = vector.load %arg3[%get3A_17, %get3A_18, %get3A_19] : memref<7x128x128xf32, #tpu.memory_space<vmem>>, vector<1x128x128xf32>
    %get3A_21 = vector.shape_cast %get3A_20 : vector<1x128x128xf32> to vector<128x128xf32>
    %dot_general3A_22 = arith.constant dense<0.000000e+00> : vector<2048x128xf32>
    %dot_general3A_23 = tpu.matmul %select_n3A, %get3A_21, %dot_general3A_22 {dimension_numbers = #tpu.dot_dimension_numbers<[1], [0], [0], [1], [0, 0, 1, 1], [], []>, transpose_lhs_hint = false} : vector<2048x128xf32>, vector<128x128xf32>, vector<2048x128xf32> -> vector<2048x128xf32>
    %swap3A_24 = arith.constant 1 : index
    %swap3A_25 = arith.constant 0 : index
    %swap3A_26 = arith.constant 0 : index
    %swap3A_27 = vector.load %arg4[%swap3A_24, %swap3A_25, %swap3A_26] : memref<7x2048x128xf32, #tpu.memory_space<vmem>>, vector<1x2048x128xf32>
    %swap3A_28 = vector.shape_cast %swap3A_27 : vector<1x2048x128xf32> to vector<2048x128xf32>
    %swap3A_29 = vector.shape_cast %dot_general3A_23 : vector<2048x128xf32> to vector<1x2048x128xf32>
    tpu.vector_store %arg4[%swap3A_24, %swap3A_25, %swap3A_26], %swap3A_29 {strides = array<i32>} : memref<7x2048x128xf32, #tpu.memory_space<vmem>>, vector<1x2048x128xf32>,
    %get3A_30 = arith.constant 2 : index
    %get3A_31 = arith.constant 0 : index
    %get3A_32 = arith.constant 0 : index
    %get3A_33 = vector.load %arg3[%get3A_30, %get3A_31, %get3A_32] : memref<7x128x128xf32, #tpu.memory_space<vmem>>, vector<1x128x128xf32>
    %get3A_34 = vector.shape_cast %get3A_33 : vector<1x128x128xf32> to vector<128x128xf32>
    %dot_general3A_35 = arith.constant dense<0.000000e+00> : vector<2048x128xf32>
    %dot_general3A_36 = tpu.matmul %select_n3A, %get3A_34, %dot_general3A_35 {dimension_numbers = #tpu.dot_dimension_numbers<[1], [0], [0], [1], [0, 0, 1, 1], [], []>, transpose_lhs_hint = false} : vector<2048x128xf32>, vector<128x128xf32>, vector<2048x128xf32> -> vector<2048x128xf32>
    %swap3A_37 = arith.constant 2 : index
    %swap3A_38 = arith.constant 0 : index
    %swap3A_39 = arith.constant 0 : index
    %swap3A_40 = vector.load %arg4[%swap3A_37, %swap3A_38, %swap3A_39] : memref<7x2048x128xf32, #tpu.memory_space<vmem>>, vector<1x2048x128xf32>
    %swap3A_41 = vector.shape_cast %swap3A_40 : vector<1x2048x128xf32> to vector<2048x128xf32>
    %swap3A_42 = vector.shape_cast %dot_general3A_36 : vector<2048x128xf32> to vector<1x2048x128xf32>
    tpu.vector_store %arg4[%swap3A_37, %swap3A_38, %swap3A_39], %swap3A_42 {strides = array<i32>} : memref<7x2048x128xf32, #tpu.memory_space<vmem>>, vector<1x2048x128xf32>,
    %get3A_43 = arith.constant 3 : index
    %get3A_44 = arith.constant 0 : index
    %get3A_45 = arith.constant 0 : index
    %get3A_46 = vector.load %arg3[%get3A_43, %get3A_44, %get3A_45] : memref<7x128x128xf32, #tpu.memory_space<vmem>>, vector<1x128x128xf32>
    %get3A_47 = vector.shape_cast %get3A_46 : vector<1x128x128xf32> to vector<128x128xf32>
    %dot_general3A_48 = arith.constant dense<0.000000e+00> : vector<2048x128xf32>
    %dot_general3A_49 = tpu.matmul %select_n3A, %get3A_47, %dot_general3A_48 {dimension_numbers = #tpu.dot_dimension_numbers<[1], [0], [0], [1], [0, 0, 1, 1], [], []>, transpose_lhs_hint = false} : vector<2048x128xf32>, vector<128x128xf32>, vector<2048x128xf32> -> vector<2048x128xf32>
    %swap3A_50 = arith.constant 3 : index
    %swap3A_51 = arith.constant 0 : index
    %swap3A_52 = arith.constant 0 : index
    %swap3A_53 = vector.load %arg4[%swap3A_50, %swap3A_51, %swap3A_52] : memref<7x2048x128xf32, #tpu.memory_space<vmem>>, vector<1x2048x128xf32>
    %swap3A_54 = vector.shape_cast %swap3A_53 : vector<1x2048x128xf32> to vector<2048x128xf32>
    %swap3A_55 = vector.shape_cast %dot_general3A_49 : vector<2048x128xf32> to vector<1x2048x128xf32>
    tpu.vector_store %arg4[%swap3A_50, %swap3A_51, %swap3A_52], %swap3A_55 {strides = array<i32>} : memref<7x2048x128xf32, #tpu.memory_space<vmem>>, vector<1x2048x128xf32>,
    %get3A_56 = arith.constant 4 : index
    %get3A_57 = arith.constant 0 : index
    %get3A_58 = arith.constant 0 : index
    %get3A_59 = vector.load %arg3[%get3A_56, %get3A_57, %get3A_58] : memref<7x128x128xf32, #tpu.memory_space<vmem>>, vector<1x128x128xf32>
    %get3A_60 = vector.shape_cast %get3A_59 : vector<1x128x128xf32> to vector<128x128xf32>
    %dot_general3A_61 = arith.constant dense<0.000000e+00> : vector<2048x128xf32>
    %dot_general3A_62 = tpu.matmul %select_n3A, %get3A_60, %dot_general3A_61 {dimension_numbers = #tpu.dot_dimension_numbers<[1], [0], [0], [1], [0, 0, 1, 1], [], []>, transpose_lhs_hint = false} : vector<2048x128xf32>, vector<128x128xf32>, vector<2048x128xf32> -> vector<2048x128xf32>
    %swap3A_63 = arith.constant 4 : index
    %swap3A_64 = arith.constant 0 : index
    %swap3A_65 = arith.constant 0 : index
    %swap3A_66 = vector.load %arg4[%swap3A_63, %swap3A_64, %swap3A_65] : memref<7x2048x128xf32, #tpu.memory_space<vmem>>, vector<1x2048x128xf32>
    %swap3A_67 = vector.shape_cast %swap3A_66 : vector<1x2048x128xf32> to vector<2048x128xf32>
    %swap3A_68 = vector.shape_cast %dot_general3A_62 : vector<2048x128xf32> to vector<1x2048x128xf32>
    tpu.vector_store %arg4[%swap3A_63, %swap3A_64, %swap3A_65], %swap3A_68 {strides = array<i32>} : memref<7x2048x128xf32, #tpu.memory_space<vmem>>, vector<1x2048x128xf32>,
    %get3A_69 = arith.constant 5 : index
    %get3A_70 = arith.constant 0 : index
    %get3A_71 = arith.constant 0 : index
    %get3A_72 = vector.load %arg3[%get3A_69, %get3A_70, %get3A_71] : memref<7x128x128xf32, #tpu.memory_space<vmem>>, vector<1x128x128xf32>
    %get3A_73 = vector.shape_cast %get3A_72 : vector<1x128x128xf32> to vector<128x128xf32>
    %dot_general3A_74 = arith.constant dense<0.000000e+00> : vector<2048x128xf32>
    %dot_general3A_75 = tpu.matmul %select_n3A, %get3A_73, %dot_general3A_74 {dimension_numbers = #tpu.dot_dimension_numbers<[1], [0], [0], [1], [0, 0, 1, 1], [], []>, transpose_lhs_hint = false} : vector<2048x128xf32>, vector<128x128xf32>, vector<2048x128xf32> -> vector<2048x128xf32>
    %swap3A_76 = arith.constant 5 : index
    %swap3A_77 = arith.constant 0 : index
    %swap3A_78 = arith.constant 0 : index
    %swap3A_79 = vector.load %arg4[%swap3A_76, %swap3A_77, %swap3A_78] : memref<7x2048x128xf32, #tpu.memory_space<vmem>>, vector<1x2048x128xf32>
    %swap3A_80 = vector.shape_cast %swap3A_79 : vector<1x2048x128xf32> to vector<2048x128xf32>
    %swap3A_81 = vector.shape_cast %dot_general3A_75 : vector<2048x128xf32> to vector<1x2048x128xf32>
    tpu.vector_store %arg4[%swap3A_76, %swap3A_77, %swap3A_78], %swap3A_81 {strides = array<i32>} : memref<7x2048x128xf32, #tpu.memory_space<vmem>>, vector<1x2048x128xf32>,
    %get3A_82 = arith.constant 6 : index
    %get3A_83 = arith.constant 0 : index
    %get3A_84 = arith.constant 0 : index
    %get3A_85 = vector.load %arg3[%get3A_82, %get3A_83, %get3A_84] : memref<7x128x128xf32, #tpu.memory_space<vmem>>, vector<1x128x128xf32>
    %get3A_86 = vector.shape_cast %get3A_85 : vector<1x128x128xf32> to vector<128x128xf32>
    %dot_general3A_87 = arith.constant dense<0.000000e+00> : vector<2048x128xf32>
    %dot_general3A_88 = tpu.matmul %select_n3A, %get3A_86, %dot_general3A_87 {dimension_numbers = #tpu.dot_dimension_numbers<[1], [0], [0], [1], [0, 0, 1, 1], [], []>, transpose_lhs_hint = false} : vector<2048x128xf32>, vector<128x128xf32>, vector<2048x128xf32> -> vector<2048x128xf32>
    %swap3A_89 = arith.constant 6 : index
    %swap3A_90 = arith.constant 0 : index
    %swap3A_91 = arith.constant 0 : index
    %swap3A_92 = vector.load %arg4[%swap3A_89, %swap3A_90, %swap3A_91] : memref<7x2048x128xf32, #tpu.memory_space<vmem>>, vector<1x2048x128xf32>
    %swap3A_93 = vector.shape_cast %swap3A_92 : vector<1x2048x128xf32> to vector<2048x128xf32>
    %swap3A_94 = vector.shape_cast %dot_general3A_88 : vector<2048x128xf32> to vector<1x2048x128xf32>
    tpu.vector_store %arg4[%swap3A_89, %swap3A_90, %swap3A_91], %swap3A_94 {strides = array<i32>} : memref<7x2048x128xf32, #tpu.memory_space<vmem>>, vector<1x2048x128xf32>,
    return
  }
  func.func @transform_0(%arg0: i32) -> (i32, i32) {
    %min3A = arith.constant 14 : i32
    %min3A_0 = arith.minsi %arg0, %min3A : i32
    %c0_i32 = arith.constant 0 : i32
    %c0_i32_1 = arith.constant 0 : i32
    return %min3A_0, %c0_i32 : i32, i32
  }
  func.func @transform_1(%arg0: i32) -> (i32, i32) {
    %sub3A = arith.constant 15 : i32
    %sub3A_0 = arith.subi %arg0, %sub3A : i32
    %max3A = arith.constant 0 : i32
    %max3A_1 = arith.maxsi %sub3A_0, %max3A : i32
    %c0_i32 = arith.constant 0 : i32
    %c0_i32_2 = arith.constant 0 : i32
    return %max3A_1, %c0_i32 : i32, i32
  }
  func.func @transform_2(%arg0: i32) -> (i32, i32, i32) {
    %c0_i32 = arith.constant 0 : i32
    %c0_i32_0 = arith.constant 0 : i32
    %c0_i32_1 = arith.constant 0 : i32
    %c0_i32_2 = arith.constant 0 : i32
    return %c0_i32, %c0_i32_0, %c0_i32_1 : i32, i32, i32
  }
  func.func @transform_3(%arg0: i32) -> (i32, i32, i32) {
    %c0_i32 = arith.constant 0 : i32
    %c0_i32_0 = arith.constant 0 : i32
    %c0_i32_1 = arith.constant 0 : i32
    return %c0_i32, %arg0, %c0_i32_0 : i32, i32, i32
  }
}

module attributes {stable_mosaic.version = 14 : i64} {
  func.func @_stats_body(%arg0: i32, %arg1: memref<2048x128xf32, #tpu.memory_space<vmem>>, %arg2: memref<2x128xf32, #tpu.memory_space<vmem>>, %arg3: memref<2x128xf32, #tpu.memory_space<vmem>>) attributes {dimension_semantics = [#tpu.dimension_semantics<arbitrary>], iteration_bounds = array<i64: 21>, scalar_prefetch = 0 : i64, scratch_operands = 1 : i64, tpu.core_type = #tpu.core_type<tc>, window_params = [{transform_indices = @transform_0, window_bounds = array<i64: 2048, 128>}, {pipeline_mode = #tpu.pipeline_mode<synchronous>, transform_indices = @transform_1, window_bounds = array<i64: 2, 128>}]} {
    %eq3A = arith.constant 0 : i32
    %eq3A_0 = arith.cmpi eq, %arg0, %eq3A : i32
    %convert_element_type3A = arith.extui %eq3A_0 : i1 to i32
    %cond3A = arith.constant 0 : i32
    %cond3A_1 = arith.cmpi ne, %convert_element_type3A, %cond3A : i32
    scf.if %cond3A_1 {
      %broadcast_in_dim3A_39 = arith.constant 0.000000e+00 : f32
      %broadcast_in_dim3A_40 = vector.broadcast %broadcast_in_dim3A_39 : f32 to vector<2x128xf32>
      %swap3A_41 = arith.constant 0 : index
      %swap3A_42 = arith.constant 0 : index
      %swap3A_43 = vector.load %arg3[%swap3A_41, %swap3A_42] : memref<2x128xf32, #tpu.memory_space<vmem>>, vector<2x128xf32>
      tpu.vector_store %arg3[%swap3A_41, %swap3A_42], %broadcast_in_dim3A_40 {strides = array<i32>} : memref<2x128xf32, #tpu.memory_space<vmem>>, vector<2x128xf32>,
    } else {
    }
    %get3A = arith.constant 0 : index
    %get3A_2 = arith.constant 0 : index
    %get3A_3 = vector.load %arg1[%get3A, %get3A_2] : memref<2048x128xf32, #tpu.memory_space<vmem>>, vector<2048x128xf32>
    %iota3A = tpu.iota {dimensions = array<i32: 0>} : vector<2048x128xi32>
    %mul3A = arith.constant 2048 : i32
    %mul3A_4 = arith.muli %arg0, %mul3A : i32
    %add3A = vector.broadcast %mul3A_4 : i32 to vector<2048x128xi32>
    %add3A_5 = arith.addi %iota3A, %add3A : vector<2048x128xi32>
    %iota3A_6 = tpu.iota {dimensions = array<i32: 1>} : vector<2048x128xi32>
    %mul3A_7 = arith.constant 4 : i32
    %mul3A_8 = vector.broadcast %mul3A_7 : i32 to vector<2048x128xi32>
    %mul3A_9 = arith.muli %add3A_5, %mul3A_8 : vector<2048x128xi32>
    %shift_right_logical3A = arith.constant 5 : i32
    %shift_right_logical3A_10 = vector.broadcast %shift_right_logical3A : i32 to vector<2048x128xi32>
    %shift_right_logical3A_11 = arith.shrui %iota3A_6, %shift_right_logical3A_10 : vector<2048x128xi32>
    %add3A_12 = arith.addi %mul3A_9, %shift_right_logical3A_11 : vector<2048x128xi32>
    %lt3A = arith.constant 163842 : i32
    %lt3A_13 = vector.broadcast %lt3A : i32 to vector<2048x128xi32>
    %lt3A_14 = arith.cmpi slt, %add3A_12, %lt3A_13 : vector<2048x128xi32>
    %jit3A = arith.constant 0.000000e+00 : f32
    %broadcast_in_dim3A = vector.broadcast %jit3A : f32 to vector<2048x128xf32>
    %select_n3A = arith.select %lt3A_14, %get3A_3, %broadcast_in_dim3A : vector<2048x128xi1>, vector<2048x128xf32>
    %get3A_15 = arith.constant 0 : index
    %get3A_16 = arith.constant 0 : index
    %get3A_17 = vector.load %arg3[%get3A_15, %get3A_16] : memref<2x128xf32, #tpu.memory_space<vmem>>, vector<1x128xf32>
    %reduce_sum3A = arith.constant dense<0.000000e+00> : vector<128xf32>
    %reduce_sum3A_18 = vector.multi_reduction <add>, %select_n3A, %reduce_sum3A [0] : vector<2048x128xf32> to vector<128xf32>
    %broadcast_in_dim3A_19 = vector.shape_cast %reduce_sum3A_18 : vector<128xf32> to vector<1x128xf32>
    %add3A_20 = arith.addf %get3A_17, %broadcast_in_dim3A_19 : vector<1x128xf32>
    %swap3A = arith.constant 0 : index
    %swap3A_21 = arith.constant 0 : index
    %swap3A_22 = vector.load %arg3[%swap3A, %swap3A_21] : memref<2x128xf32, #tpu.memory_space<vmem>>, vector<1x128xf32>
    tpu.vector_store %arg3[%swap3A, %swap3A_21], %add3A_20 {strides = array<i32>} : memref<2x128xf32, #tpu.memory_space<vmem>>, vector<1x128xf32>,
    %get3A_23 = arith.constant 1 : index
    %get3A_24 = arith.constant 0 : index
    %get3A_25 = vector.load %arg3[%get3A_23, %get3A_24] : memref<2x128xf32, #tpu.memory_space<vmem>>, vector<1x128xf32>
    %mul3A_26 = arith.mulf %select_n3A, %select_n3A : vector<2048x128xf32>
    %reduce_sum3A_27 = arith.constant dense<0.000000e+00> : vector<128xf32>
    %reduce_sum3A_28 = vector.multi_reduction <add>, %mul3A_26, %reduce_sum3A_27 [0] : vector<2048x128xf32> to vector<128xf32>
    %broadcast_in_dim3A_29 = vector.shape_cast %reduce_sum3A_28 : vector<128xf32> to vector<1x128xf32>
    %add3A_30 = arith.addf %get3A_25, %broadcast_in_dim3A_29 : vector<1x128xf32>
    %swap3A_31 = arith.constant 1 : index
    %swap3A_32 = arith.constant 0 : index
    %swap3A_33 = vector.load %arg3[%swap3A_31, %swap3A_32] : memref<2x128xf32, #tpu.memory_space<vmem>>, vector<1x128xf32>
    tpu.vector_store %arg3[%swap3A_31, %swap3A_32], %add3A_30 {strides = array<i32>} : memref<2x128xf32, #tpu.memory_space<vmem>>, vector<1x128xf32>,
    %eq3A_34 = arith.constant 20 : i32
    %eq3A_35 = arith.cmpi eq, %arg0, %eq3A_34 : i32
    %convert_element_type3A_36 = arith.extui %eq3A_35 : i1 to i32
    %cond3A_37 = arith.constant 0 : i32
    %cond3A_38 = arith.cmpi ne, %convert_element_type3A_36, %cond3A_37 : i32
    scf.if %cond3A_38 {
      %get3A_39 = arith.constant 0 : index
      %get3A_40 = arith.constant 0 : index
      %get3A_41 = vector.load %arg3[%get3A_39, %get3A_40] : memref<2x128xf32, #tpu.memory_space<vmem>>, vector<2x128xf32>
      %swap3A_42 = arith.constant 0 : index
      %swap3A_43 = arith.constant 0 : index
      %swap3A_44 = vector.load %arg2[%swap3A_42, %swap3A_43] : memref<2x128xf32, #tpu.memory_space<vmem>>, vector<2x128xf32>
      tpu.vector_store %arg2[%swap3A_42, %swap3A_43], %get3A_41 {strides = array<i32>} : memref<2x128xf32, #tpu.memory_space<vmem>>, vector<2x128xf32>,
    } else {
    }
    return
  }
  func.func @transform_0(%arg0: i32) -> (i32, i32) {
    %c0_i32 = arith.constant 0 : i32
    %c0_i32_0 = arith.constant 0 : i32
    return %arg0, %c0_i32 : i32, i32
  }
  func.func @transform_1(%arg0: i32) -> (i32, i32) {
    %c0_i32 = arith.constant 0 : i32
    %c0_i32_0 = arith.constant 0 : i32
    %c0_i32_1 = arith.constant 0 : i32
    return %c0_i32, %c0_i32_0 : i32, i32
  }
}

module attributes {stable_mosaic.version = 14 : i64} {
  func.func @_bnproj_body(%arg0: i32, %arg1: memref<2048x128xf32, #tpu.memory_space<vmem>>, %arg2: memref<2x128xf32, #tpu.memory_space<vmem>>, %arg3: memref<1x32xf32, #tpu.memory_space<vmem>>, %arg4: memref<1x32xf32, #tpu.memory_space<vmem>>, %arg5: memref<7x128x128xf32, #tpu.memory_space<vmem>>, %arg6: memref<7x2048x128xf32, #tpu.memory_space<vmem>>) attributes {dimension_semantics = [#tpu.dimension_semantics<arbitrary>], iteration_bounds = array<i64: 21>, scalar_prefetch = 0 : i64, scratch_operands = 0 : i64, tpu.core_type = #tpu.core_type<tc>, window_params = [{transform_indices = @transform_0, window_bounds = array<i64: 2048, 128>}, {pipeline_mode = #tpu.pipeline_mode<synchronous>, transform_indices = @transform_1, window_bounds = array<i64: 2, 128>}, {pipeline_mode = #tpu.pipeline_mode<synchronous>, transform_indices = @transform_2, window_bounds = array<i64: 1, 32>}, {pipeline_mode = #tpu.pipeline_mode<synchronous>, transform_indices = @transform_3, window_bounds = array<i64: 1, 32>}, {pipeline_mode = #tpu.pipeline_mode<synchronous>, transform_indices = @transform_4, window_bounds = array<i64: 7, 128, 128>}, {transform_indices = @transform_5, window_bounds = array<i64: 7, 2048, 128>}]} {
    %get3A = arith.constant 0 : index
    %get3A_0 = arith.constant 0 : index
    %get3A_1 = vector.load %arg1[%get3A, %get3A_0] : memref<2048x128xf32, #tpu.memory_space<vmem>>, vector<2048x128xf32>
    %get3A_2 = arith.constant 0 : index
    %get3A_3 = arith.constant 0 : index
    %get3A_4 = vector.load %arg2[%get3A_2, %get3A_3] : memref<2x128xf32, #tpu.memory_space<vmem>>, vector<2x128xf32>
    %slice3A = vector.extract_strided_slice %get3A_4 {offsets = [0, 0], sizes = [2, 32], strides = [1, 1]} : vector<2x128xf32> to vector<2x32xf32>
    %slice3A_5 = vector.extract_strided_slice %get3A_4 {offsets = [0, 32], sizes = [2, 32], strides = [1, 1]} : vector<2x128xf32> to vector<2x32xf32>
    %add3A = arith.addf %slice3A, %slice3A_5 : vector<2x32xf32>
    %slice3A_6 = vector.extract_strided_slice %get3A_4 {offsets = [0, 64], sizes = [2, 32], strides = [1, 1]} : vector<2x128xf32> to vector<2x32xf32>
    %add3A_7 = arith.addf %add3A, %slice3A_6 : vector<2x32xf32>
    %slice3A_8 = vector.extract_strided_slice %get3A_4 {offsets = [0, 96], sizes = [2, 32], strides = [1, 1]} : vector<2x128xf32> to vector<2x32xf32>
    %add3A_9 = arith.addf %add3A_7, %slice3A_8 : vector<2x32xf32>
    %slice3A_10 = vector.extract_strided_slice %add3A_9 {offsets = [0, 0], sizes = [1, 32], strides = [1, 1]} : vector<2x32xf32> to vector<1x32xf32>
    %mul3A = arith.constant 6.10344114E-6 : f32
    %mul3A_11 = vector.broadcast %mul3A : f32 to vector<1x32xf32>
    %mul3A_12 = arith.mulf %slice3A_10, %mul3A_11 : vector<1x32xf32>
    %slice3A_13 = vector.extract_strided_slice %add3A_9 {offsets = [1, 0], sizes = [1, 32], strides = [1, 1]} : vector<2x32xf32> to vector<1x32xf32>
    %mul3A_14 = arith.constant 6.10344114E-6 : f32
    %mul3A_15 = vector.broadcast %mul3A_14 : f32 to vector<1x32xf32>
    %mul3A_16 = arith.mulf %slice3A_13, %mul3A_15 : vector<1x32xf32>
    %mul3A_17 = arith.mulf %mul3A_12, %mul3A_12 : vector<1x32xf32>
    %sub3A = arith.subf %mul3A_16, %mul3A_17 : vector<1x32xf32>
    %get3A_18 = arith.constant 0 : index
    %get3A_19 = arith.constant 0 : index
    %get3A_20 = vector.load %arg3[%get3A_18, %get3A_19] : memref<1x32xf32, #tpu.memory_space<vmem>>, vector<1x32xf32>
    %add3A_21 = arith.constant 9.99999974E-6 : f32
    %add3A_22 = vector.broadcast %add3A_21 : f32 to vector<1x32xf32>
    %add3A_23 = arith.addf %sub3A, %add3A_22 : vector<1x32xf32>
    %rsqrt3A = math.rsqrt %add3A_23 : vector<1x32xf32>
    %mul3A_24 = arith.mulf %get3A_20, %rsqrt3A : vector<1x32xf32>
    %get3A_25 = arith.constant 0 : index
    %get3A_26 = arith.constant 0 : index
    %get3A_27 = vector.load %arg4[%get3A_25, %get3A_26] : memref<1x32xf32, #tpu.memory_space<vmem>>, vector<1x32xf32>
    %mul3A_28 = arith.mulf %mul3A_12, %mul3A_24 : vector<1x32xf32>
    %sub3A_29 = arith.subf %get3A_27, %mul3A_28 : vector<1x32xf32>
    %concatenate3A = tpu.concatenate %mul3A_24, %mul3A_24, %mul3A_24, %mul3A_24 in 1 : vector<1x32xf32>, vector<1x32xf32>, vector<1x32xf32>, vector<1x32xf32> -> vector<1x128xf32>
    %concatenate3A_30 = tpu.concatenate %sub3A_29, %sub3A_29, %sub3A_29, %sub3A_29 in 1 : vector<1x32xf32>, vector<1x32xf32>, vector<1x32xf32>, vector<1x32xf32> -> vector<1x128xf32>
    %mul3A_31 = vector.broadcast %concatenate3A : vector<1x128xf32> to vector<2048x128xf32>
    %mul3A_32 = arith.mulf %get3A_1, %mul3A_31 : vector<2048x128xf32>
    %add3A_33 = vector.broadcast %concatenate3A_30 : vector<1x128xf32> to vector<2048x128xf32>
    %add3A_34 = arith.addf %mul3A_32, %add3A_33 : vector<2048x128xf32>
    %ge3A = arith.constant 0.000000e+00 : f32
    %ge3A_35 = vector.broadcast %ge3A : f32 to vector<2048x128xf32>
    %ge3A_36 = arith.cmpf oge, %add3A_34, %ge3A_35 : vector<2048x128xf32>
    %mul3A_37 = arith.constant 2.000000e-01 : f32
    %mul3A_38 = vector.broadcast %mul3A_37 : f32 to vector<2048x128xf32>
    %mul3A_39 = arith.mulf %mul3A_38, %add3A_34 : vector<2048x128xf32>
    %select_n3A = arith.select %ge3A_36, %add3A_34, %mul3A_39 : vector<2048x128xi1>, vector<2048x128xf32>
    %get3A_40 = arith.constant 0 : index
    %get3A_41 = arith.constant 0 : index
    %get3A_42 = arith.constant 0 : index
    %get3A_43 = vector.load %arg5[%get3A_40, %get3A_41, %get3A_42] : memref<7x128x128xf32, #tpu.memory_space<vmem>>, vector<1x128x128xf32>
    %get3A_44 = vector.shape_cast %get3A_43 : vector<1x128x128xf32> to vector<128x128xf32>
    %dot_general3A = arith.constant dense<0.000000e+00> : vector<2048x128xf32>
    %dot_general3A_45 = tpu.matmul %select_n3A, %get3A_44, %dot_general3A {dimension_numbers = #tpu.dot_dimension_numbers<[1], [0], [0], [1], [0, 0, 1, 1], [], []>, transpose_lhs_hint = false} : vector<2048x128xf32>, vector<128x128xf32>, vector<2048x128xf32> -> vector<2048x128xf32>
    %swap3A = arith.constant 0 : index
    %swap3A_46 = arith.constant 0 : index
    %swap3A_47 = arith.constant 0 : index
    %swap3A_48 = vector.load %arg6[%swap3A, %swap3A_46, %swap3A_47] : memref<7x2048x128xf32, #tpu.memory_space<vmem>>, vector<1x2048x128xf32>
    %swap3A_49 = vector.shape_cast %swap3A_48 : vector<1x2048x128xf32> to vector<2048x128xf32>
    %swap3A_50 = vector.shape_cast %dot_general3A_45 : vector<2048x128xf32> to vector<1x2048x128xf32>
    tpu.vector_store %arg6[%swap3A, %swap3A_46, %swap3A_47], %swap3A_50 {strides = array<i32>} : memref<7x2048x128xf32, #tpu.memory_space<vmem>>, vector<1x2048x128xf32>,
    %get3A_51 = arith.constant 1 : index
    %get3A_52 = arith.constant 0 : index
    %get3A_53 = arith.constant 0 : index
    %get3A_54 = vector.load %arg5[%get3A_51, %get3A_52, %get3A_53] : memref<7x128x128xf32, #tpu.memory_space<vmem>>, vector<1x128x128xf32>
    %get3A_55 = vector.shape_cast %get3A_54 : vector<1x128x128xf32> to vector<128x128xf32>
    %dot_general3A_56 = arith.constant dense<0.000000e+00> : vector<2048x128xf32>
    %dot_general3A_57 = tpu.matmul %select_n3A, %get3A_55, %dot_general3A_56 {dimension_numbers = #tpu.dot_dimension_numbers<[1], [0], [0], [1], [0, 0, 1, 1], [], []>, transpose_lhs_hint = false} : vector<2048x128xf32>, vector<128x128xf32>, vector<2048x128xf32> -> vector<2048x128xf32>
    %swap3A_58 = arith.constant 1 : index
    %swap3A_59 = arith.constant 0 : index
    %swap3A_60 = arith.constant 0 : index
    %swap3A_61 = vector.load %arg6[%swap3A_58, %swap3A_59, %swap3A_60] : memref<7x2048x128xf32, #tpu.memory_space<vmem>>, vector<1x2048x128xf32>
    %swap3A_62 = vector.shape_cast %swap3A_61 : vector<1x2048x128xf32> to vector<2048x128xf32>
    %swap3A_63 = vector.shape_cast %dot_general3A_57 : vector<2048x128xf32> to vector<1x2048x128xf32>
    tpu.vector_store %arg6[%swap3A_58, %swap3A_59, %swap3A_60], %swap3A_63 {strides = array<i32>} : memref<7x2048x128xf32, #tpu.memory_space<vmem>>, vector<1x2048x128xf32>,
    %get3A_64 = arith.constant 2 : index
    %get3A_65 = arith.constant 0 : index
    %get3A_66 = arith.constant 0 : index
    %get3A_67 = vector.load %arg5[%get3A_64, %get3A_65, %get3A_66] : memref<7x128x128xf32, #tpu.memory_space<vmem>>, vector<1x128x128xf32>
    %get3A_68 = vector.shape_cast %get3A_67 : vector<1x128x128xf32> to vector<128x128xf32>
    %dot_general3A_69 = arith.constant dense<0.000000e+00> : vector<2048x128xf32>
    %dot_general3A_70 = tpu.matmul %select_n3A, %get3A_68, %dot_general3A_69 {dimension_numbers = #tpu.dot_dimension_numbers<[1], [0], [0], [1], [0, 0, 1, 1], [], []>, transpose_lhs_hint = false} : vector<2048x128xf32>, vector<128x128xf32>, vector<2048x128xf32> -> vector<2048x128xf32>
    %swap3A_71 = arith.constant 2 : index
    %swap3A_72 = arith.constant 0 : index
    %swap3A_73 = arith.constant 0 : index
    %swap3A_74 = vector.load %arg6[%swap3A_71, %swap3A_72, %swap3A_73] : memref<7x2048x128xf32, #tpu.memory_space<vmem>>, vector<1x2048x128xf32>
    %swap3A_75 = vector.shape_cast %swap3A_74 : vector<1x2048x128xf32> to vector<2048x128xf32>
    %swap3A_76 = vector.shape_cast %dot_general3A_70 : vector<2048x128xf32> to vector<1x2048x128xf32>
    tpu.vector_store %arg6[%swap3A_71, %swap3A_72, %swap3A_73], %swap3A_76 {strides = array<i32>} : memref<7x2048x128xf32, #tpu.memory_space<vmem>>, vector<1x2048x128xf32>,
    %get3A_77 = arith.constant 3 : index
    %get3A_78 = arith.constant 0 : index
    %get3A_79 = arith.constant 0 : index
    %get3A_80 = vector.load %arg5[%get3A_77, %get3A_78, %get3A_79] : memref<7x128x128xf32, #tpu.memory_space<vmem>>, vector<1x128x128xf32>
    %get3A_81 = vector.shape_cast %get3A_80 : vector<1x128x128xf32> to vector<128x128xf32>
    %dot_general3A_82 = arith.constant dense<0.000000e+00> : vector<2048x128xf32>
    %dot_general3A_83 = tpu.matmul %select_n3A, %get3A_81, %dot_general3A_82 {dimension_numbers = #tpu.dot_dimension_numbers<[1], [0], [0], [1], [0, 0, 1, 1], [], []>, transpose_lhs_hint = false} : vector<2048x128xf32>, vector<128x128xf32>, vector<2048x128xf32> -> vector<2048x128xf32>
    %swap3A_84 = arith.constant 3 : index
    %swap3A_85 = arith.constant 0 : index
    %swap3A_86 = arith.constant 0 : index
    %swap3A_87 = vector.load %arg6[%swap3A_84, %swap3A_85, %swap3A_86] : memref<7x2048x128xf32, #tpu.memory_space<vmem>>, vector<1x2048x128xf32>
    %swap3A_88 = vector.shape_cast %swap3A_87 : vector<1x2048x128xf32> to vector<2048x128xf32>
    %swap3A_89 = vector.shape_cast %dot_general3A_83 : vector<2048x128xf32> to vector<1x2048x128xf32>
    tpu.vector_store %arg6[%swap3A_84, %swap3A_85, %swap3A_86], %swap3A_89 {strides = array<i32>} : memref<7x2048x128xf32, #tpu.memory_space<vmem>>, vector<1x2048x128xf32>,
    %get3A_90 = arith.constant 4 : index
    %get3A_91 = arith.constant 0 : index
    %get3A_92 = arith.constant 0 : index
    %get3A_93 = vector.load %arg5[%get3A_90, %get3A_91, %get3A_92] : memref<7x128x128xf32, #tpu.memory_space<vmem>>, vector<1x128x128xf32>
    %get3A_94 = vector.shape_cast %get3A_93 : vector<1x128x128xf32> to vector<128x128xf32>
    %dot_general3A_95 = arith.constant dense<0.000000e+00> : vector<2048x128xf32>
    %dot_general3A_96 = tpu.matmul %select_n3A, %get3A_94, %dot_general3A_95 {dimension_numbers = #tpu.dot_dimension_numbers<[1], [0], [0], [1], [0, 0, 1, 1], [], []>, transpose_lhs_hint = false} : vector<2048x128xf32>, vector<128x128xf32>, vector<2048x128xf32> -> vector<2048x128xf32>
    %swap3A_97 = arith.constant 4 : index
    %swap3A_98 = arith.constant 0 : index
    %swap3A_99 = arith.constant 0 : index
    %swap3A_100 = vector.load %arg6[%swap3A_97, %swap3A_98, %swap3A_99] : memref<7x2048x128xf32, #tpu.memory_space<vmem>>, vector<1x2048x128xf32>
    %swap3A_101 = vector.shape_cast %swap3A_100 : vector<1x2048x128xf32> to vector<2048x128xf32>
    %swap3A_102 = vector.shape_cast %dot_general3A_96 : vector<2048x128xf32> to vector<1x2048x128xf32>
    tpu.vector_store %arg6[%swap3A_97, %swap3A_98, %swap3A_99], %swap3A_102 {strides = array<i32>} : memref<7x2048x128xf32, #tpu.memory_space<vmem>>, vector<1x2048x128xf32>,
    %get3A_103 = arith.constant 5 : index
    %get3A_104 = arith.constant 0 : index
    %get3A_105 = arith.constant 0 : index
    %get3A_106 = vector.load %arg5[%get3A_103, %get3A_104, %get3A_105] : memref<7x128x128xf32, #tpu.memory_space<vmem>>, vector<1x128x128xf32>
    %get3A_107 = vector.shape_cast %get3A_106 : vector<1x128x128xf32> to vector<128x128xf32>
    %dot_general3A_108 = arith.constant dense<0.000000e+00> : vector<2048x128xf32>
    %dot_general3A_109 = tpu.matmul %select_n3A, %get3A_107, %dot_general3A_108 {dimension_numbers = #tpu.dot_dimension_numbers<[1], [0], [0], [1], [0, 0, 1, 1], [], []>, transpose_lhs_hint = false} : vector<2048x128xf32>, vector<128x128xf32>, vector<2048x128xf32> -> vector<2048x128xf32>
    %swap3A_110 = arith.constant 5 : index
    %swap3A_111 = arith.constant 0 : index
    %swap3A_112 = arith.constant 0 : index
    %swap3A_113 = vector.load %arg6[%swap3A_110, %swap3A_111, %swap3A_112] : memref<7x2048x128xf32, #tpu.memory_space<vmem>>, vector<1x2048x128xf32>
    %swap3A_114 = vector.shape_cast %swap3A_113 : vector<1x2048x128xf32> to vector<2048x128xf32>
    %swap3A_115 = vector.shape_cast %dot_general3A_109 : vector<2048x128xf32> to vector<1x2048x128xf32>
    tpu.vector_store %arg6[%swap3A_110, %swap3A_111, %swap3A_112], %swap3A_115 {strides = array<i32>} : memref<7x2048x128xf32, #tpu.memory_space<vmem>>, vector<1x2048x128xf32>,
    %get3A_116 = arith.constant 6 : index
    %get3A_117 = arith.constant 0 : index
    %get3A_118 = arith.constant 0 : index
    %get3A_119 = vector.load %arg5[%get3A_116, %get3A_117, %get3A_118] : memref<7x128x128xf32, #tpu.memory_space<vmem>>, vector<1x128x128xf32>
    %get3A_120 = vector.shape_cast %get3A_119 : vector<1x128x128xf32> to vector<128x128xf32>
    %dot_general3A_121 = arith.constant dense<0.000000e+00> : vector<2048x128xf32>
    %dot_general3A_122 = tpu.matmul %select_n3A, %get3A_120, %dot_general3A_121 {dimension_numbers = #tpu.dot_dimension_numbers<[1], [0], [0], [1], [0, 0, 1, 1], [], []>, transpose_lhs_hint = false} : vector<2048x128xf32>, vector<128x128xf32>, vector<2048x128xf32> -> vector<2048x128xf32>
    %swap3A_123 = arith.constant 6 : index
    %swap3A_124 = arith.constant 0 : index
    %swap3A_125 = arith.constant 0 : index
    %swap3A_126 = vector.load %arg6[%swap3A_123, %swap3A_124, %swap3A_125] : memref<7x2048x128xf32, #tpu.memory_space<vmem>>, vector<1x2048x128xf32>
    %swap3A_127 = vector.shape_cast %swap3A_126 : vector<1x2048x128xf32> to vector<2048x128xf32>
    %swap3A_128 = vector.shape_cast %dot_general3A_122 : vector<2048x128xf32> to vector<1x2048x128xf32>
    tpu.vector_store %arg6[%swap3A_123, %swap3A_124, %swap3A_125], %swap3A_128 {strides = array<i32>} : memref<7x2048x128xf32, #tpu.memory_space<vmem>>, vector<1x2048x128xf32>,
    return
  }
  func.func @transform_0(%arg0: i32) -> (i32, i32) {
    %c0_i32 = arith.constant 0 : i32
    %c0_i32_0 = arith.constant 0 : i32
    return %arg0, %c0_i32 : i32, i32
  }
  func.func @transform_1(%arg0: i32) -> (i32, i32) {
    %c0_i32 = arith.constant 0 : i32
    %c0_i32_0 = arith.constant 0 : i32
    %c0_i32_1 = arith.constant 0 : i32
    return %c0_i32, %c0_i32_0 : i32, i32
  }
  func.func @transform_2(%arg0: i32) -> (i32, i32) {
    %c0_i32 = arith.constant 0 : i32
    %c0_i32_0 = arith.constant 0 : i32
    %c0_i32_1 = arith.constant 0 : i32
    return %c0_i32, %c0_i32_0 : i32, i32
  }
  func.func @transform_3(%arg0: i32) -> (i32, i32) {
    %c0_i32 = arith.constant 0 : i32
    %c0_i32_0 = arith.constant 0 : i32
    %c0_i32_1 = arith.constant 0 : i32
    return %c0_i32, %c0_i32_0 : i32, i32
  }
  func.func @transform_4(%arg0: i32) -> (i32, i32, i32) {
    %c0_i32 = arith.constant 0 : i32
    %c0_i32_0 = arith.constant 0 : i32
    %c0_i32_1 = arith.constant 0 : i32
    %c0_i32_2 = arith.constant 0 : i32
    return %c0_i32, %c0_i32_0, %c0_i32_1 : i32, i32, i32
  }
  func.func @transform_5(%arg0: i32) -> (i32, i32, i32) {
    %c0_i32 = arith.constant 0 : i32
    %c0_i32_0 = arith.constant 0 : i32
    %c0_i32_1 = arith.constant 0 : i32
    return %c0_i32, %arg0, %c0_i32_0 : i32, i32, i32
  }
}

module attributes {stable_mosaic.version = 14 : i64} {
  func.func @_stats_ac_body(%arg0: i32, %arg1: memref<2048x128xf32, #tpu.memory_space<vmem>>, %arg2: memref<1x32xf32, #tpu.memory_space<vmem>>, %arg3: memref<1x32xf32, #tpu.memory_space<vmem>>, %arg4: memref<2x32xf32, #tpu.memory_space<vmem>>, %arg5: memref<2x128xf32, #tpu.memory_space<vmem>>) attributes {dimension_semantics = [#tpu.dimension_semantics<arbitrary>], iteration_bounds = array<i64: 21>, scalar_prefetch = 0 : i64, scratch_operands = 1 : i64, tpu.core_type = #tpu.core_type<tc>, window_params = [{transform_indices = @transform_0, window_bounds = array<i64: 2048, 128>}, {pipeline_mode = #tpu.pipeline_mode<synchronous>, transform_indices = @transform_1, window_bounds = array<i64: 1, 32>}, {pipeline_mode = #tpu.pipeline_mode<synchronous>, transform_indices = @transform_2, window_bounds = array<i64: 1, 32>}, {pipeline_mode = #tpu.pipeline_mode<synchronous>, transform_indices = @transform_3, window_bounds = array<i64: 2, 32>}]} {
    %eq3A = arith.constant 0 : i32
    %eq3A_0 = arith.cmpi eq, %arg0, %eq3A : i32
    %convert_element_type3A = arith.extui %eq3A_0 : i1 to i32
    %cond3A = arith.constant 0 : i32
    %cond3A_1 = arith.cmpi ne, %convert_element_type3A, %cond3A : i32
    scf.if %cond3A_1 {
      %broadcast_in_dim3A_39 = arith.constant 0.000000e+00 : f32
      %broadcast_in_dim3A_40 = vector.broadcast %broadcast_in_dim3A_39 : f32 to vector<2x128xf32>
      %swap3A_41 = arith.constant 0 : index
      %swap3A_42 = arith.constant 0 : index
      %swap3A_43 = vector.load %arg5[%swap3A_41, %swap3A_42] : memref<2x128xf32, #tpu.memory_space<vmem>>, vector<2x128xf32>
      tpu.vector_store %arg5[%swap3A_41, %swap3A_42], %broadcast_in_dim3A_40 {strides = array<i32>} : memref<2x128xf32, #tpu.memory_space<vmem>>, vector<2x128xf32>,
    } else {
    }
    %get3A = arith.constant 0 : index
    %get3A_2 = arith.constant 0 : index
    %get3A_3 = vector.load %arg1[%get3A, %get3A_2] : memref<2048x128xf32, #tpu.memory_space<vmem>>, vector<2048x128xf32>
    %iota3A = tpu.iota {dimensions = array<i32: 0>} : vector<2048x128xi32>
    %mul3A = arith.constant 2048 : i32
    %mul3A_4 = arith.muli %arg0, %mul3A : i32
    %add3A = vector.broadcast %mul3A_4 : i32 to vector<2048x128xi32>
    %add3A_5 = arith.addi %iota3A, %add3A : vector<2048x128xi32>
    %iota3A_6 = tpu.iota {dimensions = array<i32: 1>} : vector<2048x128xi32>
    %mul3A_7 = arith.constant 4 : i32
    %mul3A_8 = vector.broadcast %mul3A_7 : i32 to vector<2048x128xi32>
    %mul3A_9 = arith.muli %add3A_5, %mul3A_8 : vector<2048x128xi32>
    %shift_right_logical3A = arith.constant 5 : i32
    %shift_right_logical3A_10 = vector.broadcast %shift_right_logical3A : i32 to vector<2048x128xi32>
    %shift_right_logical3A_11 = arith.shrui %iota3A_6, %shift_right_logical3A_10 : vector<2048x128xi32>
    %add3A_12 = arith.addi %mul3A_9, %shift_right_logical3A_11 : vector<2048x128xi32>
    %lt3A = arith.constant 163842 : i32
    %lt3A_13 = vector.broadcast %lt3A : i32 to vector<2048x128xi32>
    %lt3A_14 = arith.cmpi slt, %add3A_12, %lt3A_13 : vector<2048x128xi32>
    %jit3A = arith.constant 0.000000e+00 : f32
    %broadcast_in_dim3A = vector.broadcast %jit3A : f32 to vector<2048x128xf32>
    %select_n3A = arith.select %lt3A_14, %get3A_3, %broadcast_in_dim3A : vector<2048x128xi1>, vector<2048x128xf32>
    %get3A_15 = arith.constant 0 : index
    %get3A_16 = arith.constant 0 : index
    %get3A_17 = vector.load %arg5[%get3A_15, %get3A_16] : memref<2x128xf32, #tpu.memory_space<vmem>>, vector<1x128xf32>
    %reduce_sum3A = arith.constant dense<0.000000e+00> : vector<128xf32>
    %reduce_sum3A_18 = vector.multi_reduction <add>, %select_n3A, %reduce_sum3A [0] : vector<2048x128xf32> to vector<128xf32>
    %broadcast_in_dim3A_19 = vector.shape_cast %reduce_sum3A_18 : vector<128xf32> to vector<1x128xf32>
    %add3A_20 = arith.addf %get3A_17, %broadcast_in_dim3A_19 : vector<1x128xf32>
    %swap3A = arith.constant 0 : index
    %swap3A_21 = arith.constant 0 : index
    %swap3A_22 = vector.load %arg5[%swap3A, %swap3A_21] : memref<2x128xf32, #tpu.memory_space<vmem>>, vector<1x128xf32>
    tpu.vector_store %arg5[%swap3A, %swap3A_21], %add3A_20 {strides = array<i32>} : memref<2x128xf32, #tpu.memory_space<vmem>>, vector<1x128xf32>,
    %get3A_23 = arith.constant 1 : index
    %get3A_24 = arith.constant 0 : index
    %get3A_25 = vector.load %arg5[%get3A_23, %get3A_24] : memref<2x128xf32, #tpu.memory_space<vmem>>, vector<1x128xf32>
    %mul3A_26 = arith.mulf %select_n3A, %select_n3A : vector<2048x128xf32>
    %reduce_sum3A_27 = arith.constant dense<0.000000e+00> : vector<128xf32>
    %reduce_sum3A_28 = vector.multi_reduction <add>, %mul3A_26, %reduce_sum3A_27 [0] : vector<2048x128xf32> to vector<128xf32>
    %broadcast_in_dim3A_29 = vector.shape_cast %reduce_sum3A_28 : vector<128xf32> to vector<1x128xf32>
    %add3A_30 = arith.addf %get3A_25, %broadcast_in_dim3A_29 : vector<1x128xf32>
    %swap3A_31 = arith.constant 1 : index
    %swap3A_32 = arith.constant 0 : index
    %swap3A_33 = vector.load %arg5[%swap3A_31, %swap3A_32] : memref<2x128xf32, #tpu.memory_space<vmem>>, vector<1x128xf32>
    tpu.vector_store %arg5[%swap3A_31, %swap3A_32], %add3A_30 {strides = array<i32>} : memref<2x128xf32, #tpu.memory_space<vmem>>, vector<1x128xf32>,
    %eq3A_34 = arith.constant 20 : i32
    %eq3A_35 = arith.cmpi eq, %arg0, %eq3A_34 : i32
    %convert_element_type3A_36 = arith.extui %eq3A_35 : i1 to i32
    %cond3A_37 = arith.constant 0 : i32
    %cond3A_38 = arith.cmpi ne, %convert_element_type3A_36, %cond3A_37 : i32
    scf.if %cond3A_38 {
      %get3A_39 = arith.constant 0 : index
      %get3A_40 = arith.constant 0 : index
      %get3A_41 = vector.load %arg5[%get3A_39, %get3A_40] : memref<2x128xf32, #tpu.memory_space<vmem>>, vector<2x128xf32>
      %slice3A = vector.extract_strided_slice %get3A_41 {offsets = [0, 0], sizes = [2, 32], strides = [1, 1]} : vector<2x128xf32> to vector<2x32xf32>
      %slice3A_42 = vector.extract_strided_slice %get3A_41 {offsets = [0, 32], sizes = [2, 32], strides = [1, 1]} : vector<2x128xf32> to vector<2x32xf32>
      %add3A_43 = arith.addf %slice3A, %slice3A_42 : vector<2x32xf32>
      %slice3A_44 = vector.extract_strided_slice %get3A_41 {offsets = [0, 64], sizes = [2, 32], strides = [1, 1]} : vector<2x128xf32> to vector<2x32xf32>
      %add3A_45 = arith.addf %add3A_43, %slice3A_44 : vector<2x32xf32>
      %slice3A_46 = vector.extract_strided_slice %get3A_41 {offsets = [0, 96], sizes = [2, 32], strides = [1, 1]} : vector<2x128xf32> to vector<2x32xf32>
      %add3A_47 = arith.addf %add3A_45, %slice3A_46 : vector<2x32xf32>
      %slice3A_48 = vector.extract_strided_slice %add3A_47 {offsets = [0, 0], sizes = [1, 32], strides = [1, 1]} : vector<2x32xf32> to vector<1x32xf32>
      %mul3A_49 = arith.constant 6.10344114E-6 : f32
      %mul3A_50 = vector.broadcast %mul3A_49 : f32 to vector<1x32xf32>
      %mul3A_51 = arith.mulf %slice3A_48, %mul3A_50 : vector<1x32xf32>
      %slice3A_52 = vector.extract_strided_slice %add3A_47 {offsets = [1, 0], sizes = [1, 32], strides = [1, 1]} : vector<2x32xf32> to vector<1x32xf32>
      %mul3A_53 = arith.constant 6.10344114E-6 : f32
      %mul3A_54 = vector.broadcast %mul3A_53 : f32 to vector<1x32xf32>
      %mul3A_55 = arith.mulf %slice3A_52, %mul3A_54 : vector<1x32xf32>
      %mul3A_56 = arith.mulf %mul3A_51, %mul3A_51 : vector<1x32xf32>
      %sub3A = arith.subf %mul3A_55, %mul3A_56 : vector<1x32xf32>
      %get3A_57 = arith.constant 0 : index
      %get3A_58 = arith.constant 0 : index
      %get3A_59 = vector.load %arg2[%get3A_57, %get3A_58] : memref<1x32xf32, #tpu.memory_space<vmem>>, vector<1x32xf32>
      %add3A_60 = arith.constant 9.99999974E-6 : f32
      %add3A_61 = vector.broadcast %add3A_60 : f32 to vector<1x32xf32>
      %add3A_62 = arith.addf %sub3A, %add3A_61 : vector<1x32xf32>
      %rsqrt3A = math.rsqrt %add3A_62 : vector<1x32xf32>
      %mul3A_63 = arith.mulf %get3A_59, %rsqrt3A : vector<1x32xf32>
      %get3A_64 = arith.constant 0 : index
      %get3A_65 = arith.constant 0 : index
      %get3A_66 = vector.load %arg3[%get3A_64, %get3A_65] : memref<1x32xf32, #tpu.memory_space<vmem>>, vector<1x32xf32>
      %mul3A_67 = arith.mulf %mul3A_51, %mul3A_63 : vector<1x32xf32>
      %sub3A_68 = arith.subf %get3A_66, %mul3A_67 : vector<1x32xf32>
      %concatenate3A = tpu.concatenate %mul3A_63, %sub3A_68 in 0 : vector<1x32xf32>, vector<1x32xf32> -> vector<2x32xf32>
      %swap3A_69 = arith.constant 0 : index
      %swap3A_70 = arith.constant 0 : index
      %swap3A_71 = vector.load %arg4[%swap3A_69, %swap3A_70] : memref<2x32xf32, #tpu.memory_space<vmem>>, vector<2x32xf32>
      tpu.vector_store %arg4[%swap3A_69, %swap3A_70], %concatenate3A {strides = array<i32>} : memref<2x32xf32, #tpu.memory_space<vmem>>, vector<2x32xf32>,
    } else {
    }
    return
  }
  func.func @transform_0(%arg0: i32) -> (i32, i32) {
    %c0_i32 = arith.constant 0 : i32
    %c0_i32_0 = arith.constant 0 : i32
    return %arg0, %c0_i32 : i32, i32
  }
  func.func @transform_1(%arg0: i32) -> (i32, i32) {
    %c0_i32 = arith.constant 0 : i32
    %c0_i32_0 = arith.constant 0 : i32
    %c0_i32_1 = arith.constant 0 : i32
    return %c0_i32, %c0_i32_0 : i32, i32
  }
  func.func @transform_2(%arg0: i32) -> (i32, i32) {
    %c0_i32 = arith.constant 0 : i32
    %c0_i32_0 = arith.constant 0 : i32
    %c0_i32_1 = arith.constant 0 : i32
    return %c0_i32, %c0_i32_0 : i32, i32
  }
  func.func @transform_3(%arg0: i32) -> (i32, i32) {
    %c0_i32 = arith.constant 0 : i32
    %c0_i32_0 = arith.constant 0 : i32
    %c0_i32_1 = arith.constant 0 : i32
    return %c0_i32, %c0_i32_0 : i32, i32
  }
}

</mosaic_0001>

<sc_bundles>
// kernel: finalize.3.cloned.1.call-start
scs
__scs_entry_jumppad:
0x0: {  	(pc) =	sbr.rel $0x88, $3  }
0x1: {  	(tag) =	ssettag $0x0;
	lr =	simm.s32 $0x1  }
0x2: {  	[smem:$0x3F95] =	sst lr;
	_ =	strace $0xD0000000  }
0x3: {  	_ = 	snop  }
0x4: {  	_ = 	snop  }
0x5: {  	_ = 	snop  }
0x6: {  	_ = 	snop  }
0x7: {  	_ = 	snop  }
__scs_overlays_trampoline_lowered:
0x8: {  	[smem:$0x3FA4] =	sst s0  }
0x9: {  	[smem:$0x3FA5] =	sst s1  }
0xa: {  	[smem:$0x3FA6] =	sst s2  }
0xb: {  	[smem:$0x3FA7] =	sst s3  }
0xc: {  	[smem:$0x3FA8] =	sst s4  }
0xd: {  	[smem:$0x3FA9] =	sst s5  }
0xe: {  	[smem:$0x3FAA] =	sst s6  }
0xf: {  	[smem:$0x3FAB] =	sst s7  }
0x10: {  	[smem:$0x3FAC] =	sst s8  }
0x11: {  	[smem:$0x3FAD] =	sst s9;
	s0 =	simm.s32 @!p0 $0x0  }
0x12: {  	s1 =	sld [smem:$0x3F93];
	s0 =	simm.s32 @p0 $0x1  }
0x13: {  	[smem:$0x3FAE] =	sst s0;
	s0 =	simm.s32 @!p1 $0x0  }
0x14: {  	s2 =	sld [smem:$0x3F92];
	s0 =	simm.s32 @p1 $0x1  }
0x15: {  	[smem:$0x3FAF] =	sst s0;
	s0 =	simm.s32 @!p2 $0x0  }
0x16: {  	s3 =	sld [smem:$0x3FDB];
	s0 =	simm.s32 @p2 $0x1  }
0x17: {  	s4 =	simm.s32 $0x1BF5;
	[smem:$0x3FB1] =	sst s0  }
0x18: {  	s0 =	sld [smem:$0x3F94];
	_ =	swait.ge [sflag:s4], $0x0  }
0x19: {  	s7 =	sld [smem:$0x3F95]  }
0x1a: {  	s8 =	sadd.s32 $0xFFFFE003, lr  }
0x1b: {  	s9 =	sadd.s32 $0xFFFFFEF7, lr;
	s5 =	simm.s32 $0xFFFFFFFF;
	p2 =	slt.u32 s8, $0xFFFFF086  }
0x1c: {  	p1 =	slt.u32 s9, $0xF7A;
	s5 =	simm.s32 @!p2 $0x0  }
0x1d: {  	s5 =	simm.s32 @p1 $0x1;
	p0 =	seq.s32 s7, s2  }
0x1e: {  	s7 =	smul.u32 @!p0 $0xF7A, s2;
	p2 =	seq.s32 @!p0 s5, $0x0  }
0x1f: {  	s9 =	smul.u32 $0xF7A, s1;
	s8 =	simm.s32 @!p0 $0x1BF5;
	p2 =	por !p2, p0  }
0x20: {  	[sflag:s8] =	ssyncset.s32 @!p0 $0xFFFFF086;
	s6 =	sadd.s32 @!p0 s3, s7;
	s7 =	simm.s32 @!p0 $0x108  }
0x21: {  	s3 =	sadd.s32 s3, s9;
	s6 =	sadd.s32 @!p0 $0x88, s6;
	s7 =	simm.s32 @p2 $0x1082  }
0x22: {  	[simem:s7], [sflag:s8] =	dma.local @!p0 [hbm:s6], $0xF7A  }
0x23: {  	s9 =	sor.u32 $0xD0000000, s2;
	s6 =	simm.s32 $0x108;
	_ =	swait.ge @!p0 [sflag:s8], $0x0  }
0x24: {  	s3 =	sadd.s32 $0x88, s3;
	s6 =	simm.s32 @!p1 $0x1082;
	[sflag:s4] =	ssyncset.s32 $0xFFFFF086  }
0x25: {  	[simem:s6], [sflag:s4] =	dma.local [hbm:s3], $0xF7A  }
0x26: {  	[smem:$0x3F95] =	sst s1;
	(tag) =	ssettag s2;
	_ =	strace s9  }
0x27: {  	s1 =	sld [smem:$0x3FA5]  }
0x28: {  	s2 =	sld [smem:$0x3FA6]  }
0x29: {  	s4 =	sld [smem:$0x3FA8]  }
0x2a: {  	p0 =	seq.s32 s5, $0x0;
	s5 =	sld [smem:$0x3FA9]  }
0x2b: {  	s6 =	sld [smem:$0x3FAA]  }
0x2c: {  	s7 =	sld [smem:$0x3FAB]  }
0x2d: {  	s3 =	simm.s32 $0x108;
	s8 =	sld [smem:$0x3FAC]  }
0x2e: {  	s3 =	simm.s32 @!p0 $0x1082;
	s9 =	sld [smem:$0x3FAD]  }
0x2f: {  	lr =	sadd.s32 s0, s3;
	s0 =	sld [smem:$0x3FA4]  }
0x30: {  	s3 =	sld [smem:$0x3FA7]  }
0x31: {  	[smem:$0x3FB0] =	sst s10  }
0x32: {  	s10 =	sld [smem:$0x3FAE];
	_ =	sdelay $0x3  }
0x33: {  	p0 =	seq.s32 s10, $0x1;
	s10 =	sld [smem:$0x3FB0];
	_ =	sdelay $0x3  }
0x34: {  	[smem:$0x3FB0] =	sst s10  }
0x35: {  	s10 =	sld [smem:$0x3FAF];
	_ =	sdelay $0x3  }
0x36: {  	p1 =	seq.s32 s10, $0x1;
	s10 =	sld [smem:$0x3FB0];
	_ =	sdelay $0x3  }
0x37: {  	[smem:$0x3FB0] =	sst s10  }
0x38: {  	s10 =	sld [smem:$0x3FB1]  }
0x39: {  	_ = 	snop;
	(pc) =	sbr.ind lr, $3  }
0x3a: {  	_ = 	snop  }
0x3b: {  	_ = 	snop  }
0x3c: {  	p2 =	seq.s32 s10, $0x1;
	s10 =	sld [smem:$0x3FB0]  }
0x3d: {  	_ =	shalt  }
0x3e: {  	_ =	shalt  }
0x3f: {  	_ =	shalt  }
0x40: {  	_ =	shalt  }
0x41: {  	_ =	shalt  }
0x42: {  	_ =	shalt  }
0x43: {  	_ =	shalt  }
0x44: {  	_ =	shalt  }
0x45: {  	_ =	shalt  }
0x46: {  	_ =	shalt  }
0x47: {  	_ =	shalt  }
0x48: {  	_ =	shalt  }
0x49: {  	_ =	shalt  }
0x4a: {  	_ =	shalt  }
0x4b: {  	_ =	shalt  }
0x4c: {  	_ =	shalt  }
0x4d: {  	_ =	shalt  }
0x4e: {  	_ =	shalt  }
0x4f: {  	_ =	shalt  }
0x50: {  	_ =	shalt  }
0x51: {  	_ =	shalt  }
0x52: {  	_ =	shalt  }
0x53: {  	_ =	shalt  }
0x54: {  	_ =	shalt  }
0x55: {  	_ =	shalt  }
0x56: {  	_ =	shalt  }
0x57: {  	_ =	shalt  }
0x58: {  	_ =	shalt  }
0x59: {  	_ =	shalt  }
0x5a: {  	_ =	shalt  }
0x5b: {  	_ =	shalt  }
0x5c: {  	_ =	shalt  }
0x5d: {  	_ =	shalt  }
0x5e: {  	_ =	shalt  }
0x5f: {  	_ =	shalt  }
0x60: {  	_ =	shalt  }
0x61: {  	_ =	shalt  }
0x62: {  	_ =	shalt  }
0x63: {  	_ =	shalt  }
0x64: {  	_ =	shalt  }
0x65: {  	_ =	shalt  }
0x66: {  	_ =	shalt  }
0x67: {  	_ =	shalt  }
0x68: {  	_ =	shalt  }
0x69: {  	_ =	shalt  }
0x6a: {  	_ =	shalt  }
0x6b: {  	_ =	shalt  }
0x6c: {  	_ =	shalt  }
0x6d: {  	_ =	shalt  }
0x6e: {  	_ =	shalt  }
0x6f: {  	_ =	shalt  }
0x70: {  	_ =	shalt  }
0x71: {  	_ =	shalt  }
0x72: {  	_ =	shalt  }
0x73: {  	_ =	shalt  }
0x74: {  	_ =	shalt  }
0x75: {  	_ =	shalt  }
0x76: {  	_ =	shalt  }
0x77: {  	_ =	shalt  }
0x78: {  	_ =	shalt  }
0x79: {  	_ =	shalt  }
0x7a: {  	_ =	shalt  }
0x7b: {  	_ =	shalt  }
0x7c: {  	_ =	shalt  }
0x7d: {  	_ =	shalt  }
0x7e: {  	_ =	shalt  }
0x7f: {  	_ =	shalt  }
0x80: {  	_ =	shalt  }
0x81: {  	_ =	shalt  }
0x82: {  	_ =	shalt  }
0x83: {  	_ =	shalt  }
0x84: {  	_ =	shalt  }
0x85: {  	_ =	shalt  }
0x86: {  	_ =	shalt  }
0x87: {  	_ =	shalt  }
.Lfunc_end0:
.L_simem_size_0:
called_computation.3_lowered:
.L_overlay_start_0:
0x88: {  	s2 =	sld [smem:$0x3FD9]  }
0x89: {  	s3 =	sld [smem:$0x3FFE];
	_ =	sdelay $0x1  }
0x8a: {  	s1 =	srdreg.scid  }
0x8b: {  	s0 =	sand.u32 $0x1, s1  }
0x8c: {  	s17 =	sshll.u32 s0, $0xA;
	s2 =	sadd.s32 s3, s2  }
0x8d: {  	s2 =	sadd.s32 s2, s17  }
0x8e: {  	[smem:$0x3FBC] =	sst s2  }
0x8f: {  	_ = 	snop  }
0x90: {  	s2 =	sld [smem:$0x3FD0];
	(tm) =	ssettm $0x1  }
0x91: {  	s18 =	sld [smem:$0x3FFB];
	_ =	sdelay $0x3  }
0x92: {  	_ =	strace s18  }
0x93: {  	s3 =	sld [smem:$0x3FFC];
	_ =	sdelay $0x3  }
0x94: {  	_ =	strace s3  }
0x95: {  	s3 =	sld [smem:$0x3FFD];
	_ =	sdelay $0x3  }
0x96: {  	_ =	strace s3  }
0x97: {  	_ =	strace $0x8FFFFFFF  }
0x98: {  	s19 =	sld [smem:$0x3FDB];
	_ =	sdelay $0x1  }
0x99: {  	s4 =	simm.s32 $_scs_section_size  }
0x9a: {  	s5 =	simm.s32 $_size__tile_overlayer_lowered;
	s6 =	simm.s32 $_tile_overlayer_lowered  }
0x9b: {  	s22 =	simm.s32 $0x1BFF;
	s21 =	sshll.u32 s6, $0x1;
	s3 =	sadd.s32 s4, s19  }
0x9c: {  	s7 =	simm.s32 $0x0;
	s20 =	sshll.u32 s5, $0x1;
	s5 =	sadd.s32 s21, s3  }
0x9d: {  	[timem:s7], [sflag:s22] =	dma.local [hbm:s5], s20  }
0x9e: {  	_ =	swait.ge [sflag:s22], s20  }
0x9f: {  	s4 =	ssub.s32 $0x0, s20;
	[sflag:s22] =	ssyncset.done $0x0  }
0xa0: {  	[sflag:s22] =	ssyncadd.s32 s4;
	_ =	sdelay $0x1  }
0xa1: {  	s23 =	simm.s32 $0x1B8B  }
0xa2: {  	_ =	swait.ge [sflag:s23], $0x1  }
0xa3: {  	[sflag:s23] =	ssyncset.done $0x0  }
0xa4: {  	s25 =	simm.s32 $0x1B8E;
	s24 =	sld [smem:$0x3FFE];
	[sflag:s23] =	ssyncadd.s32 $0xFFFFFFFF  }
0xa5: {  	s26 =	simm.s32 $execute0_lowered;
	[smem:$0x3FD2] =	sst s25  }
0xa6: {  	s5 =	sshll.u32 s26, $0x1;
	_ =	strace $0x8000004F;
	[dreg:$0x1] =	wrdreg $0xFFFFFFFF  }
0xa7: {  	s28 =	simm.s32 $_size_execute0_lowered;
	s3 =	sadd.s32 s3, s5;
	[dreg:$0x0] =	wrdreg $0x0  }
0xa8: {  	s5 =	sshll.u32 s28, $0x1;
	[dreg:$0x2] =	wrdreg s3  }
0xa9: {  	[dreg:$0x3] =	wrdreg s5  }
0xaa: {  	[dreg:$0x4] =	wrdreg $0xC0  }
0xab: {  	_ =	task [dreg:s7], $0x5FFFF  }
0xac: {  	[dreg:$0x1] =	wrdreg $0xFFFFFFFF  }
0xad: {  	[dreg:$0x0] =	wrdreg $0x60  }
0xae: {  	[dreg:$0x2] =	wrdreg s24  }
0xaf: {  	[dreg:$0x3] =	wrdreg s2  }
0xb0: {  	[dreg:$0x4] =	wrdreg $0x9  }
0xb1: {  	_ =	task.clear_ibuf [dreg:s7], $0x5FFFF;
	_ =	strace $0x9000004F  }
0xb2: {  	s29 =	simm.s32 $0x9;
	_ =	strace $0x80000051  }
0xb3: {  	_ =	swait.ge [sflag:s29], $0x1  }
0xb4: {  	[sflag:s29] =	ssyncadd.s32 $0xFFFFFFFF  }
0xb5: {  	_ =	strace $0x90000051  }
0xb6: {  	_ =	sfence  }
0xb7: {  	s30 =	sld [smem:$0x0];
	_ =	sdelay $0x2  }
0xb8: {  	s31 =	sshll.u32 s1, $0xD;
	s1 =	sshrl.u32 s1, $0x2  }
0xb9: {  	s3 =	sand.u32 $0x4000, s31;
	s1 =	sadd.s32 s1, s30  }
0xba: {  	s0 =	sor.u32 s3, s0;
	s1 =	sshll.u32 s1, $0x11  }
0xbb: {  	s0 =	sor.u32 s1, s0  }
0xbc: {  	s0 =	sadd.s32 $0x8F2B, s0  }
0xbd: {  	[sflag:s0] =	ssyncadd.remote.s32 $0x1  }
0xbe: {  	_ =	sfence.sel $0xFFFF  }
0xbf: {  	[dreg:$0x0] =	wrdreg $0xFFFFFFFF;
	(pc) =	sbr.abs _section_cstart, $3  }
0xc0: {  	[dreg:$0x1] =	wrdreg $0xFFFFFFFF  }
0xc1: {  	_ =	task.clear_ibuf [dreg:s7], $0x2FFFF;
	_ =	strace $0x9FFFFFFF  }
0xc2: {  	(tm) =	ssettm $0x7FFFFFFF  }
0xc3: {  	_ =	shalt  }
tec
execute0_lowered:
.L_overlay_start_1:
0x0: {  	(tag) =	ssettag $0x1  }
0x1: {  	s5 =	rddreg [dreg:$0x0]  }
0x2: {  	s1 =	rddreg [dreg:$0x1]  }
0x3: {  	s0 =	rddreg [dreg:$0x2];
	s3 =	simm.s32 $0x0;
	s4 =	srdreg.scid  }
0x4: {  	s2 =	stileid.u32;
	s10 =	simm.s32 $0x40;
	s11 =	simm.s32 $0x2  }
0x5: {  	s12 =	simm.s32 $0x0;
	[smem:$0x7FF] =	sst s3;
	s6 =	sand.u32 $0x1, s4  }
0x6: {  	s8 =	sshll.u32 s2, $0x1;
	s4 =	sadd.s32 $0x466600, s5;
	s7 =	ssub.s32 $0x2, s6  }
0x7: {  	s5 =	sadd.s32 $0x2E00, s5;
	s6 =	sor.u32 s6, s8;
	s9 =	sshrl.u32 s7, $0x1  }
0x8: {  	_ =	strace $0x80000050;
	s6 =	smul.u32 $0x1410, s6;
	s31 =	ssub.s32 s7, s9  }
0x9: {  	s7 =	sadd.s32 $0x9ED40, s1;
	s9 =	simm.s32 $0x1;
	s8 =	smax.u32 s31, $0x1  }
.LBB2_1:
0xa: {  	[tilespmem:s3], [sflag:$0x1] =	stream.linear.gather [hbm4b:s5+s3], $0x40, $0x38;
	[tilespmem:$0xD640] =	vst v63  }
0xb: {  	_ =	swait.ge [sflag:s9], $0x40  }
0xc: {  	[sflag:s9] =	ssyncset.done $0x0  }
0xd: {  	[sflag:s9] =	ssyncadd.s32 $0xFFFFFFC0  }
0xe: {  	v0 =	vld [tilespmem:$0x0]  }
0xf: {  	v3 =	vld [tilespmem:$0x30];
	_ =	sdelay $0x1  }
0x10: {  	v2 =	vld [tilespmem:$0x20]  }
0x11: {  	s13 =	simm.s32 $0x0;
	v1 =	vld [tilespmem:$0x10]  }
.LBB2_2:
0x12: {  	s14 =	smul.u32 $0x6B0, s13;
	_ =	sdelay $0x1  }
0x13: {  	s15 =	sadd.s32 s6, s14  }
0x14: {  	s14 =	sshll.u32 s15, $0x2  }
0x15: {  	s17 =	simm.s32 $0x0;
	s16 =	sadd.s32 s4, s14  }
0x16: {  	[tilespmem:s10], [sflag:$0x2] =	stream.linear.gather [hbm4b:s16+s17], $0xD600, $0x38;
	[tilespmem:$0xD640] =	vst v63  }
0x17: {  	_ =	swait.ge [sflag:s11], $0xD600  }
0x18: {  	[sflag:s11] =	ssyncset.done $0x0  }
0x19: {  	s16 =	simm.s32 $0x0;
	[sflag:s11] =	ssyncadd.s32 $0xFFFF2A00  }
0x1a: {  	v4 =	vld [tilespmem:s16+$0xB0];
	_ =	sdelay $0x1  }
0x1b: {  	v5 =	vld [tilespmem:s16+$0x90]  }
0x1c: {  	v7 =	vld [tilespmem:s16+$0x80]  }
0x1d: {  	v9 =	vld [tilespmem:s16+$0x70]  }
0x1e: {  	v12 =	vld [tilespmem:s16+$0x50];
	v4 =	vmul.f32 v4, v1;
	_ =	sdelay $0x1  }
0x1f: {  	v5 =	vmul.f32 v5, v1;
	v13 =	vadd.f32 v4, v3  }
0x20: {  	v6 =	vld [tilespmem:s16+$0x40]  }
0x21: {  	v7 =	vmul.f32 v7, v0;
	v8 =	vadd.f32 v5, v3;
	v5 =	vld [tilespmem:s16+$0x60];
	v14 =	vmul.f32 $2.000000030e-01, v13  }
0x22: {  	v10 =	vmul.f32 v9, v1;
	v9 =	vmul.f32 v12, v1;
	v4 =	vld [tilespmem:s16+$0xA0]  }
0x23: {  	s18 =	simm.s32 $0x200;
	s17 =	simm.s32 $0x400;
	v7 =	vadd.f32 v7, v2;
	v11 =	vmul.f32 $2.000000030e-01, v8;
	v12 =	vmax.f32 v13, v14  }
.LBB2_3:
0x24: {  	p0 =	sne.s32 s17, $0x35600  }
0x25: {  	s19 =	sshra.s32 s18, $0x2;
	v6 =	vmul.f32 v6, v0;
	v10 =	vadd.f32 v10, v3;
	v8 =	vmax.f32 v8, v11;
	[tilespmem:s16+$0xB0] =	vst v12;
	s18 =	smov.u32 s17;
	s17 =	sadd.s32 $0x200, s17  }
0x26: {  	v11 =	vld [tilespmem:s19+$0xB0];
	v9 =	vadd.f32 v9, v3;
	v5 =	vmul.f32 v5, v0;
	v12 =	vmul.f32 $2.000000030e-01, v7;
	[tilespmem:s16+$0x90] =	vst v8  }
0x27: {  	v8 =	vld [tilespmem:s19+$0x90];
	v6 =	vadd.f32 v6, v2;
	v13 =	vmul.f32 $2.000000030e-01, v10;
	v4 =	vmul.f32 v4, v0  }
0x28: {  	v14 =	vmul.f32 $2.000000030e-01, v9;
	v5 =	vadd.f32 v5, v2;
	v7 =	vmax.f32 v7, v12  }
0x29: {  	v12 =	vmul.f32 $2.000000030e-01, v6;
	v10 =	vmax.f32 v10, v13;
	[tilespmem:s16+$0x80] =	vst v7;
	v4 =	vadd.f32 v4, v2  }
0x2a: {  	v7 =	vld [tilespmem:s19+$0x80];
	v9 =	vmax.f32 v9, v14;
	v13 =	vmul.f32 $2.000000030e-01, v5;
	[tilespmem:s16+$0x70] =	vst v10  }
0x2b: {  	v10 =	vld [tilespmem:s19+$0x70];
	v11 =	vmul.f32 v11, v1;
	v6 =	vmax.f32 v6, v12;
	[tilespmem:s16+$0x50] =	vst v9;
	v9 =	vmul.f32 $2.000000030e-01, v4  }
0x2c: {  	v12 =	vld [tilespmem:s19+$0x50];
	v8 =	vmul.f32 v8, v1;
	[tilespmem:s16+$0x40] =	vst v6;
	v5 =	vmax.f32 v5, v13  }
.Ltmp0:
0x2d: {  	v6 =	vld [tilespmem:s19+$0x40];
	v13 =	vadd.f32 v11, v3;
	[tilespmem:s16+$0x60] =	vst v5;
	v4 =	vmax.f32 v4, v9;
	(pc) =	sbr.rel @p0 .LBB2_3-.Ltmp0, $4  }
0x2e: {  	v5 =	vld [tilespmem:s19+$0x60];
	v8 =	vadd.f32 v8, v3;
	[tilespmem:s16+$0xA0] =	vst v4;
	s16 =	smov.u32 s19  }
0x2f: {  	v7 =	vmul.f32 v7, v0;
	v4 =	vld [tilespmem:s16+$0xA0];
	v14 =	vmul.f32 $2.000000030e-01, v13  }
0x30: {  	v10 =	vmul.f32 v10, v1;
	v11 =	vmul.f32 $2.000000030e-01, v8  }
0x31: {  	v9 =	vmul.f32 v12, v1;
	v7 =	vadd.f32 v7, v2;
	v12 =	vmax.f32 v13, v14  }
0x32: {  	s17 =	sshra.s32 s18, $0x2;
	[tilespmem:s16+$0xB0] =	vst v12;
	v10 =	vadd.f32 v10, v3;
	v8 =	vmax.f32 v8, v11;
	v6 =	vmul.f32 v6, v0  }
0x33: {  	v40 =	vld [tilespmem:s17+$0xB0];
	v41 =	vmul.f32 $2.000000030e-01, v7;
	[tilespmem:s16+$0x90] =	vst v8;
	v42 =	vadd.f32 v9, v3;
	v5 =	vmul.f32 v5, v0  }
0x34: {  	v43 =	vld [tilespmem:s17+$0x90];
	v13 =	vmul.f32 $2.000000030e-01, v10;
	v6 =	vadd.f32 v6, v2;
	v4 =	vmul.f32 v4, v0  }
0x35: {  	v7 =	vmax.f32 v7, v41;
	v44 =	vmul.f32 $2.000000030e-01, v42;
	v5 =	vadd.f32 v5, v2  }
0x36: {  	[tilespmem:s16+$0x80] =	vst v7;
	v10 =	vmax.f32 v10, v13;
	v46 =	vmul.f32 $2.000000030e-01, v6;
	v4 =	vadd.f32 v4, v2  }
0x37: {  	v45 =	vld [tilespmem:s17+$0x80];
	[tilespmem:s16+$0x70] =	vst v10;
	v7 =	vmax.f32 v42, v44;
	v48 =	vmul.f32 $2.000000030e-01, v5  }
0x38: {  	v47 =	vld [tilespmem:s17+$0x70];
	[tilespmem:s16+$0x50] =	vst v7;
	v6 =	vmax.f32 v6, v46;
	v50 =	vmul.f32 v40, v1;
	v51 =	vmul.f32 $2.000000030e-01, v4  }
0x39: {  	v49 =	vld [tilespmem:s17+$0x50];
	[tilespmem:s16+$0x40] =	vst v6;
	v5 =	vmax.f32 v5, v48;
	v9 =	vmul.f32 v43, v1  }
0x3a: {  	v52 =	vld [tilespmem:s17+$0x40];
	[tilespmem:s16+$0x60] =	vst v5;
	v5 =	vadd.f32 v50, v3;
	v4 =	vmax.f32 v4, v51  }
0x3b: {  	v53 =	vld [tilespmem:s17+$0x60];
	v9 =	vadd.f32 v9, v3;
	[tilespmem:s16+$0xA0] =	vst v4  }
0x3c: {  	v4 =	vmul.f32 v45, v0;
	v54 =	vld [tilespmem:s17+$0xA0];
	v55 =	vmul.f32 $2.000000030e-01, v5  }
0x3d: {  	v8 =	vmul.f32 v47, v1;
	v56 =	vmul.f32 $2.000000030e-01, v9  }
0x3e: {  	v10 =	vmul.f32 v49, v1;
	v4 =	vadd.f32 v4, v2;
	v5 =	vmax.f32 v5, v55  }
0x3f: {  	v7 =	vmul.f32 v52, v0;
	v8 =	vadd.f32 v8, v3;
	v9 =	vmax.f32 v9, v56  }
0x40: {  	v10 =	vadd.f32 v10, v3;
	v6 =	vmul.f32 v53, v0;
	v57 =	vmul.f32 $2.000000030e-01, v4  }
0x41: {  	[tilespmem:s17+$0xB0] =	vst v5;
	v5 =	vadd.f32 v7, v2;
	v58 =	vmul.f32 $2.000000030e-01, v8;
	v11 =	vmul.f32 v54, v0  }
0x42: {  	[tilespmem:s17+$0x90] =	vst v9;
	v59 =	vmul.f32 $2.000000030e-01, v10;
	v6 =	vadd.f32 v6, v2;
	v4 =	vmax.f32 v4, v57  }
0x43: {  	v60 =	vmul.f32 $2.000000030e-01, v5;
	v7 =	vmax.f32 v8, v58;
	[tilespmem:s17+$0x80] =	vst v4;
	v4 =	vadd.f32 v11, v2  }
0x44: {  	v61 =	vmax.f32 v10, v59;
	v62 =	vmul.f32 $2.000000030e-01, v6;
	[tilespmem:s17+$0x70] =	vst v7  }
0x45: {  	v5 =	vmax.f32 v5, v60;
	[tilespmem:s17+$0x50] =	vst v61;
	v63 =	vmul.f32 $2.000000030e-01, v4  }
0x46: {  	[tilespmem:s17+$0x40] =	vst v5;
	v5 =	vmax.f32 v6, v62  }
0x47: {  	p0 =	sgt.u32 s15, $0x27952;
	[tilespmem:s17+$0x60] =	vst v5;
	v4 =	vmax.f32 v4, v63  }
0x48: {  	s15 =	simm.s32 @p0 $0x0;
	s16 =	simm.s32 @p0 $0x40;
	[tilespmem:s17+$0xA0] =	vst v4  }
0x49: {  	[hbm4b:s7+s15] =	stream.linear.scatter @p0 [tilespmem:s16], [sflag:$0x1], $0x9640, $0x38;
	[tilespmem:$0xD640] =	vst v63  }
0x4a: {  	s15 =	simm.s32 @p0 $0x1  }
0x4b: {  	s13 =	sadd.s32 $0x1, s13;
	_ =	swait.ge @p0 [sflag:s15], $0x9640  }
0x4c: {  	s14 =	sadd.s32 @!p0 s1, s14;
	p1 =	sne.s32 s13, $0x3;
	[sflag:s15] =	ssyncset.done @p0 $0x0  }
0x4d: {  	s16 =	simm.s32 @!p0 $0x40;
	[sflag:s15] =	ssyncadd.s32 @p0 $0xFFFF69C0;
	s15 =	simm.s32 @!p0 $0x0  }
0x4e: {  	[hbm4b:s14+s15] =	stream.linear.scatter @!p0 [tilespmem:s16], [sflag:$0x2], $0xD600, $0x38;
	[tilespmem:$0xD640] =	vst v63  }
.Ltmp1:
0x4f: {  	_ = 	snop;
	(pc) =	sbr.rel @p1 .LBB2_2-.Ltmp1, $4  }
0x50: {  	s14 =	simm.s32 @!p0 $0x2  }
0x51: {  	_ =	swait.ge @!p0 [sflag:s14], $0xD600  }
0x52: {  	[sflag:s14] =	ssyncset.done @!p0 $0x0  }
0x53: {  	[sflag:s14] =	ssyncadd.s32 @!p0 $0xFFFF2A00  }
0x54: {  	s12 =	sadd.s32 $0x1, s12  }
0x55: {  	p0 =	sne.s32 s12, s8  }
.Ltmp2:
0x56: {  	_ = 	snop;
	(pc) =	sbr.rel @p0 .LBB2_1-.Ltmp2, $1  }
0x57: {  	_ =	sdelay $0x3  }
0x58: {  	_ =	sfence.sel $0x180000  }
0x59: {  	[bflag:$0x0] =	sbarrier.arrive $0xFFFF  }
0x5a: {  	p0 =	sne.s32 s2, $0x0;
	_ =	strace $0x90000050  }
0x5b: {  	s0 =	sadd.s32 @!p0 $0x100000, s0;
	[bflag:$0x2] =	sbarrier.arrive $0xFFFF  }
0x5c: {  	[sflag:s0] =	ssyncadd.tile.s32 @!p0 $0x1;
	_ =	shalt  }
.Lfunc_end2:
_tile_overlayer_lowered:
.L_overlay_start_2:
0x5d: {  	(tag) =	ssettag $0x2  }
0x5e: {  	s0 =	rddreg [dreg:$0x0];
	s2 =	stileid.u32  }
0x5f: {  	s1 =	rddreg [dreg:$0x1];
	p0 =	sne.s32 s2, $0x0  }
0x60: {  	s3 =	rddreg [dreg:$0x2];
	[bflag:$0x3] =	sbarrier.arrive $0xFFFF;
	s2 =	simm.s32 @!p0 $0x1C01  }
0x61: {  	[timem:s3], [sflag:s2] =	dma.local @!p0 [hbm:s0], s1  }
0x62: {  	s0 =	simm.s32 @!p0 $0x1  }
0x63: {  	_ =	swait.ge @!p0 [sflag:s0], s1  }
0x64: {  	s1 =	ssub.s32 @!p0 $0x0, s1;
	[sflag:s0] =	ssyncset.done @!p0 $0x0  }
0x65: {  	[sflag:s0] =	ssyncadd.s32 @!p0 s1  }
0x66: {  	[bflag:$0x3] =	sbarrier.arrive $0xFFFF  }
0x67: {  	_ =	shalt  }

// kernel: gather7.3.cloned.1.call-start
scs
__scs_entry_jumppad:
0x0: {  	(pc) =	sbr.rel $0x88, $3  }
0x1: {  	(tag) =	ssettag $0x0;
	lr =	simm.s32 $0x1  }
0x2: {  	[smem:$0x3F95] =	sst lr;
	_ =	strace $0xD0000000  }
0x3: {  	_ = 	snop  }
0x4: {  	_ = 	snop  }
0x5: {  	_ = 	snop  }
0x6: {  	_ = 	snop  }
0x7: {  	_ = 	snop  }
__scs_overlays_trampoline_lowered:
0x8: {  	[smem:$0x3FA4] =	sst s0  }
0x9: {  	[smem:$0x3FA5] =	sst s1  }
0xa: {  	[smem:$0x3FA6] =	sst s2  }
0xb: {  	[smem:$0x3FA7] =	sst s3  }
0xc: {  	[smem:$0x3FA8] =	sst s4  }
0xd: {  	[smem:$0x3FA9] =	sst s5  }
0xe: {  	[smem:$0x3FAA] =	sst s6  }
0xf: {  	[smem:$0x3FAB] =	sst s7  }
0x10: {  	[smem:$0x3FAC] =	sst s8  }
0x11: {  	[smem:$0x3FAD] =	sst s9;
	s0 =	simm.s32 @!p0 $0x0  }
0x12: {  	s1 =	sld [smem:$0x3F93];
	s0 =	simm.s32 @p0 $0x1  }
0x13: {  	[smem:$0x3FAE] =	sst s0;
	s0 =	simm.s32 @!p1 $0x0  }
0x14: {  	s2 =	sld [smem:$0x3F92];
	s0 =	simm.s32 @p1 $0x1  }
0x15: {  	[smem:$0x3FAF] =	sst s0;
	s0 =	simm.s32 @!p2 $0x0  }
0x16: {  	s3 =	sld [smem:$0x3FDB];
	s0 =	simm.s32 @p2 $0x1  }
0x17: {  	s4 =	simm.s32 $0x1BF5;
	[smem:$0x3FB1] =	sst s0  }
0x18: {  	s0 =	sld [smem:$0x3F94];
	_ =	swait.ge [sflag:s4], $0x0  }
0x19: {  	s7 =	sld [smem:$0x3F95]  }
0x1a: {  	s8 =	sadd.s32 $0xFFFFE003, lr  }
0x1b: {  	s9 =	sadd.s32 $0xFFFFFEF7, lr;
	s5 =	simm.s32 $0xFFFFFFFF;
	p2 =	slt.u32 s8, $0xFFFFF086  }
0x1c: {  	p1 =	slt.u32 s9, $0xF7A;
	s5 =	simm.s32 @!p2 $0x0  }
0x1d: {  	s5 =	simm.s32 @p1 $0x1;
	p0 =	seq.s32 s7, s2  }
0x1e: {  	s7 =	smul.u32 @!p0 $0xF7A, s2;
	p2 =	seq.s32 @!p0 s5, $0x0  }
0x1f: {  	s9 =	smul.u32 $0xF7A, s1;
	s8 =	simm.s32 @!p0 $0x1BF5;
	p2 =	por !p2, p0  }
0x20: {  	[sflag:s8] =	ssyncset.s32 @!p0 $0xFFFFF086;
	s6 =	sadd.s32 @!p0 s3, s7;
	s7 =	simm.s32 @!p0 $0x108  }
0x21: {  	s3 =	sadd.s32 s3, s9;
	s6 =	sadd.s32 @!p0 $0x88, s6;
	s7 =	simm.s32 @p2 $0x1082  }
0x22: {  	[simem:s7], [sflag:s8] =	dma.local @!p0 [hbm:s6], $0xF7A  }
0x23: {  	s9 =	sor.u32 $0xD0000000, s2;
	s6 =	simm.s32 $0x108;
	_ =	swait.ge @!p0 [sflag:s8], $0x0  }
0x24: {  	s3 =	sadd.s32 $0x88, s3;
	s6 =	simm.s32 @!p1 $0x1082;
	[sflag:s4] =	ssyncset.s32 $0xFFFFF086  }
0x25: {  	[simem:s6], [sflag:s4] =	dma.local [hbm:s3], $0xF7A  }
0x26: {  	[smem:$0x3F95] =	sst s1;
	(tag) =	ssettag s2;
	_ =	strace s9  }
0x27: {  	s1 =	sld [smem:$0x3FA5]  }
0x28: {  	s2 =	sld [smem:$0x3FA6]  }
0x29: {  	s4 =	sld [smem:$0x3FA8]  }
0x2a: {  	p0 =	seq.s32 s5, $0x0;
	s5 =	sld [smem:$0x3FA9]  }
0x2b: {  	s6 =	sld [smem:$0x3FAA]  }
0x2c: {  	s7 =	sld [smem:$0x3FAB]  }
0x2d: {  	s3 =	simm.s32 $0x108;
	s8 =	sld [smem:$0x3FAC]  }
0x2e: {  	s3 =	simm.s32 @!p0 $0x1082;
	s9 =	sld [smem:$0x3FAD]  }
0x2f: {  	lr =	sadd.s32 s0, s3;
	s0 =	sld [smem:$0x3FA4]  }
0x30: {  	s3 =	sld [smem:$0x3FA7]  }
0x31: {  	[smem:$0x3FB0] =	sst s10  }
0x32: {  	s10 =	sld [smem:$0x3FAE];
	_ =	sdelay $0x3  }
0x33: {  	p0 =	seq.s32 s10, $0x1;
	s10 =	sld [smem:$0x3FB0];
	_ =	sdelay $0x3  }
0x34: {  	[smem:$0x3FB0] =	sst s10  }
0x35: {  	s10 =	sld [smem:$0x3FAF];
	_ =	sdelay $0x3  }
0x36: {  	p1 =	seq.s32 s10, $0x1;
	s10 =	sld [smem:$0x3FB0];
	_ =	sdelay $0x3  }
0x37: {  	[smem:$0x3FB0] =	sst s10  }
0x38: {  	s10 =	sld [smem:$0x3FB1]  }
0x39: {  	_ = 	snop;
	(pc) =	sbr.ind lr, $3  }
0x3a: {  	_ = 	snop  }
0x3b: {  	_ = 	snop  }
0x3c: {  	p2 =	seq.s32 s10, $0x1;
	s10 =	sld [smem:$0x3FB0]  }
0x3d: {  	_ =	shalt  }
0x3e: {  	_ =	shalt  }
0x3f: {  	_ =	shalt  }
0x40: {  	_ =	shalt  }
0x41: {  	_ =	shalt  }
0x42: {  	_ =	shalt  }
0x43: {  	_ =	shalt  }
0x44: {  	_ =	shalt  }
0x45: {  	_ =	shalt  }
0x46: {  	_ =	shalt  }
0x47: {  	_ =	shalt  }
0x48: {  	_ =	shalt  }
0x49: {  	_ =	shalt  }
0x4a: {  	_ =	shalt  }
0x4b: {  	_ =	shalt  }
0x4c: {  	_ =	shalt  }
0x4d: {  	_ =	shalt  }
0x4e: {  	_ =	shalt  }
0x4f: {  	_ =	shalt  }
0x50: {  	_ =	shalt  }
0x51: {  	_ =	shalt  }
0x52: {  	_ =	shalt  }
0x53: {  	_ =	shalt  }
0x54: {  	_ =	shalt  }
0x55: {  	_ =	shalt  }
0x56: {  	_ =	shalt  }
0x57: {  	_ =	shalt  }
0x58: {  	_ =	shalt  }
0x59: {  	_ =	shalt  }
0x5a: {  	_ =	shalt  }
0x5b: {  	_ =	shalt  }
0x5c: {  	_ =	shalt  }
0x5d: {  	_ =	shalt  }
0x5e: {  	_ =	shalt  }
0x5f: {  	_ =	shalt  }
0x60: {  	_ =	shalt  }
0x61: {  	_ =	shalt  }
0x62: {  	_ =	shalt  }
0x63: {  	_ =	shalt  }
0x64: {  	_ =	shalt  }
0x65: {  	_ =	shalt  }
0x66: {  	_ =	shalt  }
0x67: {  	_ =	shalt  }
0x68: {  	_ =	shalt  }
0x69: {  	_ =	shalt  }
0x6a: {  	_ =	shalt  }
0x6b: {  	_ =	shalt  }
0x6c: {  	_ =	shalt  }
0x6d: {  	_ =	shalt  }
0x6e: {  	_ =	shalt  }
0x6f: {  	_ =	shalt  }
0x70: {  	_ =	shalt  }
0x71: {  	_ =	shalt  }
0x72: {  	_ =	shalt  }
0x73: {  	_ =	shalt  }
0x74: {  	_ =	shalt  }
0x75: {  	_ =	shalt  }
0x76: {  	_ =	shalt  }
0x77: {  	_ =	shalt  }
0x78: {  	_ =	shalt  }
0x79: {  	_ =	shalt  }
0x7a: {  	_ =	shalt  }
0x7b: {  	_ =	shalt  }
0x7c: {  	_ =	shalt  }
0x7d: {  	_ =	shalt  }
0x7e: {  	_ =	shalt  }
0x7f: {  	_ =	shalt  }
0x80: {  	_ =	shalt  }
0x81: {  	_ =	shalt  }
0x82: {  	_ =	shalt  }
0x83: {  	_ =	shalt  }
0x84: {  	_ =	shalt  }
0x85: {  	_ =	shalt  }
0x86: {  	_ =	shalt  }
0x87: {  	_ =	shalt  }
.Lfunc_end0:
.L_simem_size_0:
called_computation.2_lowered:
.L_overlay_start_0:
0x88: {  	s2 =	sld [smem:$0x3FD9]  }
0x89: {  	s3 =	sld [smem:$0x3FFE];
	_ =	sdelay $0x1  }
0x8a: {  	s1 =	srdreg.scid  }
0x8b: {  	s0 =	sand.u32 $0x1, s1  }
0x8c: {  	s17 =	sshll.u32 s0, $0xA;
	s2 =	sadd.s32 s3, s2  }
0x8d: {  	s2 =	sadd.s32 s2, s17  }
0x8e: {  	[smem:$0x3FBC] =	sst s2  }
0x8f: {  	_ = 	snop  }
0x90: {  	s2 =	sld [smem:$0x3FC8];
	(tm) =	ssettm $0x1  }
0x91: {  	s18 =	sld [smem:$0x3FFB];
	_ =	sdelay $0x3  }
0x92: {  	_ =	strace s18  }
0x93: {  	s3 =	sld [smem:$0x3FFC];
	_ =	sdelay $0x3  }
0x94: {  	_ =	strace s3  }
0x95: {  	s3 =	sld [smem:$0x3FFD];
	_ =	sdelay $0x3  }
0x96: {  	_ =	strace s3  }
0x97: {  	_ =	strace $0x8FFFFFFF  }
0x98: {  	s19 =	sld [smem:$0x3FDB];
	_ =	sdelay $0x1  }
0x99: {  	s4 =	simm.s32 $_scs_section_size  }
0x9a: {  	s5 =	simm.s32 $_size__tile_overlayer_lowered;
	s6 =	simm.s32 $_tile_overlayer_lowered  }
0x9b: {  	s22 =	simm.s32 $0x1BFF;
	s21 =	sshll.u32 s6, $0x1;
	s3 =	sadd.s32 s4, s19  }
0x9c: {  	s7 =	simm.s32 $0x0;
	s20 =	sshll.u32 s5, $0x1;
	s5 =	sadd.s32 s21, s3  }
0x9d: {  	[timem:s7], [sflag:s22] =	dma.local [hbm:s5], s20  }
0x9e: {  	_ =	swait.ge [sflag:s22], s20  }
0x9f: {  	s4 =	ssub.s32 $0x0, s20;
	[sflag:s22] =	ssyncset.done $0x0  }
0xa0: {  	[sflag:s22] =	ssyncadd.s32 s4;
	_ =	sdelay $0x1  }
0xa1: {  	s23 =	simm.s32 $0x1B8B  }
0xa2: {  	_ =	swait.ge [sflag:s23], $0x1  }
0xa3: {  	[sflag:s23] =	ssyncset.done $0x0  }
0xa4: {  	s25 =	simm.s32 $0x1B8E;
	s24 =	sld [smem:$0x3FFE];
	[sflag:s23] =	ssyncadd.s32 $0xFFFFFFFF  }
0xa5: {  	s26 =	simm.s32 $execute0_lowered;
	[smem:$0x3FD2] =	sst s25  }
0xa6: {  	s5 =	sshll.u32 s26, $0x1;
	_ =	strace $0x8000004C;
	[dreg:$0x1] =	wrdreg $0xFFFFFFFF  }
0xa7: {  	s28 =	simm.s32 $_size_execute0_lowered;
	s3 =	sadd.s32 s3, s5;
	[dreg:$0x0] =	wrdreg $0x0  }
0xa8: {  	s5 =	sshll.u32 s28, $0x1;
	[dreg:$0x2] =	wrdreg s3  }
0xa9: {  	[dreg:$0x3] =	wrdreg s5  }
0xaa: {  	[dreg:$0x4] =	wrdreg $0xC0  }
0xab: {  	_ =	task [dreg:s7], $0x5FFFF  }
0xac: {  	[dreg:$0x1] =	wrdreg $0xFFFFFFFF  }
0xad: {  	[dreg:$0x0] =	wrdreg $0x60  }
0xae: {  	[dreg:$0x2] =	wrdreg s24  }
0xaf: {  	[dreg:$0x3] =	wrdreg s2  }
0xb0: {  	[dreg:$0x4] =	wrdreg $0x9  }
0xb1: {  	_ =	task.clear_ibuf [dreg:s7], $0x5FFFF;
	_ =	strace $0x9000004C  }
0xb2: {  	s29 =	simm.s32 $0x9;
	_ =	strace $0x8000004E  }
0xb3: {  	_ =	swait.ge [sflag:s29], $0x1  }
0xb4: {  	[sflag:s29] =	ssyncadd.s32 $0xFFFFFFFF  }
0xb5: {  	_ =	strace $0x9000004E  }
0xb6: {  	_ =	sfence  }
0xb7: {  	s30 =	sld [smem:$0x0];
	_ =	sdelay $0x2  }
0xb8: {  	s31 =	sshll.u32 s1, $0xD;
	s1 =	sshrl.u32 s1, $0x2  }
0xb9: {  	s3 =	sand.u32 $0x4000, s31;
	s1 =	sadd.s32 s1, s30  }
0xba: {  	s0 =	sor.u32 s3, s0;
	s1 =	sshll.u32 s1, $0x11  }
0xbb: {  	s0 =	sor.u32 s1, s0  }
0xbc: {  	s0 =	sadd.s32 $0x8F2B, s0  }
0xbd: {  	[sflag:s0] =	ssyncadd.remote.s32 $0x1  }
0xbe: {  	_ =	sfence.sel $0xFFFF  }
0xbf: {  	[dreg:$0x0] =	wrdreg $0xFFFFFFFF;
	(pc) =	sbr.abs _section_cstart, $3  }
0xc0: {  	[dreg:$0x1] =	wrdreg $0xFFFFFFFF  }
0xc1: {  	_ =	task.clear_ibuf [dreg:s7], $0x2FFFF;
	_ =	strace $0x9FFFFFFF  }
0xc2: {  	(tm) =	ssettm $0x7FFFFFFF  }
0xc3: {  	_ =	shalt  }
tec
execute0_lowered:
.L_overlay_start_1:
0x0: {  	(tag) =	ssettag $0x1  }
0x1: {  	s0 =	srdreg.scid  }
0x2: {  	s1 =	stileid.u32;
	s4 =	rddreg [dreg:$0x0]  }
0x3: {  	s7 =	rddreg [dreg:$0x1];
	s2 =	simm.s32 $0x0;
	s13 =	simm.s32 $0x6B0  }
0x4: {  	s14 =	simm.s32 $0x5DA0;
	s15 =	simm.s32 $0xBB40;
	s16 =	simm.s32 $0x1  }
0x5: {  	s17 =	simm.s32 $0x6450;
	s18 =	simm.s32 $0x6B00;
	s19 =	simm.s32 $0x71B0  }
0x6: {  	s20 =	simm.s32 $0x7860;
	s21 =	simm.s32 $0x7F10;
	s22 =	simm.s32 $0x85C0  }
0x7: {  	s28 =	simm.s32 $0x99D0;
	s0 =	sand.u32 $0x1, s0;
	s1 =	sshll.u32 s1, $0x1  }
0x8: {  	s29 =	simm.s32 $0xA080;
	s30 =	simm.s32 $0xA730;
	s1 =	sor.u32 s0, s1  }
0x9: {  	s31 =	simm.s32 $0xADE0;
	[smem:$0x7FF] =	sst s2;
	s8 =	smul.u32 $0x1410, s1  }
0xa: {  	s3 =	sadd.s32 $0x2E00, s4;
	s12 =	sadd.s32 $0x466600, s4;
	s5 =	smul.u32 $0x118E, s1  }
0xb: {  	_ =	strace $0x8000004D;
	s0 =	ssub.s32 $0x2, s0;
	s11 =	smul.u32 $0x8C70, s1  }
0xc: {  	s10 =	sshrl.u32 s0, $0x1;
	s23 =	smul.u32 $0x5040, s1;
	p0 =	sne.s32 s1, $0x1F  }
0xd: {  	s1 =	simm.s32 $0xB490;
	s0 =	ssub.s32 s0, s10;
	s9 =	sadd.s32 $0x6B0, s8  }
0xe: {  	s4 =	sadd.s32 s7, s5;
	s11 =	sadd.s32 $0x5DA0, s11;
	s8 =	sshll.u32 s8, $0x2  }
0xf: {  	s6 =	smul.u32 $0x7, s9;
	s25 =	sshrl.u32 s11, $0x3;
	s9 =	sshll.u32 s9, $0x2  }
0x10: {  	s26 =	sadd.s32 s12, s8;
	s11 =	smax.u32 s0, $0x1;
	s0 =	simm.s32 $0x0  }
0x11: {  	v0 =	vimm.s32 $0x12345670;
	s10 =	sadd.s32 s7, s25;
	s9 =	sadd.s32 s12, s9;
	s24 =	sshrl.u32 s6, $0x3  }
0x12: {  	v1 =	vunpack.c.l.s4.s8 v0;
	v0 =	vlaneseq.u32;
	s6 =	sadd.s32 s12, s23;
	[dreg:$0x3] =	wrdreg s10;
	s10 =	sadd.s32 $0x3580, s26  }
0x13: {  	v0 =	vmul.u32 $0x7, v0;
	s12 =	simm.s32 $0x3;
	s5 =	sadd.s32 s7, s24;
	s7 =	sadd.s32 $0x22BE6, s7  }
0x14: {  	v2 =	vimm.s32 $0x0;
	v1 =	vunpack.c.0.s8.s32 v1;
	s23 =	simm.s32 $0x2ED0;
	s24 =	simm.s32 $0x2;
	[dreg:$0x4] =	wrdreg s7  }
.LBB2_1:
0x15: {  	s7 =	simm.s32 $0x0  }
0x16: {  	v3 =	vadd.s32 s7, v0  }
0x17: {  	v3 =	vand.u32 $0x7FF8, v3  }
0x18: {  	v3 =	vor.u32 v1, v3  }
0x19: {  	[tilespmem:s2], [sflag:$0x3] =	stream.linear.gather [hbm4b:s4+s2], $0x2ED0, $0x38;
	[tilespmem:$0x19140] =	vst v63  }
0x1a: {  	_ =	swait.ge [sflag:s12], $0x2ED0  }
0x1b: {  	[sflag:s12] =	ssyncset.done $0x0  }
0x1c: {  	[sflag:s12] =	ssyncadd.s32 $0xFFFFD130  }
0x1d: {  	s8 =	simm.s32 $0x1;
	v3 =	vld.idx.msk [tilespmem:v3+s2+$0x0], $0xffff  }
0x1e: {  	v4 =	vadd.s32 s8, v0;
	_ =	sdelay $0x3  }
0x1f: {  	[tilespmem:s19+$0xFFFFEBF0] =	vst v3  }
0x20: {  	v3 =	vld.idx.msk [tilespmem:v4+s2+$0x0], $0xffff  }
0x21: {  	s25 =	simm.s32 $0x2  }
0x22: {  	v4 =	vadd.s32 s25, v0;
	_ =	sdelay $0x2  }
0x23: {  	v3 =	vadd.s32 $0x28200, v3  }
0x24: {  	[tilespmem:s19+$0xFFFFF2A0] =	vst v3  }
0x25: {  	v3 =	vld.idx.msk [tilespmem:v4+s2+$0x0], $0xffff  }
0x26: {  	s26 =	simm.s32 $0x3  }
0x27: {  	v4 =	vadd.s32 s26, v0;
	_ =	sdelay $0x2  }
0x28: {  	v3 =	vadd.s32 $0x50400, v3  }
0x29: {  	[tilespmem:s19+$0xFFFFF950] =	vst v3  }
0x2a: {  	v3 =	vld.idx.msk [tilespmem:v4+s2+$0x0], $0xffff  }
0x2b: {  	s8 =	simm.s32 $0x4  }
0x2c: {  	v4 =	vadd.s32 s8, v0;
	_ =	sdelay $0x2  }
0x2d: {  	v3 =	vadd.s32 $0x78600, v3  }
0x2e: {  	[tilespmem:s19+$0x0] =	vst v3  }
0x2f: {  	v3 =	vld.idx.msk [tilespmem:v4+s2+$0x0], $0xffff  }
0x30: {  	s25 =	simm.s32 $0x5  }
0x31: {  	v4 =	vadd.s32 s25, v0;
	_ =	sdelay $0x2  }
0x32: {  	v3 =	vadd.s32 $0xA0800, v3  }
0x33: {  	[tilespmem:s19+$0x6B0] =	vst v3  }
0x34: {  	v3 =	vld.idx.msk [tilespmem:v4+s2+$0x0], $0xffff  }
0x35: {  	s26 =	simm.s32 $0x6  }
0x36: {  	v4 =	vadd.s32 s26, v0;
	_ =	sdelay $0x2  }
0x37: {  	v3 =	vadd.s32 $0xC8A00, v3  }
0x38: {  	s7 =	simm.s32 $0x76;
	[tilespmem:s19+$0xD60] =	vst v3  }
0x39: {  	s8 =	simm.s32 $0xE6;
	s25 =	simm.s32 $0x71B0;
	s26 =	simm.s32 $0x70;
	v3 =	vld.idx.msk [tilespmem:v4+s2+$0x0], $0xffff  }
.LBB2_2:
0x3a: {  	p1 =	sne.s32 s8, $0x2E66;
	v4 =	vadd.s32 s26, v0  }
0x3b: {  	v4 =	vand.u32 $0x7FF8, v4  }
0x3c: {  	v4 =	vor.u32 v1, v4;
	_ =	sdelay $0x2  }
0x3d: {  	v3 =	vadd.s32 $0xF0C00, v3  }
0x3e: {  	[tilespmem:s25+$0x1410] =	vst v3  }
0x3f: {  	v3 =	vld.idx.msk [tilespmem:v4+s2+$0x0], $0xffff  }
0x40: {  	s26 =	sadd.s32 $0xFFFFFFFB, s7  }
0x41: {  	v4 =	vadd.s32 s26, v0;
	_ =	sdelay $0x2  }
0x42: {  	s25 =	sadd.s32 $0x10, s25  }
0x43: {  	[tilespmem:s25+$0xFFFFEBF0] =	vst v3  }
0x44: {  	v3 =	vld.idx.msk [tilespmem:v4+s2+$0x0], $0xffff;
	_ =	sdelay $0x1  }
0x45: {  	s26 =	sadd.s32 $0xFFFFFFFC, s7  }
0x46: {  	v4 =	vadd.s32 s26, v0;
	_ =	sdelay $0x2  }
0x47: {  	v3 =	vadd.s32 $0x28200, v3  }
0x48: {  	[tilespmem:s25+$0xFFFFF2A0] =	vst v3  }
0x49: {  	v3 =	vld.idx.msk [tilespmem:v4+s2+$0x0], $0xffff;
	_ =	sdelay $0x1  }
0x4a: {  	s26 =	sadd.s32 $0xFFFFFFFD, s7  }
0x4b: {  	v4 =	vadd.s32 s26, v0;
	_ =	sdelay $0x2  }
0x4c: {  	v3 =	vadd.s32 $0x50400, v3  }
0x4d: {  	[tilespmem:s25+$0xFFFFF950] =	vst v3  }
0x4e: {  	v3 =	vld.idx.msk [tilespmem:v4+s2+$0x0], $0xffff;
	_ =	sdelay $0x1  }
0x4f: {  	s26 =	sadd.s32 $0xFFFFFFFE, s7  }
0x50: {  	v4 =	vadd.s32 s26, v0;
	_ =	sdelay $0x2  }
0x51: {  	v3 =	vadd.s32 $0x78600, v3  }
0x52: {  	[tilespmem:s25+$0x0] =	vst v3  }
0x53: {  	v3 =	vld.idx.msk [tilespmem:v4+s2+$0x0], $0xffff;
	_ =	sdelay $0x1  }
0x54: {  	s26 =	sadd.s32 $0xFFFFFFFF, s7  }
0x55: {  	v4 =	vadd.s32 s26, v0;
	_ =	sdelay $0x2  }
0x56: {  	v3 =	vadd.s32 $0xA0800, v3  }
0x57: {  	[tilespmem:s25+$0x6B0] =	vst v3  }
0x58: {  	v3 =	vld.idx.msk [tilespmem:v4+s2+$0x0], $0xffff;
	_ =	sdelay $0x2  }
0x59: {  	v4 =	vadd.s32 s7, v0;
	s7 =	smov.u32 s8  }
.Ltmp0:
0x5a: {  	(pc) =	sbr.rel @p1 .LBB2_2-.Ltmp0, $4  }
0x5b: {  	_ = 	snop  }
0x5c: {  	v3 =	vadd.s32 $0xC8A00, v3  }
0x5d: {  	[tilespmem:s25+$0xD60] =	vst v3  }
0x5e: {  	s8 =	sadd.s32 $0x70, s8;
	s26 =	sadd.s32 $0xFFFFFFFA, s7;
	v3 =	vld.idx.msk [tilespmem:v4+s2+$0x0], $0xffff  }
0x5f: {  	v4 =	vadd.s32 s26, v0  }
0x60: {  	v4 =	vand.u32 $0x7FF8, v4  }
0x61: {  	v4 =	vor.u32 v1, v4;
	_ =	sdelay $0x2  }
0x62: {  	v3 =	vadd.s32 $0xF0C00, v3  }
0x63: {  	[tilespmem:s25+$0x1410] =	vst v3  }
0x64: {  	s8 =	sadd.s32 $0xFFFFFFFB, s7;
	v3 =	vld.idx.msk [tilespmem:v4+s2+$0x0], $0xffff  }
0x65: {  	v4 =	vadd.s32 s8, v0;
	_ =	sdelay $0x2  }
0x66: {  	s8 =	sadd.s32 $0x10, s25  }
0x67: {  	[tilespmem:s8+$0xFFFFEBF0] =	vst v3  }
0x68: {  	v3 =	vld.idx.msk [tilespmem:v4+s2+$0x0], $0xffff  }
0x69: {  	s26 =	sadd.s32 $0xFFFFFFFC, s7  }
0x6a: {  	v4 =	vadd.s32 s26, v0;
	_ =	sdelay $0x2  }
0x6b: {  	v3 =	vadd.s32 $0x28200, v3  }
0x6c: {  	[tilespmem:s8+$0xFFFFF2A0] =	vst v3  }
0x6d: {  	v3 =	vld.idx.msk [tilespmem:v4+s2+$0x0], $0xffff  }
0x6e: {  	s26 =	sadd.s32 $0xFFFFFFFD, s7  }
0x6f: {  	v4 =	vadd.s32 s26, v0;
	_ =	sdelay $0x2  }
0x70: {  	v3 =	vadd.s32 $0x50400, v3  }
0x71: {  	[tilespmem:s8+$0xFFFFF950] =	vst v3  }
0x72: {  	v3 =	vld.idx.msk [tilespmem:v4+s2+$0x0], $0xffff  }
0x73: {  	s26 =	sadd.s32 $0xFFFFFFFE, s7  }
0x74: {  	v4 =	vadd.s32 s26, v0;
	_ =	sdelay $0x2  }
0x75: {  	v3 =	vadd.s32 $0x78600, v3  }
0x76: {  	[tilespmem:s8+$0x0] =	vst v3  }
0x77: {  	v3 =	vld.idx.msk [tilespmem:v4+s2+$0x0], $0xffff  }
0x78: {  	s26 =	sadd.s32 $0xFFFFFFFF, s7  }
0x79: {  	v4 =	vadd.s32 s26, v0;
	_ =	sdelay $0x2  }
0x7a: {  	v3 =	vadd.s32 $0xA0800, v3  }
0x7b: {  	[tilespmem:s8+$0x6B0] =	vst v3  }
0x7c: {  	v3 =	vld.idx.msk [tilespmem:v4+s2+$0x0], $0xffff;
	_ =	sdelay $0x1  }
0x7d: {  	v4 =	vadd.s32 s7, v0;
	_ =	sdelay $0x2  }
0x7e: {  	v3 =	vadd.s32 $0xC8A00, v3  }
0x7f: {  	[tilespmem:s8+$0xD60] =	vst v3  }
0x80: {  	v3 =	vld.idx.msk [tilespmem:v4+s2+$0x0], $0xffff;
	_ =	sdelay $0x4  }
0x81: {  	v3 =	vadd.s32 $0xF0C00, v3  }
0x82: {  	[tilespmem:s8+$0x1410] =	vst v3  }
0x83: {  	[tilespmem:s15], [sflag:$0x1] =	stream.indirect.gather [hbm4b:s3+s13], $0x20, s14, s13, $0xb8;
	[tilespmem:$0x19140] =	vst v63  }
0x84: {  	_ =	swait.ge [sflag:s16], $0xD600  }
0x85: {  	[sflag:s16] =	ssyncset.done $0x0  }
0x86: {  	[sflag:s16] =	ssyncadd.s32 $0xFFFF2A00  }
0x87: {  	[tilespmem:s15], [sflag:$0x1] =	stream.indirect.gather.add.f32 [hbm:s3], $0x20, s17, s13, $0xb8;
	[tilespmem:$0x19140] =	vst v63  }
0x88: {  	_ = 	snop  }
0x89: {  	[tilespmem:s15], [sflag:$0x1] =	stream.indirect.gather.add.f32 [hbm:s3], $0x20, s18, s13, $0xb8;
	[tilespmem:$0x19140] =	vst v63  }
0x8a: {  	_ = 	snop  }
0x8b: {  	[tilespmem:s15], [sflag:$0x1] =	stream.indirect.gather.add.f32 [hbm:s3], $0x20, s19, s13, $0xb8;
	[tilespmem:$0x19140] =	vst v63  }
0x8c: {  	_ = 	snop  }
0x8d: {  	[tilespmem:s15], [sflag:$0x1] =	stream.indirect.gather.add.f32 [hbm:s3], $0x20, s20, s13, $0xb8;
	[tilespmem:$0x19140] =	vst v63  }
0x8e: {  	s8 =	simm.s32 $0x0  }
0x8f: {  	[tilespmem:s15], [sflag:$0x1] =	stream.indirect.gather.add.f32 [hbm:s3], $0x20, s21, s13, $0xb8;
	[tilespmem:$0x19140] =	vst v63  }
0x90: {  	v3 =	vadd.s32 s8, v0  }
0x91: {  	v3 =	vand.u32 $0x7FF8, v3;
	[tilespmem:s15], [sflag:$0x1] =	stream.indirect.gather.add.f32 [hbm:s3], $0x20, s22, s13, $0xb8;
	[tilespmem:$0x19140] =	vst v63  }
0x92: {  	v3 =	vor.u32 v1, v3  }
0x93: {  	[tilespmem:s23], [sflag:$0x3] =	stream.linear.gather [hbm4b:s5+s2], $0x2ED0, $0x38;
	[tilespmem:$0x19140] =	vst v63  }
0x94: {  	_ =	swait.ge [sflag:s12], $0x2ED0  }
0x95: {  	[sflag:s12] =	ssyncset.done $0x0  }
0x96: {  	[sflag:s12] =	ssyncadd.s32 $0xFFFFD130  }
0x97: {  	s25 =	simm.s32 $0x1;
	v3 =	vld.idx.msk [tilespmem:v3+s23+$0x0], $0xffff  }
0x98: {  	v4 =	vadd.s32 s25, v0;
	_ =	sdelay $0x2  }
0x99: {  	s7 =	simm.s32 $0xA080  }
0x9a: {  	[tilespmem:s7+$0xFFFFEBF0] =	vst v3  }
0x9b: {  	v3 =	vld.idx.msk [tilespmem:v4+s23+$0x0], $0xffff  }
0x9c: {  	s26 =	simm.s32 $0x2  }
0x9d: {  	v4 =	vadd.s32 s26, v0;
	_ =	sdelay $0x2  }
0x9e: {  	v3 =	vadd.s32 $0x28200, v3  }
0x9f: {  	[tilespmem:s7+$0xFFFFF2A0] =	vst v3  }
0xa0: {  	v3 =	vld.idx.msk [tilespmem:v4+s23+$0x0], $0xffff  }
0xa1: {  	s25 =	simm.s32 $0x3  }
0xa2: {  	v4 =	vadd.s32 s25, v0;
	_ =	sdelay $0x2  }
0xa3: {  	v3 =	vadd.s32 $0x50400, v3  }
0xa4: {  	[tilespmem:s7+$0xFFFFF950] =	vst v3  }
0xa5: {  	v3 =	vld.idx.msk [tilespmem:v4+s23+$0x0], $0xffff  }
0xa6: {  	s26 =	simm.s32 $0x4  }
0xa7: {  	v4 =	vadd.s32 s26, v0;
	_ =	sdelay $0x2  }
0xa8: {  	v3 =	vadd.s32 $0x78600, v3  }
0xa9: {  	[tilespmem:s7+$0x0] =	vst v3  }
0xaa: {  	v3 =	vld.idx.msk [tilespmem:v4+s23+$0x0], $0xffff  }
0xab: {  	s25 =	simm.s32 $0x5  }
0xac: {  	v4 =	vadd.s32 s25, v0;
	_ =	sdelay $0x2  }
0xad: {  	v3 =	vadd.s32 $0xA0800, v3  }
0xae: {  	[tilespmem:s7+$0x6B0] =	vst v3  }
0xaf: {  	v3 =	vld.idx.msk [tilespmem:v4+s23+$0x0], $0xffff  }
0xb0: {  	s26 =	simm.s32 $0x6  }
0xb1: {  	v4 =	vadd.s32 s26, v0;
	_ =	sdelay $0x2  }
0xb2: {  	v3 =	vadd.s32 $0xC8A00, v3  }
0xb3: {  	[tilespmem:s7+$0xD60] =	vst v3  }
0xb4: {  	s8 =	simm.s32 $0xE6;
	s25 =	simm.s32 $0x76;
	s26 =	simm.s32 $0x70;
	v3 =	vld.idx.msk [tilespmem:v4+s23+$0x0], $0xffff  }
.LBB2_4:
0xb5: {  	p1 =	sne.s32 s8, $0x2E66;
	v4 =	vadd.s32 s26, v0  }
0xb6: {  	v4 =	vand.u32 $0x7FF8, v4  }
0xb7: {  	v4 =	vor.u32 v1, v4;
	_ =	sdelay $0x2  }
0xb8: {  	v3 =	vadd.s32 $0xF0C00, v3  }
0xb9: {  	[tilespmem:s7+$0x1410] =	vst v3  }
0xba: {  	v3 =	vld.idx.msk [tilespmem:v4+s23+$0x0], $0xffff  }
0xbb: {  	s26 =	sadd.s32 $0xFFFFFFFB, s25  }
0xbc: {  	v4 =	vadd.s32 s26, v0;
	_ =	sdelay $0x2  }
0xbd: {  	s7 =	sadd.s32 $0x10, s7  }
0xbe: {  	[tilespmem:s7+$0xFFFFEBF0] =	vst v3  }
0xbf: {  	v3 =	vld.idx.msk [tilespmem:v4+s23+$0x0], $0xffff;
	_ =	sdelay $0x1  }
0xc0: {  	s26 =	sadd.s32 $0xFFFFFFFC, s25  }
0xc1: {  	v4 =	vadd.s32 s26, v0;
	_ =	sdelay $0x2  }
0xc2: {  	v3 =	vadd.s32 $0x28200, v3  }
0xc3: {  	[tilespmem:s7+$0xFFFFF2A0] =	vst v3  }
0xc4: {  	v3 =	vld.idx.msk [tilespmem:v4+s23+$0x0], $0xffff;
	_ =	sdelay $0x1  }
0xc5: {  	s26 =	sadd.s32 $0xFFFFFFFD, s25  }
0xc6: {  	v4 =	vadd.s32 s26, v0;
	_ =	sdelay $0x2  }
0xc7: {  	v3 =	vadd.s32 $0x50400, v3  }
0xc8: {  	[tilespmem:s7+$0xFFFFF950] =	vst v3  }
0xc9: {  	v3 =	vld.idx.msk [tilespmem:v4+s23+$0x0], $0xffff;
	_ =	sdelay $0x1  }
0xca: {  	s26 =	sadd.s32 $0xFFFFFFFE, s25  }
0xcb: {  	v4 =	vadd.s32 s26, v0;
	_ =	sdelay $0x2  }
0xcc: {  	v3 =	vadd.s32 $0x78600, v3  }
0xcd: {  	[tilespmem:s7+$0x0] =	vst v3  }
0xce: {  	v3 =	vld.idx.msk [tilespmem:v4+s23+$0x0], $0xffff;
	_ =	sdelay $0x1  }
0xcf: {  	s26 =	sadd.s32 $0xFFFFFFFF, s25  }
0xd0: {  	v4 =	vadd.s32 s26, v0;
	_ =	sdelay $0x2  }
0xd1: {  	v3 =	vadd.s32 $0xA0800, v3  }
0xd2: {  	[tilespmem:s7+$0x6B0] =	vst v3  }
0xd3: {  	v3 =	vld.idx.msk [tilespmem:v4+s23+$0x0], $0xffff;
	_ =	sdelay $0x2  }
0xd4: {  	v4 =	vadd.s32 s25, v0;
	s25 =	smov.u32 s8  }
.Ltmp1:
0xd5: {  	(pc) =	sbr.rel @p1 .LBB2_4-.Ltmp1, $4  }
0xd6: {  	_ = 	snop  }
0xd7: {  	v3 =	vadd.s32 $0xC8A00, v3  }
0xd8: {  	[tilespmem:s7+$0xD60] =	vst v3  }
0xd9: {  	s8 =	sadd.s32 $0x70, s8;
	s26 =	sadd.s32 $0xFFFFFFFA, s25;
	v3 =	vld.idx.msk [tilespmem:v4+s23+$0x0], $0xffff  }
0xda: {  	v4 =	vadd.s32 s26, v0  }
0xdb: {  	v4 =	vand.u32 $0x7FF8, v4  }
0xdc: {  	v4 =	vor.u32 v1, v4;
	_ =	sdelay $0x2  }
0xdd: {  	v3 =	vadd.s32 $0xF0C00, v3  }
0xde: {  	[tilespmem:s7+$0x1410] =	vst v3  }
0xdf: {  	s8 =	sadd.s32 $0xFFFFFFFB, s25;
	v3 =	vld.idx.msk [tilespmem:v4+s23+$0x0], $0xffff  }
0xe0: {  	v58 =	vadd.s32 s8, v0;
	_ =	sdelay $0x2  }
0xe1: {  	s7 =	sadd.s32 $0x10, s7  }
0xe2: {  	[tilespmem:s7+$0xFFFFEBF0] =	vst v3  }
0xe3: {  	v3 =	vld.idx.msk [tilespmem:v58+s23+$0x0], $0xffff  }
0xe4: {  	s26 =	sadd.s32 $0xFFFFFFFC, s25  }
0xe5: {  	v59 =	vadd.s32 s26, v0;
	_ =	sdelay $0x2  }
0xe6: {  	v3 =	vadd.s32 $0x28200, v3  }
0xe7: {  	[tilespmem:s7+$0xFFFFF2A0] =	vst v3  }
0xe8: {  	v3 =	vld.idx.msk [tilespmem:v59+s23+$0x0], $0xffff  }
0xe9: {  	s26 =	sadd.s32 $0xFFFFFFFD, s25  }
0xea: {  	v60 =	vadd.s32 s26, v0;
	_ =	sdelay $0x2  }
0xeb: {  	v3 =	vadd.s32 $0x50400, v3  }
0xec: {  	[tilespmem:s7+$0xFFFFF950] =	vst v3  }
0xed: {  	v3 =	vld.idx.msk [tilespmem:v60+s23+$0x0], $0xffff  }
0xee: {  	s26 =	sadd.s32 $0xFFFFFFFE, s25  }
0xef: {  	v61 =	vadd.s32 s26, v0;
	_ =	sdelay $0x2  }
0xf0: {  	v3 =	vadd.s32 $0x78600, v3  }
0xf1: {  	[tilespmem:s7+$0x0] =	vst v3  }
0xf2: {  	v3 =	vld.idx.msk [tilespmem:v61+s23+$0x0], $0xffff  }
0xf3: {  	s26 =	sadd.s32 $0xFFFFFFFF, s25  }
0xf4: {  	v62 =	vadd.s32 s26, v0;
	_ =	sdelay $0x2  }
0xf5: {  	v3 =	vadd.s32 $0xA0800, v3  }
0xf6: {  	[tilespmem:s7+$0x6B0] =	vst v3  }
0xf7: {  	v3 =	vld.idx.msk [tilespmem:v62+s23+$0x0], $0xffff;
	_ =	sdelay $0x1  }
0xf8: {  	v63 =	vadd.s32 s25, v0;
	_ =	sdelay $0x2  }
0xf9: {  	v3 =	vadd.s32 $0xC8A00, v3  }
0xfa: {  	[tilespmem:s7+$0xD60] =	vst v3  }
0xfb: {  	v3 =	vld.idx.msk [tilespmem:v63+s23+$0x0], $0xffff;
	_ =	sdelay $0x4  }
0xfc: {  	v3 =	vadd.s32 $0xF0C00, v3  }
0xfd: {  	[tilespmem:s7+$0x1410] =	vst v3  }
0xfe: {  	_ =	swait.ge [sflag:s16], $0xD600  }
0xff: {  	[sflag:s16] =	ssyncset.done $0x0  }
0x100: {  	[sflag:s16] =	ssyncadd.s32 $0xFFFF2A00  }
0x101: {  	_ =	swait.ge [sflag:s16], $0xD600  }
0x102: {  	[sflag:s16] =	ssyncset.done $0x0  }
0x103: {  	[sflag:s16] =	ssyncadd.s32 $0xFFFF2A00  }
0x104: {  	_ =	swait.ge [sflag:s16], $0xD600  }
0x105: {  	[sflag:s16] =	ssyncset.done $0x0  }
0x106: {  	[sflag:s16] =	ssyncadd.s32 $0xFFFF2A00  }
0x107: {  	_ =	swait.ge [sflag:s16], $0xD600  }
0x108: {  	[sflag:s16] =	ssyncset.done $0x0  }
0x109: {  	[sflag:s16] =	ssyncadd.s32 $0xFFFF2A00  }
0x10a: {  	_ =	swait.ge [sflag:s16], $0xD600  }
0x10b: {  	[sflag:s16] =	ssyncset.done $0x0  }
0x10c: {  	[sflag:s16] =	ssyncadd.s32 $0xFFFF2A00  }
0x10d: {  	_ =	swait.ge [sflag:s16], $0xD600  }
0x10e: {  	[sflag:s16] =	ssyncset.done $0x0  }
0x10f: {  	s8 =	simm.s32 $0x0;
	[sflag:s16] =	ssyncadd.s32 $0xFFFF2A00  }
0x110: {  	[hbm4b:s6+s8] =	stream.linear.scatter [tilespmem:s15], [sflag:$0x2], $0xD600, $0x38;
	[tilespmem:$0x19140] =	vst v63  }
0x111: {  	_ =	swait.ge [sflag:s24], $0xD600  }
0x112: {  	[sflag:s24] =	ssyncset.done $0x0  }
0x113: {  	s25 =	simm.s32 $0x8C70;
	[sflag:s24] =	ssyncadd.s32 $0xFFFF2A00  }
0x114: {  	[tilespmem:s15], [sflag:$0x1] =	stream.indirect.gather [hbm4b:s3+s13], $0x20, s25, s13, $0xb8;
	[tilespmem:$0x19140] =	vst v63  }
0x115: {  	_ =	swait.ge [sflag:s16], $0xD600  }
0x116: {  	[sflag:s16] =	ssyncset.done $0x0  }
0x117: {  	s26 =	simm.s32 $0x9320;
	[sflag:s16] =	ssyncadd.s32 $0xFFFF2A00  }
0x118: {  	[tilespmem:s15], [sflag:$0x1] =	stream.indirect.gather.add.f32 [hbm:s3], $0x20, s26, s13, $0xb8;
	[tilespmem:$0x19140] =	vst v63  }
0x119: {  	_ = 	snop  }
0x11a: {  	[tilespmem:s15], [sflag:$0x1] =	stream.indirect.gather.add.f32 [hbm:s3], $0x20, s28, s13, $0xb8;
	[tilespmem:$0x19140] =	vst v63  }
0x11b: {  	_ = 	snop  }
0x11c: {  	[tilespmem:s15], [sflag:$0x1] =	stream.indirect.gather.add.f32 [hbm:s3], $0x20, s29, s13, $0xb8;
	[tilespmem:$0x19140] =	vst v63  }
0x11d: {  	_ = 	snop  }
0x11e: {  	[tilespmem:s15], [sflag:$0x1] =	stream.indirect.gather.add.f32 [hbm:s3], $0x20, s30, s13, $0xb8;
	[tilespmem:$0x19140] =	vst v63  }
.Ltmp2:
0x11f: {  	_ = 	snop;
	(pc) =	sbr.rel @p0 .LBB2_9-.Ltmp2, $4  }
0x120: {  	_ = 	snop  }
0x121: {  	[tilespmem:s15], [sflag:$0x1] =	stream.indirect.gather.add.f32 [hbm:s3], $0x20, s31, s13, $0xb8;
	[tilespmem:$0x19140] =	vst v63  }
0x122: {  	_ = 	snop  }
0x123: {  	[tilespmem:s15], [sflag:$0x1] =	stream.indirect.gather.add.f32 [hbm:s3], $0x20, s1, s13, $0xb8;
	[tilespmem:$0x19140] =	vst v63  }
0x124: {  	s7 =	simm.s32 $0x40;
	s8 =	simm.s32 $0x0  }
.LBB2_7:
0x125: {  	p1 =	sne.s32 s7, $0xBB00;
	[tilespmem:s8+$0x0] =	vst v2;
	s8 =	smov.u32 s7;
	s7 =	sadd.s32 $0x40, s7  }
.Ltmp3:
0x126: {  	(pc) =	sbr.rel @p1 .LBB2_7-.Ltmp3, $2  }
0x127: {  	_ =	sdelay $0x2  }
0x128: {  	s8 =	sshra.s32 s8, $0x2  }
.Ltmp4:
0x129: {  	[tilespmem:s8+$0x0] =	vst v2;
	s7 =	rddreg [dreg:$0x4];
	(pc) =	sbr.rel .LBB2_10-.Ltmp4, $4  }
0x12a: {  	[tilespmem:s2], [sflag:$0x3] =	stream.linear.gather [hbm4b:s7+s2], $0x20DE, $0x38;
	[tilespmem:$0x19140] =	vst v63  }
0x12b: {  	_ =	swait.ge [sflag:s12], $0x20DE  }
0x12c: {  	[sflag:s12] =	ssyncset.done $0x0  }
0x12d: {  	[sflag:s12] =	ssyncadd.s32 $0xFFFFDF22  }
.LBB2_9:
0x12e: {  	s7 =	rddreg [dreg:$0x3]  }
0x12f: {  	[tilespmem:s2], [sflag:$0x3] =	stream.linear.gather [hbm4b:s7+s2], $0x2ED0, $0x38;
	[tilespmem:$0x19140] =	vst v63  }
0x130: {  	_ =	swait.ge [sflag:s12], $0x2ED0  }
0x131: {  	[sflag:s12] =	ssyncset.done $0x0  }
0x132: {  	[sflag:s12] =	ssyncadd.s32 $0xFFFFD130  }
.LBB2_10:
0x133: {  	s7 =	simm.s32 $0x0  }
0x134: {  	v3 =	vadd.s32 s7, v0  }
0x135: {  	v3 =	vand.u32 $0x7FF8, v3  }
0x136: {  	v3 =	vor.u32 v1, v3;
	_ =	sdelay $0x4  }
0x137: {  	s8 =	simm.s32 $0x1;
	v3 =	vld.idx.msk [tilespmem:v3+s2+$0x0], $0xffff  }
0x138: {  	v4 =	vadd.s32 s8, v0;
	_ =	sdelay $0x2  }
0x139: {  	s7 =	simm.s32 $0x71B0  }
0x13a: {  	[tilespmem:s7+$0xFFFFEBF0] =	vst v3  }
0x13b: {  	v3 =	vld.idx.msk [tilespmem:v4+s2+$0x0], $0xffff  }
0x13c: {  	s8 =	simm.s32 $0x2  }
0x13d: {  	v4 =	vadd.s32 s8, v0;
	_ =	sdelay $0x2  }
0x13e: {  	v3 =	vadd.s32 $0x28200, v3  }
0x13f: {  	[tilespmem:s7+$0xFFFFF2A0] =	vst v3  }
0x140: {  	v3 =	vld.idx.msk [tilespmem:v4+s2+$0x0], $0xffff  }
0x141: {  	s25 =	simm.s32 $0x3  }
0x142: {  	v4 =	vadd.s32 s25, v0;
	_ =	sdelay $0x2  }
0x143: {  	v3 =	vadd.s32 $0x50400, v3  }
0x144: {  	[tilespmem:s7+$0xFFFFF950] =	vst v3  }
0x145: {  	v3 =	vld.idx.msk [tilespmem:v4+s2+$0x0], $0xffff  }
0x146: {  	s26 =	simm.s32 $0x4  }
0x147: {  	v4 =	vadd.s32 s26, v0;
	_ =	sdelay $0x2  }
0x148: {  	v3 =	vadd.s32 $0x78600, v3  }
0x149: {  	[tilespmem:s7+$0x0] =	vst v3  }
0x14a: {  	v3 =	vld.idx.msk [tilespmem:v4+s2+$0x0], $0xffff  }
0x14b: {  	s25 =	simm.s32 $0x5  }
0x14c: {  	v4 =	vadd.s32 s25, v0;
	_ =	sdelay $0x2  }
0x14d: {  	v3 =	vadd.s32 $0xA0800, v3  }
0x14e: {  	[tilespmem:s7+$0x6B0] =	vst v3  }
0x14f: {  	v3 =	vld.idx.msk [tilespmem:v4+s2+$0x0], $0xffff  }
0x150: {  	s26 =	simm.s32 $0x6  }
0x151: {  	v4 =	vadd.s32 s26, v0;
	_ =	sdelay $0x2  }
0x152: {  	v3 =	vadd.s32 $0xC8A00, v3  }
0x153: {  	[tilespmem:s7+$0xD60] =	vst v3  }
0x154: {  	s8 =	simm.s32 $0xE6;
	s25 =	simm.s32 $0x76;
	s26 =	simm.s32 $0x70;
	v3 =	vld.idx.msk [tilespmem:v4+s2+$0x0], $0xffff  }
.LBB2_11:
0x155: {  	p1 =	sne.s32 s8, $0x2E66;
	v4 =	vadd.s32 s26, v0  }
0x156: {  	v4 =	vand.u32 $0x7FF8, v4  }
0x157: {  	v4 =	vor.u32 v1, v4;
	_ =	sdelay $0x2  }
0x158: {  	v3 =	vadd.s32 $0xF0C00, v3  }
0x159: {  	[tilespmem:s7+$0x1410] =	vst v3  }
0x15a: {  	v3 =	vld.idx.msk [tilespmem:v4+s2+$0x0], $0xffff  }
0x15b: {  	s26 =	sadd.s32 $0xFFFFFFFB, s25  }
0x15c: {  	v4 =	vadd.s32 s26, v0;
	_ =	sdelay $0x2  }
0x15d: {  	s7 =	sadd.s32 $0x10, s7  }
0x15e: {  	[tilespmem:s7+$0xFFFFEBF0] =	vst v3  }
0x15f: {  	v3 =	vld.idx.msk [tilespmem:v4+s2+$0x0], $0xffff;
	_ =	sdelay $0x1  }
0x160: {  	s26 =	sadd.s32 $0xFFFFFFFC, s25  }
0x161: {  	v4 =	vadd.s32 s26, v0;
	_ =	sdelay $0x2  }
0x162: {  	v3 =	vadd.s32 $0x28200, v3  }
0x163: {  	[tilespmem:s7+$0xFFFFF2A0] =	vst v3  }
0x164: {  	v3 =	vld.idx.msk [tilespmem:v4+s2+$0x0], $0xffff;
	_ =	sdelay $0x1  }
0x165: {  	s26 =	sadd.s32 $0xFFFFFFFD, s25  }
0x166: {  	v4 =	vadd.s32 s26, v0;
	_ =	sdelay $0x2  }
0x167: {  	v3 =	vadd.s32 $0x50400, v3  }
0x168: {  	[tilespmem:s7+$0xFFFFF950] =	vst v3  }
0x169: {  	v3 =	vld.idx.msk [tilespmem:v4+s2+$0x0], $0xffff;
	_ =	sdelay $0x1  }
0x16a: {  	s26 =	sadd.s32 $0xFFFFFFFE, s25  }
0x16b: {  	v4 =	vadd.s32 s26, v0;
	_ =	sdelay $0x2  }
0x16c: {  	v3 =	vadd.s32 $0x78600, v3  }
0x16d: {  	[tilespmem:s7+$0x0] =	vst v3  }
0x16e: {  	v3 =	vld.idx.msk [tilespmem:v4+s2+$0x0], $0xffff;
	_ =	sdelay $0x1  }
0x16f: {  	s26 =	sadd.s32 $0xFFFFFFFF, s25  }
0x170: {  	v4 =	vadd.s32 s26, v0;
	_ =	sdelay $0x2  }
0x171: {  	v3 =	vadd.s32 $0xA0800, v3  }
0x172: {  	[tilespmem:s7+$0x6B0] =	vst v3  }
0x173: {  	v3 =	vld.idx.msk [tilespmem:v4+s2+$0x0], $0xffff;
	_ =	sdelay $0x2  }
0x174: {  	v4 =	vadd.s32 s25, v0;
	s25 =	smov.u32 s8  }
.Ltmp5:
0x175: {  	(pc) =	sbr.rel @p1 .LBB2_11-.Ltmp5, $4  }
0x176: {  	_ = 	snop  }
0x177: {  	v3 =	vadd.s32 $0xC8A00, v3  }
0x178: {  	[tilespmem:s7+$0xD60] =	vst v3  }
0x179: {  	s8 =	sadd.s32 $0x70, s8;
	s26 =	sadd.s32 $0xFFFFFFFA, s25;
	v3 =	vld.idx.msk [tilespmem:v4+s2+$0x0], $0xffff  }
0x17a: {  	v4 =	vadd.s32 s26, v0  }
0x17b: {  	v4 =	vand.u32 $0x7FF8, v4  }
0x17c: {  	v4 =	vor.u32 v1, v4;
	_ =	sdelay $0x2  }
0x17d: {  	v3 =	vadd.s32 $0xF0C00, v3  }
0x17e: {  	[tilespmem:s7+$0x1410] =	vst v3  }
0x17f: {  	s8 =	sadd.s32 $0xFFFFFFFB, s25;
	v3 =	vld.idx.msk [tilespmem:v4+s2+$0x0], $0xffff  }
0x180: {  	v58 =	vadd.s32 s8, v0;
	_ =	sdelay $0x2  }
0x181: {  	s7 =	sadd.s32 $0x10, s7  }
0x182: {  	[tilespmem:s7+$0xFFFFEBF0] =	vst v3  }
0x183: {  	v3 =	vld.idx.msk [tilespmem:v58+s2+$0x0], $0xffff  }
0x184: {  	s26 =	sadd.s32 $0xFFFFFFFC, s25  }
0x185: {  	v59 =	vadd.s32 s26, v0;
	_ =	sdelay $0x2  }
0x186: {  	v3 =	vadd.s32 $0x28200, v3  }
0x187: {  	[tilespmem:s7+$0xFFFFF2A0] =	vst v3  }
0x188: {  	v3 =	vld.idx.msk [tilespmem:v59+s2+$0x0], $0xffff  }
0x189: {  	s26 =	sadd.s32 $0xFFFFFFFD, s25  }
0x18a: {  	v60 =	vadd.s32 s26, v0;
	_ =	sdelay $0x2  }
0x18b: {  	v3 =	vadd.s32 $0x50400, v3  }
0x18c: {  	[tilespmem:s7+$0xFFFFF950] =	vst v3  }
0x18d: {  	v3 =	vld.idx.msk [tilespmem:v60+s2+$0x0], $0xffff  }
0x18e: {  	s26 =	sadd.s32 $0xFFFFFFFE, s25  }
0x18f: {  	v61 =	vadd.s32 s26, v0;
	_ =	sdelay $0x2  }
0x190: {  	v3 =	vadd.s32 $0x78600, v3  }
0x191: {  	[tilespmem:s7+$0x0] =	vst v3  }
0x192: {  	v3 =	vld.idx.msk [tilespmem:v61+s2+$0x0], $0xffff  }
0x193: {  	s26 =	sadd.s32 $0xFFFFFFFF, s25  }
0x194: {  	v62 =	vadd.s32 s26, v0;
	_ =	sdelay $0x2  }
0x195: {  	v3 =	vadd.s32 $0xA0800, v3  }
0x196: {  	[tilespmem:s7+$0x6B0] =	vst v3  }
0x197: {  	v3 =	vld.idx.msk [tilespmem:v62+s2+$0x0], $0xffff;
	_ =	sdelay $0x1  }
0x198: {  	v63 =	vadd.s32 s25, v0;
	_ =	sdelay $0x2  }
0x199: {  	v3 =	vadd.s32 $0xC8A00, v3  }
0x19a: {  	[tilespmem:s7+$0xD60] =	vst v3  }
0x19b: {  	v3 =	vld.idx.msk [tilespmem:v63+s2+$0x0], $0xffff;
	_ =	sdelay $0x4  }
0x19c: {  	v3 =	vadd.s32 $0xF0C00, v3  }
0x19d: {  	[tilespmem:s7+$0x1410] =	vst v3  }
0x19e: {  	_ =	swait.ge [sflag:s16], $0xD600  }
0x19f: {  	[sflag:s16] =	ssyncset.done $0x0  }
0x1a0: {  	[sflag:s16] =	ssyncadd.s32 $0xFFFF2A00  }
0x1a1: {  	_ =	swait.ge [sflag:s16], $0xD600  }
0x1a2: {  	[sflag:s16] =	ssyncset.done $0x0  }
0x1a3: {  	[sflag:s16] =	ssyncadd.s32 $0xFFFF2A00  }
0x1a4: {  	_ =	swait.ge [sflag:s16], $0xD600  }
0x1a5: {  	[sflag:s16] =	ssyncset.done $0x0  }
0x1a6: {  	[sflag:s16] =	ssyncadd.s32 $0xFFFF2A00  }
0x1a7: {  	_ =	swait.ge [sflag:s16], $0xD600  }
0x1a8: {  	[sflag:s16] =	ssyncset.done $0x0  }
0x1a9: {  	[sflag:s16] =	ssyncadd.s32 $0xFFFF2A00  }
0x1aa: {  	_ =	swait.ge [sflag:s16], $0xD600  }
0x1ab: {  	[sflag:s16] =	ssyncset.done $0x0  }
0x1ac: {  	[sflag:s16] =	ssyncadd.s32 $0xFFFF2A00  }
0x1ad: {  	_ =	swait.ge [sflag:s16], $0xD600  }
0x1ae: {  	[sflag:s16] =	ssyncset.done $0x0  }
0x1af: {  	[sflag:s16] =	ssyncadd.s32 $0xFFFF2A00  }
0x1b0: {  	[hbm4b:s9+s2] =	stream.linear.scatter [tilespmem:s15], [sflag:$0x2], $0xD600, $0x38;
	[tilespmem:$0x19140] =	vst v63  }
0x1b1: {  	_ =	swait.ge [sflag:s24], $0xD600  }
0x1b2: {  	[sflag:s24] =	ssyncset.done $0x0  }
0x1b3: {  	[sflag:s24] =	ssyncadd.s32 $0xFFFF2A00  }
0x1b4: {  	[tilespmem:s15], [sflag:$0x1] =	stream.indirect.gather [hbm4b:s3+s13], $0x20, s14, s13, $0xb8;
	[tilespmem:$0x19140] =	vst v63  }
0x1b5: {  	_ =	swait.ge [sflag:s16], $0xD600  }
0x1b6: {  	[sflag:s16] =	ssyncset.done $0x0  }
0x1b7: {  	[sflag:s16] =	ssyncadd.s32 $0xFFFF2A00  }
0x1b8: {  	[tilespmem:s15], [sflag:$0x1] =	stream.indirect.gather.add.f32 [hbm:s3], $0x20, s17, s13, $0xb8;
	[tilespmem:$0x19140] =	vst v63  }
0x1b9: {  	_ = 	snop  }
0x1ba: {  	[tilespmem:s15], [sflag:$0x1] =	stream.indirect.gather.add.f32 [hbm:s3], $0x20, s18, s13, $0xb8;
	[tilespmem:$0x19140] =	vst v63  }
0x1bb: {  	_ = 	snop  }
0x1bc: {  	[tilespmem:s15], [sflag:$0x1] =	stream.indirect.gather.add.f32 [hbm:s3], $0x20, s19, s13, $0xb8;
	[tilespmem:$0x19140] =	vst v63  }
0x1bd: {  	_ = 	snop  }
0x1be: {  	[tilespmem:s15], [sflag:$0x1] =	stream.indirect.gather.add.f32 [hbm:s3], $0x20, s20, s13, $0xb8;
	[tilespmem:$0x19140] =	vst v63  }
0x1bf: {  	_ = 	snop  }
0x1c0: {  	[tilespmem:s15], [sflag:$0x1] =	stream.indirect.gather.add.f32 [hbm:s3], $0x20, s21, s13, $0xb8;
	[tilespmem:$0x19140] =	vst v63  }
0x1c1: {  	_ = 	snop  }
0x1c2: {  	[tilespmem:s15], [sflag:$0x1] =	stream.indirect.gather.add.f32 [hbm:s3], $0x20, s22, s13, $0xb8;
	[tilespmem:$0x19140] =	vst v63  }
0x1c3: {  	_ =	swait.ge [sflag:s16], $0xD600  }
0x1c4: {  	[sflag:s16] =	ssyncset.done $0x0  }
0x1c5: {  	[sflag:s16] =	ssyncadd.s32 $0xFFFF2A00  }
0x1c6: {  	_ =	swait.ge [sflag:s16], $0xD600  }
0x1c7: {  	[sflag:s16] =	ssyncset.done $0x0  }
0x1c8: {  	[sflag:s16] =	ssyncadd.s32 $0xFFFF2A00  }
0x1c9: {  	_ =	swait.ge [sflag:s16], $0xD600  }
0x1ca: {  	[sflag:s16] =	ssyncset.done $0x0  }
0x1cb: {  	[sflag:s16] =	ssyncadd.s32 $0xFFFF2A00  }
0x1cc: {  	_ =	swait.ge [sflag:s16], $0xD600  }
0x1cd: {  	[sflag:s16] =	ssyncset.done $0x0  }
0x1ce: {  	[sflag:s16] =	ssyncadd.s32 $0xFFFF2A00  }
0x1cf: {  	_ =	swait.ge [sflag:s16], $0xD600  }
0x1d0: {  	[sflag:s16] =	ssyncset.done $0x0  }
0x1d1: {  	[sflag:s16] =	ssyncadd.s32 $0xFFFF2A00  }
0x1d2: {  	s0 =	sadd.s32 $0x1, s0;
	_ =	swait.ge [sflag:s16], $0xD600  }
0x1d3: {  	p1 =	sne.s32 s0, s11;
	[sflag:s16] =	ssyncset.done $0x0  }
.Ltmp6:
0x1d4: {  	[sflag:s16] =	ssyncadd.s32 $0xFFFF2A00;
	(pc) =	sbr.rel @p1 .LBB2_1-.Ltmp6, $4  }
0x1d5: {  	[hbm4b:s10+s2] =	stream.linear.scatter [tilespmem:s15], [sflag:$0x3], $0xD600, $0x38;
	[tilespmem:$0x19140] =	vst v63  }
0x1d6: {  	_ =	swait.ge [sflag:s12], $0xD600  }
0x1d7: {  	[sflag:s12] =	ssyncset.done $0x0  }
0x1d8: {  	[sflag:s12] =	ssyncadd.s32 $0xFFFF2A00  }
0x1d9: {  	_ =	sfence.sel $0x180000  }
0x1da: {  	[bflag:$0x0] =	sbarrier.arrive $0xFFFF  }
0x1db: {  	_ =	strace $0x9000004D  }
0x1dc: {  	s0 =	stileid.u32;
	[bflag:$0x2] =	sbarrier.arrive $0xFFFF  }
0x1dd: {  	p0 =	sne.s32 s0, $0x0;
	s0 =	rddreg [dreg:$0x2]  }
0x1de: {  	s0 =	sadd.s32 @!p0 $0x100000, s0  }
0x1df: {  	[sflag:s0] =	ssyncadd.tile.s32 @!p0 $0x1;
	_ =	shalt  }
.Lfunc_end2:
_tile_overlayer_lowered:
.L_overlay_start_2:
0x1e0: {  	(tag) =	ssettag $0x2  }
0x1e1: {  	s0 =	rddreg [dreg:$0x0];
	s2 =	stileid.u32  }
0x1e2: {  	s1 =	rddreg [dreg:$0x1];
	p0 =	sne.s32 s2, $0x0  }
0x1e3: {  	s3 =	rddreg [dreg:$0x2];
	[bflag:$0x3] =	sbarrier.arrive $0xFFFF;
	s2 =	simm.s32 @!p0 $0x1C03  }
0x1e4: {  	[timem:s3], [sflag:s2] =	dma.local @!p0 [hbm:s0], s1  }
0x1e5: {  	s0 =	simm.s32 @!p0 $0x3  }
0x1e6: {  	_ =	swait.ge @!p0 [sflag:s0], s1  }
0x1e7: {  	s1 =	ssub.s32 @!p0 $0x0, s1;
	[sflag:s0] =	ssyncset.done @!p0 $0x0  }
0x1e8: {  	[sflag:s0] =	ssyncadd.s32 @!p0 s1  }
0x1e9: {  	[bflag:$0x3] =	sbarrier.arrive $0xFFFF  }
0x1ea: {  	_ =	shalt  }

// kernel: gather7_remap.3.cloned.1.call-start
scs
__scs_entry_jumppad:
0x0: {  	(pc) =	sbr.rel $0x88, $3  }
0x1: {  	(tag) =	ssettag $0x0;
	lr =	simm.s32 $0x1  }
0x2: {  	[smem:$0x3F95] =	sst lr;
	_ =	strace $0xD0000000  }
0x3: {  	_ = 	snop  }
0x4: {  	_ = 	snop  }
0x5: {  	_ = 	snop  }
0x6: {  	_ = 	snop  }
0x7: {  	_ = 	snop  }
__scs_overlays_trampoline_lowered:
0x8: {  	[smem:$0x3FA4] =	sst s0  }
0x9: {  	[smem:$0x3FA5] =	sst s1  }
0xa: {  	[smem:$0x3FA6] =	sst s2  }
0xb: {  	[smem:$0x3FA7] =	sst s3  }
0xc: {  	[smem:$0x3FA8] =	sst s4  }
0xd: {  	[smem:$0x3FA9] =	sst s5  }
0xe: {  	[smem:$0x3FAA] =	sst s6  }
0xf: {  	[smem:$0x3FAB] =	sst s7  }
0x10: {  	[smem:$0x3FAC] =	sst s8  }
0x11: {  	[smem:$0x3FAD] =	sst s9;
	s0 =	simm.s32 @!p0 $0x0  }
0x12: {  	s1 =	sld [smem:$0x3F93];
	s0 =	simm.s32 @p0 $0x1  }
0x13: {  	[smem:$0x3FAE] =	sst s0;
	s0 =	simm.s32 @!p1 $0x0  }
0x14: {  	s2 =	sld [smem:$0x3F92];
	s0 =	simm.s32 @p1 $0x1  }
0x15: {  	[smem:$0x3FAF] =	sst s0;
	s0 =	simm.s32 @!p2 $0x0  }
0x16: {  	s3 =	sld [smem:$0x3FDB];
	s0 =	simm.s32 @p2 $0x1  }
0x17: {  	s4 =	simm.s32 $0x1BF5;
	[smem:$0x3FB1] =	sst s0  }
0x18: {  	s0 =	sld [smem:$0x3F94];
	_ =	swait.ge [sflag:s4], $0x0  }
0x19: {  	s7 =	sld [smem:$0x3F95]  }
0x1a: {  	s8 =	sadd.s32 $0xFFFFE003, lr  }
0x1b: {  	s9 =	sadd.s32 $0xFFFFFEF7, lr;
	s5 =	simm.s32 $0xFFFFFFFF;
	p2 =	slt.u32 s8, $0xFFFFF086  }
0x1c: {  	p1 =	slt.u32 s9, $0xF7A;
	s5 =	simm.s32 @!p2 $0x0  }
0x1d: {  	s5 =	simm.s32 @p1 $0x1;
	p0 =	seq.s32 s7, s2  }
0x1e: {  	s7 =	smul.u32 @!p0 $0xF7A, s2;
	p2 =	seq.s32 @!p0 s5, $0x0  }
0x1f: {  	s9 =	smul.u32 $0xF7A, s1;
	s8 =	simm.s32 @!p0 $0x1BF5;
	p2 =	por !p2, p0  }
0x20: {  	[sflag:s8] =	ssyncset.s32 @!p0 $0xFFFFF086;
	s6 =	sadd.s32 @!p0 s3, s7;
	s7 =	simm.s32 @!p0 $0x108  }
0x21: {  	s3 =	sadd.s32 s3, s9;
	s6 =	sadd.s32 @!p0 $0x88, s6;
	s7 =	simm.s32 @p2 $0x1082  }
0x22: {  	[simem:s7], [sflag:s8] =	dma.local @!p0 [hbm:s6], $0xF7A  }
0x23: {  	s9 =	sor.u32 $0xD0000000, s2;
	s6 =	simm.s32 $0x108;
	_ =	swait.ge @!p0 [sflag:s8], $0x0  }
0x24: {  	s3 =	sadd.s32 $0x88, s3;
	s6 =	simm.s32 @!p1 $0x1082;
	[sflag:s4] =	ssyncset.s32 $0xFFFFF086  }
0x25: {  	[simem:s6], [sflag:s4] =	dma.local [hbm:s3], $0xF7A  }
0x26: {  	[smem:$0x3F95] =	sst s1;
	(tag) =	ssettag s2;
	_ =	strace s9  }
0x27: {  	s1 =	sld [smem:$0x3FA5]  }
0x28: {  	s2 =	sld [smem:$0x3FA6]  }
0x29: {  	s4 =	sld [smem:$0x3FA8]  }
0x2a: {  	p0 =	seq.s32 s5, $0x0;
	s5 =	sld [smem:$0x3FA9]  }
0x2b: {  	s6 =	sld [smem:$0x3FAA]  }
0x2c: {  	s7 =	sld [smem:$0x3FAB]  }
0x2d: {  	s3 =	simm.s32 $0x108;
	s8 =	sld [smem:$0x3FAC]  }
0x2e: {  	s3 =	simm.s32 @!p0 $0x1082;
	s9 =	sld [smem:$0x3FAD]  }
0x2f: {  	lr =	sadd.s32 s0, s3;
	s0 =	sld [smem:$0x3FA4]  }
0x30: {  	s3 =	sld [smem:$0x3FA7]  }
0x31: {  	[smem:$0x3FB0] =	sst s10  }
0x32: {  	s10 =	sld [smem:$0x3FAE];
	_ =	sdelay $0x3  }
0x33: {  	p0 =	seq.s32 s10, $0x1;
	s10 =	sld [smem:$0x3FB0];
	_ =	sdelay $0x3  }
0x34: {  	[smem:$0x3FB0] =	sst s10  }
0x35: {  	s10 =	sld [smem:$0x3FAF];
	_ =	sdelay $0x3  }
0x36: {  	p1 =	seq.s32 s10, $0x1;
	s10 =	sld [smem:$0x3FB0];
	_ =	sdelay $0x3  }
0x37: {  	[smem:$0x3FB0] =	sst s10  }
0x38: {  	s10 =	sld [smem:$0x3FB1]  }
0x39: {  	_ = 	snop;
	(pc) =	sbr.ind lr, $3  }
0x3a: {  	_ = 	snop  }
0x3b: {  	_ = 	snop  }
0x3c: {  	p2 =	seq.s32 s10, $0x1;
	s10 =	sld [smem:$0x3FB0]  }
0x3d: {  	_ =	shalt  }
0x3e: {  	_ =	shalt  }
0x3f: {  	_ =	shalt  }
0x40: {  	_ =	shalt  }
0x41: {  	_ =	shalt  }
0x42: {  	_ =	shalt  }
0x43: {  	_ =	shalt  }
0x44: {  	_ =	shalt  }
0x45: {  	_ =	shalt  }
0x46: {  	_ =	shalt  }
0x47: {  	_ =	shalt  }
0x48: {  	_ =	shalt  }
0x49: {  	_ =	shalt  }
0x4a: {  	_ =	shalt  }
0x4b: {  	_ =	shalt  }
0x4c: {  	_ =	shalt  }
0x4d: {  	_ =	shalt  }
0x4e: {  	_ =	shalt  }
0x4f: {  	_ =	shalt  }
0x50: {  	_ =	shalt  }
0x51: {  	_ =	shalt  }
0x52: {  	_ =	shalt  }
0x53: {  	_ =	shalt  }
0x54: {  	_ =	shalt  }
0x55: {  	_ =	shalt  }
0x56: {  	_ =	shalt  }
0x57: {  	_ =	shalt  }
0x58: {  	_ =	shalt  }
0x59: {  	_ =	shalt  }
0x5a: {  	_ =	shalt  }
0x5b: {  	_ =	shalt  }
0x5c: {  	_ =	shalt  }
0x5d: {  	_ =	shalt  }
0x5e: {  	_ =	shalt  }
0x5f: {  	_ =	shalt  }
0x60: {  	_ =	shalt  }
0x61: {  	_ =	shalt  }
0x62: {  	_ =	shalt  }
0x63: {  	_ =	shalt  }
0x64: {  	_ =	shalt  }
0x65: {  	_ =	shalt  }
0x66: {  	_ =	shalt  }
0x67: {  	_ =	shalt  }
0x68: {  	_ =	shalt  }
0x69: {  	_ =	shalt  }
0x6a: {  	_ =	shalt  }
0x6b: {  	_ =	shalt  }
0x6c: {  	_ =	shalt  }
0x6d: {  	_ =	shalt  }
0x6e: {  	_ =	shalt  }
0x6f: {  	_ =	shalt  }
0x70: {  	_ =	shalt  }
0x71: {  	_ =	shalt  }
0x72: {  	_ =	shalt  }
0x73: {  	_ =	shalt  }
0x74: {  	_ =	shalt  }
0x75: {  	_ =	shalt  }
0x76: {  	_ =	shalt  }
0x77: {  	_ =	shalt  }
0x78: {  	_ =	shalt  }
0x79: {  	_ =	shalt  }
0x7a: {  	_ =	shalt  }
0x7b: {  	_ =	shalt  }
0x7c: {  	_ =	shalt  }
0x7d: {  	_ =	shalt  }
0x7e: {  	_ =	shalt  }
0x7f: {  	_ =	shalt  }
0x80: {  	_ =	shalt  }
0x81: {  	_ =	shalt  }
0x82: {  	_ =	shalt  }
0x83: {  	_ =	shalt  }
0x84: {  	_ =	shalt  }
0x85: {  	_ =	shalt  }
0x86: {  	_ =	shalt  }
0x87: {  	_ =	shalt  }
.Lfunc_end0:
.L_simem_size_0:
called_computation.1_lowered:
.L_overlay_start_0:
0x88: {  	s2 =	sld [smem:$0x3FD9]  }
0x89: {  	s3 =	sld [smem:$0x3FFE];
	_ =	sdelay $0x1  }
0x8a: {  	s1 =	srdreg.scid  }
0x8b: {  	s0 =	sand.u32 $0x1, s1  }
0x8c: {  	s17 =	sshll.u32 s0, $0xA;
	s2 =	sadd.s32 s3, s2  }
0x8d: {  	s2 =	sadd.s32 s2, s17  }
0x8e: {  	[smem:$0x3FBC] =	sst s2  }
0x8f: {  	_ = 	snop  }
0x90: {  	s2 =	sld [smem:$0x3FC8];
	(tm) =	ssettm $0x1  }
0x91: {  	s18 =	sld [smem:$0x3FFB];
	_ =	sdelay $0x3  }
0x92: {  	_ =	strace s18  }
0x93: {  	s3 =	sld [smem:$0x3FFC];
	_ =	sdelay $0x3  }
0x94: {  	_ =	strace s3  }
0x95: {  	s3 =	sld [smem:$0x3FFD];
	_ =	sdelay $0x3  }
0x96: {  	_ =	strace s3  }
0x97: {  	_ =	strace $0x8FFFFFFF  }
0x98: {  	s19 =	sld [smem:$0x3FDB];
	_ =	sdelay $0x1  }
0x99: {  	s4 =	simm.s32 $_scs_section_size  }
0x9a: {  	s5 =	simm.s32 $_size__tile_overlayer_lowered;
	s6 =	simm.s32 $_tile_overlayer_lowered  }
0x9b: {  	s22 =	simm.s32 $0x1BFF;
	s21 =	sshll.u32 s6, $0x1;
	s3 =	sadd.s32 s4, s19  }
0x9c: {  	s7 =	simm.s32 $0x0;
	s20 =	sshll.u32 s5, $0x1;
	s5 =	sadd.s32 s21, s3  }
0x9d: {  	[timem:s7], [sflag:s22] =	dma.local [hbm:s5], s20  }
0x9e: {  	_ =	swait.ge [sflag:s22], s20  }
0x9f: {  	s4 =	ssub.s32 $0x0, s20;
	[sflag:s22] =	ssyncset.done $0x0  }
0xa0: {  	[sflag:s22] =	ssyncadd.s32 s4;
	_ =	sdelay $0x1  }
0xa1: {  	s23 =	simm.s32 $0x1B8B  }
0xa2: {  	_ =	swait.ge [sflag:s23], $0x1  }
0xa3: {  	[sflag:s23] =	ssyncset.done $0x0  }
0xa4: {  	s25 =	simm.s32 $0x1B8E;
	s24 =	sld [smem:$0x3FFE];
	[sflag:s23] =	ssyncadd.s32 $0xFFFFFFFF  }
0xa5: {  	s26 =	simm.s32 $execute0_lowered;
	[smem:$0x3FD2] =	sst s25  }
0xa6: {  	s5 =	sshll.u32 s26, $0x1;
	_ =	strace $0x80000049;
	[dreg:$0x1] =	wrdreg $0xFFFFFFFF  }
0xa7: {  	s28 =	simm.s32 $_size_execute0_lowered;
	s3 =	sadd.s32 s3, s5;
	[dreg:$0x0] =	wrdreg $0x0  }
0xa8: {  	s5 =	sshll.u32 s28, $0x1;
	[dreg:$0x2] =	wrdreg s3  }
0xa9: {  	[dreg:$0x3] =	wrdreg s5  }
0xaa: {  	[dreg:$0x4] =	wrdreg $0xC0  }
0xab: {  	_ =	task [dreg:s7], $0x5FFFF  }
0xac: {  	[dreg:$0x1] =	wrdreg $0xFFFFFFFF  }
0xad: {  	[dreg:$0x0] =	wrdreg $0x60  }
0xae: {  	[dreg:$0x2] =	wrdreg s24  }
0xaf: {  	[dreg:$0x3] =	wrdreg s2  }
0xb0: {  	[dreg:$0x4] =	wrdreg $0x9  }
0xb1: {  	_ =	task.clear_ibuf [dreg:s7], $0x5FFFF;
	_ =	strace $0x90000049  }
0xb2: {  	s29 =	simm.s32 $0x9;
	_ =	strace $0x8000004B  }
0xb3: {  	_ =	swait.ge [sflag:s29], $0x1  }
0xb4: {  	[sflag:s29] =	ssyncadd.s32 $0xFFFFFFFF  }
0xb5: {  	_ =	strace $0x9000004B  }
0xb6: {  	_ =	sfence  }
0xb7: {  	s30 =	sld [smem:$0x0];
	_ =	sdelay $0x2  }
0xb8: {  	s31 =	sshll.u32 s1, $0xD;
	s1 =	sshrl.u32 s1, $0x2  }
0xb9: {  	s3 =	sand.u32 $0x4000, s31;
	s1 =	sadd.s32 s1, s30  }
0xba: {  	s0 =	sor.u32 s3, s0;
	s1 =	sshll.u32 s1, $0x11  }
0xbb: {  	s0 =	sor.u32 s1, s0  }
0xbc: {  	s0 =	sadd.s32 $0x8F2B, s0  }
0xbd: {  	[sflag:s0] =	ssyncadd.remote.s32 $0x1  }
0xbe: {  	_ =	sfence.sel $0xFFFF  }
0xbf: {  	[dreg:$0x0] =	wrdreg $0xFFFFFFFF;
	(pc) =	sbr.abs _section_cstart, $3  }
0xc0: {  	[dreg:$0x1] =	wrdreg $0xFFFFFFFF  }
0xc1: {  	_ =	task.clear_ibuf [dreg:s7], $0x2FFFF;
	_ =	strace $0x9FFFFFFF  }
0xc2: {  	(tm) =	ssettm $0x7FFFFFFF  }
0xc3: {  	_ =	shalt  }
tec
execute0_lowered:
.L_overlay_start_1:
0x0: {  	(tag) =	ssettag $0x1  }
0x1: {  	s0 =	srdreg.scid;
	s4 =	rddreg [dreg:$0x0]  }
0x2: {  	s1 =	stileid.u32;
	s8 =	rddreg [dreg:$0x1];
	s2 =	simm.s32 $0x0  }
0x3: {  	s13 =	simm.s32 $0x6B0;
	s14 =	simm.s32 $0x5DA0;
	s15 =	simm.s32 $0xBB40  }
0x4: {  	s16 =	simm.s32 $0x1;
	s17 =	simm.s32 $0x6450;
	s18 =	simm.s32 $0x6B00  }
0x5: {  	s19 =	simm.s32 $0x71B0;
	s20 =	simm.s32 $0x7860;
	s21 =	simm.s32 $0x7F10  }
0x6: {  	s22 =	simm.s32 $0x85C0;
	s0 =	sand.u32 $0x1, s0;
	s1 =	sshll.u32 s1, $0x1  }
0x7: {  	s23 =	simm.s32 $0x2ED0;
	s30 =	simm.s32 $0xA730;
	s1 =	sor.u32 s0, s1  }
0x8: {  	s31 =	simm.s32 $0xADE0;
	[smem:$0x7FF] =	sst s2;
	s7 =	smul.u32 $0x1410, s1  }
0x9: {  	s3 =	sadd.s32 $0x1DDC00, s4;
	s12 =	sadd.s32 $0x2E00, s4;
	s5 =	smul.u32 $0x118E, s1  }
0xa: {  	_ =	strace $0x8000004A;
	s0 =	ssub.s32 $0x2, s0;
	s11 =	smul.u32 $0x8C70, s1  }
0xb: {  	s10 =	sshrl.u32 s0, $0x1;
	s24 =	smul.u32 $0x5040, s1;
	p0 =	sne.s32 s1, $0x1F  }
0xc: {  	s1 =	simm.s32 $0xB490;
	s0 =	ssub.s32 s0, s10;
	s9 =	sadd.s32 $0x6B0, s7  }
0xd: {  	s4 =	sadd.s32 s8, s5;
	s11 =	sadd.s32 $0x5DA0, s11;
	s28 =	sshll.u32 s7, $0x2  }
0xe: {  	s6 =	smul.u32 $0x7, s9;
	s26 =	sshrl.u32 s11, $0x3;
	s9 =	sshll.u32 s9, $0x2  }
0xf: {  	v0 =	vimm.s32 $0x12345670;
	s29 =	sadd.s32 s12, s28;
	s11 =	smax.u32 s0, $0x1;
	s0 =	simm.s32 $0x0  }
0x10: {  	v1 =	vlaneseq.u32;
	v2 =	vunpack.c.l.s4.s8 v0;
	s7 =	sadd.s32 s8, s26;
	s9 =	sadd.s32 s12, s9;
	s10 =	sadd.s32 $0x3580, s29  }
0x11: {  	v0 =	vmul.u32 $0x7, v1;
	s25 =	sshrl.u32 s6, $0x3;
	s6 =	sadd.s32 s12, s24;
	s12 =	simm.s32 $0x3  }
0x12: {  	v3 =	vimm.s32 $0x0;
	v1 =	vunpack.c.0.s8.s32 v2;
	v2 =	vimm.s32 $0xFFFF5FFE;
	s24 =	simm.s32 $0x2;
	s5 =	sadd.s32 s8, s25;
	s8 =	sadd.s32 $0x22BE6, s8  }
.LBB2_1:
0x13: {  	s25 =	simm.s32 $0x0  }
0x14: {  	v4 =	vadd.s32 s25, v0  }
0x15: {  	v4 =	vand.u32 $0x7FF8, v4  }
0x16: {  	v4 =	vor.u32 v1, v4  }
0x17: {  	[tilespmem:s2], [sflag:$0x3] =	stream.linear.gather [hbm4b:s4+s2], $0x2ED0, $0x38;
	[tilespmem:$0x19140] =	vst v63  }
0x18: {  	_ =	swait.ge [sflag:s12], $0x2ED0  }
0x19: {  	[sflag:s12] =	ssyncset.done $0x0  }
0x1a: {  	[sflag:s12] =	ssyncadd.s32 $0xFFFFD130  }
0x1b: {  	v4 =	vld.idx.msk [tilespmem:v4+s2+$0x0], $0xffff;
	_ =	sdelay $0x2  }
0x1c: {  	s26 =	simm.s32 $0x1  }
0x1d: {  	v5 =	vadd.s32 s26, v0  }
0x1e: {  	vm0 =	vlt.s32 v4, $0xA002  }
0x1f: {  	v6 =	vsel vm0, $0x1E000, v2  }
0x20: {  	v4 =	vadd.s32 v4, v6  }
0x21: {  	[tilespmem:s19+$0xFFFFEBF0] =	vst v4  }
0x22: {  	v4 =	vld.idx.msk [tilespmem:v5+s2+$0x0], $0xffff;
	_ =	sdelay $0x3  }
0x23: {  	s26 =	simm.s32 $0x2  }
0x24: {  	v5 =	vadd.s32 s26, v0;
	vm11 =	vlt.s32 v4, $0xA002  }
0x25: {  	v6 =	vsel vm11, $0x1E000, v2  }
0x26: {  	v4 =	vadd.s32 v6, v4  }
0x27: {  	v4 =	vadd.s32 $0x28200, v4  }
0x28: {  	[tilespmem:s19+$0xFFFFF2A0] =	vst v4  }
0x29: {  	v4 =	vld.idx.msk [tilespmem:v5+s2+$0x0], $0xffff;
	_ =	sdelay $0x3  }
0x2a: {  	s26 =	simm.s32 $0x3  }
0x2b: {  	v5 =	vadd.s32 s26, v0;
	vm12 =	vlt.s32 v4, $0xA002  }
0x2c: {  	v6 =	vsel vm12, $0x1E000, v2  }
0x2d: {  	v4 =	vadd.s32 v6, v4  }
0x2e: {  	v4 =	vadd.s32 $0x50400, v4  }
0x2f: {  	[tilespmem:s19+$0xFFFFF950] =	vst v4  }
0x30: {  	v4 =	vld.idx.msk [tilespmem:v5+s2+$0x0], $0xffff;
	_ =	sdelay $0x3  }
0x31: {  	s26 =	simm.s32 $0x4  }
0x32: {  	v5 =	vadd.s32 s26, v0;
	vm13 =	vlt.s32 v4, $0xA002  }
0x33: {  	v6 =	vsel vm13, $0x1E000, v2  }
0x34: {  	v4 =	vadd.s32 v6, v4  }
0x35: {  	v4 =	vadd.s32 $0x78600, v4  }
0x36: {  	[tilespmem:s19+$0x0] =	vst v4  }
0x37: {  	v4 =	vld.idx.msk [tilespmem:v5+s2+$0x0], $0xffff;
	_ =	sdelay $0x3  }
0x38: {  	s26 =	simm.s32 $0x5  }
0x39: {  	v5 =	vadd.s32 s26, v0;
	vm14 =	vlt.s32 v4, $0xA002  }
0x3a: {  	v6 =	vsel vm14, $0x1E000, v2  }
0x3b: {  	v4 =	vadd.s32 v6, v4  }
0x3c: {  	v4 =	vadd.s32 $0xA0800, v4  }
0x3d: {  	[tilespmem:s19+$0x6B0] =	vst v4  }
0x3e: {  	v4 =	vld.idx.msk [tilespmem:v5+s2+$0x0], $0xffff;
	_ =	sdelay $0x3  }
0x3f: {  	s26 =	simm.s32 $0x6  }
0x40: {  	v5 =	vadd.s32 s26, v0;
	vm15 =	vlt.s32 v4, $0xA002  }
0x41: {  	v6 =	vsel vm15, $0x1E000, v2  }
0x42: {  	v4 =	vadd.s32 v6, v4  }
0x43: {  	v4 =	vadd.s32 $0xC8A00, v4  }
0x44: {  	[tilespmem:s19+$0xD60] =	vst v4  }
0x45: {  	v4 =	vld.idx.msk [tilespmem:v5+s2+$0x0], $0xffff  }
0x46: {  	s29 =	simm.s32 $0x70  }
0x47: {  	s28 =	simm.s32 $0xE6;
	s25 =	simm.s32 $0x76;
	s26 =	simm.s32 $0x71B0  }
.LBB2_2:
0x48: {  	p1 =	sne.s32 s28, $0x2E66;
	v5 =	vadd.s32 s29, v0  }
0x49: {  	v5 =	vand.u32 $0x7FF8, v5  }
0x4a: {  	vm0 =	vlt.s32 v4, $0xA002;
	v5 =	vor.u32 v1, v5  }
0x4b: {  	v6 =	vsel vm0, $0x1E000, v2  }
0x4c: {  	v4 =	vadd.s32 v6, v4  }
0x4d: {  	v4 =	vadd.s32 $0xF0C00, v4  }
0x4e: {  	[tilespmem:s26+$0x1410] =	vst v4  }
0x4f: {  	v4 =	vld.idx.msk [tilespmem:v5+s2+$0x0], $0xffff;
	_ =	sdelay $0x3  }
0x50: {  	s29 =	sadd.s32 $0xFFFFFFFB, s25  }
0x51: {  	v5 =	vadd.s32 s29, v0  }
0x52: {  	vm0 =	vlt.s32 v4, $0xA002  }
0x53: {  	v6 =	vsel vm0, $0x1E000, v2  }
0x54: {  	s26 =	sadd.s32 $0x10, s26;
	v4 =	vadd.s32 v4, v6  }
0x55: {  	[tilespmem:s26+$0xFFFFEBF0] =	vst v4  }
0x56: {  	v4 =	vld.idx.msk [tilespmem:v5+s2+$0x0], $0xffff;
	_ =	sdelay $0x4  }
0x57: {  	s29 =	sadd.s32 $0xFFFFFFFC, s25  }
0x58: {  	v5 =	vadd.s32 s29, v0;
	vm0 =	vlt.s32 v4, $0xA002  }
0x59: {  	v6 =	vsel vm0, $0x1E000, v2  }
0x5a: {  	v4 =	vadd.s32 v6, v4  }
0x5b: {  	v4 =	vadd.s32 $0x28200, v4  }
0x5c: {  	[tilespmem:s26+$0xFFFFF2A0] =	vst v4  }
0x5d: {  	v4 =	vld.idx.msk [tilespmem:v5+s2+$0x0], $0xffff;
	_ =	sdelay $0x4  }
0x5e: {  	s29 =	sadd.s32 $0xFFFFFFFD, s25  }
0x5f: {  	v5 =	vadd.s32 s29, v0;
	vm0 =	vlt.s32 v4, $0xA002  }
0x60: {  	v6 =	vsel vm0, $0x1E000, v2  }
0x61: {  	v4 =	vadd.s32 v6, v4  }
0x62: {  	v4 =	vadd.s32 $0x50400, v4  }
0x63: {  	[tilespmem:s26+$0xFFFFF950] =	vst v4  }
0x64: {  	v4 =	vld.idx.msk [tilespmem:v5+s2+$0x0], $0xffff;
	_ =	sdelay $0x4  }
0x65: {  	s29 =	sadd.s32 $0xFFFFFFFE, s25  }
0x66: {  	v5 =	vadd.s32 s29, v0;
	vm0 =	vlt.s32 v4, $0xA002  }
0x67: {  	v6 =	vsel vm0, $0x1E000, v2  }
0x68: {  	v4 =	vadd.s32 v6, v4  }
0x69: {  	v4 =	vadd.s32 $0x78600, v4  }
0x6a: {  	[tilespmem:s26+$0x0] =	vst v4  }
0x6b: {  	v4 =	vld.idx.msk [tilespmem:v5+s2+$0x0], $0xffff;
	_ =	sdelay $0x4  }
0x6c: {  	s29 =	sadd.s32 $0xFFFFFFFF, s25  }
0x6d: {  	v5 =	vadd.s32 s29, v0;
	vm0 =	vlt.s32 v4, $0xA002  }
0x6e: {  	v6 =	vsel vm0, $0x1E000, v2  }
0x6f: {  	v4 =	vadd.s32 v6, v4  }
0x70: {  	v4 =	vadd.s32 $0xA0800, v4  }
0x71: {  	[tilespmem:s26+$0x6B0] =	vst v4  }
0x72: {  	v4 =	vld.idx.msk [tilespmem:v5+s2+$0x0], $0xffff;
	_ =	sdelay $0x5  }
0x73: {  	v5 =	vadd.s32 s25, v0;
	s25 =	smov.u32 s28;
	vm0 =	vlt.s32 v4, $0xA002  }
0x74: {  	v6 =	vsel vm0, $0x1E000, v2  }
0x75: {  	v4 =	vadd.s32 v6, v4  }
0x76: {  	v4 =	vadd.s32 $0xC8A00, v4  }
.Ltmp0:
0x77: {  	[tilespmem:s26+$0xD60] =	vst v4;
	(pc) =	sbr.rel @p1 .LBB2_2-.Ltmp0, $2  }
0x78: {  	v4 =	vld.idx.msk [tilespmem:v5+s2+$0x0], $0xffff;
	_ =	sdelay $0x2  }
0x79: {  	s28 =	sadd.s32 $0x70, s28;
	s29 =	sadd.s32 $0xFFFFFFFA, s25  }
0x7a: {  	v5 =	vadd.s32 s29, v0  }
0x7b: {  	v5 =	vand.u32 $0x7FF8, v5  }
0x7c: {  	vm0 =	vlt.s32 v4, $0xA002;
	v5 =	vor.u32 v1, v5  }
0x7d: {  	v6 =	vsel vm0, $0x1E000, v2  }
0x7e: {  	v4 =	vadd.s32 v6, v4  }
0x7f: {  	v4 =	vadd.s32 $0xF0C00, v4  }
0x80: {  	[tilespmem:s26+$0x1410] =	vst v4  }
0x81: {  	v4 =	vld.idx.msk [tilespmem:v5+s2+$0x0], $0xffff;
	_ =	sdelay $0x2  }
0x82: {  	s28 =	sadd.s32 $0xFFFFFFFB, s25  }
0x83: {  	v5 =	vadd.s32 s28, v0  }
0x84: {  	vm15 =	vlt.s32 v4, $0xA002  }
0x85: {  	v6 =	vsel vm15, $0x1E000, v2  }
0x86: {  	s26 =	sadd.s32 $0x10, s26;
	v4 =	vadd.s32 v4, v6  }
0x87: {  	[tilespmem:s26+$0xFFFFEBF0] =	vst v4  }
0x88: {  	v4 =	vld.idx.msk [tilespmem:v5+s2+$0x0], $0xffff;
	_ =	sdelay $0x3  }
0x89: {  	s28 =	sadd.s32 $0xFFFFFFFC, s25  }
0x8a: {  	v5 =	vadd.s32 s28, v0;
	vm4 =	vlt.s32 v4, $0xA002  }
0x8b: {  	v6 =	vsel vm4, $0x1E000, v2  }
0x8c: {  	v4 =	vadd.s32 v6, v4  }
0x8d: {  	v4 =	vadd.s32 $0x28200, v4  }
0x8e: {  	[tilespmem:s26+$0xFFFFF2A0] =	vst v4  }
0x8f: {  	v4 =	vld.idx.msk [tilespmem:v5+s2+$0x0], $0xffff;
	_ =	sdelay $0x3  }
0x90: {  	s28 =	sadd.s32 $0xFFFFFFFD, s25  }
0x91: {  	v5 =	vadd.s32 s28, v0;
	vm5 =	vlt.s32 v4, $0xA002  }
0x92: {  	v6 =	vsel vm5, $0x1E000, v2  }
0x93: {  	v4 =	vadd.s32 v6, v4  }
0x94: {  	v4 =	vadd.s32 $0x50400, v4  }
0x95: {  	[tilespmem:s26+$0xFFFFF950] =	vst v4  }
0x96: {  	v4 =	vld.idx.msk [tilespmem:v5+s2+$0x0], $0xffff;
	_ =	sdelay $0x3  }
0x97: {  	s28 =	sadd.s32 $0xFFFFFFFE, s25  }
0x98: {  	v5 =	vadd.s32 s28, v0;
	vm6 =	vlt.s32 v4, $0xA002  }
0x99: {  	v6 =	vsel vm6, $0x1E000, v2  }
0x9a: {  	v4 =	vadd.s32 v6, v4  }
0x9b: {  	v4 =	vadd.s32 $0x78600, v4  }
0x9c: {  	[tilespmem:s26+$0x0] =	vst v4  }
0x9d: {  	v4 =	vld.idx.msk [tilespmem:v5+s2+$0x0], $0xffff;
	_ =	sdelay $0x3  }
0x9e: {  	s28 =	sadd.s32 $0xFFFFFFFF, s25  }
0x9f: {  	v5 =	vadd.s32 s28, v0;
	vm7 =	vlt.s32 v4, $0xA002  }
0xa0: {  	v6 =	vsel vm7, $0x1E000, v2  }
0xa1: {  	v4 =	vadd.s32 v6, v4  }
0xa2: {  	v4 =	vadd.s32 $0xA0800, v4  }
0xa3: {  	[tilespmem:s26+$0x6B0] =	vst v4  }
0xa4: {  	v4 =	vld.idx.msk [tilespmem:v5+s2+$0x0], $0xffff;
	_ =	sdelay $0x4  }
0xa5: {  	v5 =	vadd.s32 s25, v0;
	vm8 =	vlt.s32 v4, $0xA002  }
0xa6: {  	v6 =	vsel vm8, $0x1E000, v2  }
0xa7: {  	v4 =	vadd.s32 v6, v4  }
0xa8: {  	v4 =	vadd.s32 $0xC8A00, v4  }
0xa9: {  	[tilespmem:s26+$0xD60] =	vst v4  }
0xaa: {  	v4 =	vld.idx.msk [tilespmem:v5+s2+$0x0], $0xffff;
	_ =	sdelay $0x4  }
0xab: {  	vm9 =	vlt.s32 v4, $0xA002  }
0xac: {  	v5 =	vsel vm9, $0x1E000, v2  }
0xad: {  	v4 =	vadd.s32 v5, v4  }
0xae: {  	v4 =	vadd.s32 $0xF0C00, v4  }
0xaf: {  	[tilespmem:s26+$0x1410] =	vst v4  }
0xb0: {  	[tilespmem:s15], [sflag:$0x1] =	stream.indirect.gather [hbm4b:s3+s13], $0x20, s14, s13, $0xb8;
	[tilespmem:$0x19140] =	vst v63  }
0xb1: {  	_ =	swait.ge [sflag:s16], $0xD600  }
0xb2: {  	[sflag:s16] =	ssyncset.done $0x0  }
0xb3: {  	[sflag:s16] =	ssyncadd.s32 $0xFFFF2A00  }
0xb4: {  	[tilespmem:s15], [sflag:$0x1] =	stream.indirect.gather.add.f32 [hbm:s3], $0x20, s17, s13, $0xb8;
	[tilespmem:$0x19140] =	vst v63  }
0xb5: {  	_ = 	snop  }
0xb6: {  	[tilespmem:s15], [sflag:$0x1] =	stream.indirect.gather.add.f32 [hbm:s3], $0x20, s18, s13, $0xb8;
	[tilespmem:$0x19140] =	vst v63  }
0xb7: {  	_ = 	snop  }
0xb8: {  	[tilespmem:s15], [sflag:$0x1] =	stream.indirect.gather.add.f32 [hbm:s3], $0x20, s19, s13, $0xb8;
	[tilespmem:$0x19140] =	vst v63  }
0xb9: {  	_ = 	snop  }
0xba: {  	[tilespmem:s15], [sflag:$0x1] =	stream.indirect.gather.add.f32 [hbm:s3], $0x20, s20, s13, $0xb8;
	[tilespmem:$0x19140] =	vst v63  }
0xbb: {  	s26 =	simm.s32 $0x0  }
0xbc: {  	[tilespmem:s15], [sflag:$0x1] =	stream.indirect.gather.add.f32 [hbm:s3], $0x20, s21, s13, $0xb8;
	[tilespmem:$0x19140] =	vst v63  }
0xbd: {  	v4 =	vadd.s32 s26, v0  }
0xbe: {  	v4 =	vand.u32 $0x7FF8, v4;
	[tilespmem:s15], [sflag:$0x1] =	stream.indirect.gather.add.f32 [hbm:s3], $0x20, s22, s13, $0xb8;
	[tilespmem:$0x19140] =	vst v63  }
0xbf: {  	v4 =	vor.u32 v1, v4  }
0xc0: {  	[tilespmem:s23], [sflag:$0x3] =	stream.linear.gather [hbm4b:s5+s2], $0x2ED0, $0x38;
	[tilespmem:$0x19140] =	vst v63  }
0xc1: {  	_ =	swait.ge [sflag:s12], $0x2ED0  }
0xc2: {  	[sflag:s12] =	ssyncset.done $0x0  }
0xc3: {  	[sflag:s12] =	ssyncadd.s32 $0xFFFFD130  }
0xc4: {  	v4 =	vld.idx.msk [tilespmem:v4+s23+$0x0], $0xffff;
	_ =	sdelay $0x2  }
0xc5: {  	s26 =	simm.s32 $0x1  }
0xc6: {  	v5 =	vadd.s32 s26, v0  }
0xc7: {  	vm10 =	vlt.s32 v4, $0xA002  }
0xc8: {  	v6 =	vsel vm10, $0x1E000, v2  }
0xc9: {  	s25 =	simm.s32 $0xA080;
	v4 =	vadd.s32 v4, v6  }
0xca: {  	[tilespmem:s25+$0xFFFFEBF0] =	vst v4  }
0xcb: {  	v4 =	vld.idx.msk [tilespmem:v5+s23+$0x0], $0xffff;
	_ =	sdelay $0x3  }
0xcc: {  	s26 =	simm.s32 $0x2  }
0xcd: {  	v5 =	vadd.s32 s26, v0;
	vm11 =	vlt.s32 v4, $0xA002  }
0xce: {  	v6 =	vsel vm11, $0x1E000, v2  }
0xcf: {  	v4 =	vadd.s32 v6, v4  }
0xd0: {  	v4 =	vadd.s32 $0x28200, v4  }
0xd1: {  	[tilespmem:s25+$0xFFFFF2A0] =	vst v4  }
0xd2: {  	v4 =	vld.idx.msk [tilespmem:v5+s23+$0x0], $0xffff;
	_ =	sdelay $0x3  }
0xd3: {  	s26 =	simm.s32 $0x3  }
0xd4: {  	v5 =	vadd.s32 s26, v0;
	vm12 =	vlt.s32 v4, $0xA002  }
0xd5: {  	v6 =	vsel vm12, $0x1E000, v2  }
0xd6: {  	v4 =	vadd.s32 v6, v4  }
0xd7: {  	v4 =	vadd.s32 $0x50400, v4  }
0xd8: {  	[tilespmem:s25+$0xFFFFF950] =	vst v4  }
0xd9: {  	v4 =	vld.idx.msk [tilespmem:v5+s23+$0x0], $0xffff;
	_ =	sdelay $0x3  }
0xda: {  	s26 =	simm.s32 $0x4  }
0xdb: {  	v5 =	vadd.s32 s26, v0;
	vm13 =	vlt.s32 v4, $0xA002  }
0xdc: {  	v6 =	vsel vm13, $0x1E000, v2  }
0xdd: {  	v4 =	vadd.s32 v6, v4  }
0xde: {  	v4 =	vadd.s32 $0x78600, v4  }
0xdf: {  	[tilespmem:s25+$0x0] =	vst v4  }
0xe0: {  	v4 =	vld.idx.msk [tilespmem:v5+s23+$0x0], $0xffff;
	_ =	sdelay $0x3  }
0xe1: {  	s26 =	simm.s32 $0x5  }
0xe2: {  	v5 =	vadd.s32 s26, v0;
	vm14 =	vlt.s32 v4, $0xA002  }
0xe3: {  	v6 =	vsel vm14, $0x1E000, v2  }
0xe4: {  	v4 =	vadd.s32 v6, v4  }
0xe5: {  	v4 =	vadd.s32 $0xA0800, v4  }
0xe6: {  	[tilespmem:s25+$0x6B0] =	vst v4  }
0xe7: {  	v4 =	vld.idx.msk [tilespmem:v5+s23+$0x0], $0xffff;
	_ =	sdelay $0x3  }
0xe8: {  	s26 =	simm.s32 $0x6  }
0xe9: {  	v5 =	vadd.s32 s26, v0;
	vm15 =	vlt.s32 v4, $0xA002  }
0xea: {  	v6 =	vsel vm15, $0x1E000, v2  }
0xeb: {  	v4 =	vadd.s32 v6, v4  }
0xec: {  	v4 =	vadd.s32 $0xC8A00, v4  }
0xed: {  	[tilespmem:s25+$0xD60] =	vst v4  }
0xee: {  	v4 =	vld.idx.msk [tilespmem:v5+s23+$0x0], $0xffff;
	_ =	sdelay $0x1  }
0xef: {  	s29 =	simm.s32 $0x70;
	s28 =	simm.s32 $0xE6;
	s26 =	simm.s32 $0x76  }
.LBB2_4:
0xf0: {  	p1 =	sne.s32 s28, $0x2E66;
	v5 =	vadd.s32 s29, v0  }
0xf1: {  	v5 =	vand.u32 $0x7FF8, v5  }
0xf2: {  	vm0 =	vlt.s32 v4, $0xA002;
	v5 =	vor.u32 v1, v5  }
0xf3: {  	v6 =	vsel vm0, $0x1E000, v2  }
0xf4: {  	v4 =	vadd.s32 v6, v4  }
0xf5: {  	v4 =	vadd.s32 $0xF0C00, v4  }
0xf6: {  	[tilespmem:s25+$0x1410] =	vst v4  }
0xf7: {  	v4 =	vld.idx.msk [tilespmem:v5+s23+$0x0], $0xffff;
	_ =	sdelay $0x3  }
0xf8: {  	s29 =	sadd.s32 $0xFFFFFFFB, s26  }
0xf9: {  	v5 =	vadd.s32 s29, v0  }
0xfa: {  	vm0 =	vlt.s32 v4, $0xA002  }
0xfb: {  	v6 =	vsel vm0, $0x1E000, v2  }
0xfc: {  	s25 =	sadd.s32 $0x10, s25;
	v4 =	vadd.s32 v4, v6  }
0xfd: {  	[tilespmem:s25+$0xFFFFEBF0] =	vst v4  }
0xfe: {  	v4 =	vld.idx.msk [tilespmem:v5+s23+$0x0], $0xffff;
	_ =	sdelay $0x4  }
0xff: {  	s29 =	sadd.s32 $0xFFFFFFFC, s26  }
0x100: {  	v5 =	vadd.s32 s29, v0;
	vm0 =	vlt.s32 v4, $0xA002  }
0x101: {  	v6 =	vsel vm0, $0x1E000, v2  }
0x102: {  	v4 =	vadd.s32 v6, v4  }
0x103: {  	v4 =	vadd.s32 $0x28200, v4  }
0x104: {  	[tilespmem:s25+$0xFFFFF2A0] =	vst v4  }
0x105: {  	v4 =	vld.idx.msk [tilespmem:v5+s23+$0x0], $0xffff;
	_ =	sdelay $0x4  }
0x106: {  	s29 =	sadd.s32 $0xFFFFFFFD, s26  }
0x107: {  	v5 =	vadd.s32 s29, v0;
	vm0 =	vlt.s32 v4, $0xA002  }
0x108: {  	v6 =	vsel vm0, $0x1E000, v2  }
0x109: {  	v4 =	vadd.s32 v6, v4  }
0x10a: {  	v4 =	vadd.s32 $0x50400, v4  }
0x10b: {  	[tilespmem:s25+$0xFFFFF950] =	vst v4  }
0x10c: {  	v4 =	vld.idx.msk [tilespmem:v5+s23+$0x0], $0xffff;
	_ =	sdelay $0x4  }
0x10d: {  	s29 =	sadd.s32 $0xFFFFFFFE, s26  }
0x10e: {  	v5 =	vadd.s32 s29, v0;
	vm0 =	vlt.s32 v4, $0xA002  }
0x10f: {  	v6 =	vsel vm0, $0x1E000, v2  }
0x110: {  	v4 =	vadd.s32 v6, v4  }
0x111: {  	v4 =	vadd.s32 $0x78600, v4  }
0x112: {  	[tilespmem:s25+$0x0] =	vst v4  }
0x113: {  	v4 =	vld.idx.msk [tilespmem:v5+s23+$0x0], $0xffff;
	_ =	sdelay $0x4  }
0x114: {  	s29 =	sadd.s32 $0xFFFFFFFF, s26  }
0x115: {  	v5 =	vadd.s32 s29, v0;
	vm0 =	vlt.s32 v4, $0xA002  }
0x116: {  	v6 =	vsel vm0, $0x1E000, v2  }
0x117: {  	v4 =	vadd.s32 v6, v4  }
0x118: {  	v4 =	vadd.s32 $0xA0800, v4  }
0x119: {  	[tilespmem:s25+$0x6B0] =	vst v4  }
0x11a: {  	v4 =	vld.idx.msk [tilespmem:v5+s23+$0x0], $0xffff;
	_ =	sdelay $0x5  }
0x11b: {  	v5 =	vadd.s32 s26, v0;
	s26 =	smov.u32 s28;
	vm0 =	vlt.s32 v4, $0xA002  }
0x11c: {  	v6 =	vsel vm0, $0x1E000, v2  }
0x11d: {  	v4 =	vadd.s32 v6, v4  }
0x11e: {  	v4 =	vadd.s32 $0xC8A00, v4  }
.Ltmp1:
0x11f: {  	[tilespmem:s25+$0xD60] =	vst v4;
	(pc) =	sbr.rel @p1 .LBB2_4-.Ltmp1, $2  }
0x120: {  	v4 =	vld.idx.msk [tilespmem:v5+s23+$0x0], $0xffff;
	_ =	sdelay $0x2  }
0x121: {  	s28 =	sadd.s32 $0x70, s28;
	s29 =	sadd.s32 $0xFFFFFFFA, s26  }
0x122: {  	v5 =	vadd.s32 s29, v0  }
0x123: {  	v5 =	vand.u32 $0x7FF8, v5  }
0x124: {  	vm0 =	vlt.s32 v4, $0xA002;
	v5 =	vor.u32 v1, v5  }
0x125: {  	v6 =	vsel vm0, $0x1E000, v2  }
0x126: {  	v4 =	vadd.s32 v6, v4  }
0x127: {  	v4 =	vadd.s32 $0xF0C00, v4  }
0x128: {  	[tilespmem:s25+$0x1410] =	vst v4  }
0x129: {  	v4 =	vld.idx.msk [tilespmem:v5+s23+$0x0], $0xffff;
	_ =	sdelay $0x2  }
0x12a: {  	s28 =	sadd.s32 $0xFFFFFFFB, s26  }
0x12b: {  	v5 =	vadd.s32 s28, v0  }
0x12c: {  	vm9 =	vlt.s32 v4, $0xA002  }
0x12d: {  	v58 =	vsel vm9, $0x1E000, v2  }
0x12e: {  	s25 =	sadd.s32 $0x10, s25;
	v4 =	vadd.s32 v4, v58  }
0x12f: {  	[tilespmem:s25+$0xFFFFEBF0] =	vst v4  }
0x130: {  	v4 =	vld.idx.msk [tilespmem:v5+s23+$0x0], $0xffff;
	_ =	sdelay $0x3  }
0x131: {  	s29 =	sadd.s32 $0xFFFFFFFC, s26  }
0x132: {  	v5 =	vadd.s32 s29, v0;
	vm10 =	vlt.s32 v4, $0xA002  }
0x133: {  	v59 =	vsel vm10, $0x1E000, v2  }
0x134: {  	v4 =	vadd.s32 v59, v4  }
0x135: {  	v4 =	vadd.s32 $0x28200, v4  }
0x136: {  	[tilespmem:s25+$0xFFFFF2A0] =	vst v4  }
0x137: {  	v4 =	vld.idx.msk [tilespmem:v5+s23+$0x0], $0xffff;
	_ =	sdelay $0x3  }
0x138: {  	s29 =	sadd.s32 $0xFFFFFFFD, s26  }
0x139: {  	v5 =	vadd.s32 s29, v0;
	vm11 =	vlt.s32 v4, $0xA002  }
0x13a: {  	v60 =	vsel vm11, $0x1E000, v2  }
0x13b: {  	v4 =	vadd.s32 v60, v4  }
0x13c: {  	v4 =	vadd.s32 $0x50400, v4  }
0x13d: {  	[tilespmem:s25+$0xFFFFF950] =	vst v4  }
0x13e: {  	v4 =	vld.idx.msk [tilespmem:v5+s23+$0x0], $0xffff;
	_ =	sdelay $0x3  }
0x13f: {  	s29 =	sadd.s32 $0xFFFFFFFE, s26  }
0x140: {  	v5 =	vadd.s32 s29, v0;
	vm12 =	vlt.s32 v4, $0xA002  }
0x141: {  	v61 =	vsel vm12, $0x1E000, v2  }
0x142: {  	v4 =	vadd.s32 v61, v4  }
0x143: {  	v4 =	vadd.s32 $0x78600, v4  }
0x144: {  	[tilespmem:s25+$0x0] =	vst v4  }
0x145: {  	v4 =	vld.idx.msk [tilespmem:v5+s23+$0x0], $0xffff;
	_ =	sdelay $0x3  }
0x146: {  	s29 =	sadd.s32 $0xFFFFFFFF, s26  }
0x147: {  	v5 =	vadd.s32 s29, v0;
	vm13 =	vlt.s32 v4, $0xA002  }
0x148: {  	v62 =	vsel vm13, $0x1E000, v2  }
0x149: {  	v4 =	vadd.s32 v62, v4  }
0x14a: {  	v4 =	vadd.s32 $0xA0800, v4  }
0x14b: {  	[tilespmem:s25+$0x6B0] =	vst v4  }
0x14c: {  	v4 =	vld.idx.msk [tilespmem:v5+s23+$0x0], $0xffff;
	_ =	sdelay $0x4  }
0x14d: {  	v5 =	vadd.s32 s26, v0;
	vm14 =	vlt.s32 v4, $0xA002  }
0x14e: {  	v63 =	vsel vm14, $0x1E000, v2  }
0x14f: {  	v4 =	vadd.s32 v63, v4  }
0x150: {  	v4 =	vadd.s32 $0xC8A00, v4  }
0x151: {  	[tilespmem:s25+$0xD60] =	vst v4  }
0x152: {  	v4 =	vld.idx.msk [tilespmem:v5+s23+$0x0], $0xffff;
	_ =	sdelay $0x4  }
0x153: {  	vm15 =	vlt.s32 v4, $0xA002  }
0x154: {  	v5 =	vsel vm15, $0x1E000, v2  }
0x155: {  	v4 =	vadd.s32 v5, v4  }
0x156: {  	v4 =	vadd.s32 $0xF0C00, v4  }
0x157: {  	[tilespmem:s25+$0x1410] =	vst v4  }
0x158: {  	_ =	swait.ge [sflag:s16], $0xD600  }
0x159: {  	[sflag:s16] =	ssyncset.done $0x0  }
0x15a: {  	[sflag:s16] =	ssyncadd.s32 $0xFFFF2A00  }
0x15b: {  	_ =	swait.ge [sflag:s16], $0xD600  }
0x15c: {  	[sflag:s16] =	ssyncset.done $0x0  }
0x15d: {  	[sflag:s16] =	ssyncadd.s32 $0xFFFF2A00  }
0x15e: {  	_ =	swait.ge [sflag:s16], $0xD600  }
0x15f: {  	[sflag:s16] =	ssyncset.done $0x0  }
0x160: {  	[sflag:s16] =	ssyncadd.s32 $0xFFFF2A00  }
0x161: {  	_ =	swait.ge [sflag:s16], $0xD600  }
0x162: {  	[sflag:s16] =	ssyncset.done $0x0  }
0x163: {  	[sflag:s16] =	ssyncadd.s32 $0xFFFF2A00  }
0x164: {  	_ =	swait.ge [sflag:s16], $0xD600  }
0x165: {  	[sflag:s16] =	ssyncset.done $0x0  }
0x166: {  	[sflag:s16] =	ssyncadd.s32 $0xFFFF2A00  }
0x167: {  	_ =	swait.ge [sflag:s16], $0xD600  }
0x168: {  	[sflag:s16] =	ssyncset.done $0x0  }
0x169: {  	s28 =	simm.s32 $0x0;
	[sflag:s16] =	ssyncadd.s32 $0xFFFF2A00  }
0x16a: {  	[hbm4b:s6+s28] =	stream.linear.scatter [tilespmem:s15], [sflag:$0x2], $0xD600, $0x38;
	[tilespmem:$0x19140] =	vst v63  }
0x16b: {  	_ =	swait.ge [sflag:s24], $0xD600  }
0x16c: {  	[sflag:s24] =	ssyncset.done $0x0  }
0x16d: {  	s29 =	simm.s32 $0x8C70;
	[sflag:s24] =	ssyncadd.s32 $0xFFFF2A00  }
0x16e: {  	[tilespmem:s15], [sflag:$0x1] =	stream.indirect.gather [hbm4b:s3+s13], $0x20, s29, s13, $0xb8;
	[tilespmem:$0x19140] =	vst v63  }
0x16f: {  	_ =	swait.ge [sflag:s16], $0xD600  }
0x170: {  	[sflag:s16] =	ssyncset.done $0x0  }
0x171: {  	s26 =	simm.s32 $0x9320;
	[sflag:s16] =	ssyncadd.s32 $0xFFFF2A00  }
0x172: {  	[tilespmem:s15], [sflag:$0x1] =	stream.indirect.gather.add.f32 [hbm:s3], $0x20, s26, s13, $0xb8;
	[tilespmem:$0x19140] =	vst v63  }
0x173: {  	s28 =	simm.s32 $0x99D0  }
0x174: {  	[tilespmem:s15], [sflag:$0x1] =	stream.indirect.gather.add.f32 [hbm:s3], $0x20, s28, s13, $0xb8;
	[tilespmem:$0x19140] =	vst v63  }
0x175: {  	s29 =	simm.s32 $0xA080  }
0x176: {  	[tilespmem:s15], [sflag:$0x1] =	stream.indirect.gather.add.f32 [hbm:s3], $0x20, s29, s13, $0xb8;
	[tilespmem:$0x19140] =	vst v63  }
0x177: {  	_ = 	snop  }
0x178: {  	[tilespmem:s15], [sflag:$0x1] =	stream.indirect.gather.add.f32 [hbm:s3], $0x20, s30, s13, $0xb8;
	[tilespmem:$0x19140] =	vst v63  }
.Ltmp2:
0x179: {  	_ = 	snop;
	(pc) =	sbr.rel @p0 .LBB2_9-.Ltmp2, $4  }
0x17a: {  	_ = 	snop  }
0x17b: {  	[tilespmem:s15], [sflag:$0x1] =	stream.indirect.gather.add.f32 [hbm:s3], $0x20, s31, s13, $0xb8;
	[tilespmem:$0x19140] =	vst v63  }
0x17c: {  	_ = 	snop  }
0x17d: {  	[tilespmem:s15], [sflag:$0x1] =	stream.indirect.gather.add.f32 [hbm:s3], $0x20, s1, s13, $0xb8;
	[tilespmem:$0x19140] =	vst v63  }
0x17e: {  	s25 =	simm.s32 $0x40;
	s26 =	simm.s32 $0x0  }
.LBB2_7:
0x17f: {  	p1 =	sne.s32 s25, $0xBB00;
	[tilespmem:s26+$0x0] =	vst v3;
	s26 =	smov.u32 s25;
	s25 =	sadd.s32 $0x40, s25  }
.Ltmp3:
0x180: {  	(pc) =	sbr.rel @p1 .LBB2_7-.Ltmp3, $2  }
0x181: {  	_ =	sdelay $0x2  }
0x182: {  	s26 =	sshra.s32 s26, $0x2  }
.Ltmp4:
0x183: {  	[tilespmem:s26+$0x0] =	vst v3;
	(pc) =	sbr.rel .LBB2_10-.Ltmp4, $4  }
0x184: {  	[tilespmem:s2], [sflag:$0x3] =	stream.linear.gather [hbm4b:s8+s2], $0x20DE, $0x38;
	[tilespmem:$0x19140] =	vst v63  }
0x185: {  	_ =	swait.ge [sflag:s12], $0x20DE  }
0x186: {  	[sflag:s12] =	ssyncset.done $0x0  }
0x187: {  	[sflag:s12] =	ssyncadd.s32 $0xFFFFDF22  }
.LBB2_9:
0x188: {  	[tilespmem:s2], [sflag:$0x3] =	stream.linear.gather [hbm4b:s7+s2], $0x2ED0, $0x38;
	[tilespmem:$0x19140] =	vst v63  }
0x189: {  	_ =	swait.ge [sflag:s12], $0x2ED0  }
0x18a: {  	[sflag:s12] =	ssyncset.done $0x0  }
0x18b: {  	[sflag:s12] =	ssyncadd.s32 $0xFFFFD130  }
.LBB2_10:
0x18c: {  	s25 =	simm.s32 $0x0  }
0x18d: {  	v4 =	vadd.s32 s25, v0  }
0x18e: {  	v4 =	vand.u32 $0x7FF8, v4  }
0x18f: {  	v4 =	vor.u32 v1, v4;
	_ =	sdelay $0x4  }
0x190: {  	v4 =	vld.idx.msk [tilespmem:v4+s2+$0x0], $0xffff;
	_ =	sdelay $0x2  }
0x191: {  	s26 =	simm.s32 $0x1  }
0x192: {  	v5 =	vadd.s32 s26, v0  }
0x193: {  	vm0 =	vlt.s32 v4, $0xA002  }
0x194: {  	v6 =	vsel vm0, $0x1E000, v2  }
0x195: {  	s25 =	simm.s32 $0x71B0;
	v4 =	vadd.s32 v4, v6  }
0x196: {  	[tilespmem:s25+$0xFFFFEBF0] =	vst v4  }
0x197: {  	v4 =	vld.idx.msk [tilespmem:v5+s2+$0x0], $0xffff;
	_ =	sdelay $0x3  }
0x198: {  	s26 =	simm.s32 $0x2  }
0x199: {  	v5 =	vadd.s32 s26, v0;
	vm11 =	vlt.s32 v4, $0xA002  }
0x19a: {  	v6 =	vsel vm11, $0x1E000, v2  }
0x19b: {  	v4 =	vadd.s32 v6, v4  }
0x19c: {  	v4 =	vadd.s32 $0x28200, v4  }
0x19d: {  	[tilespmem:s25+$0xFFFFF2A0] =	vst v4  }
0x19e: {  	v4 =	vld.idx.msk [tilespmem:v5+s2+$0x0], $0xffff;
	_ =	sdelay $0x3  }
0x19f: {  	s26 =	simm.s32 $0x3  }
0x1a0: {  	v5 =	vadd.s32 s26, v0;
	vm12 =	vlt.s32 v4, $0xA002  }
0x1a1: {  	v6 =	vsel vm12, $0x1E000, v2  }
0x1a2: {  	v4 =	vadd.s32 v6, v4  }
0x1a3: {  	v4 =	vadd.s32 $0x50400, v4  }
0x1a4: {  	[tilespmem:s25+$0xFFFFF950] =	vst v4  }
0x1a5: {  	v4 =	vld.idx.msk [tilespmem:v5+s2+$0x0], $0xffff;
	_ =	sdelay $0x3  }
0x1a6: {  	s26 =	simm.s32 $0x4  }
0x1a7: {  	v5 =	vadd.s32 s26, v0;
	vm13 =	vlt.s32 v4, $0xA002  }
0x1a8: {  	v6 =	vsel vm13, $0x1E000, v2  }
0x1a9: {  	v4 =	vadd.s32 v6, v4  }
0x1aa: {  	v4 =	vadd.s32 $0x78600, v4  }
0x1ab: {  	[tilespmem:s25+$0x0] =	vst v4  }
0x1ac: {  	v4 =	vld.idx.msk [tilespmem:v5+s2+$0x0], $0xffff;
	_ =	sdelay $0x3  }
0x1ad: {  	s26 =	simm.s32 $0x5  }
0x1ae: {  	v5 =	vadd.s32 s26, v0;
	vm14 =	vlt.s32 v4, $0xA002  }
0x1af: {  	v6 =	vsel vm14, $0x1E000, v2  }
0x1b0: {  	v4 =	vadd.s32 v6, v4  }
0x1b1: {  	v4 =	vadd.s32 $0xA0800, v4  }
0x1b2: {  	[tilespmem:s25+$0x6B0] =	vst v4  }
0x1b3: {  	v4 =	vld.idx.msk [tilespmem:v5+s2+$0x0], $0xffff;
	_ =	sdelay $0x3  }
0x1b4: {  	s26 =	simm.s32 $0x6  }
0x1b5: {  	v5 =	vadd.s32 s26, v0;
	vm15 =	vlt.s32 v4, $0xA002  }
0x1b6: {  	v6 =	vsel vm15, $0x1E000, v2  }
0x1b7: {  	v4 =	vadd.s32 v6, v4  }
0x1b8: {  	v4 =	vadd.s32 $0xC8A00, v4  }
0x1b9: {  	[tilespmem:s25+$0xD60] =	vst v4  }
0x1ba: {  	v4 =	vld.idx.msk [tilespmem:v5+s2+$0x0], $0xffff;
	_ =	sdelay $0x1  }
0x1bb: {  	s29 =	simm.s32 $0x70;
	s28 =	simm.s32 $0xE6;
	s26 =	simm.s32 $0x76  }
.LBB2_11:
0x1bc: {  	p1 =	sne.s32 s28, $0x2E66;
	v5 =	vadd.s32 s29, v0  }
0x1bd: {  	v5 =	vand.u32 $0x7FF8, v5  }
0x1be: {  	vm0 =	vlt.s32 v4, $0xA002;
	v5 =	vor.u32 v1, v5  }
0x1bf: {  	v6 =	vsel vm0, $0x1E000, v2  }
0x1c0: {  	v4 =	vadd.s32 v6, v4  }
0x1c1: {  	v4 =	vadd.s32 $0xF0C00, v4  }
0x1c2: {  	[tilespmem:s25+$0x1410] =	vst v4  }
0x1c3: {  	v4 =	vld.idx.msk [tilespmem:v5+s2+$0x0], $0xffff;
	_ =	sdelay $0x3  }
0x1c4: {  	s29 =	sadd.s32 $0xFFFFFFFB, s26  }
0x1c5: {  	v5 =	vadd.s32 s29, v0  }
0x1c6: {  	vm0 =	vlt.s32 v4, $0xA002  }
0x1c7: {  	v6 =	vsel vm0, $0x1E000, v2  }
0x1c8: {  	s25 =	sadd.s32 $0x10, s25;
	v4 =	vadd.s32 v4, v6  }
0x1c9: {  	[tilespmem:s25+$0xFFFFEBF0] =	vst v4  }
0x1ca: {  	v4 =	vld.idx.msk [tilespmem:v5+s2+$0x0], $0xffff;
	_ =	sdelay $0x4  }
0x1cb: {  	s29 =	sadd.s32 $0xFFFFFFFC, s26  }
0x1cc: {  	v5 =	vadd.s32 s29, v0;
	vm0 =	vlt.s32 v4, $0xA002  }
0x1cd: {  	v6 =	vsel vm0, $0x1E000, v2  }
0x1ce: {  	v4 =	vadd.s32 v6, v4  }
0x1cf: {  	v4 =	vadd.s32 $0x28200, v4  }
0x1d0: {  	[tilespmem:s25+$0xFFFFF2A0] =	vst v4  }
0x1d1: {  	v4 =	vld.idx.msk [tilespmem:v5+s2+$0x0], $0xffff;
	_ =	sdelay $0x4  }
0x1d2: {  	s29 =	sadd.s32 $0xFFFFFFFD, s26  }
0x1d3: {  	v5 =	vadd.s32 s29, v0;
	vm0 =	vlt.s32 v4, $0xA002  }
0x1d4: {  	v6 =	vsel vm0, $0x1E000, v2  }
0x1d5: {  	v4 =	vadd.s32 v6, v4  }
0x1d6: {  	v4 =	vadd.s32 $0x50400, v4  }
0x1d7: {  	[tilespmem:s25+$0xFFFFF950] =	vst v4  }
0x1d8: {  	v4 =	vld.idx.msk [tilespmem:v5+s2+$0x0], $0xffff;
	_ =	sdelay $0x4  }
0x1d9: {  	s29 =	sadd.s32 $0xFFFFFFFE, s26  }
0x1da: {  	v5 =	vadd.s32 s29, v0;
	vm0 =	vlt.s32 v4, $0xA002  }
0x1db: {  	v6 =	vsel vm0, $0x1E000, v2  }
0x1dc: {  	v4 =	vadd.s32 v6, v4  }
0x1dd: {  	v4 =	vadd.s32 $0x78600, v4  }
0x1de: {  	[tilespmem:s25+$0x0] =	vst v4  }
0x1df: {  	v4 =	vld.idx.msk [tilespmem:v5+s2+$0x0], $0xffff;
	_ =	sdelay $0x4  }
0x1e0: {  	s29 =	sadd.s32 $0xFFFFFFFF, s26  }
0x1e1: {  	v5 =	vadd.s32 s29, v0;
	vm0 =	vlt.s32 v4, $0xA002  }
0x1e2: {  	v6 =	vsel vm0, $0x1E000, v2  }
0x1e3: {  	v4 =	vadd.s32 v6, v4  }
0x1e4: {  	v4 =	vadd.s32 $0xA0800, v4  }
0x1e5: {  	[tilespmem:s25+$0x6B0] =	vst v4  }
0x1e6: {  	v4 =	vld.idx.msk [tilespmem:v5+s2+$0x0], $0xffff;
	_ =	sdelay $0x5  }
0x1e7: {  	v5 =	vadd.s32 s26, v0;
	s26 =	smov.u32 s28;
	vm0 =	vlt.s32 v4, $0xA002  }
0x1e8: {  	v6 =	vsel vm0, $0x1E000, v2  }
0x1e9: {  	v4 =	vadd.s32 v6, v4  }
0x1ea: {  	v4 =	vadd.s32 $0xC8A00, v4  }
.Ltmp5:
0x1eb: {  	[tilespmem:s25+$0xD60] =	vst v4;
	(pc) =	sbr.rel @p1 .LBB2_11-.Ltmp5, $2  }
0x1ec: {  	v4 =	vld.idx.msk [tilespmem:v5+s2+$0x0], $0xffff;
	_ =	sdelay $0x2  }
0x1ed: {  	s28 =	sadd.s32 $0x70, s28;
	s29 =	sadd.s32 $0xFFFFFFFA, s26  }
0x1ee: {  	v5 =	vadd.s32 s29, v0  }
0x1ef: {  	v5 =	vand.u32 $0x7FF8, v5  }
0x1f0: {  	vm0 =	vlt.s32 v4, $0xA002;
	v5 =	vor.u32 v1, v5  }
0x1f1: {  	v6 =	vsel vm0, $0x1E000, v2  }
0x1f2: {  	v4 =	vadd.s32 v6, v4  }
0x1f3: {  	v4 =	vadd.s32 $0xF0C00, v4  }
0x1f4: {  	[tilespmem:s25+$0x1410] =	vst v4  }
0x1f5: {  	v4 =	vld.idx.msk [tilespmem:v5+s2+$0x0], $0xffff;
	_ =	sdelay $0x2  }
0x1f6: {  	s28 =	sadd.s32 $0xFFFFFFFB, s26  }
0x1f7: {  	v5 =	vadd.s32 s28, v0  }
0x1f8: {  	vm9 =	vlt.s32 v4, $0xA002  }
0x1f9: {  	v58 =	vsel vm9, $0x1E000, v2  }
0x1fa: {  	s25 =	sadd.s32 $0x10, s25;
	v4 =	vadd.s32 v4, v58  }
0x1fb: {  	[tilespmem:s25+$0xFFFFEBF0] =	vst v4  }
0x1fc: {  	v4 =	vld.idx.msk [tilespmem:v5+s2+$0x0], $0xffff;
	_ =	sdelay $0x3  }
0x1fd: {  	s29 =	sadd.s32 $0xFFFFFFFC, s26  }
0x1fe: {  	v5 =	vadd.s32 s29, v0;
	vm10 =	vlt.s32 v4, $0xA002  }
0x1ff: {  	v59 =	vsel vm10, $0x1E000, v2  }
0x200: {  	v4 =	vadd.s32 v59, v4  }
0x201: {  	v4 =	vadd.s32 $0x28200, v4  }
0x202: {  	[tilespmem:s25+$0xFFFFF2A0] =	vst v4  }
0x203: {  	v4 =	vld.idx.msk [tilespmem:v5+s2+$0x0], $0xffff;
	_ =	sdelay $0x3  }
0x204: {  	s29 =	sadd.s32 $0xFFFFFFFD, s26  }
0x205: {  	v5 =	vadd.s32 s29, v0;
	vm11 =	vlt.s32 v4, $0xA002  }
0x206: {  	v60 =	vsel vm11, $0x1E000, v2  }
0x207: {  	v4 =	vadd.s32 v60, v4  }
0x208: {  	v4 =	vadd.s32 $0x50400, v4  }
0x209: {  	[tilespmem:s25+$0xFFFFF950] =	vst v4  }
0x20a: {  	v4 =	vld.idx.msk [tilespmem:v5+s2+$0x0], $0xffff;
	_ =	sdelay $0x3  }
0x20b: {  	s29 =	sadd.s32 $0xFFFFFFFE, s26  }
0x20c: {  	v5 =	vadd.s32 s29, v0;
	vm12 =	vlt.s32 v4, $0xA002  }
0x20d: {  	v61 =	vsel vm12, $0x1E000, v2  }
0x20e: {  	v4 =	vadd.s32 v61, v4  }
0x20f: {  	v4 =	vadd.s32 $0x78600, v4  }
0x210: {  	[tilespmem:s25+$0x0] =	vst v4  }
0x211: {  	v4 =	vld.idx.msk [tilespmem:v5+s2+$0x0], $0xffff;
	_ =	sdelay $0x3  }
0x212: {  	s29 =	sadd.s32 $0xFFFFFFFF, s26  }
0x213: {  	v5 =	vadd.s32 s29, v0;
	vm13 =	vlt.s32 v4, $0xA002  }
0x214: {  	v62 =	vsel vm13, $0x1E000, v2  }
0x215: {  	v4 =	vadd.s32 v62, v4  }
0x216: {  	v4 =	vadd.s32 $0xA0800, v4  }
0x217: {  	[tilespmem:s25+$0x6B0] =	vst v4  }
0x218: {  	v4 =	vld.idx.msk [tilespmem:v5+s2+$0x0], $0xffff;
	_ =	sdelay $0x4  }
0x219: {  	v5 =	vadd.s32 s26, v0;
	vm14 =	vlt.s32 v4, $0xA002  }
0x21a: {  	v63 =	vsel vm14, $0x1E000, v2  }
0x21b: {  	v4 =	vadd.s32 v63, v4  }
0x21c: {  	v4 =	vadd.s32 $0xC8A00, v4  }
0x21d: {  	[tilespmem:s25+$0xD60] =	vst v4  }
0x21e: {  	v4 =	vld.idx.msk [tilespmem:v5+s2+$0x0], $0xffff;
	_ =	sdelay $0x4  }
0x21f: {  	vm15 =	vlt.s32 v4, $0xA002  }
0x220: {  	v5 =	vsel vm15, $0x1E000, v2  }
0x221: {  	v4 =	vadd.s32 v5, v4  }
0x222: {  	v4 =	vadd.s32 $0xF0C00, v4  }
0x223: {  	[tilespmem:s25+$0x1410] =	vst v4  }
0x224: {  	_ =	swait.ge [sflag:s16], $0xD600  }
0x225: {  	[sflag:s16] =	ssyncset.done $0x0  }
0x226: {  	[sflag:s16] =	ssyncadd.s32 $0xFFFF2A00  }
0x227: {  	_ =	swait.ge [sflag:s16], $0xD600  }
0x228: {  	[sflag:s16] =	ssyncset.done $0x0  }
0x229: {  	[sflag:s16] =	ssyncadd.s32 $0xFFFF2A00  }
0x22a: {  	_ =	swait.ge [sflag:s16], $0xD600  }
0x22b: {  	[sflag:s16] =	ssyncset.done $0x0  }
0x22c: {  	[sflag:s16] =	ssyncadd.s32 $0xFFFF2A00  }
0x22d: {  	_ =	swait.ge [sflag:s16], $0xD600  }
0x22e: {  	[sflag:s16] =	ssyncset.done $0x0  }
0x22f: {  	[sflag:s16] =	ssyncadd.s32 $0xFFFF2A00  }
0x230: {  	_ =	swait.ge [sflag:s16], $0xD600  }
0x231: {  	[sflag:s16] =	ssyncset.done $0x0  }
0x232: {  	[sflag:s16] =	ssyncadd.s32 $0xFFFF2A00  }
0x233: {  	_ =	swait.ge [sflag:s16], $0xD600  }
0x234: {  	[sflag:s16] =	ssyncset.done $0x0  }
0x235: {  	[sflag:s16] =	ssyncadd.s32 $0xFFFF2A00  }
0x236: {  	[hbm4b:s9+s2] =	stream.linear.scatter [tilespmem:s15], [sflag:$0x2], $0xD600, $0x38;
	[tilespmem:$0x19140] =	vst v63  }
0x237: {  	_ =	swait.ge [sflag:s24], $0xD600  }
0x238: {  	[sflag:s24] =	ssyncset.done $0x0  }
0x239: {  	[sflag:s24] =	ssyncadd.s32 $0xFFFF2A00  }
0x23a: {  	[tilespmem:s15], [sflag:$0x1] =	stream.indirect.gather [hbm4b:s3+s13], $0x20, s14, s13, $0xb8;
	[tilespmem:$0x19140] =	vst v63  }
0x23b: {  	_ =	swait.ge [sflag:s16], $0xD600  }
0x23c: {  	[sflag:s16] =	ssyncset.done $0x0  }
0x23d: {  	[sflag:s16] =	ssyncadd.s32 $0xFFFF2A00  }
0x23e: {  	[tilespmem:s15], [sflag:$0x1] =	stream.indirect.gather.add.f32 [hbm:s3], $0x20, s17, s13, $0xb8;
	[tilespmem:$0x19140] =	vst v63  }
0x23f: {  	_ = 	snop  }
0x240: {  	[tilespmem:s15], [sflag:$0x1] =	stream.indirect.gather.add.f32 [hbm:s3], $0x20, s18, s13, $0xb8;
	[tilespmem:$0x19140] =	vst v63  }
0x241: {  	_ = 	snop  }
0x242: {  	[tilespmem:s15], [sflag:$0x1] =	stream.indirect.gather.add.f32 [hbm:s3], $0x20, s19, s13, $0xb8;
	[tilespmem:$0x19140] =	vst v63  }
0x243: {  	_ = 	snop  }
0x244: {  	[tilespmem:s15], [sflag:$0x1] =	stream.indirect.gather.add.f32 [hbm:s3], $0x20, s20, s13, $0xb8;
	[tilespmem:$0x19140] =	vst v63  }
0x245: {  	_ = 	snop  }
0x246: {  	[tilespmem:s15], [sflag:$0x1] =	stream.indirect.gather.add.f32 [hbm:s3], $0x20, s21, s13, $0xb8;
	[tilespmem:$0x19140] =	vst v63  }
0x247: {  	_ = 	snop  }
0x248: {  	[tilespmem:s15], [sflag:$0x1] =	stream.indirect.gather.add.f32 [hbm:s3], $0x20, s22, s13, $0xb8;
	[tilespmem:$0x19140] =	vst v63  }
0x249: {  	_ =	swait.ge [sflag:s16], $0xD600  }
0x24a: {  	[sflag:s16] =	ssyncset.done $0x0  }
0x24b: {  	[sflag:s16] =	ssyncadd.s32 $0xFFFF2A00  }
0x24c: {  	_ =	swait.ge [sflag:s16], $0xD600  }
0x24d: {  	[sflag:s16] =	ssyncset.done $0x0  }
0x24e: {  	[sflag:s16] =	ssyncadd.s32 $0xFFFF2A00  }
0x24f: {  	_ =	swait.ge [sflag:s16], $0xD600  }
0x250: {  	[sflag:s16] =	ssyncset.done $0x0  }
0x251: {  	[sflag:s16] =	ssyncadd.s32 $0xFFFF2A00  }
0x252: {  	_ =	swait.ge [sflag:s16], $0xD600  }
0x253: {  	[sflag:s16] =	ssyncset.done $0x0  }
0x254: {  	[sflag:s16] =	ssyncadd.s32 $0xFFFF2A00  }
0x255: {  	_ =	swait.ge [sflag:s16], $0xD600  }
0x256: {  	[sflag:s16] =	ssyncset.done $0x0  }
0x257: {  	[sflag:s16] =	ssyncadd.s32 $0xFFFF2A00  }
0x258: {  	s0 =	sadd.s32 $0x1, s0;
	_ =	swait.ge [sflag:s16], $0xD600  }
0x259: {  	p1 =	sne.s32 s0, s11;
	[sflag:s16] =	ssyncset.done $0x0  }
.Ltmp6:
0x25a: {  	[sflag:s16] =	ssyncadd.s32 $0xFFFF2A00;
	(pc) =	sbr.rel @p1 .LBB2_1-.Ltmp6, $4  }
0x25b: {  	[hbm4b:s10+s2] =	stream.linear.scatter [tilespmem:s15], [sflag:$0x3], $0xD600, $0x38;
	[tilespmem:$0x19140] =	vst v63  }
0x25c: {  	_ =	swait.ge [sflag:s12], $0xD600  }
0x25d: {  	[sflag:s12] =	ssyncset.done $0x0  }
0x25e: {  	[sflag:s12] =	ssyncadd.s32 $0xFFFF2A00  }
0x25f: {  	_ =	sfence.sel $0x180000  }
0x260: {  	[bflag:$0x0] =	sbarrier.arrive $0xFFFF  }
0x261: {  	_ =	strace $0x9000004A  }
0x262: {  	s0 =	stileid.u32;
	[bflag:$0x2] =	sbarrier.arrive $0xFFFF  }
0x263: {  	p0 =	sne.s32 s0, $0x0;
	s0 =	rddreg [dreg:$0x2]  }
0x264: {  	s0 =	sadd.s32 @!p0 $0x100000, s0  }
0x265: {  	[sflag:s0] =	ssyncadd.tile.s32 @!p0 $0x1;
	_ =	shalt  }
.Lfunc_end2:
_tile_overlayer_lowered:
.L_overlay_start_2:
0x266: {  	(tag) =	ssettag $0x2  }
0x267: {  	s0 =	rddreg [dreg:$0x0];
	s2 =	stileid.u32  }
0x268: {  	s1 =	rddreg [dreg:$0x1];
	p0 =	sne.s32 s2, $0x0  }
0x269: {  	s3 =	rddreg [dreg:$0x2];
	[bflag:$0x3] =	sbarrier.arrive $0xFFFF;
	s2 =	simm.s32 @!p0 $0x1C03  }
0x26a: {  	[timem:s3], [sflag:s2] =	dma.local @!p0 [hbm:s0], s1  }
0x26b: {  	s0 =	simm.s32 @!p0 $0x3  }
0x26c: {  	_ =	swait.ge @!p0 [sflag:s0], s1  }
0x26d: {  	s1 =	ssub.s32 @!p0 $0x0, s1;
	[sflag:s0] =	ssyncset.done @!p0 $0x0  }
0x26e: {  	[sflag:s0] =	ssyncadd.s32 @!p0 s1  }
0x26f: {  	[bflag:$0x3] =	sbarrier.arrive $0xFFFF  }
0x270: {  	_ =	shalt  }

// kernel: kernel.8.cloned.1.call-start
scs
__scs_entry_jumppad:
0x0: {  	(pc) =	sbr.rel $0x88, $3  }
0x1: {  	(tag) =	ssettag $0x0;
	lr =	simm.s32 $0x1  }
0x2: {  	[smem:$0x3F95] =	sst lr;
	_ =	strace $0xD0000000  }
0x3: {  	_ = 	snop  }
0x4: {  	_ = 	snop  }
0x5: {  	_ = 	snop  }
0x6: {  	_ = 	snop  }
0x7: {  	_ = 	snop  }
__scs_overlays_trampoline_lowered:
0x8: {  	[smem:$0x3FA4] =	sst s0  }
0x9: {  	[smem:$0x3FA5] =	sst s1  }
0xa: {  	[smem:$0x3FA6] =	sst s2  }
0xb: {  	[smem:$0x3FA7] =	sst s3  }
0xc: {  	[smem:$0x3FA8] =	sst s4  }
0xd: {  	[smem:$0x3FA9] =	sst s5  }
0xe: {  	[smem:$0x3FAA] =	sst s6  }
0xf: {  	[smem:$0x3FAB] =	sst s7  }
0x10: {  	[smem:$0x3FAC] =	sst s8  }
0x11: {  	[smem:$0x3FAD] =	sst s9;
	s0 =	simm.s32 @!p0 $0x0  }
0x12: {  	s1 =	sld [smem:$0x3F93];
	s0 =	simm.s32 @p0 $0x1  }
0x13: {  	[smem:$0x3FAE] =	sst s0;
	s0 =	simm.s32 @!p1 $0x0  }
0x14: {  	s2 =	sld [smem:$0x3F92];
	s0 =	simm.s32 @p1 $0x1  }
0x15: {  	[smem:$0x3FAF] =	sst s0;
	s0 =	simm.s32 @!p2 $0x0  }
0x16: {  	s3 =	sld [smem:$0x3FDB];
	s0 =	simm.s32 @p2 $0x1  }
0x17: {  	s4 =	simm.s32 $0x1BF5;
	[smem:$0x3FB1] =	sst s0  }
0x18: {  	s0 =	sld [smem:$0x3F94];
	_ =	swait.ge [sflag:s4], $0x0  }
0x19: {  	s7 =	sld [smem:$0x3F95]  }
0x1a: {  	s8 =	sadd.s32 $0xFFFFE003, lr  }
0x1b: {  	s9 =	sadd.s32 $0xFFFFFEF7, lr;
	s5 =	simm.s32 $0xFFFFFFFF;
	p2 =	slt.u32 s8, $0xFFFFF086  }
0x1c: {  	p1 =	slt.u32 s9, $0xF7A;
	s5 =	simm.s32 @!p2 $0x0  }
0x1d: {  	s5 =	simm.s32 @p1 $0x1;
	p0 =	seq.s32 s7, s2  }
0x1e: {  	s7 =	smul.u32 @!p0 $0xF7A, s2;
	p2 =	seq.s32 @!p0 s5, $0x0  }
0x1f: {  	s9 =	smul.u32 $0xF7A, s1;
	s8 =	simm.s32 @!p0 $0x1BF5;
	p2 =	por !p2, p0  }
0x20: {  	[sflag:s8] =	ssyncset.s32 @!p0 $0xFFFFF086;
	s6 =	sadd.s32 @!p0 s3, s7;
	s7 =	simm.s32 @!p0 $0x108  }
0x21: {  	s3 =	sadd.s32 s3, s9;
	s6 =	sadd.s32 @!p0 $0x88, s6;
	s7 =	simm.s32 @p2 $0x1082  }
0x22: {  	[simem:s7], [sflag:s8] =	dma.local @!p0 [hbm:s6], $0xF7A  }
0x23: {  	s9 =	sor.u32 $0xD0000000, s2;
	s6 =	simm.s32 $0x108;
	_ =	swait.ge @!p0 [sflag:s8], $0x0  }
0x24: {  	s3 =	sadd.s32 $0x88, s3;
	s6 =	simm.s32 @!p1 $0x1082;
	[sflag:s4] =	ssyncset.s32 $0xFFFFF086  }
0x25: {  	[simem:s6], [sflag:s4] =	dma.local [hbm:s3], $0xF7A  }
0x26: {  	[smem:$0x3F95] =	sst s1;
	(tag) =	ssettag s2;
	_ =	strace s9  }
0x27: {  	s1 =	sld [smem:$0x3FA5]  }
0x28: {  	s2 =	sld [smem:$0x3FA6]  }
0x29: {  	s4 =	sld [smem:$0x3FA8]  }
0x2a: {  	p0 =	seq.s32 s5, $0x0;
	s5 =	sld [smem:$0x3FA9]  }
0x2b: {  	s6 =	sld [smem:$0x3FAA]  }
0x2c: {  	s7 =	sld [smem:$0x3FAB]  }
0x2d: {  	s3 =	simm.s32 $0x108;
	s8 =	sld [smem:$0x3FAC]  }
0x2e: {  	s3 =	simm.s32 @!p0 $0x1082;
	s9 =	sld [smem:$0x3FAD]  }
0x2f: {  	lr =	sadd.s32 s0, s3;
	s0 =	sld [smem:$0x3FA4]  }
0x30: {  	s3 =	sld [smem:$0x3FA7]  }
0x31: {  	[smem:$0x3FB0] =	sst s10  }
0x32: {  	s10 =	sld [smem:$0x3FAE];
	_ =	sdelay $0x3  }
0x33: {  	p0 =	seq.s32 s10, $0x1;
	s10 =	sld [smem:$0x3FB0];
	_ =	sdelay $0x3  }
0x34: {  	[smem:$0x3FB0] =	sst s10  }
0x35: {  	s10 =	sld [smem:$0x3FAF];
	_ =	sdelay $0x3  }
0x36: {  	p1 =	seq.s32 s10, $0x1;
	s10 =	sld [smem:$0x3FB0];
	_ =	sdelay $0x3  }
0x37: {  	[smem:$0x3FB0] =	sst s10  }
0x38: {  	s10 =	sld [smem:$0x3FB1]  }
0x39: {  	_ = 	snop;
	(pc) =	sbr.ind lr, $3  }
0x3a: {  	_ = 	snop  }
0x3b: {  	_ = 	snop  }
0x3c: {  	p2 =	seq.s32 s10, $0x1;
	s10 =	sld [smem:$0x3FB0]  }
0x3d: {  	_ =	shalt  }
0x3e: {  	_ =	shalt  }
0x3f: {  	_ =	shalt  }
0x40: {  	_ =	shalt  }
0x41: {  	_ =	shalt  }
0x42: {  	_ =	shalt  }
0x43: {  	_ =	shalt  }
0x44: {  	_ =	shalt  }
0x45: {  	_ =	shalt  }
0x46: {  	_ =	shalt  }
0x47: {  	_ =	shalt  }
0x48: {  	_ =	shalt  }
0x49: {  	_ =	shalt  }
0x4a: {  	_ =	shalt  }
0x4b: {  	_ =	shalt  }
0x4c: {  	_ =	shalt  }
0x4d: {  	_ =	shalt  }
0x4e: {  	_ =	shalt  }
0x4f: {  	_ =	shalt  }
0x50: {  	_ =	shalt  }
0x51: {  	_ =	shalt  }
0x52: {  	_ =	shalt  }
0x53: {  	_ =	shalt  }
0x54: {  	_ =	shalt  }
0x55: {  	_ =	shalt  }
0x56: {  	_ =	shalt  }
0x57: {  	_ =	shalt  }
0x58: {  	_ =	shalt  }
0x59: {  	_ =	shalt  }
0x5a: {  	_ =	shalt  }
0x5b: {  	_ =	shalt  }
0x5c: {  	_ =	shalt  }
0x5d: {  	_ =	shalt  }
0x5e: {  	_ =	shalt  }
0x5f: {  	_ =	shalt  }
0x60: {  	_ =	shalt  }
0x61: {  	_ =	shalt  }
0x62: {  	_ =	shalt  }
0x63: {  	_ =	shalt  }
0x64: {  	_ =	shalt  }
0x65: {  	_ =	shalt  }
0x66: {  	_ =	shalt  }
0x67: {  	_ =	shalt  }
0x68: {  	_ =	shalt  }
0x69: {  	_ =	shalt  }
0x6a: {  	_ =	shalt  }
0x6b: {  	_ =	shalt  }
0x6c: {  	_ =	shalt  }
0x6d: {  	_ =	shalt  }
0x6e: {  	_ =	shalt  }
0x6f: {  	_ =	shalt  }
0x70: {  	_ =	shalt  }
0x71: {  	_ =	shalt  }
0x72: {  	_ =	shalt  }
0x73: {  	_ =	shalt  }
0x74: {  	_ =	shalt  }
0x75: {  	_ =	shalt  }
0x76: {  	_ =	shalt  }
0x77: {  	_ =	shalt  }
0x78: {  	_ =	shalt  }
0x79: {  	_ =	shalt  }
0x7a: {  	_ =	shalt  }
0x7b: {  	_ =	shalt  }
0x7c: {  	_ =	shalt  }
0x7d: {  	_ =	shalt  }
0x7e: {  	_ =	shalt  }
0x7f: {  	_ =	shalt  }
0x80: {  	_ =	shalt  }
0x81: {  	_ =	shalt  }
0x82: {  	_ =	shalt  }
0x83: {  	_ =	shalt  }
0x84: {  	_ =	shalt  }
0x85: {  	_ =	shalt  }
0x86: {  	_ =	shalt  }
0x87: {  	_ =	shalt  }
.Lfunc_end0:
.L_simem_size_0:
called_computation_lowered:
.L_overlay_start_0:
0x88: {  	s2 =	sld [smem:$0x3FD9]  }
0x89: {  	s3 =	sld [smem:$0x3FFE];
	_ =	sdelay $0x1  }
0x8a: {  	s1 =	srdreg.scid  }
0x8b: {  	s0 =	sand.u32 $0x1, s1  }
0x8c: {  	s17 =	sshll.u32 s0, $0xA;
	s2 =	sadd.s32 s3, s2  }
0x8d: {  	s2 =	sadd.s32 s2, s17  }
0x8e: {  	[smem:$0x3FBC] =	sst s2  }
0x8f: {  	_ = 	snop  }
0x90: {  	s2 =	sld [smem:$0x3FC7]  }
0x91: {  	s18 =	sld [smem:$0x3FC6]  }
0x92: {  	s4 =	sld [smem:$0x3FD0];
	(tm) =	ssettm $0x1  }
0x93: {  	s5 =	sld [smem:$0x3FFB];
	_ =	sdelay $0x3  }
0x94: {  	_ =	strace s5  }
0x95: {  	s5 =	sld [smem:$0x3FFC];
	_ =	sdelay $0x3  }
0x96: {  	_ =	strace s5  }
0x97: {  	s5 =	sld [smem:$0x3FFD];
	_ =	sdelay $0x3  }
0x98: {  	_ =	strace s5  }
0x99: {  	_ =	strace $0x8FFFFFFF  }
0x9a: {  	s19 =	sld [smem:$0x3FDB];
	_ =	sdelay $0x1  }
0x9b: {  	s6 =	simm.s32 $_scs_section_size  }
0x9c: {  	s7 =	simm.s32 $_size__tile_overlayer_lowered;
	s8 =	simm.s32 $_tile_overlayer_lowered  }
0x9d: {  	s22 =	simm.s32 $0x1BFF;
	s21 =	sshll.u32 s8, $0x1;
	s5 =	sadd.s32 s6, s19  }
0x9e: {  	s9 =	simm.s32 $0x0;
	s20 =	sshll.u32 s7, $0x1;
	s7 =	sadd.s32 s21, s5  }
0x9f: {  	[timem:s9], [sflag:s22] =	dma.local [hbm:s7], s20  }
0xa0: {  	_ =	swait.ge [sflag:s22], s20  }
0xa1: {  	s6 =	ssub.s32 $0x0, s20;
	[sflag:s22] =	ssyncset.done $0x0  }
0xa2: {  	[sflag:s22] =	ssyncadd.s32 s6;
	_ =	sdelay $0x1  }
0xa3: {  	s23 =	simm.s32 $0x1B8B  }
0xa4: {  	_ =	swait.ge [sflag:s23], $0x1  }
0xa5: {  	[sflag:s23] =	ssyncset.done $0x0  }
0xa6: {  	s25 =	simm.s32 $0x1B8E;
	s24 =	sld [smem:$0x3FFE];
	[sflag:s23] =	ssyncadd.s32 $0xFFFFFFFF  }
0xa7: {  	s26 =	simm.s32 $execute0_lowered;
	[smem:$0x3FD2] =	sst s25  }
0xa8: {  	s7 =	sshll.u32 s26, $0x1;
	_ =	strace $0x80000046;
	[dreg:$0x1] =	wrdreg $0xFFFFFFFF  }
0xa9: {  	s28 =	simm.s32 $_size_execute0_lowered;
	s5 =	sadd.s32 s5, s7;
	[dreg:$0x0] =	wrdreg $0x0  }
0xaa: {  	s7 =	sshll.u32 s28, $0x1;
	[dreg:$0x2] =	wrdreg s5  }
0xab: {  	[dreg:$0x3] =	wrdreg s7  }
0xac: {  	[dreg:$0x4] =	wrdreg $0xC0  }
0xad: {  	_ =	task [dreg:s9], $0x5FFFF  }
0xae: {  	[dreg:$0x1] =	wrdreg $0xFFFFFFFF  }
0xaf: {  	[dreg:$0x0] =	wrdreg $0x60  }
0xb0: {  	[dreg:$0x2] =	wrdreg s24  }
0xb1: {  	[dreg:$0x3] =	wrdreg s2  }
0xb2: {  	[dreg:$0x4] =	wrdreg s18  }
0xb3: {  	[dreg:$0x5] =	wrdreg s4  }
0xb4: {  	[dreg:$0x6] =	wrdreg $0x9  }
0xb5: {  	_ =	task.clear_ibuf [dreg:s9], $0x7FFFF;
	_ =	strace $0x90000046  }
0xb6: {  	s29 =	simm.s32 $0x9;
	_ =	strace $0x80000048  }
0xb7: {  	_ =	swait.ge [sflag:s29], $0x1  }
0xb8: {  	[sflag:s29] =	ssyncadd.s32 $0xFFFFFFFF  }
0xb9: {  	_ =	strace $0x90000048  }
0xba: {  	_ =	sfence  }
0xbb: {  	s30 =	sld [smem:$0x0];
	_ =	sdelay $0x2  }
0xbc: {  	s31 =	sshll.u32 s1, $0xD;
	s1 =	sshrl.u32 s1, $0x2  }
0xbd: {  	s3 =	sand.u32 $0x4000, s31;
	s1 =	sadd.s32 s1, s30  }
0xbe: {  	s0 =	sor.u32 s3, s0;
	s1 =	sshll.u32 s1, $0x11  }
0xbf: {  	s0 =	sor.u32 s1, s0  }
0xc0: {  	s0 =	sadd.s32 $0x8F2B, s0  }
0xc1: {  	[sflag:s0] =	ssyncadd.remote.s32 $0x1  }
0xc2: {  	_ =	sfence.sel $0xFFFF  }
0xc3: {  	[dreg:$0x0] =	wrdreg $0xFFFFFFFF;
	(pc) =	sbr.abs _section_cstart, $3  }
0xc4: {  	[dreg:$0x1] =	wrdreg $0xFFFFFFFF  }
0xc5: {  	_ =	task.clear_ibuf [dreg:s9], $0x2FFFF;
	_ =	strace $0x9FFFFFFF  }
0xc6: {  	(tm) =	ssettm $0x7FFFFFFF  }
0xc7: {  	_ =	shalt  }
tec
execute0_lowered:
.L_overlay_start_1:
0x0: {  	(tag) =	ssettag $0x1  }
0x1: {  	s5 =	rddreg [dreg:$0x0]  }
0x2: {  	s6 =	rddreg [dreg:$0x1]  }
0x3: {  	s15 =	rddreg [dreg:$0x2]  }
0x4: {  	s16 =	rddreg [dreg:$0x3]  }
0x5: {  	s0 =	rddreg [dreg:$0x4];
	s3 =	srdreg.scid  }
0x6: {  	s1 =	stileid.u32;
	s2 =	simm.s32 $0x0;
	s21 =	simm.s32 $0x510  }
0x7: {  	s22 =	simm.s32 $0x8490;
	s7 =	sand.u32 $0x1, s3;
	s28 =	sshll.u32 s1, $0x1  }
0x8: {  	s23 =	simm.s32 $0x89A0;
	s24 =	simm.s32 $0x0;
	s17 =	sor.u32 s7, s28  }
0x9: {  	[smem:$0x7FF] =	sst s2;
	s3 =	sadd.s32 $0x2E00, s5;
	s8 =	smul.u32 $0x1440, s17  }
0xa: {  	s4 =	sadd.s32 $0x11B200, s5;
	s7 =	ssub.s32 $0x2, s7;
	s9 =	smul.u32 $0xA2, s17  }
0xb: {  	_ =	strace $0x80000047;
	s29 =	sshrl.u32 s7, $0x1;
	s14 =	smul.u32 $0x1E00, s17  }
0xc: {  	s11 =	smul.u32 $0x3C00, s17;
	p0 =	sne.s32 s17, $0x1F;
	s17 =	simm.s32 $0x2  }
0xd: {  	s10 =	ssub.s32 s7, s29;
	s8 =	sadd.s32 s8, s5;
	s5 =	sadd.s32 s6, s9  }
0xe: {  	s6 =	sadd.s32 $0x139E, s6;
	s30 =	sshrl.u32 s14, $0x3;
	s12 =	sadd.s32 $0x780, s14  }
0xf: {  	s18 =	sadd.s32 $0xF00, s14;
	s14 =	sadd.s32 $0x1680, s14;
	s7 =	sadd.s32 $0x1A7400, s8  }
0x10: {  	s8 =	smax.u32 s10, $0x1;
	s9 =	sadd.s32 s15, s30;
	s10 =	sadd.s32 s16, s11  }
0x11: {  	s31 =	sshrl.u32 s12, $0x3;
	s12 =	sshll.u32 s12, $0x1;
	s13 =	sshrl.u32 s18, $0x3  }
0x12: {  	s18 =	sshll.u32 s18, $0x1;
	s19 =	sshrl.u32 s14, $0x3;
	s20 =	sshll.u32 s14, $0x1  }
0x13: {  	s11 =	sadd.s32 s15, s31;
	s12 =	sadd.s32 s16, s12;
	s13 =	sadd.s32 s15, s13  }
0x14: {  	s14 =	sadd.s32 s16, s18;
	s15 =	sadd.s32 s15, s19;
	s16 =	sadd.s32 s16, s20  }
0x15: {  	v0 =	vlaneseq.u32;
	s18 =	simm.s32 $0x780;
	s19 =	simm.s32 $0x1;
	s20 =	simm.s32 $0x7F80  }
.LBB2_1:
0x16: {  	[tilespmem:s2], [sflag:$0x2] =	stream.linear.gather [hbm4b:s9+s2], $0x780, $0x38;
	[tilespmem:$0x12BA0] =	vst v63  }
0x17: {  	_ =	swait.ge [sflag:s17], $0x780  }
0x18: {  	[sflag:s17] =	ssyncset.done $0x0  }
0x19: {  	[sflag:s17] =	ssyncadd.s32 $0xFFFFF880  }
0x1a: {  	[tilespmem:s18], [sflag:$0x1] =	stream.indirect.gather [hbm4b:s4+s18], $0x10, s2, s18, $0xb8;
	[tilespmem:$0x12BA0] =	vst v63  }
0x1b: {  	_ =	swait.ge [sflag:s19], $0x7800  }
0x1c: {  	[sflag:s19] =	ssyncset.done $0x0  }
0x1d: {  	[sflag:s19] =	ssyncadd.s32 $0xFFFF8800  }
0x1e: {  	[hbm4b:s10+s2] =	stream.linear.scatter [tilespmem:s18], [sflag:$0x2], $0x7800, $0x38;
	[tilespmem:$0x12BA0] =	vst v63  }
0x1f: {  	_ =	swait.ge [sflag:s17], $0x7800  }
0x20: {  	[sflag:s17] =	ssyncset.done $0x0  }
0x21: {  	[sflag:s17] =	ssyncadd.s32 $0xFFFF8800  }
0x22: {  	[tilespmem:s2], [sflag:$0x2] =	stream.linear.gather [hbm4b:s11+s2], $0x780, $0x38;
	[tilespmem:$0x12BA0] =	vst v63  }
0x23: {  	_ =	swait.ge [sflag:s17], $0x780  }
0x24: {  	[sflag:s17] =	ssyncset.done $0x0  }
0x25: {  	[sflag:s17] =	ssyncadd.s32 $0xFFFFF880  }
0x26: {  	[tilespmem:s18], [sflag:$0x1] =	stream.indirect.gather [hbm4b:s4+s18], $0x10, s2, s18, $0xb8;
	[tilespmem:$0x12BA0] =	vst v63  }
0x27: {  	_ =	swait.ge [sflag:s19], $0x7800  }
0x28: {  	[sflag:s19] =	ssyncset.done $0x0  }
0x29: {  	[sflag:s19] =	ssyncadd.s32 $0xFFFF8800  }
0x2a: {  	[hbm4b:s12+s2] =	stream.linear.scatter [tilespmem:s18], [sflag:$0x2], $0x7800, $0x38;
	[tilespmem:$0x12BA0] =	vst v63  }
0x2b: {  	_ =	swait.ge [sflag:s17], $0x7800  }
0x2c: {  	[sflag:s17] =	ssyncset.done $0x0  }
0x2d: {  	[sflag:s17] =	ssyncadd.s32 $0xFFFF8800  }
0x2e: {  	[tilespmem:s2], [sflag:$0x2] =	stream.linear.gather [hbm4b:s13+s2], $0x780, $0x38;
	[tilespmem:$0x12BA0] =	vst v63  }
0x2f: {  	_ =	swait.ge [sflag:s17], $0x780  }
0x30: {  	[sflag:s17] =	ssyncset.done $0x0  }
0x31: {  	[sflag:s17] =	ssyncadd.s32 $0xFFFFF880  }
0x32: {  	[tilespmem:s18], [sflag:$0x1] =	stream.indirect.gather [hbm4b:s4+s18], $0x10, s2, s18, $0xb8;
	[tilespmem:$0x12BA0] =	vst v63  }
0x33: {  	_ =	swait.ge [sflag:s19], $0x7800  }
0x34: {  	[sflag:s19] =	ssyncset.done $0x0  }
0x35: {  	[sflag:s19] =	ssyncadd.s32 $0xFFFF8800  }
0x36: {  	[hbm4b:s14+s2] =	stream.linear.scatter [tilespmem:s18], [sflag:$0x2], $0x7800, $0x38;
	[tilespmem:$0x12BA0] =	vst v63  }
0x37: {  	_ =	swait.ge [sflag:s17], $0x7800  }
0x38: {  	[sflag:s17] =	ssyncset.done $0x0  }
0x39: {  	[sflag:s17] =	ssyncadd.s32 $0xFFFF8800  }
0x3a: {  	[tilespmem:s2], [sflag:$0x2] =	stream.linear.gather [hbm4b:s15+s2], $0x780, $0x38;
	[tilespmem:$0x12BA0] =	vst v63  }
0x3b: {  	_ =	swait.ge [sflag:s17], $0x780  }
0x3c: {  	[sflag:s17] =	ssyncset.done $0x0  }
0x3d: {  	[sflag:s17] =	ssyncadd.s32 $0xFFFFF880  }
0x3e: {  	[tilespmem:s18], [sflag:$0x1] =	stream.indirect.gather [hbm4b:s4+s18], $0x10, s2, s18, $0xb8;
	[tilespmem:$0x12BA0] =	vst v63  }
0x3f: {  	_ =	swait.ge [sflag:s19], $0x7800  }
0x40: {  	[sflag:s19] =	ssyncset.done $0x0  }
0x41: {  	[sflag:s19] =	ssyncadd.s32 $0xFFFF8800  }
0x42: {  	[hbm4b:s16+s2] =	stream.linear.scatter [tilespmem:s18], [sflag:$0x2], $0x7800, $0x38;
	[tilespmem:$0x12BA0] =	vst v63  }
0x43: {  	_ =	swait.ge [sflag:s17], $0x7800  }
0x44: {  	[sflag:s17] =	ssyncset.done $0x0  }
0x45: {  	s25 =	simm.s32 @p0 $0x0;
	s26 =	simm.s32 @p0 $0x7F80;
	[sflag:s17] =	ssyncadd.s32 $0xFFFF8800  }
0x46: {  	[tilespmem:s26], [sflag:$0x2] =	stream.linear.gather @p0 [hbm4b:s5+s25], $0x510, $0x38;
	[tilespmem:$0x12BA0] =	vst v63  }
0x47: {  	s25 =	simm.s32 @p0 $0x2  }
0x48: {  	_ =	swait.ge @p0 [sflag:s25], $0x510  }
0x49: {  	[sflag:s25] =	ssyncset.done @p0 $0x0  }
0x4a: {  	v1 =	vimm.s32 @!p0 $0x0;
	[sflag:s25] =	ssyncadd.s32 @p0 $0xFFFFFAF0  }
0x4b: {  	[tilespmem:$0x8290] =	vst @!p0 v1  }
0x4c: {  	[tilespmem:$0x82A0] =	vst @!p0 v1  }
0x4d: {  	[tilespmem:$0x82B0] =	vst @!p0 v1  }
0x4e: {  	[tilespmem:$0x82C0] =	vst @!p0 v1  }
0x4f: {  	[tilespmem:$0x82D0] =	vst @!p0 v1  }
0x50: {  	[tilespmem:$0x82E0] =	vst @!p0 v1  }
0x51: {  	[tilespmem:$0x82F0] =	vst @!p0 v1  }
0x52: {  	[tilespmem:$0x8300] =	vst @!p0 v1  }
0x53: {  	[tilespmem:$0x8310] =	vst @!p0 v1  }
0x54: {  	[tilespmem:$0x8320] =	vst @!p0 v1  }
0x55: {  	[tilespmem:$0x8330] =	vst @!p0 v1  }
0x56: {  	[tilespmem:$0x8340] =	vst @!p0 v1  }
0x57: {  	[tilespmem:$0x8350] =	vst @!p0 v1  }
0x58: {  	[tilespmem:$0x8360] =	vst @!p0 v1  }
0x59: {  	[tilespmem:$0x8370] =	vst @!p0 v1  }
0x5a: {  	[tilespmem:$0x8380] =	vst @!p0 v1  }
0x5b: {  	[tilespmem:$0x8390] =	vst @!p0 v1  }
0x5c: {  	[tilespmem:$0x83A0] =	vst @!p0 v1  }
0x5d: {  	[tilespmem:$0x83B0] =	vst @!p0 v1  }
0x5e: {  	[tilespmem:$0x83C0] =	vst @!p0 v1  }
0x5f: {  	[tilespmem:$0x83D0] =	vst @!p0 v1  }
0x60: {  	[tilespmem:$0x83E0] =	vst @!p0 v1  }
0x61: {  	[tilespmem:$0x83F0] =	vst @!p0 v1  }
0x62: {  	[tilespmem:$0x8400] =	vst @!p0 v1  }
0x63: {  	[tilespmem:$0x8410] =	vst @!p0 v1  }
0x64: {  	[tilespmem:$0x8420] =	vst @!p0 v1  }
0x65: {  	[tilespmem:$0x8430] =	vst @!p0 v1  }
0x66: {  	[tilespmem:$0x8440] =	vst @!p0 v1  }
0x67: {  	[tilespmem:$0x8450] =	vst @!p0 v1  }
0x68: {  	[tilespmem:$0x8460] =	vst @!p0 v1  }
0x69: {  	[tilespmem:$0x8470] =	vst @!p0 v1  }
0x6a: {  	s26 =	simm.s32 @!p0 $0x7F80;
	s25 =	simm.s32 @!p0 $0x0;
	[tilespmem:$0x8480] =	vst @!p0 v1  }
0x6b: {  	v1 =	vor.u32 s2, v0;
	[tilespmem:s26], [sflag:$0x2] =	stream.linear.gather @!p0 [hbm4b:s6+s25], $0x312, $0x38;
	[tilespmem:$0x12BA0] =	vst v63  }
0x6c: {  	s25 =	simm.s32 @!p0 $0x2  }
0x6d: {  	_ =	swait.ge @!p0 [sflag:s25], $0x312  }
0x6e: {  	[sflag:s25] =	ssyncset.done @!p0 $0x0  }
0x6f: {  	[sflag:s25] =	ssyncadd.s32 @!p0 $0xFFFFFCEE  }
0x70: {  	v1 =	vld.idx.msk [tilespmem:v1+s20+$0x0], $0xffff;
	_ =	sdelay $0x4  }
0x71: {  	v2 =	vcvt.s32.f32 v1;
	_ =	sdelay $0x1  }
0x72: {  	v2 =	vadd.f32 $5.000000000e-01, v2;
	_ =	sdelay $0x1  }
0x73: {  	v2 =	vmul.f32 $1.428571490e-01, v2;
	_ =	sdelay $0x1  }
0x74: {  	v2 =	vtrunc.f32 v2  }
0x75: {  	v2 =	vcvt.f32.s32 v2;
	_ =	sdelay $0x1  }
0x76: {  	v3 =	vmul.u32 $0xFFFFFFF9, v2  }
0x77: {  	s30 =	simm.s32 $0x10  }
0x78: {  	v4 =	vor.u32 s30, v0;
	v1 =	vadd.s32 v1, v3  }
0x79: {  	v1 =	vmul.u32 $0xA020, v1;
	_ =	sdelay $0x1  }
0x7a: {  	v1 =	vadd.s32 v2, v1  }
0x7b: {  	[tilespmem:s22+$0x0] =	vst v1  }
0x7c: {  	v3 =	vld.idx.msk [tilespmem:v4+s20+$0x0], $0xffff;
	_ =	sdelay $0x4  }
0x7d: {  	v1 =	vcvt.s32.f32 v3;
	_ =	sdelay $0x1  }
0x7e: {  	v1 =	vadd.f32 $5.000000000e-01, v1;
	_ =	sdelay $0x1  }
0x7f: {  	v1 =	vmul.f32 $1.428571490e-01, v1;
	_ =	sdelay $0x1  }
0x80: {  	v1 =	vtrunc.f32 v1  }
0x81: {  	v1 =	vcvt.f32.s32 v1;
	_ =	sdelay $0x1  }
0x82: {  	v4 =	vmul.u32 $0xFFFFFFF9, v1  }
0x83: {  	s31 =	simm.s32 $0x20  }
0x84: {  	s26 =	simm.s32 $0x30;
	s25 =	simm.s32 $0x8490;
	v2 =	vor.u32 s31, v0;
	v3 =	vadd.s32 v3, v4  }
.LBB2_2:
0x85: {  	p1 =	sne.s32 s26, $0x500;
	v3 =	vmul.u32 $0xA020, v3;
	_ =	sdelay $0x1  }
0x86: {  	s25 =	sadd.s32 $0x10, s25;
	v1 =	vadd.s32 v1, v3  }
0x87: {  	[tilespmem:s25+$0x0] =	vst v1  }
0x88: {  	v3 =	vld.idx.msk [tilespmem:v2+s20+$0x0], $0xffff;
	_ =	sdelay $0x5  }
0x89: {  	v1 =	vcvt.s32.f32 v3;
	_ =	sdelay $0x1  }
0x8a: {  	v1 =	vadd.f32 $5.000000000e-01, v1;
	_ =	sdelay $0x1  }
0x8b: {  	v1 =	vmul.f32 $1.428571490e-01, v1;
	_ =	sdelay $0x1  }
0x8c: {  	v1 =	vtrunc.f32 v1  }
.Ltmp0:
0x8d: {  	v1 =	vcvt.f32.s32 v1;
	(pc) =	sbr.rel @p1 .LBB2_2-.Ltmp0, $3  }
0x8e: {  	_ = 	snop  }
0x8f: {  	v4 =	vmul.u32 $0xFFFFFFF9, v1;
	_ =	sdelay $0x1  }
0x90: {  	v2 =	vor.u32 s26, v0;
	s26 =	sadd.s32 $0x10, s26;
	v3 =	vadd.s32 v3, v4  }
0x91: {  	v3 =	vmul.u32 $0xA020, v3;
	_ =	sdelay $0x1  }
0x92: {  	s25 =	sadd.s32 $0x10, s25;
	v1 =	vadd.s32 v1, v3  }
0x93: {  	[tilespmem:s25+$0x0] =	vst v1  }
0x94: {  	v1 =	vld.idx.msk [tilespmem:v2+s20+$0x0], $0xffff;
	_ =	sdelay $0x4  }
0x95: {  	v2 =	vcvt.s32.f32 v1;
	_ =	sdelay $0x1  }
0x96: {  	v2 =	vadd.f32 $5.000000000e-01, v2;
	_ =	sdelay $0x1  }
0x97: {  	v2 =	vmul.f32 $1.428571490e-01, v2;
	_ =	sdelay $0x1  }
0x98: {  	v2 =	vtrunc.f32 v2  }
0x99: {  	v2 =	vcvt.f32.s32 v2;
	_ =	sdelay $0x1  }
0x9a: {  	v3 =	vmul.u32 $0xFFFFFFF9, v2;
	_ =	sdelay $0x1  }
0x9b: {  	v1 =	vadd.s32 v1, v3  }
0x9c: {  	v1 =	vmul.u32 $0xA020, v1;
	_ =	sdelay $0x1  }
0x9d: {  	s25 =	sadd.s32 $0x10, s25;
	v1 =	vadd.s32 v2, v1  }
0x9e: {  	[tilespmem:s25+$0x0] =	vst v1  }
0x9f: {  	[tilespmem:s23], [sflag:$0x1] =	stream.indirect.gather [hbm4b:s3+s21], $0x20, s22, s21, $0xb8;
	[tilespmem:$0x12BA0] =	vst v63  }
0xa0: {  	s24 =	sadd.s32 $0x1, s24;
	_ =	swait.ge [sflag:s19], $0xA200  }
0xa1: {  	p1 =	sne.s32 s24, s8;
	[sflag:s19] =	ssyncset.done $0x0  }
.Ltmp1:
0xa2: {  	[sflag:s19] =	ssyncadd.s32 $0xFFFF5E00;
	(pc) =	sbr.rel @p1 .LBB2_1-.Ltmp1, $4  }
0xa3: {  	[hbm4b:s7+s2] =	stream.linear.scatter [tilespmem:s23], [sflag:$0x2], $0xA200, $0x38;
	[tilespmem:$0x12BA0] =	vst v63  }
0xa4: {  	_ =	swait.ge [sflag:s17], $0xA200  }
0xa5: {  	[sflag:s17] =	ssyncset.done $0x0  }
0xa6: {  	[sflag:s17] =	ssyncadd.s32 $0xFFFF5E00  }
0xa7: {  	_ =	sfence.sel $0x180000  }
0xa8: {  	[bflag:$0x0] =	sbarrier.arrive $0xFFFF  }
0xa9: {  	p0 =	sne.s32 s1, $0x0;
	_ =	strace $0x90000047  }
0xaa: {  	s0 =	sadd.s32 @!p0 $0x100000, s0;
	[bflag:$0x2] =	sbarrier.arrive $0xFFFF  }
0xab: {  	[sflag:s0] =	ssyncadd.tile.s32 @!p0 $0x1;
	_ =	shalt  }
.Lfunc_end2:
_tile_overlayer_lowered:
.L_overlay_start_2:
0xac: {  	(tag) =	ssettag $0x2  }
0xad: {  	s0 =	rddreg [dreg:$0x0];
	s2 =	stileid.u32  }
0xae: {  	s1 =	rddreg [dreg:$0x1];
	p0 =	sne.s32 s2, $0x0  }
0xaf: {  	s3 =	rddreg [dreg:$0x2];
	[bflag:$0x3] =	sbarrier.arrive $0xFFFF;
	s2 =	simm.s32 @!p0 $0x1C02  }
0xb0: {  	[timem:s3], [sflag:s2] =	dma.local @!p0 [hbm:s0], s1  }
0xb1: {  	s0 =	simm.s32 @!p0 $0x2  }
0xb2: {  	_ =	swait.ge @!p0 [sflag:s0], s1  }
0xb3: {  	s1 =	ssub.s32 @!p0 $0x0, s1;
	[sflag:s0] =	ssyncset.done @!p0 $0x0  }
0xb4: {  	[sflag:s0] =	ssyncadd.s32 @!p0 s1  }
0xb5: {  	[bflag:$0x3] =	sbarrier.arrive $0xFFFF  }
0xb6: {  	_ =	shalt  }

</sc_bundles>
